<compile_context>
chip_gen: v7x
topology: tpu7x:2x2x1
jax: 0.10.2.dev20260603
libtpu: 0.0.44.dev20260713+nightly
codegen_flags: <defaults>
</compile_context>

<pallas_src>
import jax
import jax.numpy as jnp
from jax import lax
from jax.experimental import pallas as pl
from jax.experimental.pallas import tpu as pltpu
from jax.experimental.pallas import tpu_sc as plsc

M_ITEM = 100000
DIM = 32
N_CLIENTS = 26
N_ITEMS = 200
LR = 0.01

NW = 32
COLS_MAIN = 3072
EXTRA_BASE = COLS_MAIN * NW
N_EXTRA_W = 13
FINAL_BASE = EXTRA_BASE + N_EXTRA_W * 128
FINAL_COLS = M_ITEM - FINAL_BASE
FINAL_W = 13
N_ITEMS_PAD = 208
N_GROUPS = N_ITEMS_PAD // 16
C_PAD = 32


def _patch(items_v, grad_v, buf, lane, lo, width):

    def group_body(g, carry):
        iv = items_v[pl.ds(g * 16, 16)]
        in_c = (iv >= lo) & (iv < lo + width)
        cnt = jnp.max(plsc.all_reduce_population_count(in_c))

        @pl.when(cnt > 0)
        def _():
            cols = jnp.where(in_c, iv - lo, 0)
            kvec = jnp.minimum(lane + g * 16, N_ITEMS - 1)
            for c in range(DIM):
                rowv = jnp.full((16,), c, jnp.int32)
                gval = plsc.load_gather(grad_v, [rowv, kvec], mask=in_c)
                cur = plsc.load_gather(buf, [rowv, cols], mask=in_c)
                plsc.store_scatter(buf, [rowv, cols], cur - LR * gval,
                                   mask=in_c)
        return carry

    hit = jnp.int32(0)
    for g in range(N_GROUPS):
        iv = items_v[pl.ds(g * 16, 16)]
        in_c = (iv >= lo) & (iv < lo + width)
        hit = hit | jnp.max(plsc.all_reduce_population_count(in_c))

    @pl.when(hit > 0)
    def _():
        lax.fori_loop(0, N_GROUPS, group_body, jnp.int32(0))


def _body(items_hbm, grad_hbm, losses_hbm, weight_hbm, out_hbm,
          losses_v, items_v, grad_v, slab_v, ebuf, fbuf,
          slab_sem, extra_sem):
    wid = lax.axis_index("s") * 2 + lax.axis_index("c")
    base = wid * COLS_MAIN
    ebase = EXTRA_BASE + wid * 128
    has_extra = wid < N_EXTRA_W
    has_final = wid == FINAL_W

    slab_cp = pltpu.make_async_copy(
        weight_hbm.at[:, pl.ds(base, COLS_MAIN)], slab_v, slab_sem)
    slab_cp.start()

    extra_cp = pltpu.make_async_copy(
        weight_hbm.at[:, pl.ds(ebase, 128)], ebuf, extra_sem)
    final_cp = pltpu.make_async_copy(
        weight_hbm.at[:, pl.ds(FINAL_BASE, FINAL_COLS)], fbuf, extra_sem)

    @pl.when(has_extra)
    def _extra_start():
        extra_cp.start()

    @pl.when(has_final)
    def _final_start():
        final_cp.start()

    pltpu.sync_copy(losses_hbm, losses_v)
    lane = lax.iota(jnp.int32, 16)
    v0 = losses_v[pl.ds(0, 16)]
    v1 = losses_v[pl.ds(16, 16)]
    valid1 = lane < (N_CLIENTS - 16)
    half = (jnp.sum(jnp.where(valid1, v1, 0.0)) + jnp.sum(v0)) * 0.5

    c_star = jnp.int32(0)
    for i in range(N_CLIENTS):
        src = v0 if i < 16 else v1
        li = jnp.sum(jnp.where(lane == (i % 16), src, 0.0))
        p0 = (v0 < li) | ((v0 == li) & (lane < i))
        p1 = (v1 < li) | ((v1 == li) & ((lane + 16) < i))
        s = jnp.sum(jnp.where(p0, v0, 0.0)) + jnp.sum(jnp.where(p1, v1, 0.0))
        sel = (s < half) & (s + li >= half)
        c_star = jnp.where(sel, jnp.int32(i), c_star)

    pltpu.sync_copy(items_hbm.at[pl.ds(c_star * N_ITEMS_PAD, N_ITEMS_PAD)],
                    items_v)
    pltpu.sync_copy(grad_hbm.at[c_star], grad_v)

    slab_cp.wait()
    _patch(items_v, grad_v, slab_v, lane, base, COLS_MAIN)
    out_cp = pltpu.make_async_copy(
        slab_v, out_hbm.at[:, pl.ds(base, COLS_MAIN)], slab_sem)
    out_cp.start()

    @pl.when(has_extra)
    def _extra_done():
        extra_cp.wait()
        _patch(items_v, grad_v, ebuf, lane, ebase, 128)
        pltpu.sync_copy(ebuf, out_hbm.at[:, pl.ds(ebase, 128)])

    @pl.when(has_final)
    def _final_done():
        final_cp.wait()
        _patch(items_v, grad_v, fbuf, lane, FINAL_BASE, FINAL_COLS)
        pltpu.sync_copy(fbuf, out_hbm.at[:, pl.ds(FINAL_BASE, FINAL_COLS)])

    out_cp.wait()


@jax.jit
def _run(items_p, grads_t, losses_p, weight_t):
    mesh = plsc.VectorSubcoreMesh(core_axis_name="c", subcore_axis_name="s",
                                  num_cores=2, num_subcores=16)
    return pl.kernel(
        _body,
        out_type=jax.ShapeDtypeStruct((DIM, M_ITEM), jnp.float32),
        mesh=mesh,
        compiler_params=pltpu.CompilerParams(needs_layout_passes=False),
        scratch_types=[
            pltpu.VMEM((C_PAD,), jnp.float32),
            pltpu.VMEM((N_ITEMS_PAD,), jnp.int32),
            pltpu.VMEM((DIM, N_ITEMS), jnp.float32),
            pltpu.VMEM((DIM, COLS_MAIN), jnp.float32),
            pltpu.VMEM((DIM, 128), jnp.float32),
            pltpu.VMEM((DIM, FINAL_COLS), jnp.float32),
            pltpu.SemaphoreType.DMA,
            pltpu.SemaphoreType.DMA,
        ],
    )(items_p, grads_t, losses_p, weight_t)


def kernel(items, items_emb_grad, client_losses, items_emb_weight):
    items_p = jnp.pad(items, ((0, 0), (0, N_ITEMS_PAD - N_ITEMS)),
                      constant_values=-1).reshape(-1)
    losses_p = jnp.pad(client_losses, (0, C_PAD - N_CLIENTS),
                       constant_values=jnp.inf)
    grads_t = jnp.transpose(items_emb_grad, (0, 2, 1))
    weight_t = items_emb_weight.T
    out_t = _run(items_p, grads_t, losses_p, weight_t)
    return out_t.T

# --- scband reference (transcript-rebuilt; emitter-appended) ---
"""Pipeline reference for scband-fed-rec-server-with-defense-33122787787670 (READ-ONLY COPY).

The authoritative reference and input builder live on the scoring server;
editing this copy changes nothing except your own understanding.
"""

import jax, jax.numpy as jnp
import numpy as np

M_ITEM = 100000
DIM = 32
N_CLIENTS = 26
N_ITEMS = 200
LR = 0.01


def setup_inputs(seed: int = 0) -> dict:
    key = jax.random.key(seed)
    k1, k2, k3, k4 = jax.random.split(key, 4)
    items = jax.random.randint(k1, (N_CLIENTS, N_ITEMS), 0, M_ITEM, dtype=jnp.int64 if jax.config.jax_enable_x64 else jnp.int32)
    items_emb_grad = jax.random.normal(k2, (N_CLIENTS, N_ITEMS, DIM), dtype=jnp.float32) * 0.01
    client_losses = jax.random.uniform(k3, (N_CLIENTS,), dtype=jnp.float32)
    items_emb_weight = jax.random.normal(k4, (M_ITEM, DIM), dtype=jnp.float32) * 0.01
    return {
        "items": items,
        "items_emb_grad": items_emb_grad,
        "client_losses": client_losses,
        "items_emb_weight": items_emb_weight,
    }


def reference(items, items_emb_grad, client_losses, items_emb_weight):
    # Per-client: full_update = zeros_like(weight); full_update[items] = items_emb_grad
    def scatter_one(it, g):
        return jnp.zeros((M_ITEM, DIM), dtype=items_emb_weight.dtype).at[it].set(g)

    client_updates = jax.vmap(scatter_one)(items, items_emb_grad)  # [C, M, D]

    # weighted_median: sort by loss, take first update where cumulative loss >= half of total
    order = jnp.argsort(client_losses)
    sorted_losses = client_losses[order]
    total_loss = jnp.sum(sorted_losses)
    half_loss = total_loss / 2.0
    cumulative = jnp.cumsum(sorted_losses)
    j = jnp.argmax(cumulative >= half_loss)
    robust_update = client_updates[order[j]]

    # weight.data.add_(robust_update, alpha=-lr)
    new_weight = items_emb_weight - LR * robust_update
    return new_weight

if __name__ == "__main__":
    import jax
    _d = setup_inputs()
    print(jax.jit(kernel)(*tuple(_d.values())))

</pallas_src>

<mosaic_0001>
#map = affine_map<(d0, d1) -> (0)>
#map1 = affine_map<(d0, d1) -> (0, 0, 0)>
#map2 = affine_map<(d0, d1) -> (0, 0)>
module attributes {stable_mosaic.version = 14 : i64} {
  func.func @_body(%arg0: i32, %arg1: i32, %arg2: memref<5408xi32, #tpu.memory_space<hbm>>, %arg3: memref<26x32x200xf32, #tpu.memory_space<hbm>>, %arg4: memref<32xf32, #tpu.memory_space<hbm>>, %arg5: memref<32x100000xf32, #tpu.memory_space<hbm>>, %arg6: memref<32x100000xf32, #tpu.memory_space<hbm>>, %arg7: memref<32xf32, #tpu.memory_space<vmem>>, %arg8: memref<208xi32, #tpu.memory_space<vmem>>, %arg9: memref<32x200xf32, #tpu.memory_space<vmem>>, %arg10: memref<32x3072xf32, #tpu.memory_space<vmem>>, %arg11: memref<32x128xf32, #tpu.memory_space<vmem>>, %arg12: memref<32x32xf32, #tpu.memory_space<vmem>>, %arg13: memref<!tpu.dma_semaphore, #tpu.memory_space<semaphore_mem>>, %arg14: memref<!tpu.dma_semaphore, #tpu.memory_space<semaphore_mem>>) attributes {dimension_semantics = [#tpu.dimension_semantics<core_parallel>, #tpu.dimension_semantics<subcore_parallel>], iteration_bounds = array<i64: 2, 16>, scalar_prefetch = 0 : i64, scratch_operands = 8 : i64, tpu.core_type = #tpu.core_type<sc_vector_subcore>, window_params = [{transform_indices = #map}, {transform_indices = #map1}, {transform_indices = #map}, {transform_indices = #map2}, {transform_indices = #map2}]} {
    %mul3A = arith.constant 2 : i32
    %mul3A_0 = arith.muli %arg1, %mul3A : i32
    %add3A = arith.addi %mul3A_0, %arg0 : i32
    %mul3A_1 = arith.constant 3072 : i32
    %mul3A_2 = arith.muli %add3A, %mul3A_1 : i32
    %mul3A_3 = arith.constant 128 : i32
    %mul3A_4 = arith.muli %add3A, %mul3A_3 : i32
    %add3A_5 = arith.constant 98304 : i32
    %add3A_6 = arith.addi %add3A_5, %mul3A_4 : i32
    %lt3A = arith.constant 13 : i32
    %lt3A_7 = arith.cmpi slt, %add3A, %lt3A : i32
    %eq3A = arith.constant 13 : i32
    %eq3A_8 = arith.cmpi eq, %add3A, %eq3A : i32
    %dma_start3A = arith.constant 0 : i32
    %dma_start3A_9 = tpu.memref_slice %arg5[%dma_start3A, %mul3A_2] : memref<32x100000xf32, #tpu.memory_space<hbm>> -> memref<32x3072xf32, #tpu.memory_space<hbm>>
    %dma_start3A_10 = arith.constant 0 : i32
    %dma_start3A_11 = tpu.memref_slice %arg5[%dma_start3A_10, %mul3A_2] : memref<32x100000xf32, #tpu.memory_space<hbm>> -> memref<32x3072xf32, #tpu.memory_space<hbm>>
    tpu.enqueue_dma source(%dma_start3A_11 : memref<32x3072xf32, #tpu.memory_space<hbm>>) target(%arg10 : memref<32x3072xf32, #tpu.memory_space<vmem>>) target_semaphore(%arg13 : memref<!tpu.dma_semaphore, #tpu.memory_space<semaphore_mem>>)
    %convert_element_type3A = arith.extui %lt3A_7 : i1 to i32
    %cond3A = arith.constant 0 : i32
    %cond3A_12 = arith.cmpi ne, %convert_element_type3A, %cond3A : i32
    scf.if %cond3A_12 {
      %dma_start3A_1651 = arith.constant 0 : i32
      %dma_start3A_1652 = tpu.memref_slice %arg5[%dma_start3A_1651, %add3A_6] : memref<32x100000xf32, #tpu.memory_space<hbm>> -> memref<32x128xf32, #tpu.memory_space<hbm>>
      %dma_start3A_1653 = arith.constant 0 : i32
      %dma_start3A_1654 = tpu.memref_slice %arg5[%dma_start3A_1653, %add3A_6] : memref<32x100000xf32, #tpu.memory_space<hbm>> -> memref<32x128xf32, #tpu.memory_space<hbm>>
      tpu.enqueue_dma source(%dma_start3A_1654 : memref<32x128xf32, #tpu.memory_space<hbm>>) target(%arg11 : memref<32x128xf32, #tpu.memory_space<vmem>>) target_semaphore(%arg14 : memref<!tpu.dma_semaphore, #tpu.memory_space<semaphore_mem>>)
    } else {
    }
    %convert_element_type3A_13 = arith.extui %eq3A_8 : i1 to i32
    %cond3A_14 = arith.constant 0 : i32
    %cond3A_15 = arith.cmpi ne, %convert_element_type3A_13, %cond3A_14 : i32
    scf.if %cond3A_15 {
      %dma_start3A_1651 = arith.constant 0 : i32
      %dma_start3A_1652 = arith.constant 99968 : i32
      %dma_start3A_1653 = tpu.memref_slice %arg5[%dma_start3A_1651, %dma_start3A_1652] : memref<32x100000xf32, #tpu.memory_space<hbm>> -> memref<32x32xf32, #tpu.memory_space<hbm>>
      %dma_start3A_1654 = arith.constant 0 : i32
      %dma_start3A_1655 = arith.constant 99968 : i32
      %dma_start3A_1656 = tpu.memref_slice %arg5[%dma_start3A_1654, %dma_start3A_1655] : memref<32x100000xf32, #tpu.memory_space<hbm>> -> memref<32x32xf32, #tpu.memory_space<hbm>>
      tpu.enqueue_dma source(%dma_start3A_1656 : memref<32x32xf32, #tpu.memory_space<hbm>>) target(%arg12 : memref<32x32xf32, #tpu.memory_space<vmem>>) target_semaphore(%arg14 : memref<!tpu.dma_semaphore, #tpu.memory_space<semaphore_mem>>)
    } else {
    }
    "tpu.region"() ({
      %run_scoped3A = tpu.sem_alloc : memref<!tpu.dma_semaphore, #tpu.memory_space<semaphore_mem>>
      tpu.enqueue_dma source(%arg4 : memref<32xf32, #tpu.memory_space<hbm>>) target(%arg7 : memref<32xf32, #tpu.memory_space<vmem>>) target_semaphore(%run_scoped3A : memref<!tpu.dma_semaphore, #tpu.memory_space<semaphore_mem>>)
      tpu.wait_dma2 semaphore(%run_scoped3A : memref<!tpu.dma_semaphore, #tpu.memory_space<semaphore_mem>>) src(%arg4 : memref<32xf32, #tpu.memory_space<hbm>>) dst(%arg7 : memref<32xf32, #tpu.memory_space<vmem>>)
      tpu.yield
    }) : () -> ()
    %iota3A = tpu.iota {dimensions = array<i32: 0>} : vector<16xi32>
    %get3A = arith.constant 0 : index
    %get3A_16 = tpu.vector_load %arg7[%get3A] {strides = array<i32>} : memref<32xf32, #tpu.memory_space<vmem>>, vector<16xf32>,
    %get3A_17 = arith.constant 16 : index
    %get3A_18 = tpu.vector_load %arg7[%get3A_17] {strides = array<i32>} : memref<32xf32, #tpu.memory_space<vmem>>, vector<16xf32>,
    %lt3A_19 = arith.constant 10 : i32
    %lt3A_20 = vector.broadcast %lt3A_19 : i32 to vector<16xi32>
    %lt3A_21 = arith.cmpi slt, %iota3A, %lt3A_20 : vector<16xi32>
    %jit3A = arith.constant 0.000000e+00 : f32
    %broadcast_in_dim3A = vector.broadcast %jit3A : f32 to vector<16xf32>
    %select_n3A = arith.select %lt3A_21, %get3A_18, %broadcast_in_dim3A : vector<16xi1>, vector<16xf32>
    %reduce_sum3A = arith.constant true
    %reduce_sum3A_22 = vector.broadcast %reduce_sum3A : i1 to vector<16xi1>
    %reduce_sum3A_23 = tpu.scan <sum>, %select_n3A masked %reduce_sum3A_22 : vector<16xf32>, vector<16xi1> -> vector<16xf32>
    %reduce_sum3A_24 = vector.extract %reduce_sum3A_23[15] : f32 from vector<16xf32>
    %reduce_sum3A_25 = arith.constant true
    %reduce_sum3A_26 = vector.broadcast %reduce_sum3A_25 : i1 to vector<16xi1>
    %reduce_sum3A_27 = tpu.scan <sum>, %get3A_16 masked %reduce_sum3A_26 : vector<16xf32>, vector<16xi1> -> vector<16xf32>
    %reduce_sum3A_28 = vector.extract %reduce_sum3A_27[15] : f32 from vector<16xf32>
    %add3A_29 = arith.addf %reduce_sum3A_24, %reduce_sum3A_28 : f32
    %mul3A_30 = arith.constant 5.000000e-01 : f32
    %mul3A_31 = arith.mulf %add3A_29, %mul3A_30 : f32
    %eq3A_32 = arith.constant 0 : i32
    %eq3A_33 = vector.broadcast %eq3A_32 : i32 to vector<16xi32>
    %eq3A_34 = arith.cmpi eq, %iota3A, %eq3A_33 : vector<16xi32>
    %jit3A_35 = arith.constant 0.000000e+00 : f32
    %broadcast_in_dim3A_36 = vector.broadcast %jit3A_35 : f32 to vector<16xf32>
    %select_n3A_37 = arith.select %eq3A_34, %get3A_16, %broadcast_in_dim3A_36 : vector<16xi1>, vector<16xf32>
    %reduce_sum3A_38 = arith.constant true
    %reduce_sum3A_39 = vector.broadcast %reduce_sum3A_38 : i1 to vector<16xi1>
    %reduce_sum3A_40 = tpu.scan <sum>, %select_n3A_37 masked %reduce_sum3A_39 : vector<16xf32>, vector<16xi1> -> vector<16xf32>
    %reduce_sum3A_41 = vector.extract %reduce_sum3A_40[15] : f32 from vector<16xf32>
    %lt3A_42 = vector.broadcast %reduce_sum3A_41 : f32 to vector<16xf32>
    %lt3A_43 = arith.cmpf olt, %get3A_16, %lt3A_42 : vector<16xf32>
    %eq3A_44 = vector.broadcast %reduce_sum3A_41 : f32 to vector<16xf32>
    %eq3A_45 = arith.cmpf oeq, %get3A_16, %eq3A_44 : vector<16xf32>
    %lt3A_46 = arith.constant 0 : i32
    %lt3A_47 = vector.broadcast %lt3A_46 : i32 to vector<16xi32>
    %lt3A_48 = arith.cmpi slt, %iota3A, %lt3A_47 : vector<16xi32>
    %and3A = arith.andi %eq3A_45, %lt3A_48 : vector<16xi1>
    %or3A = arith.ori %lt3A_43, %and3A : vector<16xi1>
    %lt3A_49 = vector.broadcast %reduce_sum3A_41 : f32 to vector<16xf32>
    %lt3A_50 = arith.cmpf olt, %get3A_18, %lt3A_49 : vector<16xf32>
    %eq3A_51 = vector.broadcast %reduce_sum3A_41 : f32 to vector<16xf32>
    %eq3A_52 = arith.cmpf oeq, %get3A_18, %eq3A_51 : vector<16xf32>
    %add3A_53 = arith.constant 16 : i32
    %add3A_54 = vector.broadcast %add3A_53 : i32 to vector<16xi32>
    %add3A_55 = arith.addi %iota3A, %add3A_54 : vector<16xi32>
    %lt3A_56 = arith.constant 0 : i32
    %lt3A_57 = vector.broadcast %lt3A_56 : i32 to vector<16xi32>
    %lt3A_58 = arith.cmpi slt, %add3A_55, %lt3A_57 : vector<16xi32>
    %and3A_59 = arith.andi %eq3A_52, %lt3A_58 : vector<16xi1>
    %or3A_60 = arith.ori %lt3A_50, %and3A_59 : vector<16xi1>
    %jit3A_61 = arith.constant 0.000000e+00 : f32
    %broadcast_in_dim3A_62 = vector.broadcast %jit3A_61 : f32 to vector<16xf32>
    %select_n3A_63 = arith.select %or3A, %get3A_16, %broadcast_in_dim3A_62 : vector<16xi1>, vector<16xf32>
    %reduce_sum3A_64 = arith.constant true
    %reduce_sum3A_65 = vector.broadcast %reduce_sum3A_64 : i1 to vector<16xi1>
    %reduce_sum3A_66 = tpu.scan <sum>, %select_n3A_63 masked %reduce_sum3A_65 : vector<16xf32>, vector<16xi1> -> vector<16xf32>
    %reduce_sum3A_67 = vector.extract %reduce_sum3A_66[15] : f32 from vector<16xf32>
    %jit3A_68 = arith.constant 0.000000e+00 : f32
    %broadcast_in_dim3A_69 = vector.broadcast %jit3A_68 : f32 to vector<16xf32>
    %select_n3A_70 = arith.select %or3A_60, %get3A_18, %broadcast_in_dim3A_69 : vector<16xi1>, vector<16xf32>
    %reduce_sum3A_71 = arith.constant true
    %reduce_sum3A_72 = vector.broadcast %reduce_sum3A_71 : i1 to vector<16xi1>
    %reduce_sum3A_73 = tpu.scan <sum>, %select_n3A_70 masked %reduce_sum3A_72 : vector<16xf32>, vector<16xi1> -> vector<16xf32>
    %reduce_sum3A_74 = vector.extract %reduce_sum3A_73[15] : f32 from vector<16xf32>
    %add3A_75 = arith.addf %reduce_sum3A_67, %reduce_sum3A_74 : f32
    %lt3A_76 = arith.cmpf olt, %add3A_75, %mul3A_31 : f32
    %add3A_77 = arith.addf %add3A_75, %reduce_sum3A_41 : f32
    %ge3A = arith.cmpf oge, %add3A_77, %mul3A_31 : f32
    %and3A_78 = arith.andi %lt3A_76, %ge3A : i1
    %jit3A_79 = arith.constant 0 : i32
    %jit3A_80 = arith.constant 0 : i32
    %select_n3A_81 = arith.select %and3A_78, %jit3A_79, %jit3A_80 : i32
    %eq3A_82 = arith.constant 1 : i32
    %eq3A_83 = vector.broadcast %eq3A_82 : i32 to vector<16xi32>
    %eq3A_84 = arith.cmpi eq, %iota3A, %eq3A_83 : vector<16xi32>
    %jit3A_85 = arith.constant 0.000000e+00 : f32
    %broadcast_in_dim3A_86 = vector.broadcast %jit3A_85 : f32 to vector<16xf32>
    %select_n3A_87 = arith.select %eq3A_84, %get3A_16, %broadcast_in_dim3A_86 : vector<16xi1>, vector<16xf32>
    %reduce_sum3A_88 = arith.constant true
    %reduce_sum3A_89 = vector.broadcast %reduce_sum3A_88 : i1 to vector<16xi1>
    %reduce_sum3A_90 = tpu.scan <sum>, %select_n3A_87 masked %reduce_sum3A_89 : vector<16xf32>, vector<16xi1> -> vector<16xf32>
    %reduce_sum3A_91 = vector.extract %reduce_sum3A_90[15] : f32 from vector<16xf32>
    %lt3A_92 = vector.broadcast %reduce_sum3A_91 : f32 to vector<16xf32>
    %lt3A_93 = arith.cmpf olt, %get3A_16, %lt3A_92 : vector<16xf32>
    %eq3A_94 = vector.broadcast %reduce_sum3A_91 : f32 to vector<16xf32>
    %eq3A_95 = arith.cmpf oeq, %get3A_16, %eq3A_94 : vector<16xf32>
    %lt3A_96 = arith.constant 1 : i32
    %lt3A_97 = vector.broadcast %lt3A_96 : i32 to vector<16xi32>
    %lt3A_98 = arith.cmpi slt, %iota3A, %lt3A_97 : vector<16xi32>
    %and3A_99 = arith.andi %eq3A_95, %lt3A_98 : vector<16xi1>
    %or3A_100 = arith.ori %lt3A_93, %and3A_99 : vector<16xi1>
    %lt3A_101 = vector.broadcast %reduce_sum3A_91 : f32 to vector<16xf32>
    %lt3A_102 = arith.cmpf olt, %get3A_18, %lt3A_101 : vector<16xf32>
    %eq3A_103 = vector.broadcast %reduce_sum3A_91 : f32 to vector<16xf32>
    %eq3A_104 = arith.cmpf oeq, %get3A_18, %eq3A_103 : vector<16xf32>
    %add3A_105 = arith.constant 16 : i32
    %add3A_106 = vector.broadcast %add3A_105 : i32 to vector<16xi32>
    %add3A_107 = arith.addi %iota3A, %add3A_106 : vector<16xi32>
    %lt3A_108 = arith.constant 1 : i32
    %lt3A_109 = vector.broadcast %lt3A_108 : i32 to vector<16xi32>
    %lt3A_110 = arith.cmpi slt, %add3A_107, %lt3A_109 : vector<16xi32>
    %and3A_111 = arith.andi %eq3A_104, %lt3A_110 : vector<16xi1>
    %or3A_112 = arith.ori %lt3A_102, %and3A_111 : vector<16xi1>
    %jit3A_113 = arith.constant 0.000000e+00 : f32
    %broadcast_in_dim3A_114 = vector.broadcast %jit3A_113 : f32 to vector<16xf32>
    %select_n3A_115 = arith.select %or3A_100, %get3A_16, %broadcast_in_dim3A_114 : vector<16xi1>, vector<16xf32>
    %reduce_sum3A_116 = arith.constant true
    %reduce_sum3A_117 = vector.broadcast %reduce_sum3A_116 : i1 to vector<16xi1>
    %reduce_sum3A_118 = tpu.scan <sum>, %select_n3A_115 masked %reduce_sum3A_117 : vector<16xf32>, vector<16xi1> -> vector<16xf32>
    %reduce_sum3A_119 = vector.extract %reduce_sum3A_118[15] : f32 from vector<16xf32>
    %jit3A_120 = arith.constant 0.000000e+00 : f32
    %broadcast_in_dim3A_121 = vector.broadcast %jit3A_120 : f32 to vector<16xf32>
    %select_n3A_122 = arith.select %or3A_112, %get3A_18, %broadcast_in_dim3A_121 : vector<16xi1>, vector<16xf32>
    %reduce_sum3A_123 = arith.constant true
    %reduce_sum3A_124 = vector.broadcast %reduce_sum3A_123 : i1 to vector<16xi1>
    %reduce_sum3A_125 = tpu.scan <sum>, %select_n3A_122 masked %reduce_sum3A_124 : vector<16xf32>, vector<16xi1> -> vector<16xf32>
    %reduce_sum3A_126 = vector.extract %reduce_sum3A_125[15] : f32 from vector<16xf32>
    %add3A_127 = arith.addf %reduce_sum3A_119, %reduce_sum3A_126 : f32
    %lt3A_128 = arith.cmpf olt, %add3A_127, %mul3A_31 : f32
    %add3A_129 = arith.addf %add3A_127, %reduce_sum3A_91 : f32
    %ge3A_130 = arith.cmpf oge, %add3A_129, %mul3A_31 : f32
    %and3A_131 = arith.andi %lt3A_128, %ge3A_130 : i1
    %jit3A_132 = arith.constant 1 : i32
    %select_n3A_133 = arith.select %and3A_131, %jit3A_132, %select_n3A_81 : i32
    %eq3A_134 = arith.constant 2 : i32
    %eq3A_135 = vector.broadcast %eq3A_134 : i32 to vector<16xi32>
    %eq3A_136 = arith.cmpi eq, %iota3A, %eq3A_135 : vector<16xi32>
    %jit3A_137 = arith.constant 0.000000e+00 : f32
    %broadcast_in_dim3A_138 = vector.broadcast %jit3A_137 : f32 to vector<16xf32>
    %select_n3A_139 = arith.select %eq3A_136, %get3A_16, %broadcast_in_dim3A_138 : vector<16xi1>, vector<16xf32>
    %reduce_sum3A_140 = arith.constant true
    %reduce_sum3A_141 = vector.broadcast %reduce_sum3A_140 : i1 to vector<16xi1>
    %reduce_sum3A_142 = tpu.scan <sum>, %select_n3A_139 masked %reduce_sum3A_141 : vector<16xf32>, vector<16xi1> -> vector<16xf32>
    %reduce_sum3A_143 = vector.extract %reduce_sum3A_142[15] : f32 from vector<16xf32>
    %lt3A_144 = vector.broadcast %reduce_sum3A_143 : f32 to vector<16xf32>
    %lt3A_145 = arith.cmpf olt, %get3A_16, %lt3A_144 : vector<16xf32>
    %eq3A_146 = vector.broadcast %reduce_sum3A_143 : f32 to vector<16xf32>
    %eq3A_147 = arith.cmpf oeq, %get3A_16, %eq3A_146 : vector<16xf32>
    %lt3A_148 = arith.constant 2 : i32
    %lt3A_149 = vector.broadcast %lt3A_148 : i32 to vector<16xi32>
    %lt3A_150 = arith.cmpi slt, %iota3A, %lt3A_149 : vector<16xi32>
    %and3A_151 = arith.andi %eq3A_147, %lt3A_150 : vector<16xi1>
    %or3A_152 = arith.ori %lt3A_145, %and3A_151 : vector<16xi1>
    %lt3A_153 = vector.broadcast %reduce_sum3A_143 : f32 to vector<16xf32>
    %lt3A_154 = arith.cmpf olt, %get3A_18, %lt3A_153 : vector<16xf32>
    %eq3A_155 = vector.broadcast %reduce_sum3A_143 : f32 to vector<16xf32>
    %eq3A_156 = arith.cmpf oeq, %get3A_18, %eq3A_155 : vector<16xf32>
    %add3A_157 = arith.constant 16 : i32
    %add3A_158 = vector.broadcast %add3A_157 : i32 to vector<16xi32>
    %add3A_159 = arith.addi %iota3A, %add3A_158 : vector<16xi32>
    %lt3A_160 = arith.constant 2 : i32
    %lt3A_161 = vector.broadcast %lt3A_160 : i32 to vector<16xi32>
    %lt3A_162 = arith.cmpi slt, %add3A_159, %lt3A_161 : vector<16xi32>
    %and3A_163 = arith.andi %eq3A_156, %lt3A_162 : vector<16xi1>
    %or3A_164 = arith.ori %lt3A_154, %and3A_163 : vector<16xi1>
    %jit3A_165 = arith.constant 0.000000e+00 : f32
    %broadcast_in_dim3A_166 = vector.broadcast %jit3A_165 : f32 to vector<16xf32>
    %select_n3A_167 = arith.select %or3A_152, %get3A_16, %broadcast_in_dim3A_166 : vector<16xi1>, vector<16xf32>
    %reduce_sum3A_168 = arith.constant true
    %reduce_sum3A_169 = vector.broadcast %reduce_sum3A_168 : i1 to vector<16xi1>
    %reduce_sum3A_170 = tpu.scan <sum>, %select_n3A_167 masked %reduce_sum3A_169 : vector<16xf32>, vector<16xi1> -> vector<16xf32>
    %reduce_sum3A_171 = vector.extract %reduce_sum3A_170[15] : f32 from vector<16xf32>
    %jit3A_172 = arith.constant 0.000000e+00 : f32
    %broadcast_in_dim3A_173 = vector.broadcast %jit3A_172 : f32 to vector<16xf32>
    %select_n3A_174 = arith.select %or3A_164, %get3A_18, %broadcast_in_dim3A_173 : vector<16xi1>, vector<16xf32>
    %reduce_sum3A_175 = arith.constant true
    %reduce_sum3A_176 = vector.broadcast %reduce_sum3A_175 : i1 to vector<16xi1>
    %reduce_sum3A_177 = tpu.scan <sum>, %select_n3A_174 masked %reduce_sum3A_176 : vector<16xf32>, vector<16xi1> -> vector<16xf32>
    %reduce_sum3A_178 = vector.extract %reduce_sum3A_177[15] : f32 from vector<16xf32>
    %add3A_179 = arith.addf %reduce_sum3A_171, %reduce_sum3A_178 : f32
    %lt3A_180 = arith.cmpf olt, %add3A_179, %mul3A_31 : f32
    %add3A_181 = arith.addf %add3A_179, %reduce_sum3A_143 : f32
    %ge3A_182 = arith.cmpf oge, %add3A_181, %mul3A_31 : f32
    %and3A_183 = arith.andi %lt3A_180, %ge3A_182 : i1
    %jit3A_184 = arith.constant 2 : i32
    %select_n3A_185 = arith.select %and3A_183, %jit3A_184, %select_n3A_133 : i32
    %eq3A_186 = arith.constant 3 : i32
    %eq3A_187 = vector.broadcast %eq3A_186 : i32 to vector<16xi32>
    %eq3A_188 = arith.cmpi eq, %iota3A, %eq3A_187 : vector<16xi32>
    %jit3A_189 = arith.constant 0.000000e+00 : f32
    %broadcast_in_dim3A_190 = vector.broadcast %jit3A_189 : f32 to vector<16xf32>
    %select_n3A_191 = arith.select %eq3A_188, %get3A_16, %broadcast_in_dim3A_190 : vector<16xi1>, vector<16xf32>
    %reduce_sum3A_192 = arith.constant true
    %reduce_sum3A_193 = vector.broadcast %reduce_sum3A_192 : i1 to vector<16xi1>
    %reduce_sum3A_194 = tpu.scan <sum>, %select_n3A_191 masked %reduce_sum3A_193 : vector<16xf32>, vector<16xi1> -> vector<16xf32>
    %reduce_sum3A_195 = vector.extract %reduce_sum3A_194[15] : f32 from vector<16xf32>
    %lt3A_196 = vector.broadcast %reduce_sum3A_195 : f32 to vector<16xf32>
    %lt3A_197 = arith.cmpf olt, %get3A_16, %lt3A_196 : vector<16xf32>
    %eq3A_198 = vector.broadcast %reduce_sum3A_195 : f32 to vector<16xf32>
    %eq3A_199 = arith.cmpf oeq, %get3A_16, %eq3A_198 : vector<16xf32>
    %lt3A_200 = arith.constant 3 : i32
    %lt3A_201 = vector.broadcast %lt3A_200 : i32 to vector<16xi32>
    %lt3A_202 = arith.cmpi slt, %iota3A, %lt3A_201 : vector<16xi32>
    %and3A_203 = arith.andi %eq3A_199, %lt3A_202 : vector<16xi1>
    %or3A_204 = arith.ori %lt3A_197, %and3A_203 : vector<16xi1>
    %lt3A_205 = vector.broadcast %reduce_sum3A_195 : f32 to vector<16xf32>
    %lt3A_206 = arith.cmpf olt, %get3A_18, %lt3A_205 : vector<16xf32>
    %eq3A_207 = vector.broadcast %reduce_sum3A_195 : f32 to vector<16xf32>
    %eq3A_208 = arith.cmpf oeq, %get3A_18, %eq3A_207 : vector<16xf32>
    %add3A_209 = arith.constant 16 : i32
    %add3A_210 = vector.broadcast %add3A_209 : i32 to vector<16xi32>
    %add3A_211 = arith.addi %iota3A, %add3A_210 : vector<16xi32>
    %lt3A_212 = arith.constant 3 : i32
    %lt3A_213 = vector.broadcast %lt3A_212 : i32 to vector<16xi32>
    %lt3A_214 = arith.cmpi slt, %add3A_211, %lt3A_213 : vector<16xi32>
    %and3A_215 = arith.andi %eq3A_208, %lt3A_214 : vector<16xi1>
    %or3A_216 = arith.ori %lt3A_206, %and3A_215 : vector<16xi1>
    %jit3A_217 = arith.constant 0.000000e+00 : f32
    %broadcast_in_dim3A_218 = vector.broadcast %jit3A_217 : f32 to vector<16xf32>
    %select_n3A_219 = arith.select %or3A_204, %get3A_16, %broadcast_in_dim3A_218 : vector<16xi1>, vector<16xf32>
    %reduce_sum3A_220 = arith.constant true
    %reduce_sum3A_221 = vector.broadcast %reduce_sum3A_220 : i1 to vector<16xi1>
    %reduce_sum3A_222 = tpu.scan <sum>, %select_n3A_219 masked %reduce_sum3A_221 : vector<16xf32>, vector<16xi1> -> vector<16xf32>
    %reduce_sum3A_223 = vector.extract %reduce_sum3A_222[15] : f32 from vector<16xf32>
    %jit3A_224 = arith.constant 0.000000e+00 : f32
    %broadcast_in_dim3A_225 = vector.broadcast %jit3A_224 : f32 to vector<16xf32>
    %select_n3A_226 = arith.select %or3A_216, %get3A_18, %broadcast_in_dim3A_225 : vector<16xi1>, vector<16xf32>
    %reduce_sum3A_227 = arith.constant true
    %reduce_sum3A_228 = vector.broadcast %reduce_sum3A_227 : i1 to vector<16xi1>
    %reduce_sum3A_229 = tpu.scan <sum>, %select_n3A_226 masked %reduce_sum3A_228 : vector<16xf32>, vector<16xi1> -> vector<16xf32>
    %reduce_sum3A_230 = vector.extract %reduce_sum3A_229[15] : f32 from vector<16xf32>
    %add3A_231 = arith.addf %reduce_sum3A_223, %reduce_sum3A_230 : f32
    %lt3A_232 = arith.cmpf olt, %add3A_231, %mul3A_31 : f32
    %add3A_233 = arith.addf %add3A_231, %reduce_sum3A_195 : f32
    %ge3A_234 = arith.cmpf oge, %add3A_233, %mul3A_31 : f32
    %and3A_235 = arith.andi %lt3A_232, %ge3A_234 : i1
    %jit3A_236 = arith.constant 3 : i32
    %select_n3A_237 = arith.select %and3A_235, %jit3A_236, %select_n3A_185 : i32
    %eq3A_238 = arith.constant 4 : i32
    %eq3A_239 = vector.broadcast %eq3A_238 : i32 to vector<16xi32>
    %eq3A_240 = arith.cmpi eq, %iota3A, %eq3A_239 : vector<16xi32>
    %jit3A_241 = arith.constant 0.000000e+00 : f32
    %broadcast_in_dim3A_242 = vector.broadcast %jit3A_241 : f32 to vector<16xf32>
    %select_n3A_243 = arith.select %eq3A_240, %get3A_16, %broadcast_in_dim3A_242 : vector<16xi1>, vector<16xf32>
    %reduce_sum3A_244 = arith.constant true
    %reduce_sum3A_245 = vector.broadcast %reduce_sum3A_244 : i1 to vector<16xi1>
    %reduce_sum3A_246 = tpu.scan <sum>, %select_n3A_243 masked %reduce_sum3A_245 : vector<16xf32>, vector<16xi1> -> vector<16xf32>
    %reduce_sum3A_247 = vector.extract %reduce_sum3A_246[15] : f32 from vector<16xf32>
    %lt3A_248 = vector.broadcast %reduce_sum3A_247 : f32 to vector<16xf32>
    %lt3A_249 = arith.cmpf olt, %get3A_16, %lt3A_248 : vector<16xf32>
    %eq3A_250 = vector.broadcast %reduce_sum3A_247 : f32 to vector<16xf32>
    %eq3A_251 = arith.cmpf oeq, %get3A_16, %eq3A_250 : vector<16xf32>
    %lt3A_252 = arith.constant 4 : i32
    %lt3A_253 = vector.broadcast %lt3A_252 : i32 to vector<16xi32>
    %lt3A_254 = arith.cmpi slt, %iota3A, %lt3A_253 : vector<16xi32>
    %and3A_255 = arith.andi %eq3A_251, %lt3A_254 : vector<16xi1>
    %or3A_256 = arith.ori %lt3A_249, %and3A_255 : vector<16xi1>
    %lt3A_257 = vector.broadcast %reduce_sum3A_247 : f32 to vector<16xf32>
    %lt3A_258 = arith.cmpf olt, %get3A_18, %lt3A_257 : vector<16xf32>
    %eq3A_259 = vector.broadcast %reduce_sum3A_247 : f32 to vector<16xf32>
    %eq3A_260 = arith.cmpf oeq, %get3A_18, %eq3A_259 : vector<16xf32>
    %add3A_261 = arith.constant 16 : i32
    %add3A_262 = vector.broadcast %add3A_261 : i32 to vector<16xi32>
    %add3A_263 = arith.addi %iota3A, %add3A_262 : vector<16xi32>
    %lt3A_264 = arith.constant 4 : i32
    %lt3A_265 = vector.broadcast %lt3A_264 : i32 to vector<16xi32>
    %lt3A_266 = arith.cmpi slt, %add3A_263, %lt3A_265 : vector<16xi32>
    %and3A_267 = arith.andi %eq3A_260, %lt3A_266 : vector<16xi1>
    %or3A_268 = arith.ori %lt3A_258, %and3A_267 : vector<16xi1>
    %jit3A_269 = arith.constant 0.000000e+00 : f32
    %broadcast_in_dim3A_270 = vector.broadcast %jit3A_269 : f32 to vector<16xf32>
    %select_n3A_271 = arith.select %or3A_256, %get3A_16, %broadcast_in_dim3A_270 : vector<16xi1>, vector<16xf32>
    %reduce_sum3A_272 = arith.constant true
    %reduce_sum3A_273 = vector.broadcast %reduce_sum3A_272 : i1 to vector<16xi1>
    %reduce_sum3A_274 = tpu.scan <sum>, %select_n3A_271 masked %reduce_sum3A_273 : vector<16xf32>, vector<16xi1> -> vector<16xf32>
    %reduce_sum3A_275 = vector.extract %reduce_sum3A_274[15] : f32 from vector<16xf32>
    %jit3A_276 = arith.constant 0.000000e+00 : f32
    %broadcast_in_dim3A_277 = vector.broadcast %jit3A_276 : f32 to vector<16xf32>
    %select_n3A_278 = arith.select %or3A_268, %get3A_18, %broadcast_in_dim3A_277 : vector<16xi1>, vector<16xf32>
    %reduce_sum3A_279 = arith.constant true
    %reduce_sum3A_280 = vector.broadcast %reduce_sum3A_279 : i1 to vector<16xi1>
    %reduce_sum3A_281 = tpu.scan <sum>, %select_n3A_278 masked %reduce_sum3A_280 : vector<16xf32>, vector<16xi1> -> vector<16xf32>
    %reduce_sum3A_282 = vector.extract %reduce_sum3A_281[15] : f32 from vector<16xf32>
    %add3A_283 = arith.addf %reduce_sum3A_275, %reduce_sum3A_282 : f32
    %lt3A_284 = arith.cmpf olt, %add3A_283, %mul3A_31 : f32
    %add3A_285 = arith.addf %add3A_283, %reduce_sum3A_247 : f32
    %ge3A_286 = arith.cmpf oge, %add3A_285, %mul3A_31 : f32
    %and3A_287 = arith.andi %lt3A_284, %ge3A_286 : i1
    %jit3A_288 = arith.constant 4 : i32
    %select_n3A_289 = arith.select %and3A_287, %jit3A_288, %select_n3A_237 : i32
    %eq3A_290 = arith.constant 5 : i32
    %eq3A_291 = vector.broadcast %eq3A_290 : i32 to vector<16xi32>
    %eq3A_292 = arith.cmpi eq, %iota3A, %eq3A_291 : vector<16xi32>
    %jit3A_293 = arith.constant 0.000000e+00 : f32
    %broadcast_in_dim3A_294 = vector.broadcast %jit3A_293 : f32 to vector<16xf32>
    %select_n3A_295 = arith.select %eq3A_292, %get3A_16, %broadcast_in_dim3A_294 : vector<16xi1>, vector<16xf32>
    %reduce_sum3A_296 = arith.constant true
    %reduce_sum3A_297 = vector.broadcast %reduce_sum3A_296 : i1 to vector<16xi1>
    %reduce_sum3A_298 = tpu.scan <sum>, %select_n3A_295 masked %reduce_sum3A_297 : vector<16xf32>, vector<16xi1> -> vector<16xf32>
    %reduce_sum3A_299 = vector.extract %reduce_sum3A_298[15] : f32 from vector<16xf32>
    %lt3A_300 = vector.broadcast %reduce_sum3A_299 : f32 to vector<16xf32>
    %lt3A_301 = arith.cmpf olt, %get3A_16, %lt3A_300 : vector<16xf32>
    %eq3A_302 = vector.broadcast %reduce_sum3A_299 : f32 to vector<16xf32>
    %eq3A_303 = arith.cmpf oeq, %get3A_16, %eq3A_302 : vector<16xf32>
    %lt3A_304 = arith.constant 5 : i32
    %lt3A_305 = vector.broadcast %lt3A_304 : i32 to vector<16xi32>
    %lt3A_306 = arith.cmpi slt, %iota3A, %lt3A_305 : vector<16xi32>
    %and3A_307 = arith.andi %eq3A_303, %lt3A_306 : vector<16xi1>
    %or3A_308 = arith.ori %lt3A_301, %and3A_307 : vector<16xi1>
    %lt3A_309 = vector.broadcast %reduce_sum3A_299 : f32 to vector<16xf32>
    %lt3A_310 = arith.cmpf olt, %get3A_18, %lt3A_309 : vector<16xf32>
    %eq3A_311 = vector.broadcast %reduce_sum3A_299 : f32 to vector<16xf32>
    %eq3A_312 = arith.cmpf oeq, %get3A_18, %eq3A_311 : vector<16xf32>
    %add3A_313 = arith.constant 16 : i32
    %add3A_314 = vector.broadcast %add3A_313 : i32 to vector<16xi32>
    %add3A_315 = arith.addi %iota3A, %add3A_314 : vector<16xi32>
    %lt3A_316 = arith.constant 5 : i32
    %lt3A_317 = vector.broadcast %lt3A_316 : i32 to vector<16xi32>
    %lt3A_318 = arith.cmpi slt, %add3A_315, %lt3A_317 : vector<16xi32>
    %and3A_319 = arith.andi %eq3A_312, %lt3A_318 : vector<16xi1>
    %or3A_320 = arith.ori %lt3A_310, %and3A_319 : vector<16xi1>
    %jit3A_321 = arith.constant 0.000000e+00 : f32
    %broadcast_in_dim3A_322 = vector.broadcast %jit3A_321 : f32 to vector<16xf32>
    %select_n3A_323 = arith.select %or3A_308, %get3A_16, %broadcast_in_dim3A_322 : vector<16xi1>, vector<16xf32>
    %reduce_sum3A_324 = arith.constant true
    %reduce_sum3A_325 = vector.broadcast %reduce_sum3A_324 : i1 to vector<16xi1>
    %reduce_sum3A_326 = tpu.scan <sum>, %select_n3A_323 masked %reduce_sum3A_325 : vector<16xf32>, vector<16xi1> -> vector<16xf32>
    %reduce_sum3A_327 = vector.extract %reduce_sum3A_326[15] : f32 from vector<16xf32>
    %jit3A_328 = arith.constant 0.000000e+00 : f32
    %broadcast_in_dim3A_329 = vector.broadcast %jit3A_328 : f32 to vector<16xf32>
    %select_n3A_330 = arith.select %or3A_320, %get3A_18, %broadcast_in_dim3A_329 : vector<16xi1>, vector<16xf32>
    %reduce_sum3A_331 = arith.constant true
    %reduce_sum3A_332 = vector.broadcast %reduce_sum3A_331 : i1 to vector<16xi1>
    %reduce_sum3A_333 = tpu.scan <sum>, %select_n3A_330 masked %reduce_sum3A_332 : vector<16xf32>, vector<16xi1> -> vector<16xf32>
    %reduce_sum3A_334 = vector.extract %reduce_sum3A_333[15] : f32 from vector<16xf32>
    %add3A_335 = arith.addf %reduce_sum3A_327, %reduce_sum3A_334 : f32
    %lt3A_336 = arith.cmpf olt, %add3A_335, %mul3A_31 : f32
    %add3A_337 = arith.addf %add3A_335, %reduce_sum3A_299 : f32
    %ge3A_338 = arith.cmpf oge, %add3A_337, %mul3A_31 : f32
    %and3A_339 = arith.andi %lt3A_336, %ge3A_338 : i1
    %jit3A_340 = arith.constant 5 : i32
    %select_n3A_341 = arith.select %and3A_339, %jit3A_340, %select_n3A_289 : i32
    %eq3A_342 = arith.constant 6 : i32
    %eq3A_343 = vector.broadcast %eq3A_342 : i32 to vector<16xi32>
    %eq3A_344 = arith.cmpi eq, %iota3A, %eq3A_343 : vector<16xi32>
    %jit3A_345 = arith.constant 0.000000e+00 : f32
    %broadcast_in_dim3A_346 = vector.broadcast %jit3A_345 : f32 to vector<16xf32>
    %select_n3A_347 = arith.select %eq3A_344, %get3A_16, %broadcast_in_dim3A_346 : vector<16xi1>, vector<16xf32>
    %reduce_sum3A_348 = arith.constant true
    %reduce_sum3A_349 = vector.broadcast %reduce_sum3A_348 : i1 to vector<16xi1>
    %reduce_sum3A_350 = tpu.scan <sum>, %select_n3A_347 masked %reduce_sum3A_349 : vector<16xf32>, vector<16xi1> -> vector<16xf32>
    %reduce_sum3A_351 = vector.extract %reduce_sum3A_350[15] : f32 from vector<16xf32>
    %lt3A_352 = vector.broadcast %reduce_sum3A_351 : f32 to vector<16xf32>
    %lt3A_353 = arith.cmpf olt, %get3A_16, %lt3A_352 : vector<16xf32>
    %eq3A_354 = vector.broadcast %reduce_sum3A_351 : f32 to vector<16xf32>
    %eq3A_355 = arith.cmpf oeq, %get3A_16, %eq3A_354 : vector<16xf32>
    %lt3A_356 = arith.constant 6 : i32
    %lt3A_357 = vector.broadcast %lt3A_356 : i32 to vector<16xi32>
    %lt3A_358 = arith.cmpi slt, %iota3A, %lt3A_357 : vector<16xi32>
    %and3A_359 = arith.andi %eq3A_355, %lt3A_358 : vector<16xi1>
    %or3A_360 = arith.ori %lt3A_353, %and3A_359 : vector<16xi1>
    %lt3A_361 = vector.broadcast %reduce_sum3A_351 : f32 to vector<16xf32>
    %lt3A_362 = arith.cmpf olt, %get3A_18, %lt3A_361 : vector<16xf32>
    %eq3A_363 = vector.broadcast %reduce_sum3A_351 : f32 to vector<16xf32>
    %eq3A_364 = arith.cmpf oeq, %get3A_18, %eq3A_363 : vector<16xf32>
    %add3A_365 = arith.constant 16 : i32
    %add3A_366 = vector.broadcast %add3A_365 : i32 to vector<16xi32>
    %add3A_367 = arith.addi %iota3A, %add3A_366 : vector<16xi32>
    %lt3A_368 = arith.constant 6 : i32
    %lt3A_369 = vector.broadcast %lt3A_368 : i32 to vector<16xi32>
    %lt3A_370 = arith.cmpi slt, %add3A_367, %lt3A_369 : vector<16xi32>
    %and3A_371 = arith.andi %eq3A_364, %lt3A_370 : vector<16xi1>
    %or3A_372 = arith.ori %lt3A_362, %and3A_371 : vector<16xi1>
    %jit3A_373 = arith.constant 0.000000e+00 : f32
    %broadcast_in_dim3A_374 = vector.broadcast %jit3A_373 : f32 to vector<16xf32>
    %select_n3A_375 = arith.select %or3A_360, %get3A_16, %broadcast_in_dim3A_374 : vector<16xi1>, vector<16xf32>
    %reduce_sum3A_376 = arith.constant true
    %reduce_sum3A_377 = vector.broadcast %reduce_sum3A_376 : i1 to vector<16xi1>
    %reduce_sum3A_378 = tpu.scan <sum>, %select_n3A_375 masked %reduce_sum3A_377 : vector<16xf32>, vector<16xi1> -> vector<16xf32>
    %reduce_sum3A_379 = vector.extract %reduce_sum3A_378[15] : f32 from vector<16xf32>
    %jit3A_380 = arith.constant 0.000000e+00 : f32
    %broadcast_in_dim3A_381 = vector.broadcast %jit3A_380 : f32 to vector<16xf32>
    %select_n3A_382 = arith.select %or3A_372, %get3A_18, %broadcast_in_dim3A_381 : vector<16xi1>, vector<16xf32>
    %reduce_sum3A_383 = arith.constant true
    %reduce_sum3A_384 = vector.broadcast %reduce_sum3A_383 : i1 to vector<16xi1>
    %reduce_sum3A_385 = tpu.scan <sum>, %select_n3A_382 masked %reduce_sum3A_384 : vector<16xf32>, vector<16xi1> -> vector<16xf32>
    %reduce_sum3A_386 = vector.extract %reduce_sum3A_385[15] : f32 from vector<16xf32>
    %add3A_387 = arith.addf %reduce_sum3A_379, %reduce_sum3A_386 : f32
    %lt3A_388 = arith.cmpf olt, %add3A_387, %mul3A_31 : f32
    %add3A_389 = arith.addf %add3A_387, %reduce_sum3A_351 : f32
    %ge3A_390 = arith.cmpf oge, %add3A_389, %mul3A_31 : f32
    %and3A_391 = arith.andi %lt3A_388, %ge3A_390 : i1
    %jit3A_392 = arith.constant 6 : i32
    %select_n3A_393 = arith.select %and3A_391, %jit3A_392, %select_n3A_341 : i32
    %eq3A_394 = arith.constant 7 : i32
    %eq3A_395 = vector.broadcast %eq3A_394 : i32 to vector<16xi32>
    %eq3A_396 = arith.cmpi eq, %iota3A, %eq3A_395 : vector<16xi32>
    %jit3A_397 = arith.constant 0.000000e+00 : f32
    %broadcast_in_dim3A_398 = vector.broadcast %jit3A_397 : f32 to vector<16xf32>
    %select_n3A_399 = arith.select %eq3A_396, %get3A_16, %broadcast_in_dim3A_398 : vector<16xi1>, vector<16xf32>
    %reduce_sum3A_400 = arith.constant true
    %reduce_sum3A_401 = vector.broadcast %reduce_sum3A_400 : i1 to vector<16xi1>
    %reduce_sum3A_402 = tpu.scan <sum>, %select_n3A_399 masked %reduce_sum3A_401 : vector<16xf32>, vector<16xi1> -> vector<16xf32>
    %reduce_sum3A_403 = vector.extract %reduce_sum3A_402[15] : f32 from vector<16xf32>
    %lt3A_404 = vector.broadcast %reduce_sum3A_403 : f32 to vector<16xf32>
    %lt3A_405 = arith.cmpf olt, %get3A_16, %lt3A_404 : vector<16xf32>
    %eq3A_406 = vector.broadcast %reduce_sum3A_403 : f32 to vector<16xf32>
    %eq3A_407 = arith.cmpf oeq, %get3A_16, %eq3A_406 : vector<16xf32>
    %lt3A_408 = arith.constant 7 : i32
    %lt3A_409 = vector.broadcast %lt3A_408 : i32 to vector<16xi32>
    %lt3A_410 = arith.cmpi slt, %iota3A, %lt3A_409 : vector<16xi32>
    %and3A_411 = arith.andi %eq3A_407, %lt3A_410 : vector<16xi1>
    %or3A_412 = arith.ori %lt3A_405, %and3A_411 : vector<16xi1>
    %lt3A_413 = vector.broadcast %reduce_sum3A_403 : f32 to vector<16xf32>
    %lt3A_414 = arith.cmpf olt, %get3A_18, %lt3A_413 : vector<16xf32>
    %eq3A_415 = vector.broadcast %reduce_sum3A_403 : f32 to vector<16xf32>
    %eq3A_416 = arith.cmpf oeq, %get3A_18, %eq3A_415 : vector<16xf32>
    %add3A_417 = arith.constant 16 : i32
    %add3A_418 = vector.broadcast %add3A_417 : i32 to vector<16xi32>
    %add3A_419 = arith.addi %iota3A, %add3A_418 : vector<16xi32>
    %lt3A_420 = arith.constant 7 : i32
    %lt3A_421 = vector.broadcast %lt3A_420 : i32 to vector<16xi32>
    %lt3A_422 = arith.cmpi slt, %add3A_419, %lt3A_421 : vector<16xi32>
    %and3A_423 = arith.andi %eq3A_416, %lt3A_422 : vector<16xi1>
    %or3A_424 = arith.ori %lt3A_414, %and3A_423 : vector<16xi1>
    %jit3A_425 = arith.constant 0.000000e+00 : f32
    %broadcast_in_dim3A_426 = vector.broadcast %jit3A_425 : f32 to vector<16xf32>
    %select_n3A_427 = arith.select %or3A_412, %get3A_16, %broadcast_in_dim3A_426 : vector<16xi1>, vector<16xf32>
    %reduce_sum3A_428 = arith.constant true
    %reduce_sum3A_429 = vector.broadcast %reduce_sum3A_428 : i1 to vector<16xi1>
    %reduce_sum3A_430 = tpu.scan <sum>, %select_n3A_427 masked %reduce_sum3A_429 : vector<16xf32>, vector<16xi1> -> vector<16xf32>
    %reduce_sum3A_431 = vector.extract %reduce_sum3A_430[15] : f32 from vector<16xf32>
    %jit3A_432 = arith.constant 0.000000e+00 : f32
    %broadcast_in_dim3A_433 = vector.broadcast %jit3A_432 : f32 to vector<16xf32>
    %select_n3A_434 = arith.select %or3A_424, %get3A_18, %broadcast_in_dim3A_433 : vector<16xi1>, vector<16xf32>
    %reduce_sum3A_435 = arith.constant true
    %reduce_sum3A_436 = vector.broadcast %reduce_sum3A_435 : i1 to vector<16xi1>
    %reduce_sum3A_437 = tpu.scan <sum>, %select_n3A_434 masked %reduce_sum3A_436 : vector<16xf32>, vector<16xi1> -> vector<16xf32>
    %reduce_sum3A_438 = vector.extract %reduce_sum3A_437[15] : f32 from vector<16xf32>
    %add3A_439 = arith.addf %reduce_sum3A_431, %reduce_sum3A_438 : f32
    %lt3A_440 = arith.cmpf olt, %add3A_439, %mul3A_31 : f32
    %add3A_441 = arith.addf %add3A_439, %reduce_sum3A_403 : f32
    %ge3A_442 = arith.cmpf oge, %add3A_441, %mul3A_31 : f32
    %and3A_443 = arith.andi %lt3A_440, %ge3A_442 : i1
    %jit3A_444 = arith.constant 7 : i32
    %select_n3A_445 = arith.select %and3A_443, %jit3A_444, %select_n3A_393 : i32
    %eq3A_446 = arith.constant 8 : i32
    %eq3A_447 = vector.broadcast %eq3A_446 : i32 to vector<16xi32>
    %eq3A_448 = arith.cmpi eq, %iota3A, %eq3A_447 : vector<16xi32>
    %jit3A_449 = arith.constant 0.000000e+00 : f32
    %broadcast_in_dim3A_450 = vector.broadcast %jit3A_449 : f32 to vector<16xf32>
    %select_n3A_451 = arith.select %eq3A_448, %get3A_16, %broadcast_in_dim3A_450 : vector<16xi1>, vector<16xf32>
    %reduce_sum3A_452 = arith.constant true
    %reduce_sum3A_453 = vector.broadcast %reduce_sum3A_452 : i1 to vector<16xi1>
    %reduce_sum3A_454 = tpu.scan <sum>, %select_n3A_451 masked %reduce_sum3A_453 : vector<16xf32>, vector<16xi1> -> vector<16xf32>
    %reduce_sum3A_455 = vector.extract %reduce_sum3A_454[15] : f32 from vector<16xf32>
    %lt3A_456 = vector.broadcast %reduce_sum3A_455 : f32 to vector<16xf32>
    %lt3A_457 = arith.cmpf olt, %get3A_16, %lt3A_456 : vector<16xf32>
    %eq3A_458 = vector.broadcast %reduce_sum3A_455 : f32 to vector<16xf32>
    %eq3A_459 = arith.cmpf oeq, %get3A_16, %eq3A_458 : vector<16xf32>
    %lt3A_460 = arith.constant 8 : i32
    %lt3A_461 = vector.broadcast %lt3A_460 : i32 to vector<16xi32>
    %lt3A_462 = arith.cmpi slt, %iota3A, %lt3A_461 : vector<16xi32>
    %and3A_463 = arith.andi %eq3A_459, %lt3A_462 : vector<16xi1>
    %or3A_464 = arith.ori %lt3A_457, %and3A_463 : vector<16xi1>
    %lt3A_465 = vector.broadcast %reduce_sum3A_455 : f32 to vector<16xf32>
    %lt3A_466 = arith.cmpf olt, %get3A_18, %lt3A_465 : vector<16xf32>
    %eq3A_467 = vector.broadcast %reduce_sum3A_455 : f32 to vector<16xf32>
    %eq3A_468 = arith.cmpf oeq, %get3A_18, %eq3A_467 : vector<16xf32>
    %add3A_469 = arith.constant 16 : i32
    %add3A_470 = vector.broadcast %add3A_469 : i32 to vector<16xi32>
    %add3A_471 = arith.addi %iota3A, %add3A_470 : vector<16xi32>
    %lt3A_472 = arith.constant 8 : i32
    %lt3A_473 = vector.broadcast %lt3A_472 : i32 to vector<16xi32>
    %lt3A_474 = arith.cmpi slt, %add3A_471, %lt3A_473 : vector<16xi32>
    %and3A_475 = arith.andi %eq3A_468, %lt3A_474 : vector<16xi1>
    %or3A_476 = arith.ori %lt3A_466, %and3A_475 : vector<16xi1>
    %jit3A_477 = arith.constant 0.000000e+00 : f32
    %broadcast_in_dim3A_478 = vector.broadcast %jit3A_477 : f32 to vector<16xf32>
    %select_n3A_479 = arith.select %or3A_464, %get3A_16, %broadcast_in_dim3A_478 : vector<16xi1>, vector<16xf32>
    %reduce_sum3A_480 = arith.constant true
    %reduce_sum3A_481 = vector.broadcast %reduce_sum3A_480 : i1 to vector<16xi1>
    %reduce_sum3A_482 = tpu.scan <sum>, %select_n3A_479 masked %reduce_sum3A_481 : vector<16xf32>, vector<16xi1> -> vector<16xf32>
    %reduce_sum3A_483 = vector.extract %reduce_sum3A_482[15] : f32 from vector<16xf32>
    %jit3A_484 = arith.constant 0.000000e+00 : f32
    %broadcast_in_dim3A_485 = vector.broadcast %jit3A_484 : f32 to vector<16xf32>
    %select_n3A_486 = arith.select %or3A_476, %get3A_18, %broadcast_in_dim3A_485 : vector<16xi1>, vector<16xf32>
    %reduce_sum3A_487 = arith.constant true
    %reduce_sum3A_488 = vector.broadcast %reduce_sum3A_487 : i1 to vector<16xi1>
    %reduce_sum3A_489 = tpu.scan <sum>, %select_n3A_486 masked %reduce_sum3A_488 : vector<16xf32>, vector<16xi1> -> vector<16xf32>
    %reduce_sum3A_490 = vector.extract %reduce_sum3A_489[15] : f32 from vector<16xf32>
    %add3A_491 = arith.addf %reduce_sum3A_483, %reduce_sum3A_490 : f32
    %lt3A_492 = arith.cmpf olt, %add3A_491, %mul3A_31 : f32
    %add3A_493 = arith.addf %add3A_491, %reduce_sum3A_455 : f32
    %ge3A_494 = arith.cmpf oge, %add3A_493, %mul3A_31 : f32
    %and3A_495 = arith.andi %lt3A_492, %ge3A_494 : i1
    %jit3A_496 = arith.constant 8 : i32
    %select_n3A_497 = arith.select %and3A_495, %jit3A_496, %select_n3A_445 : i32
    %eq3A_498 = arith.constant 9 : i32
    %eq3A_499 = vector.broadcast %eq3A_498 : i32 to vector<16xi32>
    %eq3A_500 = arith.cmpi eq, %iota3A, %eq3A_499 : vector<16xi32>
    %jit3A_501 = arith.constant 0.000000e+00 : f32
    %broadcast_in_dim3A_502 = vector.broadcast %jit3A_501 : f32 to vector<16xf32>
    %select_n3A_503 = arith.select %eq3A_500, %get3A_16, %broadcast_in_dim3A_502 : vector<16xi1>, vector<16xf32>
    %reduce_sum3A_504 = arith.constant true
    %reduce_sum3A_505 = vector.broadcast %reduce_sum3A_504 : i1 to vector<16xi1>
    %reduce_sum3A_506 = tpu.scan <sum>, %select_n3A_503 masked %reduce_sum3A_505 : vector<16xf32>, vector<16xi1> -> vector<16xf32>
    %reduce_sum3A_507 = vector.extract %reduce_sum3A_506[15] : f32 from vector<16xf32>
    %lt3A_508 = vector.broadcast %reduce_sum3A_507 : f32 to vector<16xf32>
    %lt3A_509 = arith.cmpf olt, %get3A_16, %lt3A_508 : vector<16xf32>
    %eq3A_510 = vector.broadcast %reduce_sum3A_507 : f32 to vector<16xf32>
    %eq3A_511 = arith.cmpf oeq, %get3A_16, %eq3A_510 : vector<16xf32>
    %lt3A_512 = arith.constant 9 : i32
    %lt3A_513 = vector.broadcast %lt3A_512 : i32 to vector<16xi32>
    %lt3A_514 = arith.cmpi slt, %iota3A, %lt3A_513 : vector<16xi32>
    %and3A_515 = arith.andi %eq3A_511, %lt3A_514 : vector<16xi1>
    %or3A_516 = arith.ori %lt3A_509, %and3A_515 : vector<16xi1>
    %lt3A_517 = vector.broadcast %reduce_sum3A_507 : f32 to vector<16xf32>
    %lt3A_518 = arith.cmpf olt, %get3A_18, %lt3A_517 : vector<16xf32>
    %eq3A_519 = vector.broadcast %reduce_sum3A_507 : f32 to vector<16xf32>
    %eq3A_520 = arith.cmpf oeq, %get3A_18, %eq3A_519 : vector<16xf32>
    %add3A_521 = arith.constant 16 : i32
    %add3A_522 = vector.broadcast %add3A_521 : i32 to vector<16xi32>
    %add3A_523 = arith.addi %iota3A, %add3A_522 : vector<16xi32>
    %lt3A_524 = arith.constant 9 : i32
    %lt3A_525 = vector.broadcast %lt3A_524 : i32 to vector<16xi32>
    %lt3A_526 = arith.cmpi slt, %add3A_523, %lt3A_525 : vector<16xi32>
    %and3A_527 = arith.andi %eq3A_520, %lt3A_526 : vector<16xi1>
    %or3A_528 = arith.ori %lt3A_518, %and3A_527 : vector<16xi1>
    %jit3A_529 = arith.constant 0.000000e+00 : f32
    %broadcast_in_dim3A_530 = vector.broadcast %jit3A_529 : f32 to vector<16xf32>
    %select_n3A_531 = arith.select %or3A_516, %get3A_16, %broadcast_in_dim3A_530 : vector<16xi1>, vector<16xf32>
    %reduce_sum3A_532 = arith.constant true
    %reduce_sum3A_533 = vector.broadcast %reduce_sum3A_532 : i1 to vector<16xi1>
    %reduce_sum3A_534 = tpu.scan <sum>, %select_n3A_531 masked %reduce_sum3A_533 : vector<16xf32>, vector<16xi1> -> vector<16xf32>
    %reduce_sum3A_535 = vector.extract %reduce_sum3A_534[15] : f32 from vector<16xf32>
    %jit3A_536 = arith.constant 0.000000e+00 : f32
    %broadcast_in_dim3A_537 = vector.broadcast %jit3A_536 : f32 to vector<16xf32>
    %select_n3A_538 = arith.select %or3A_528, %get3A_18, %broadcast_in_dim3A_537 : vector<16xi1>, vector<16xf32>
    %reduce_sum3A_539 = arith.constant true
    %reduce_sum3A_540 = vector.broadcast %reduce_sum3A_539 : i1 to vector<16xi1>
    %reduce_sum3A_541 = tpu.scan <sum>, %select_n3A_538 masked %reduce_sum3A_540 : vector<16xf32>, vector<16xi1> -> vector<16xf32>
    %reduce_sum3A_542 = vector.extract %reduce_sum3A_541[15] : f32 from vector<16xf32>
    %add3A_543 = arith.addf %reduce_sum3A_535, %reduce_sum3A_542 : f32
    %lt3A_544 = arith.cmpf olt, %add3A_543, %mul3A_31 : f32
    %add3A_545 = arith.addf %add3A_543, %reduce_sum3A_507 : f32
    %ge3A_546 = arith.cmpf oge, %add3A_545, %mul3A_31 : f32
    %and3A_547 = arith.andi %lt3A_544, %ge3A_546 : i1
    %jit3A_548 = arith.constant 9 : i32
    %select_n3A_549 = arith.select %and3A_547, %jit3A_548, %select_n3A_497 : i32
    %eq3A_550 = arith.constant 10 : i32
    %eq3A_551 = vector.broadcast %eq3A_550 : i32 to vector<16xi32>
    %eq3A_552 = arith.cmpi eq, %iota3A, %eq3A_551 : vector<16xi32>
    %jit3A_553 = arith.constant 0.000000e+00 : f32
    %broadcast_in_dim3A_554 = vector.broadcast %jit3A_553 : f32 to vector<16xf32>
    %select_n3A_555 = arith.select %eq3A_552, %get3A_16, %broadcast_in_dim3A_554 : vector<16xi1>, vector<16xf32>
    %reduce_sum3A_556 = arith.constant true
    %reduce_sum3A_557 = vector.broadcast %reduce_sum3A_556 : i1 to vector<16xi1>
    %reduce_sum3A_558 = tpu.scan <sum>, %select_n3A_555 masked %reduce_sum3A_557 : vector<16xf32>, vector<16xi1> -> vector<16xf32>
    %reduce_sum3A_559 = vector.extract %reduce_sum3A_558[15] : f32 from vector<16xf32>
    %lt3A_560 = vector.broadcast %reduce_sum3A_559 : f32 to vector<16xf32>
    %lt3A_561 = arith.cmpf olt, %get3A_16, %lt3A_560 : vector<16xf32>
    %eq3A_562 = vector.broadcast %reduce_sum3A_559 : f32 to vector<16xf32>
    %eq3A_563 = arith.cmpf oeq, %get3A_16, %eq3A_562 : vector<16xf32>
    %lt3A_564 = arith.constant 10 : i32
    %lt3A_565 = vector.broadcast %lt3A_564 : i32 to vector<16xi32>
    %lt3A_566 = arith.cmpi slt, %iota3A, %lt3A_565 : vector<16xi32>
    %and3A_567 = arith.andi %eq3A_563, %lt3A_566 : vector<16xi1>
    %or3A_568 = arith.ori %lt3A_561, %and3A_567 : vector<16xi1>
    %lt3A_569 = vector.broadcast %reduce_sum3A_559 : f32 to vector<16xf32>
    %lt3A_570 = arith.cmpf olt, %get3A_18, %lt3A_569 : vector<16xf32>
    %eq3A_571 = vector.broadcast %reduce_sum3A_559 : f32 to vector<16xf32>
    %eq3A_572 = arith.cmpf oeq, %get3A_18, %eq3A_571 : vector<16xf32>
    %add3A_573 = arith.constant 16 : i32
    %add3A_574 = vector.broadcast %add3A_573 : i32 to vector<16xi32>
    %add3A_575 = arith.addi %iota3A, %add3A_574 : vector<16xi32>
    %lt3A_576 = arith.constant 10 : i32
    %lt3A_577 = vector.broadcast %lt3A_576 : i32 to vector<16xi32>
    %lt3A_578 = arith.cmpi slt, %add3A_575, %lt3A_577 : vector<16xi32>
    %and3A_579 = arith.andi %eq3A_572, %lt3A_578 : vector<16xi1>
    %or3A_580 = arith.ori %lt3A_570, %and3A_579 : vector<16xi1>
    %jit3A_581 = arith.constant 0.000000e+00 : f32
    %broadcast_in_dim3A_582 = vector.broadcast %jit3A_581 : f32 to vector<16xf32>
    %select_n3A_583 = arith.select %or3A_568, %get3A_16, %broadcast_in_dim3A_582 : vector<16xi1>, vector<16xf32>
    %reduce_sum3A_584 = arith.constant true
    %reduce_sum3A_585 = vector.broadcast %reduce_sum3A_584 : i1 to vector<16xi1>
    %reduce_sum3A_586 = tpu.scan <sum>, %select_n3A_583 masked %reduce_sum3A_585 : vector<16xf32>, vector<16xi1> -> vector<16xf32>
    %reduce_sum3A_587 = vector.extract %reduce_sum3A_586[15] : f32 from vector<16xf32>
    %jit3A_588 = arith.constant 0.000000e+00 : f32
    %broadcast_in_dim3A_589 = vector.broadcast %jit3A_588 : f32 to vector<16xf32>
    %select_n3A_590 = arith.select %or3A_580, %get3A_18, %broadcast_in_dim3A_589 : vector<16xi1>, vector<16xf32>
    %reduce_sum3A_591 = arith.constant true
    %reduce_sum3A_592 = vector.broadcast %reduce_sum3A_591 : i1 to vector<16xi1>
    %reduce_sum3A_593 = tpu.scan <sum>, %select_n3A_590 masked %reduce_sum3A_592 : vector<16xf32>, vector<16xi1> -> vector<16xf32>
    %reduce_sum3A_594 = vector.extract %reduce_sum3A_593[15] : f32 from vector<16xf32>
    %add3A_595 = arith.addf %reduce_sum3A_587, %reduce_sum3A_594 : f32
    %lt3A_596 = arith.cmpf olt, %add3A_595, %mul3A_31 : f32
    %add3A_597 = arith.addf %add3A_595, %reduce_sum3A_559 : f32
    %ge3A_598 = arith.cmpf oge, %add3A_597, %mul3A_31 : f32
    %and3A_599 = arith.andi %lt3A_596, %ge3A_598 : i1
    %jit3A_600 = arith.constant 10 : i32
    %select_n3A_601 = arith.select %and3A_599, %jit3A_600, %select_n3A_549 : i32
    %eq3A_602 = arith.constant 11 : i32
    %eq3A_603 = vector.broadcast %eq3A_602 : i32 to vector<16xi32>
    %eq3A_604 = arith.cmpi eq, %iota3A, %eq3A_603 : vector<16xi32>
    %jit3A_605 = arith.constant 0.000000e+00 : f32
    %broadcast_in_dim3A_606 = vector.broadcast %jit3A_605 : f32 to vector<16xf32>
    %select_n3A_607 = arith.select %eq3A_604, %get3A_16, %broadcast_in_dim3A_606 : vector<16xi1>, vector<16xf32>
    %reduce_sum3A_608 = arith.constant true
    %reduce_sum3A_609 = vector.broadcast %reduce_sum3A_608 : i1 to vector<16xi1>
    %reduce_sum3A_610 = tpu.scan <sum>, %select_n3A_607 masked %reduce_sum3A_609 : vector<16xf32>, vector<16xi1> -> vector<16xf32>
    %reduce_sum3A_611 = vector.extract %reduce_sum3A_610[15] : f32 from vector<16xf32>
    %lt3A_612 = vector.broadcast %reduce_sum3A_611 : f32 to vector<16xf32>
    %lt3A_613 = arith.cmpf olt, %get3A_16, %lt3A_612 : vector<16xf32>
    %eq3A_614 = vector.broadcast %reduce_sum3A_611 : f32 to vector<16xf32>
    %eq3A_615 = arith.cmpf oeq, %get3A_16, %eq3A_614 : vector<16xf32>
    %lt3A_616 = arith.constant 11 : i32
    %lt3A_617 = vector.broadcast %lt3A_616 : i32 to vector<16xi32>
    %lt3A_618 = arith.cmpi slt, %iota3A, %lt3A_617 : vector<16xi32>
    %and3A_619 = arith.andi %eq3A_615, %lt3A_618 : vector<16xi1>
    %or3A_620 = arith.ori %lt3A_613, %and3A_619 : vector<16xi1>
    %lt3A_621 = vector.broadcast %reduce_sum3A_611 : f32 to vector<16xf32>
    %lt3A_622 = arith.cmpf olt, %get3A_18, %lt3A_621 : vector<16xf32>
    %eq3A_623 = vector.broadcast %reduce_sum3A_611 : f32 to vector<16xf32>
    %eq3A_624 = arith.cmpf oeq, %get3A_18, %eq3A_623 : vector<16xf32>
    %add3A_625 = arith.constant 16 : i32
    %add3A_626 = vector.broadcast %add3A_625 : i32 to vector<16xi32>
    %add3A_627 = arith.addi %iota3A, %add3A_626 : vector<16xi32>
    %lt3A_628 = arith.constant 11 : i32
    %lt3A_629 = vector.broadcast %lt3A_628 : i32 to vector<16xi32>
    %lt3A_630 = arith.cmpi slt, %add3A_627, %lt3A_629 : vector<16xi32>
    %and3A_631 = arith.andi %eq3A_624, %lt3A_630 : vector<16xi1>
    %or3A_632 = arith.ori %lt3A_622, %and3A_631 : vector<16xi1>
    %jit3A_633 = arith.constant 0.000000e+00 : f32
    %broadcast_in_dim3A_634 = vector.broadcast %jit3A_633 : f32 to vector<16xf32>
    %select_n3A_635 = arith.select %or3A_620, %get3A_16, %broadcast_in_dim3A_634 : vector<16xi1>, vector<16xf32>
    %reduce_sum3A_636 = arith.constant true
    %reduce_sum3A_637 = vector.broadcast %reduce_sum3A_636 : i1 to vector<16xi1>
    %reduce_sum3A_638 = tpu.scan <sum>, %select_n3A_635 masked %reduce_sum3A_637 : vector<16xf32>, vector<16xi1> -> vector<16xf32>
    %reduce_sum3A_639 = vector.extract %reduce_sum3A_638[15] : f32 from vector<16xf32>
    %jit3A_640 = arith.constant 0.000000e+00 : f32
    %broadcast_in_dim3A_641 = vector.broadcast %jit3A_640 : f32 to vector<16xf32>
    %select_n3A_642 = arith.select %or3A_632, %get3A_18, %broadcast_in_dim3A_641 : vector<16xi1>, vector<16xf32>
    %reduce_sum3A_643 = arith.constant true
    %reduce_sum3A_644 = vector.broadcast %reduce_sum3A_643 : i1 to vector<16xi1>
    %reduce_sum3A_645 = tpu.scan <sum>, %select_n3A_642 masked %reduce_sum3A_644 : vector<16xf32>, vector<16xi1> -> vector<16xf32>
    %reduce_sum3A_646 = vector.extract %reduce_sum3A_645[15] : f32 from vector<16xf32>
    %add3A_647 = arith.addf %reduce_sum3A_639, %reduce_sum3A_646 : f32
    %lt3A_648 = arith.cmpf olt, %add3A_647, %mul3A_31 : f32
    %add3A_649 = arith.addf %add3A_647, %reduce_sum3A_611 : f32
    %ge3A_650 = arith.cmpf oge, %add3A_649, %mul3A_31 : f32
    %and3A_651 = arith.andi %lt3A_648, %ge3A_650 : i1
    %jit3A_652 = arith.constant 11 : i32
    %select_n3A_653 = arith.select %and3A_651, %jit3A_652, %select_n3A_601 : i32
    %eq3A_654 = arith.constant 12 : i32
    %eq3A_655 = vector.broadcast %eq3A_654 : i32 to vector<16xi32>
    %eq3A_656 = arith.cmpi eq, %iota3A, %eq3A_655 : vector<16xi32>
    %jit3A_657 = arith.constant 0.000000e+00 : f32
    %broadcast_in_dim3A_658 = vector.broadcast %jit3A_657 : f32 to vector<16xf32>
    %select_n3A_659 = arith.select %eq3A_656, %get3A_16, %broadcast_in_dim3A_658 : vector<16xi1>, vector<16xf32>
    %reduce_sum3A_660 = arith.constant true
    %reduce_sum3A_661 = vector.broadcast %reduce_sum3A_660 : i1 to vector<16xi1>
    %reduce_sum3A_662 = tpu.scan <sum>, %select_n3A_659 masked %reduce_sum3A_661 : vector<16xf32>, vector<16xi1> -> vector<16xf32>
    %reduce_sum3A_663 = vector.extract %reduce_sum3A_662[15] : f32 from vector<16xf32>
    %lt3A_664 = vector.broadcast %reduce_sum3A_663 : f32 to vector<16xf32>
    %lt3A_665 = arith.cmpf olt, %get3A_16, %lt3A_664 : vector<16xf32>
    %eq3A_666 = vector.broadcast %reduce_sum3A_663 : f32 to vector<16xf32>
    %eq3A_667 = arith.cmpf oeq, %get3A_16, %eq3A_666 : vector<16xf32>
    %lt3A_668 = arith.constant 12 : i32
    %lt3A_669 = vector.broadcast %lt3A_668 : i32 to vector<16xi32>
    %lt3A_670 = arith.cmpi slt, %iota3A, %lt3A_669 : vector<16xi32>
    %and3A_671 = arith.andi %eq3A_667, %lt3A_670 : vector<16xi1>
    %or3A_672 = arith.ori %lt3A_665, %and3A_671 : vector<16xi1>
    %lt3A_673 = vector.broadcast %reduce_sum3A_663 : f32 to vector<16xf32>
    %lt3A_674 = arith.cmpf olt, %get3A_18, %lt3A_673 : vector<16xf32>
    %eq3A_675 = vector.broadcast %reduce_sum3A_663 : f32 to vector<16xf32>
    %eq3A_676 = arith.cmpf oeq, %get3A_18, %eq3A_675 : vector<16xf32>
    %add3A_677 = arith.constant 16 : i32
    %add3A_678 = vector.broadcast %add3A_677 : i32 to vector<16xi32>
    %add3A_679 = arith.addi %iota3A, %add3A_678 : vector<16xi32>
    %lt3A_680 = arith.constant 12 : i32
    %lt3A_681 = vector.broadcast %lt3A_680 : i32 to vector<16xi32>
    %lt3A_682 = arith.cmpi slt, %add3A_679, %lt3A_681 : vector<16xi32>
    %and3A_683 = arith.andi %eq3A_676, %lt3A_682 : vector<16xi1>
    %or3A_684 = arith.ori %lt3A_674, %and3A_683 : vector<16xi1>
    %jit3A_685 = arith.constant 0.000000e+00 : f32
    %broadcast_in_dim3A_686 = vector.broadcast %jit3A_685 : f32 to vector<16xf32>
    %select_n3A_687 = arith.select %or3A_672, %get3A_16, %broadcast_in_dim3A_686 : vector<16xi1>, vector<16xf32>
    %reduce_sum3A_688 = arith.constant true
    %reduce_sum3A_689 = vector.broadcast %reduce_sum3A_688 : i1 to vector<16xi1>
    %reduce_sum3A_690 = tpu.scan <sum>, %select_n3A_687 masked %reduce_sum3A_689 : vector<16xf32>, vector<16xi1> -> vector<16xf32>
    %reduce_sum3A_691 = vector.extract %reduce_sum3A_690[15] : f32 from vector<16xf32>
    %jit3A_692 = arith.constant 0.000000e+00 : f32
    %broadcast_in_dim3A_693 = vector.broadcast %jit3A_692 : f32 to vector<16xf32>
    %select_n3A_694 = arith.select %or3A_684, %get3A_18, %broadcast_in_dim3A_693 : vector<16xi1>, vector<16xf32>
    %reduce_sum3A_695 = arith.constant true
    %reduce_sum3A_696 = vector.broadcast %reduce_sum3A_695 : i1 to vector<16xi1>
    %reduce_sum3A_697 = tpu.scan <sum>, %select_n3A_694 masked %reduce_sum3A_696 : vector<16xf32>, vector<16xi1> -> vector<16xf32>
    %reduce_sum3A_698 = vector.extract %reduce_sum3A_697[15] : f32 from vector<16xf32>
    %add3A_699 = arith.addf %reduce_sum3A_691, %reduce_sum3A_698 : f32
    %lt3A_700 = arith.cmpf olt, %add3A_699, %mul3A_31 : f32
    %add3A_701 = arith.addf %add3A_699, %reduce_sum3A_663 : f32
    %ge3A_702 = arith.cmpf oge, %add3A_701, %mul3A_31 : f32
    %and3A_703 = arith.andi %lt3A_700, %ge3A_702 : i1
    %jit3A_704 = arith.constant 12 : i32
    %select_n3A_705 = arith.select %and3A_703, %jit3A_704, %select_n3A_653 : i32
    %eq3A_706 = arith.constant 13 : i32
    %eq3A_707 = vector.broadcast %eq3A_706 : i32 to vector<16xi32>
    %eq3A_708 = arith.cmpi eq, %iota3A, %eq3A_707 : vector<16xi32>
    %jit3A_709 = arith.constant 0.000000e+00 : f32
    %broadcast_in_dim3A_710 = vector.broadcast %jit3A_709 : f32 to vector<16xf32>
    %select_n3A_711 = arith.select %eq3A_708, %get3A_16, %broadcast_in_dim3A_710 : vector<16xi1>, vector<16xf32>
    %reduce_sum3A_712 = arith.constant true
    %reduce_sum3A_713 = vector.broadcast %reduce_sum3A_712 : i1 to vector<16xi1>
    %reduce_sum3A_714 = tpu.scan <sum>, %select_n3A_711 masked %reduce_sum3A_713 : vector<16xf32>, vector<16xi1> -> vector<16xf32>
    %reduce_sum3A_715 = vector.extract %reduce_sum3A_714[15] : f32 from vector<16xf32>
    %lt3A_716 = vector.broadcast %reduce_sum3A_715 : f32 to vector<16xf32>
    %lt3A_717 = arith.cmpf olt, %get3A_16, %lt3A_716 : vector<16xf32>
    %eq3A_718 = vector.broadcast %reduce_sum3A_715 : f32 to vector<16xf32>
    %eq3A_719 = arith.cmpf oeq, %get3A_16, %eq3A_718 : vector<16xf32>
    %lt3A_720 = arith.constant 13 : i32
    %lt3A_721 = vector.broadcast %lt3A_720 : i32 to vector<16xi32>
    %lt3A_722 = arith.cmpi slt, %iota3A, %lt3A_721 : vector<16xi32>
    %and3A_723 = arith.andi %eq3A_719, %lt3A_722 : vector<16xi1>
    %or3A_724 = arith.ori %lt3A_717, %and3A_723 : vector<16xi1>
    %lt3A_725 = vector.broadcast %reduce_sum3A_715 : f32 to vector<16xf32>
    %lt3A_726 = arith.cmpf olt, %get3A_18, %lt3A_725 : vector<16xf32>
    %eq3A_727 = vector.broadcast %reduce_sum3A_715 : f32 to vector<16xf32>
    %eq3A_728 = arith.cmpf oeq, %get3A_18, %eq3A_727 : vector<16xf32>
    %add3A_729 = arith.constant 16 : i32
    %add3A_730 = vector.broadcast %add3A_729 : i32 to vector<16xi32>
    %add3A_731 = arith.addi %iota3A, %add3A_730 : vector<16xi32>
    %lt3A_732 = arith.constant 13 : i32
    %lt3A_733 = vector.broadcast %lt3A_732 : i32 to vector<16xi32>
    %lt3A_734 = arith.cmpi slt, %add3A_731, %lt3A_733 : vector<16xi32>
    %and3A_735 = arith.andi %eq3A_728, %lt3A_734 : vector<16xi1>
    %or3A_736 = arith.ori %lt3A_726, %and3A_735 : vector<16xi1>
    %jit3A_737 = arith.constant 0.000000e+00 : f32
    %broadcast_in_dim3A_738 = vector.broadcast %jit3A_737 : f32 to vector<16xf32>
    %select_n3A_739 = arith.select %or3A_724, %get3A_16, %broadcast_in_dim3A_738 : vector<16xi1>, vector<16xf32>
    %reduce_sum3A_740 = arith.constant true
    %reduce_sum3A_741 = vector.broadcast %reduce_sum3A_740 : i1 to vector<16xi1>
    %reduce_sum3A_742 = tpu.scan <sum>, %select_n3A_739 masked %reduce_sum3A_741 : vector<16xf32>, vector<16xi1> -> vector<16xf32>
    %reduce_sum3A_743 = vector.extract %reduce_sum3A_742[15] : f32 from vector<16xf32>
    %jit3A_744 = arith.constant 0.000000e+00 : f32
    %broadcast_in_dim3A_745 = vector.broadcast %jit3A_744 : f32 to vector<16xf32>
    %select_n3A_746 = arith.select %or3A_736, %get3A_18, %broadcast_in_dim3A_745 : vector<16xi1>, vector<16xf32>
    %reduce_sum3A_747 = arith.constant true
    %reduce_sum3A_748 = vector.broadcast %reduce_sum3A_747 : i1 to vector<16xi1>
    %reduce_sum3A_749 = tpu.scan <sum>, %select_n3A_746 masked %reduce_sum3A_748 : vector<16xf32>, vector<16xi1> -> vector<16xf32>
    %reduce_sum3A_750 = vector.extract %reduce_sum3A_749[15] : f32 from vector<16xf32>
    %add3A_751 = arith.addf %reduce_sum3A_743, %reduce_sum3A_750 : f32
    %lt3A_752 = arith.cmpf olt, %add3A_751, %mul3A_31 : f32
    %add3A_753 = arith.addf %add3A_751, %reduce_sum3A_715 : f32
    %ge3A_754 = arith.cmpf oge, %add3A_753, %mul3A_31 : f32
    %and3A_755 = arith.andi %lt3A_752, %ge3A_754 : i1
    %jit3A_756 = arith.constant 13 : i32
    %select_n3A_757 = arith.select %and3A_755, %jit3A_756, %select_n3A_705 : i32
    %eq3A_758 = arith.constant 14 : i32
    %eq3A_759 = vector.broadcast %eq3A_758 : i32 to vector<16xi32>
    %eq3A_760 = arith.cmpi eq, %iota3A, %eq3A_759 : vector<16xi32>
    %jit3A_761 = arith.constant 0.000000e+00 : f32
    %broadcast_in_dim3A_762 = vector.broadcast %jit3A_761 : f32 to vector<16xf32>
    %select_n3A_763 = arith.select %eq3A_760, %get3A_16, %broadcast_in_dim3A_762 : vector<16xi1>, vector<16xf32>
    %reduce_sum3A_764 = arith.constant true
    %reduce_sum3A_765 = vector.broadcast %reduce_sum3A_764 : i1 to vector<16xi1>
    %reduce_sum3A_766 = tpu.scan <sum>, %select_n3A_763 masked %reduce_sum3A_765 : vector<16xf32>, vector<16xi1> -> vector<16xf32>
    %reduce_sum3A_767 = vector.extract %reduce_sum3A_766[15] : f32 from vector<16xf32>
    %lt3A_768 = vector.broadcast %reduce_sum3A_767 : f32 to vector<16xf32>
    %lt3A_769 = arith.cmpf olt, %get3A_16, %lt3A_768 : vector<16xf32>
    %eq3A_770 = vector.broadcast %reduce_sum3A_767 : f32 to vector<16xf32>
    %eq3A_771 = arith.cmpf oeq, %get3A_16, %eq3A_770 : vector<16xf32>
    %lt3A_772 = arith.constant 14 : i32
    %lt3A_773 = vector.broadcast %lt3A_772 : i32 to vector<16xi32>
    %lt3A_774 = arith.cmpi slt, %iota3A, %lt3A_773 : vector<16xi32>
    %and3A_775 = arith.andi %eq3A_771, %lt3A_774 : vector<16xi1>
    %or3A_776 = arith.ori %lt3A_769, %and3A_775 : vector<16xi1>
    %lt3A_777 = vector.broadcast %reduce_sum3A_767 : f32 to vector<16xf32>
    %lt3A_778 = arith.cmpf olt, %get3A_18, %lt3A_777 : vector<16xf32>
    %eq3A_779 = vector.broadcast %reduce_sum3A_767 : f32 to vector<16xf32>
    %eq3A_780 = arith.cmpf oeq, %get3A_18, %eq3A_779 : vector<16xf32>
    %add3A_781 = arith.constant 16 : i32
    %add3A_782 = vector.broadcast %add3A_781 : i32 to vector<16xi32>
    %add3A_783 = arith.addi %iota3A, %add3A_782 : vector<16xi32>
    %lt3A_784 = arith.constant 14 : i32
    %lt3A_785 = vector.broadcast %lt3A_784 : i32 to vector<16xi32>
    %lt3A_786 = arith.cmpi slt, %add3A_783, %lt3A_785 : vector<16xi32>
    %and3A_787 = arith.andi %eq3A_780, %lt3A_786 : vector<16xi1>
    %or3A_788 = arith.ori %lt3A_778, %and3A_787 : vector<16xi1>
    %jit3A_789 = arith.constant 0.000000e+00 : f32
    %broadcast_in_dim3A_790 = vector.broadcast %jit3A_789 : f32 to vector<16xf32>
    %select_n3A_791 = arith.select %or3A_776, %get3A_16, %broadcast_in_dim3A_790 : vector<16xi1>, vector<16xf32>
    %reduce_sum3A_792 = arith.constant true
    %reduce_sum3A_793 = vector.broadcast %reduce_sum3A_792 : i1 to vector<16xi1>
    %reduce_sum3A_794 = tpu.scan <sum>, %select_n3A_791 masked %reduce_sum3A_793 : vector<16xf32>, vector<16xi1> -> vector<16xf32>
    %reduce_sum3A_795 = vector.extract %reduce_sum3A_794[15] : f32 from vector<16xf32>
    %jit3A_796 = arith.constant 0.000000e+00 : f32
    %broadcast_in_dim3A_797 = vector.broadcast %jit3A_796 : f32 to vector<16xf32>
    %select_n3A_798 = arith.select %or3A_788, %get3A_18, %broadcast_in_dim3A_797 : vector<16xi1>, vector<16xf32>
    %reduce_sum3A_799 = arith.constant true
    %reduce_sum3A_800 = vector.broadcast %reduce_sum3A_799 : i1 to vector<16xi1>
    %reduce_sum3A_801 = tpu.scan <sum>, %select_n3A_798 masked %reduce_sum3A_800 : vector<16xf32>, vector<16xi1> -> vector<16xf32>
    %reduce_sum3A_802 = vector.extract %reduce_sum3A_801[15] : f32 from vector<16xf32>
    %add3A_803 = arith.addf %reduce_sum3A_795, %reduce_sum3A_802 : f32
    %lt3A_804 = arith.cmpf olt, %add3A_803, %mul3A_31 : f32
    %add3A_805 = arith.addf %add3A_803, %reduce_sum3A_767 : f32
    %ge3A_806 = arith.cmpf oge, %add3A_805, %mul3A_31 : f32
    %and3A_807 = arith.andi %lt3A_804, %ge3A_806 : i1
    %jit3A_808 = arith.constant 14 : i32
    %select_n3A_809 = arith.select %and3A_807, %jit3A_808, %select_n3A_757 : i32
    %eq3A_810 = arith.constant 15 : i32
    %eq3A_811 = vector.broadcast %eq3A_810 : i32 to vector<16xi32>
    %eq3A_812 = arith.cmpi eq, %iota3A, %eq3A_811 : vector<16xi32>
    %jit3A_813 = arith.constant 0.000000e+00 : f32
    %broadcast_in_dim3A_814 = vector.broadcast %jit3A_813 : f32 to vector<16xf32>
    %select_n3A_815 = arith.select %eq3A_812, %get3A_16, %broadcast_in_dim3A_814 : vector<16xi1>, vector<16xf32>
    %reduce_sum3A_816 = arith.constant true
    %reduce_sum3A_817 = vector.broadcast %reduce_sum3A_816 : i1 to vector<16xi1>
    %reduce_sum3A_818 = tpu.scan <sum>, %select_n3A_815 masked %reduce_sum3A_817 : vector<16xf32>, vector<16xi1> -> vector<16xf32>
    %reduce_sum3A_819 = vector.extract %reduce_sum3A_818[15] : f32 from vector<16xf32>
    %lt3A_820 = vector.broadcast %reduce_sum3A_819 : f32 to vector<16xf32>
    %lt3A_821 = arith.cmpf olt, %get3A_16, %lt3A_820 : vector<16xf32>
    %eq3A_822 = vector.broadcast %reduce_sum3A_819 : f32 to vector<16xf32>
    %eq3A_823 = arith.cmpf oeq, %get3A_16, %eq3A_822 : vector<16xf32>
    %lt3A_824 = arith.constant 15 : i32
    %lt3A_825 = vector.broadcast %lt3A_824 : i32 to vector<16xi32>
    %lt3A_826 = arith.cmpi slt, %iota3A, %lt3A_825 : vector<16xi32>
    %and3A_827 = arith.andi %eq3A_823, %lt3A_826 : vector<16xi1>
    %or3A_828 = arith.ori %lt3A_821, %and3A_827 : vector<16xi1>
    %lt3A_829 = vector.broadcast %reduce_sum3A_819 : f32 to vector<16xf32>
    %lt3A_830 = arith.cmpf olt, %get3A_18, %lt3A_829 : vector<16xf32>
    %eq3A_831 = vector.broadcast %reduce_sum3A_819 : f32 to vector<16xf32>
    %eq3A_832 = arith.cmpf oeq, %get3A_18, %eq3A_831 : vector<16xf32>
    %add3A_833 = arith.constant 16 : i32
    %add3A_834 = vector.broadcast %add3A_833 : i32 to vector<16xi32>
    %add3A_835 = arith.addi %iota3A, %add3A_834 : vector<16xi32>
    %lt3A_836 = arith.constant 15 : i32
    %lt3A_837 = vector.broadcast %lt3A_836 : i32 to vector<16xi32>
    %lt3A_838 = arith.cmpi slt, %add3A_835, %lt3A_837 : vector<16xi32>
    %and3A_839 = arith.andi %eq3A_832, %lt3A_838 : vector<16xi1>
    %or3A_840 = arith.ori %lt3A_830, %and3A_839 : vector<16xi1>
    %jit3A_841 = arith.constant 0.000000e+00 : f32
    %broadcast_in_dim3A_842 = vector.broadcast %jit3A_841 : f32 to vector<16xf32>
    %select_n3A_843 = arith.select %or3A_828, %get3A_16, %broadcast_in_dim3A_842 : vector<16xi1>, vector<16xf32>
    %reduce_sum3A_844 = arith.constant true
    %reduce_sum3A_845 = vector.broadcast %reduce_sum3A_844 : i1 to vector<16xi1>
    %reduce_sum3A_846 = tpu.scan <sum>, %select_n3A_843 masked %reduce_sum3A_845 : vector<16xf32>, vector<16xi1> -> vector<16xf32>
    %reduce_sum3A_847 = vector.extract %reduce_sum3A_846[15] : f32 from vector<16xf32>
    %jit3A_848 = arith.constant 0.000000e+00 : f32
    %broadcast_in_dim3A_849 = vector.broadcast %jit3A_848 : f32 to vector<16xf32>
    %select_n3A_850 = arith.select %or3A_840, %get3A_18, %broadcast_in_dim3A_849 : vector<16xi1>, vector<16xf32>
    %reduce_sum3A_851 = arith.constant true
    %reduce_sum3A_852 = vector.broadcast %reduce_sum3A_851 : i1 to vector<16xi1>
    %reduce_sum3A_853 = tpu.scan <sum>, %select_n3A_850 masked %reduce_sum3A_852 : vector<16xf32>, vector<16xi1> -> vector<16xf32>
    %reduce_sum3A_854 = vector.extract %reduce_sum3A_853[15] : f32 from vector<16xf32>
    %add3A_855 = arith.addf %reduce_sum3A_847, %reduce_sum3A_854 : f32
    %lt3A_856 = arith.cmpf olt, %add3A_855, %mul3A_31 : f32
    %add3A_857 = arith.addf %add3A_855, %reduce_sum3A_819 : f32
    %ge3A_858 = arith.cmpf oge, %add3A_857, %mul3A_31 : f32
    %and3A_859 = arith.andi %lt3A_856, %ge3A_858 : i1
    %jit3A_860 = arith.constant 15 : i32
    %select_n3A_861 = arith.select %and3A_859, %jit3A_860, %select_n3A_809 : i32
    %eq3A_862 = arith.constant 0 : i32
    %eq3A_863 = vector.broadcast %eq3A_862 : i32 to vector<16xi32>
    %eq3A_864 = arith.cmpi eq, %iota3A, %eq3A_863 : vector<16xi32>
    %jit3A_865 = arith.constant 0.000000e+00 : f32
    %broadcast_in_dim3A_866 = vector.broadcast %jit3A_865 : f32 to vector<16xf32>
    %select_n3A_867 = arith.select %eq3A_864, %get3A_18, %broadcast_in_dim3A_866 : vector<16xi1>, vector<16xf32>
    %reduce_sum3A_868 = arith.constant true
    %reduce_sum3A_869 = vector.broadcast %reduce_sum3A_868 : i1 to vector<16xi1>
    %reduce_sum3A_870 = tpu.scan <sum>, %select_n3A_867 masked %reduce_sum3A_869 : vector<16xf32>, vector<16xi1> -> vector<16xf32>
    %reduce_sum3A_871 = vector.extract %reduce_sum3A_870[15] : f32 from vector<16xf32>
    %lt3A_872 = vector.broadcast %reduce_sum3A_871 : f32 to vector<16xf32>
    %lt3A_873 = arith.cmpf olt, %get3A_16, %lt3A_872 : vector<16xf32>
    %eq3A_874 = vector.broadcast %reduce_sum3A_871 : f32 to vector<16xf32>
    %eq3A_875 = arith.cmpf oeq, %get3A_16, %eq3A_874 : vector<16xf32>
    %lt3A_876 = arith.constant 16 : i32
    %lt3A_877 = vector.broadcast %lt3A_876 : i32 to vector<16xi32>
    %lt3A_878 = arith.cmpi slt, %iota3A, %lt3A_877 : vector<16xi32>
    %and3A_879 = arith.andi %eq3A_875, %lt3A_878 : vector<16xi1>
    %or3A_880 = arith.ori %lt3A_873, %and3A_879 : vector<16xi1>
    %lt3A_881 = vector.broadcast %reduce_sum3A_871 : f32 to vector<16xf32>
    %lt3A_882 = arith.cmpf olt, %get3A_18, %lt3A_881 : vector<16xf32>
    %eq3A_883 = vector.broadcast %reduce_sum3A_871 : f32 to vector<16xf32>
    %eq3A_884 = arith.cmpf oeq, %get3A_18, %eq3A_883 : vector<16xf32>
    %add3A_885 = arith.constant 16 : i32
    %add3A_886 = vector.broadcast %add3A_885 : i32 to vector<16xi32>
    %add3A_887 = arith.addi %iota3A, %add3A_886 : vector<16xi32>
    %lt3A_888 = arith.constant 16 : i32
    %lt3A_889 = vector.broadcast %lt3A_888 : i32 to vector<16xi32>
    %lt3A_890 = arith.cmpi slt, %add3A_887, %lt3A_889 : vector<16xi32>
    %and3A_891 = arith.andi %eq3A_884, %lt3A_890 : vector<16xi1>
    %or3A_892 = arith.ori %lt3A_882, %and3A_891 : vector<16xi1>
    %jit3A_893 = arith.constant 0.000000e+00 : f32
    %broadcast_in_dim3A_894 = vector.broadcast %jit3A_893 : f32 to vector<16xf32>
    %select_n3A_895 = arith.select %or3A_880, %get3A_16, %broadcast_in_dim3A_894 : vector<16xi1>, vector<16xf32>
    %reduce_sum3A_896 = arith.constant true
    %reduce_sum3A_897 = vector.broadcast %reduce_sum3A_896 : i1 to vector<16xi1>
    %reduce_sum3A_898 = tpu.scan <sum>, %select_n3A_895 masked %reduce_sum3A_897 : vector<16xf32>, vector<16xi1> -> vector<16xf32>
    %reduce_sum3A_899 = vector.extract %reduce_sum3A_898[15] : f32 from vector<16xf32>
    %jit3A_900 = arith.constant 0.000000e+00 : f32
    %broadcast_in_dim3A_901 = vector.broadcast %jit3A_900 : f32 to vector<16xf32>
    %select_n3A_902 = arith.select %or3A_892, %get3A_18, %broadcast_in_dim3A_901 : vector<16xi1>, vector<16xf32>
    %reduce_sum3A_903 = arith.constant true
    %reduce_sum3A_904 = vector.broadcast %reduce_sum3A_903 : i1 to vector<16xi1>
    %reduce_sum3A_905 = tpu.scan <sum>, %select_n3A_902 masked %reduce_sum3A_904 : vector<16xf32>, vector<16xi1> -> vector<16xf32>
    %reduce_sum3A_906 = vector.extract %reduce_sum3A_905[15] : f32 from vector<16xf32>
    %add3A_907 = arith.addf %reduce_sum3A_899, %reduce_sum3A_906 : f32
    %lt3A_908 = arith.cmpf olt, %add3A_907, %mul3A_31 : f32
    %add3A_909 = arith.addf %add3A_907, %reduce_sum3A_871 : f32
    %ge3A_910 = arith.cmpf oge, %add3A_909, %mul3A_31 : f32
    %and3A_911 = arith.andi %lt3A_908, %ge3A_910 : i1
    %jit3A_912 = arith.constant 16 : i32
    %select_n3A_913 = arith.select %and3A_911, %jit3A_912, %select_n3A_861 : i32
    %eq3A_914 = arith.constant 1 : i32
    %eq3A_915 = vector.broadcast %eq3A_914 : i32 to vector<16xi32>
    %eq3A_916 = arith.cmpi eq, %iota3A, %eq3A_915 : vector<16xi32>
    %jit3A_917 = arith.constant 0.000000e+00 : f32
    %broadcast_in_dim3A_918 = vector.broadcast %jit3A_917 : f32 to vector<16xf32>
    %select_n3A_919 = arith.select %eq3A_916, %get3A_18, %broadcast_in_dim3A_918 : vector<16xi1>, vector<16xf32>
    %reduce_sum3A_920 = arith.constant true
    %reduce_sum3A_921 = vector.broadcast %reduce_sum3A_920 : i1 to vector<16xi1>
    %reduce_sum3A_922 = tpu.scan <sum>, %select_n3A_919 masked %reduce_sum3A_921 : vector<16xf32>, vector<16xi1> -> vector<16xf32>
    %reduce_sum3A_923 = vector.extract %reduce_sum3A_922[15] : f32 from vector<16xf32>
    %lt3A_924 = vector.broadcast %reduce_sum3A_923 : f32 to vector<16xf32>
    %lt3A_925 = arith.cmpf olt, %get3A_16, %lt3A_924 : vector<16xf32>
    %eq3A_926 = vector.broadcast %reduce_sum3A_923 : f32 to vector<16xf32>
    %eq3A_927 = arith.cmpf oeq, %get3A_16, %eq3A_926 : vector<16xf32>
    %lt3A_928 = arith.constant 17 : i32
    %lt3A_929 = vector.broadcast %lt3A_928 : i32 to vector<16xi32>
    %lt3A_930 = arith.cmpi slt, %iota3A, %lt3A_929 : vector<16xi32>
    %and3A_931 = arith.andi %eq3A_927, %lt3A_930 : vector<16xi1>
    %or3A_932 = arith.ori %lt3A_925, %and3A_931 : vector<16xi1>
    %lt3A_933 = vector.broadcast %reduce_sum3A_923 : f32 to vector<16xf32>
    %lt3A_934 = arith.cmpf olt, %get3A_18, %lt3A_933 : vector<16xf32>
    %eq3A_935 = vector.broadcast %reduce_sum3A_923 : f32 to vector<16xf32>
    %eq3A_936 = arith.cmpf oeq, %get3A_18, %eq3A_935 : vector<16xf32>
    %add3A_937 = arith.constant 16 : i32
    %add3A_938 = vector.broadcast %add3A_937 : i32 to vector<16xi32>
    %add3A_939 = arith.addi %iota3A, %add3A_938 : vector<16xi32>
    %lt3A_940 = arith.constant 17 : i32
    %lt3A_941 = vector.broadcast %lt3A_940 : i32 to vector<16xi32>
    %lt3A_942 = arith.cmpi slt, %add3A_939, %lt3A_941 : vector<16xi32>
    %and3A_943 = arith.andi %eq3A_936, %lt3A_942 : vector<16xi1>
    %or3A_944 = arith.ori %lt3A_934, %and3A_943 : vector<16xi1>
    %jit3A_945 = arith.constant 0.000000e+00 : f32
    %broadcast_in_dim3A_946 = vector.broadcast %jit3A_945 : f32 to vector<16xf32>
    %select_n3A_947 = arith.select %or3A_932, %get3A_16, %broadcast_in_dim3A_946 : vector<16xi1>, vector<16xf32>
    %reduce_sum3A_948 = arith.constant true
    %reduce_sum3A_949 = vector.broadcast %reduce_sum3A_948 : i1 to vector<16xi1>
    %reduce_sum3A_950 = tpu.scan <sum>, %select_n3A_947 masked %reduce_sum3A_949 : vector<16xf32>, vector<16xi1> -> vector<16xf32>
    %reduce_sum3A_951 = vector.extract %reduce_sum3A_950[15] : f32 from vector<16xf32>
    %jit3A_952 = arith.constant 0.000000e+00 : f32
    %broadcast_in_dim3A_953 = vector.broadcast %jit3A_952 : f32 to vector<16xf32>
    %select_n3A_954 = arith.select %or3A_944, %get3A_18, %broadcast_in_dim3A_953 : vector<16xi1>, vector<16xf32>
    %reduce_sum3A_955 = arith.constant true
    %reduce_sum3A_956 = vector.broadcast %reduce_sum3A_955 : i1 to vector<16xi1>
    %reduce_sum3A_957 = tpu.scan <sum>, %select_n3A_954 masked %reduce_sum3A_956 : vector<16xf32>, vector<16xi1> -> vector<16xf32>
    %reduce_sum3A_958 = vector.extract %reduce_sum3A_957[15] : f32 from vector<16xf32>
    %add3A_959 = arith.addf %reduce_sum3A_951, %reduce_sum3A_958 : f32
    %lt3A_960 = arith.cmpf olt, %add3A_959, %mul3A_31 : f32
    %add3A_961 = arith.addf %add3A_959, %reduce_sum3A_923 : f32
    %ge3A_962 = arith.cmpf oge, %add3A_961, %mul3A_31 : f32
    %and3A_963 = arith.andi %lt3A_960, %ge3A_962 : i1
    %jit3A_964 = arith.constant 17 : i32
    %select_n3A_965 = arith.select %and3A_963, %jit3A_964, %select_n3A_913 : i32
    %eq3A_966 = arith.constant 2 : i32
    %eq3A_967 = vector.broadcast %eq3A_966 : i32 to vector<16xi32>
    %eq3A_968 = arith.cmpi eq, %iota3A, %eq3A_967 : vector<16xi32>
    %jit3A_969 = arith.constant 0.000000e+00 : f32
    %broadcast_in_dim3A_970 = vector.broadcast %jit3A_969 : f32 to vector<16xf32>
    %select_n3A_971 = arith.select %eq3A_968, %get3A_18, %broadcast_in_dim3A_970 : vector<16xi1>, vector<16xf32>
    %reduce_sum3A_972 = arith.constant true
    %reduce_sum3A_973 = vector.broadcast %reduce_sum3A_972 : i1 to vector<16xi1>
    %reduce_sum3A_974 = tpu.scan <sum>, %select_n3A_971 masked %reduce_sum3A_973 : vector<16xf32>, vector<16xi1> -> vector<16xf32>
    %reduce_sum3A_975 = vector.extract %reduce_sum3A_974[15] : f32 from vector<16xf32>
    %lt3A_976 = vector.broadcast %reduce_sum3A_975 : f32 to vector<16xf32>
    %lt3A_977 = arith.cmpf olt, %get3A_16, %lt3A_976 : vector<16xf32>
    %eq3A_978 = vector.broadcast %reduce_sum3A_975 : f32 to vector<16xf32>
    %eq3A_979 = arith.cmpf oeq, %get3A_16, %eq3A_978 : vector<16xf32>
    %lt3A_980 = arith.constant 18 : i32
    %lt3A_981 = vector.broadcast %lt3A_980 : i32 to vector<16xi32>
    %lt3A_982 = arith.cmpi slt, %iota3A, %lt3A_981 : vector<16xi32>
    %and3A_983 = arith.andi %eq3A_979, %lt3A_982 : vector<16xi1>
    %or3A_984 = arith.ori %lt3A_977, %and3A_983 : vector<16xi1>
    %lt3A_985 = vector.broadcast %reduce_sum3A_975 : f32 to vector<16xf32>
    %lt3A_986 = arith.cmpf olt, %get3A_18, %lt3A_985 : vector<16xf32>
    %eq3A_987 = vector.broadcast %reduce_sum3A_975 : f32 to vector<16xf32>
    %eq3A_988 = arith.cmpf oeq, %get3A_18, %eq3A_987 : vector<16xf32>
    %add3A_989 = arith.constant 16 : i32
    %add3A_990 = vector.broadcast %add3A_989 : i32 to vector<16xi32>
    %add3A_991 = arith.addi %iota3A, %add3A_990 : vector<16xi32>
    %lt3A_992 = arith.constant 18 : i32
    %lt3A_993 = vector.broadcast %lt3A_992 : i32 to vector<16xi32>
    %lt3A_994 = arith.cmpi slt, %add3A_991, %lt3A_993 : vector<16xi32>
    %and3A_995 = arith.andi %eq3A_988, %lt3A_994 : vector<16xi1>
    %or3A_996 = arith.ori %lt3A_986, %and3A_995 : vector<16xi1>
    %jit3A_997 = arith.constant 0.000000e+00 : f32
    %broadcast_in_dim3A_998 = vector.broadcast %jit3A_997 : f32 to vector<16xf32>
    %select_n3A_999 = arith.select %or3A_984, %get3A_16, %broadcast_in_dim3A_998 : vector<16xi1>, vector<16xf32>
    %reduce_sum3A_1000 = arith.constant true
    %reduce_sum3A_1001 = vector.broadcast %reduce_sum3A_1000 : i1 to vector<16xi1>
    %reduce_sum3A_1002 = tpu.scan <sum>, %select_n3A_999 masked %reduce_sum3A_1001 : vector<16xf32>, vector<16xi1> -> vector<16xf32>
    %reduce_sum3A_1003 = vector.extract %reduce_sum3A_1002[15] : f32 from vector<16xf32>
    %jit3A_1004 = arith.constant 0.000000e+00 : f32
    %broadcast_in_dim3A_1005 = vector.broadcast %jit3A_1004 : f32 to vector<16xf32>
    %select_n3A_1006 = arith.select %or3A_996, %get3A_18, %broadcast_in_dim3A_1005 : vector<16xi1>, vector<16xf32>
    %reduce_sum3A_1007 = arith.constant true
    %reduce_sum3A_1008 = vector.broadcast %reduce_sum3A_1007 : i1 to vector<16xi1>
    %reduce_sum3A_1009 = tpu.scan <sum>, %select_n3A_1006 masked %reduce_sum3A_1008 : vector<16xf32>, vector<16xi1> -> vector<16xf32>
    %reduce_sum3A_1010 = vector.extract %reduce_sum3A_1009[15] : f32 from vector<16xf32>
    %add3A_1011 = arith.addf %reduce_sum3A_1003, %reduce_sum3A_1010 : f32
    %lt3A_1012 = arith.cmpf olt, %add3A_1011, %mul3A_31 : f32
    %add3A_1013 = arith.addf %add3A_1011, %reduce_sum3A_975 : f32
    %ge3A_1014 = arith.cmpf oge, %add3A_1013, %mul3A_31 : f32
    %and3A_1015 = arith.andi %lt3A_1012, %ge3A_1014 : i1
    %jit3A_1016 = arith.constant 18 : i32
    %select_n3A_1017 = arith.select %and3A_1015, %jit3A_1016, %select_n3A_965 : i32
    %eq3A_1018 = arith.constant 3 : i32
    %eq3A_1019 = vector.broadcast %eq3A_1018 : i32 to vector<16xi32>
    %eq3A_1020 = arith.cmpi eq, %iota3A, %eq3A_1019 : vector<16xi32>
    %jit3A_1021 = arith.constant 0.000000e+00 : f32
    %broadcast_in_dim3A_1022 = vector.broadcast %jit3A_1021 : f32 to vector<16xf32>
    %select_n3A_1023 = arith.select %eq3A_1020, %get3A_18, %broadcast_in_dim3A_1022 : vector<16xi1>, vector<16xf32>
    %reduce_sum3A_1024 = arith.constant true
    %reduce_sum3A_1025 = vector.broadcast %reduce_sum3A_1024 : i1 to vector<16xi1>
    %reduce_sum3A_1026 = tpu.scan <sum>, %select_n3A_1023 masked %reduce_sum3A_1025 : vector<16xf32>, vector<16xi1> -> vector<16xf32>
    %reduce_sum3A_1027 = vector.extract %reduce_sum3A_1026[15] : f32 from vector<16xf32>
    %lt3A_1028 = vector.broadcast %reduce_sum3A_1027 : f32 to vector<16xf32>
    %lt3A_1029 = arith.cmpf olt, %get3A_16, %lt3A_1028 : vector<16xf32>
    %eq3A_1030 = vector.broadcast %reduce_sum3A_1027 : f32 to vector<16xf32>
    %eq3A_1031 = arith.cmpf oeq, %get3A_16, %eq3A_1030 : vector<16xf32>
    %lt3A_1032 = arith.constant 19 : i32
    %lt3A_1033 = vector.broadcast %lt3A_1032 : i32 to vector<16xi32>
    %lt3A_1034 = arith.cmpi slt, %iota3A, %lt3A_1033 : vector<16xi32>
    %and3A_1035 = arith.andi %eq3A_1031, %lt3A_1034 : vector<16xi1>
    %or3A_1036 = arith.ori %lt3A_1029, %and3A_1035 : vector<16xi1>
    %lt3A_1037 = vector.broadcast %reduce_sum3A_1027 : f32 to vector<16xf32>
    %lt3A_1038 = arith.cmpf olt, %get3A_18, %lt3A_1037 : vector<16xf32>
    %eq3A_1039 = vector.broadcast %reduce_sum3A_1027 : f32 to vector<16xf32>
    %eq3A_1040 = arith.cmpf oeq, %get3A_18, %eq3A_1039 : vector<16xf32>
    %add3A_1041 = arith.constant 16 : i32
    %add3A_1042 = vector.broadcast %add3A_1041 : i32 to vector<16xi32>
    %add3A_1043 = arith.addi %iota3A, %add3A_1042 : vector<16xi32>
    %lt3A_1044 = arith.constant 19 : i32
    %lt3A_1045 = vector.broadcast %lt3A_1044 : i32 to vector<16xi32>
    %lt3A_1046 = arith.cmpi slt, %add3A_1043, %lt3A_1045 : vector<16xi32>
    %and3A_1047 = arith.andi %eq3A_1040, %lt3A_1046 : vector<16xi1>
    %or3A_1048 = arith.ori %lt3A_1038, %and3A_1047 : vector<16xi1>
    %jit3A_1049 = arith.constant 0.000000e+00 : f32
    %broadcast_in_dim3A_1050 = vector.broadcast %jit3A_1049 : f32 to vector<16xf32>
    %select_n3A_1051 = arith.select %or3A_1036, %get3A_16, %broadcast_in_dim3A_1050 : vector<16xi1>, vector<16xf32>
    %reduce_sum3A_1052 = arith.constant true
    %reduce_sum3A_1053 = vector.broadcast %reduce_sum3A_1052 : i1 to vector<16xi1>
    %reduce_sum3A_1054 = tpu.scan <sum>, %select_n3A_1051 masked %reduce_sum3A_1053 : vector<16xf32>, vector<16xi1> -> vector<16xf32>
    %reduce_sum3A_1055 = vector.extract %reduce_sum3A_1054[15] : f32 from vector<16xf32>
    %jit3A_1056 = arith.constant 0.000000e+00 : f32
    %broadcast_in_dim3A_1057 = vector.broadcast %jit3A_1056 : f32 to vector<16xf32>
    %select_n3A_1058 = arith.select %or3A_1048, %get3A_18, %broadcast_in_dim3A_1057 : vector<16xi1>, vector<16xf32>
    %reduce_sum3A_1059 = arith.constant true
    %reduce_sum3A_1060 = vector.broadcast %reduce_sum3A_1059 : i1 to vector<16xi1>
    %reduce_sum3A_1061 = tpu.scan <sum>, %select_n3A_1058 masked %reduce_sum3A_1060 : vector<16xf32>, vector<16xi1> -> vector<16xf32>
    %reduce_sum3A_1062 = vector.extract %reduce_sum3A_1061[15] : f32 from vector<16xf32>
    %add3A_1063 = arith.addf %reduce_sum3A_1055, %reduce_sum3A_1062 : f32
    %lt3A_1064 = arith.cmpf olt, %add3A_1063, %mul3A_31 : f32
    %add3A_1065 = arith.addf %add3A_1063, %reduce_sum3A_1027 : f32
    %ge3A_1066 = arith.cmpf oge, %add3A_1065, %mul3A_31 : f32
    %and3A_1067 = arith.andi %lt3A_1064, %ge3A_1066 : i1
    %jit3A_1068 = arith.constant 19 : i32
    %select_n3A_1069 = arith.select %and3A_1067, %jit3A_1068, %select_n3A_1017 : i32
    %eq3A_1070 = arith.constant 4 : i32
    %eq3A_1071 = vector.broadcast %eq3A_1070 : i32 to vector<16xi32>
    %eq3A_1072 = arith.cmpi eq, %iota3A, %eq3A_1071 : vector<16xi32>
    %jit3A_1073 = arith.constant 0.000000e+00 : f32
    %broadcast_in_dim3A_1074 = vector.broadcast %jit3A_1073 : f32 to vector<16xf32>
    %select_n3A_1075 = arith.select %eq3A_1072, %get3A_18, %broadcast_in_dim3A_1074 : vector<16xi1>, vector<16xf32>
    %reduce_sum3A_1076 = arith.constant true
    %reduce_sum3A_1077 = vector.broadcast %reduce_sum3A_1076 : i1 to vector<16xi1>
    %reduce_sum3A_1078 = tpu.scan <sum>, %select_n3A_1075 masked %reduce_sum3A_1077 : vector<16xf32>, vector<16xi1> -> vector<16xf32>
    %reduce_sum3A_1079 = vector.extract %reduce_sum3A_1078[15] : f32 from vector<16xf32>
    %lt3A_1080 = vector.broadcast %reduce_sum3A_1079 : f32 to vector<16xf32>
    %lt3A_1081 = arith.cmpf olt, %get3A_16, %lt3A_1080 : vector<16xf32>
    %eq3A_1082 = vector.broadcast %reduce_sum3A_1079 : f32 to vector<16xf32>
    %eq3A_1083 = arith.cmpf oeq, %get3A_16, %eq3A_1082 : vector<16xf32>
    %lt3A_1084 = arith.constant 20 : i32
    %lt3A_1085 = vector.broadcast %lt3A_1084 : i32 to vector<16xi32>
    %lt3A_1086 = arith.cmpi slt, %iota3A, %lt3A_1085 : vector<16xi32>
    %and3A_1087 = arith.andi %eq3A_1083, %lt3A_1086 : vector<16xi1>
    %or3A_1088 = arith.ori %lt3A_1081, %and3A_1087 : vector<16xi1>
    %lt3A_1089 = vector.broadcast %reduce_sum3A_1079 : f32 to vector<16xf32>
    %lt3A_1090 = arith.cmpf olt, %get3A_18, %lt3A_1089 : vector<16xf32>
    %eq3A_1091 = vector.broadcast %reduce_sum3A_1079 : f32 to vector<16xf32>
    %eq3A_1092 = arith.cmpf oeq, %get3A_18, %eq3A_1091 : vector<16xf32>
    %add3A_1093 = arith.constant 16 : i32
    %add3A_1094 = vector.broadcast %add3A_1093 : i32 to vector<16xi32>
    %add3A_1095 = arith.addi %iota3A, %add3A_1094 : vector<16xi32>
    %lt3A_1096 = arith.constant 20 : i32
    %lt3A_1097 = vector.broadcast %lt3A_1096 : i32 to vector<16xi32>
    %lt3A_1098 = arith.cmpi slt, %add3A_1095, %lt3A_1097 : vector<16xi32>
    %and3A_1099 = arith.andi %eq3A_1092, %lt3A_1098 : vector<16xi1>
    %or3A_1100 = arith.ori %lt3A_1090, %and3A_1099 : vector<16xi1>
    %jit3A_1101 = arith.constant 0.000000e+00 : f32
    %broadcast_in_dim3A_1102 = vector.broadcast %jit3A_1101 : f32 to vector<16xf32>
    %select_n3A_1103 = arith.select %or3A_1088, %get3A_16, %broadcast_in_dim3A_1102 : vector<16xi1>, vector<16xf32>
    %reduce_sum3A_1104 = arith.constant true
    %reduce_sum3A_1105 = vector.broadcast %reduce_sum3A_1104 : i1 to vector<16xi1>
    %reduce_sum3A_1106 = tpu.scan <sum>, %select_n3A_1103 masked %reduce_sum3A_1105 : vector<16xf32>, vector<16xi1> -> vector<16xf32>
    %reduce_sum3A_1107 = vector.extract %reduce_sum3A_1106[15] : f32 from vector<16xf32>
    %jit3A_1108 = arith.constant 0.000000e+00 : f32
    %broadcast_in_dim3A_1109 = vector.broadcast %jit3A_1108 : f32 to vector<16xf32>
    %select_n3A_1110 = arith.select %or3A_1100, %get3A_18, %broadcast_in_dim3A_1109 : vector<16xi1>, vector<16xf32>
    %reduce_sum3A_1111 = arith.constant true
    %reduce_sum3A_1112 = vector.broadcast %reduce_sum3A_1111 : i1 to vector<16xi1>
    %reduce_sum3A_1113 = tpu.scan <sum>, %select_n3A_1110 masked %reduce_sum3A_1112 : vector<16xf32>, vector<16xi1> -> vector<16xf32>
    %reduce_sum3A_1114 = vector.extract %reduce_sum3A_1113[15] : f32 from vector<16xf32>
    %add3A_1115 = arith.addf %reduce_sum3A_1107, %reduce_sum3A_1114 : f32
    %lt3A_1116 = arith.cmpf olt, %add3A_1115, %mul3A_31 : f32
    %add3A_1117 = arith.addf %add3A_1115, %reduce_sum3A_1079 : f32
    %ge3A_1118 = arith.cmpf oge, %add3A_1117, %mul3A_31 : f32
    %and3A_1119 = arith.andi %lt3A_1116, %ge3A_1118 : i1
    %jit3A_1120 = arith.constant 20 : i32
    %select_n3A_1121 = arith.select %and3A_1119, %jit3A_1120, %select_n3A_1069 : i32
    %eq3A_1122 = arith.constant 5 : i32
    %eq3A_1123 = vector.broadcast %eq3A_1122 : i32 to vector<16xi32>
    %eq3A_1124 = arith.cmpi eq, %iota3A, %eq3A_1123 : vector<16xi32>
    %jit3A_1125 = arith.constant 0.000000e+00 : f32
    %broadcast_in_dim3A_1126 = vector.broadcast %jit3A_1125 : f32 to vector<16xf32>
    %select_n3A_1127 = arith.select %eq3A_1124, %get3A_18, %broadcast_in_dim3A_1126 : vector<16xi1>, vector<16xf32>
    %reduce_sum3A_1128 = arith.constant true
    %reduce_sum3A_1129 = vector.broadcast %reduce_sum3A_1128 : i1 to vector<16xi1>
    %reduce_sum3A_1130 = tpu.scan <sum>, %select_n3A_1127 masked %reduce_sum3A_1129 : vector<16xf32>, vector<16xi1> -> vector<16xf32>
    %reduce_sum3A_1131 = vector.extract %reduce_sum3A_1130[15] : f32 from vector<16xf32>
    %lt3A_1132 = vector.broadcast %reduce_sum3A_1131 : f32 to vector<16xf32>
    %lt3A_1133 = arith.cmpf olt, %get3A_16, %lt3A_1132 : vector<16xf32>
    %eq3A_1134 = vector.broadcast %reduce_sum3A_1131 : f32 to vector<16xf32>
    %eq3A_1135 = arith.cmpf oeq, %get3A_16, %eq3A_1134 : vector<16xf32>
    %lt3A_1136 = arith.constant 21 : i32
    %lt3A_1137 = vector.broadcast %lt3A_1136 : i32 to vector<16xi32>
    %lt3A_1138 = arith.cmpi slt, %iota3A, %lt3A_1137 : vector<16xi32>
    %and3A_1139 = arith.andi %eq3A_1135, %lt3A_1138 : vector<16xi1>
    %or3A_1140 = arith.ori %lt3A_1133, %and3A_1139 : vector<16xi1>
    %lt3A_1141 = vector.broadcast %reduce_sum3A_1131 : f32 to vector<16xf32>
    %lt3A_1142 = arith.cmpf olt, %get3A_18, %lt3A_1141 : vector<16xf32>
    %eq3A_1143 = vector.broadcast %reduce_sum3A_1131 : f32 to vector<16xf32>
    %eq3A_1144 = arith.cmpf oeq, %get3A_18, %eq3A_1143 : vector<16xf32>
    %add3A_1145 = arith.constant 16 : i32
    %add3A_1146 = vector.broadcast %add3A_1145 : i32 to vector<16xi32>
    %add3A_1147 = arith.addi %iota3A, %add3A_1146 : vector<16xi32>
    %lt3A_1148 = arith.constant 21 : i32
    %lt3A_1149 = vector.broadcast %lt3A_1148 : i32 to vector<16xi32>
    %lt3A_1150 = arith.cmpi slt, %add3A_1147, %lt3A_1149 : vector<16xi32>
    %and3A_1151 = arith.andi %eq3A_1144, %lt3A_1150 : vector<16xi1>
    %or3A_1152 = arith.ori %lt3A_1142, %and3A_1151 : vector<16xi1>
    %jit3A_1153 = arith.constant 0.000000e+00 : f32
    %broadcast_in_dim3A_1154 = vector.broadcast %jit3A_1153 : f32 to vector<16xf32>
    %select_n3A_1155 = arith.select %or3A_1140, %get3A_16, %broadcast_in_dim3A_1154 : vector<16xi1>, vector<16xf32>
    %reduce_sum3A_1156 = arith.constant true
    %reduce_sum3A_1157 = vector.broadcast %reduce_sum3A_1156 : i1 to vector<16xi1>
    %reduce_sum3A_1158 = tpu.scan <sum>, %select_n3A_1155 masked %reduce_sum3A_1157 : vector<16xf32>, vector<16xi1> -> vector<16xf32>
    %reduce_sum3A_1159 = vector.extract %reduce_sum3A_1158[15] : f32 from vector<16xf32>
    %jit3A_1160 = arith.constant 0.000000e+00 : f32
    %broadcast_in_dim3A_1161 = vector.broadcast %jit3A_1160 : f32 to vector<16xf32>
    %select_n3A_1162 = arith.select %or3A_1152, %get3A_18, %broadcast_in_dim3A_1161 : vector<16xi1>, vector<16xf32>
    %reduce_sum3A_1163 = arith.constant true
    %reduce_sum3A_1164 = vector.broadcast %reduce_sum3A_1163 : i1 to vector<16xi1>
    %reduce_sum3A_1165 = tpu.scan <sum>, %select_n3A_1162 masked %reduce_sum3A_1164 : vector<16xf32>, vector<16xi1> -> vector<16xf32>
    %reduce_sum3A_1166 = vector.extract %reduce_sum3A_1165[15] : f32 from vector<16xf32>
    %add3A_1167 = arith.addf %reduce_sum3A_1159, %reduce_sum3A_1166 : f32
    %lt3A_1168 = arith.cmpf olt, %add3A_1167, %mul3A_31 : f32
    %add3A_1169 = arith.addf %add3A_1167, %reduce_sum3A_1131 : f32
    %ge3A_1170 = arith.cmpf oge, %add3A_1169, %mul3A_31 : f32
    %and3A_1171 = arith.andi %lt3A_1168, %ge3A_1170 : i1
    %jit3A_1172 = arith.constant 21 : i32
    %select_n3A_1173 = arith.select %and3A_1171, %jit3A_1172, %select_n3A_1121 : i32
    %eq3A_1174 = arith.constant 6 : i32
    %eq3A_1175 = vector.broadcast %eq3A_1174 : i32 to vector<16xi32>
    %eq3A_1176 = arith.cmpi eq, %iota3A, %eq3A_1175 : vector<16xi32>
    %jit3A_1177 = arith.constant 0.000000e+00 : f32
    %broadcast_in_dim3A_1178 = vector.broadcast %jit3A_1177 : f32 to vector<16xf32>
    %select_n3A_1179 = arith.select %eq3A_1176, %get3A_18, %broadcast_in_dim3A_1178 : vector<16xi1>, vector<16xf32>
    %reduce_sum3A_1180 = arith.constant true
    %reduce_sum3A_1181 = vector.broadcast %reduce_sum3A_1180 : i1 to vector<16xi1>
    %reduce_sum3A_1182 = tpu.scan <sum>, %select_n3A_1179 masked %reduce_sum3A_1181 : vector<16xf32>, vector<16xi1> -> vector<16xf32>
    %reduce_sum3A_1183 = vector.extract %reduce_sum3A_1182[15] : f32 from vector<16xf32>
    %lt3A_1184 = vector.broadcast %reduce_sum3A_1183 : f32 to vector<16xf32>
    %lt3A_1185 = arith.cmpf olt, %get3A_16, %lt3A_1184 : vector<16xf32>
    %eq3A_1186 = vector.broadcast %reduce_sum3A_1183 : f32 to vector<16xf32>
    %eq3A_1187 = arith.cmpf oeq, %get3A_16, %eq3A_1186 : vector<16xf32>
    %lt3A_1188 = arith.constant 22 : i32
    %lt3A_1189 = vector.broadcast %lt3A_1188 : i32 to vector<16xi32>
    %lt3A_1190 = arith.cmpi slt, %iota3A, %lt3A_1189 : vector<16xi32>
    %and3A_1191 = arith.andi %eq3A_1187, %lt3A_1190 : vector<16xi1>
    %or3A_1192 = arith.ori %lt3A_1185, %and3A_1191 : vector<16xi1>
    %lt3A_1193 = vector.broadcast %reduce_sum3A_1183 : f32 to vector<16xf32>
    %lt3A_1194 = arith.cmpf olt, %get3A_18, %lt3A_1193 : vector<16xf32>
    %eq3A_1195 = vector.broadcast %reduce_sum3A_1183 : f32 to vector<16xf32>
    %eq3A_1196 = arith.cmpf oeq, %get3A_18, %eq3A_1195 : vector<16xf32>
    %add3A_1197 = arith.constant 16 : i32
    %add3A_1198 = vector.broadcast %add3A_1197 : i32 to vector<16xi32>
    %add3A_1199 = arith.addi %iota3A, %add3A_1198 : vector<16xi32>
    %lt3A_1200 = arith.constant 22 : i32
    %lt3A_1201 = vector.broadcast %lt3A_1200 : i32 to vector<16xi32>
    %lt3A_1202 = arith.cmpi slt, %add3A_1199, %lt3A_1201 : vector<16xi32>
    %and3A_1203 = arith.andi %eq3A_1196, %lt3A_1202 : vector<16xi1>
    %or3A_1204 = arith.ori %lt3A_1194, %and3A_1203 : vector<16xi1>
    %jit3A_1205 = arith.constant 0.000000e+00 : f32
    %broadcast_in_dim3A_1206 = vector.broadcast %jit3A_1205 : f32 to vector<16xf32>
    %select_n3A_1207 = arith.select %or3A_1192, %get3A_16, %broadcast_in_dim3A_1206 : vector<16xi1>, vector<16xf32>
    %reduce_sum3A_1208 = arith.constant true
    %reduce_sum3A_1209 = vector.broadcast %reduce_sum3A_1208 : i1 to vector<16xi1>
    %reduce_sum3A_1210 = tpu.scan <sum>, %select_n3A_1207 masked %reduce_sum3A_1209 : vector<16xf32>, vector<16xi1> -> vector<16xf32>
    %reduce_sum3A_1211 = vector.extract %reduce_sum3A_1210[15] : f32 from vector<16xf32>
    %jit3A_1212 = arith.constant 0.000000e+00 : f32
    %broadcast_in_dim3A_1213 = vector.broadcast %jit3A_1212 : f32 to vector<16xf32>
    %select_n3A_1214 = arith.select %or3A_1204, %get3A_18, %broadcast_in_dim3A_1213 : vector<16xi1>, vector<16xf32>
    %reduce_sum3A_1215 = arith.constant true
    %reduce_sum3A_1216 = vector.broadcast %reduce_sum3A_1215 : i1 to vector<16xi1>
    %reduce_sum3A_1217 = tpu.scan <sum>, %select_n3A_1214 masked %reduce_sum3A_1216 : vector<16xf32>, vector<16xi1> -> vector<16xf32>
    %reduce_sum3A_1218 = vector.extract %reduce_sum3A_1217[15] : f32 from vector<16xf32>
    %add3A_1219 = arith.addf %reduce_sum3A_1211, %reduce_sum3A_1218 : f32
    %lt3A_1220 = arith.cmpf olt, %add3A_1219, %mul3A_31 : f32
    %add3A_1221 = arith.addf %add3A_1219, %reduce_sum3A_1183 : f32
    %ge3A_1222 = arith.cmpf oge, %add3A_1221, %mul3A_31 : f32
    %and3A_1223 = arith.andi %lt3A_1220, %ge3A_1222 : i1
    %jit3A_1224 = arith.constant 22 : i32
    %select_n3A_1225 = arith.select %and3A_1223, %jit3A_1224, %select_n3A_1173 : i32
    %eq3A_1226 = arith.constant 7 : i32
    %eq3A_1227 = vector.broadcast %eq3A_1226 : i32 to vector<16xi32>
    %eq3A_1228 = arith.cmpi eq, %iota3A, %eq3A_1227 : vector<16xi32>
    %jit3A_1229 = arith.constant 0.000000e+00 : f32
    %broadcast_in_dim3A_1230 = vector.broadcast %jit3A_1229 : f32 to vector<16xf32>
    %select_n3A_1231 = arith.select %eq3A_1228, %get3A_18, %broadcast_in_dim3A_1230 : vector<16xi1>, vector<16xf32>
    %reduce_sum3A_1232 = arith.constant true
    %reduce_sum3A_1233 = vector.broadcast %reduce_sum3A_1232 : i1 to vector<16xi1>
    %reduce_sum3A_1234 = tpu.scan <sum>, %select_n3A_1231 masked %reduce_sum3A_1233 : vector<16xf32>, vector<16xi1> -> vector<16xf32>
    %reduce_sum3A_1235 = vector.extract %reduce_sum3A_1234[15] : f32 from vector<16xf32>
    %lt3A_1236 = vector.broadcast %reduce_sum3A_1235 : f32 to vector<16xf32>
    %lt3A_1237 = arith.cmpf olt, %get3A_16, %lt3A_1236 : vector<16xf32>
    %eq3A_1238 = vector.broadcast %reduce_sum3A_1235 : f32 to vector<16xf32>
    %eq3A_1239 = arith.cmpf oeq, %get3A_16, %eq3A_1238 : vector<16xf32>
    %lt3A_1240 = arith.constant 23 : i32
    %lt3A_1241 = vector.broadcast %lt3A_1240 : i32 to vector<16xi32>
    %lt3A_1242 = arith.cmpi slt, %iota3A, %lt3A_1241 : vector<16xi32>
    %and3A_1243 = arith.andi %eq3A_1239, %lt3A_1242 : vector<16xi1>
    %or3A_1244 = arith.ori %lt3A_1237, %and3A_1243 : vector<16xi1>
    %lt3A_1245 = vector.broadcast %reduce_sum3A_1235 : f32 to vector<16xf32>
    %lt3A_1246 = arith.cmpf olt, %get3A_18, %lt3A_1245 : vector<16xf32>
    %eq3A_1247 = vector.broadcast %reduce_sum3A_1235 : f32 to vector<16xf32>
    %eq3A_1248 = arith.cmpf oeq, %get3A_18, %eq3A_1247 : vector<16xf32>
    %add3A_1249 = arith.constant 16 : i32
    %add3A_1250 = vector.broadcast %add3A_1249 : i32 to vector<16xi32>
    %add3A_1251 = arith.addi %iota3A, %add3A_1250 : vector<16xi32>
    %lt3A_1252 = arith.constant 23 : i32
    %lt3A_1253 = vector.broadcast %lt3A_1252 : i32 to vector<16xi32>
    %lt3A_1254 = arith.cmpi slt, %add3A_1251, %lt3A_1253 : vector<16xi32>
    %and3A_1255 = arith.andi %eq3A_1248, %lt3A_1254 : vector<16xi1>
    %or3A_1256 = arith.ori %lt3A_1246, %and3A_1255 : vector<16xi1>
    %jit3A_1257 = arith.constant 0.000000e+00 : f32
    %broadcast_in_dim3A_1258 = vector.broadcast %jit3A_1257 : f32 to vector<16xf32>
    %select_n3A_1259 = arith.select %or3A_1244, %get3A_16, %broadcast_in_dim3A_1258 : vector<16xi1>, vector<16xf32>
    %reduce_sum3A_1260 = arith.constant true
    %reduce_sum3A_1261 = vector.broadcast %reduce_sum3A_1260 : i1 to vector<16xi1>
    %reduce_sum3A_1262 = tpu.scan <sum>, %select_n3A_1259 masked %reduce_sum3A_1261 : vector<16xf32>, vector<16xi1> -> vector<16xf32>
    %reduce_sum3A_1263 = vector.extract %reduce_sum3A_1262[15] : f32 from vector<16xf32>
    %jit3A_1264 = arith.constant 0.000000e+00 : f32
    %broadcast_in_dim3A_1265 = vector.broadcast %jit3A_1264 : f32 to vector<16xf32>
    %select_n3A_1266 = arith.select %or3A_1256, %get3A_18, %broadcast_in_dim3A_1265 : vector<16xi1>, vector<16xf32>
    %reduce_sum3A_1267 = arith.constant true
    %reduce_sum3A_1268 = vector.broadcast %reduce_sum3A_1267 : i1 to vector<16xi1>
    %reduce_sum3A_1269 = tpu.scan <sum>, %select_n3A_1266 masked %reduce_sum3A_1268 : vector<16xf32>, vector<16xi1> -> vector<16xf32>
    %reduce_sum3A_1270 = vector.extract %reduce_sum3A_1269[15] : f32 from vector<16xf32>
    %add3A_1271 = arith.addf %reduce_sum3A_1263, %reduce_sum3A_1270 : f32
    %lt3A_1272 = arith.cmpf olt, %add3A_1271, %mul3A_31 : f32
    %add3A_1273 = arith.addf %add3A_1271, %reduce_sum3A_1235 : f32
    %ge3A_1274 = arith.cmpf oge, %add3A_1273, %mul3A_31 : f32
    %and3A_1275 = arith.andi %lt3A_1272, %ge3A_1274 : i1
    %jit3A_1276 = arith.constant 23 : i32
    %select_n3A_1277 = arith.select %and3A_1275, %jit3A_1276, %select_n3A_1225 : i32
    %eq3A_1278 = arith.constant 8 : i32
    %eq3A_1279 = vector.broadcast %eq3A_1278 : i32 to vector<16xi32>
    %eq3A_1280 = arith.cmpi eq, %iota3A, %eq3A_1279 : vector<16xi32>
    %jit3A_1281 = arith.constant 0.000000e+00 : f32
    %broadcast_in_dim3A_1282 = vector.broadcast %jit3A_1281 : f32 to vector<16xf32>
    %select_n3A_1283 = arith.select %eq3A_1280, %get3A_18, %broadcast_in_dim3A_1282 : vector<16xi1>, vector<16xf32>
    %reduce_sum3A_1284 = arith.constant true
    %reduce_sum3A_1285 = vector.broadcast %reduce_sum3A_1284 : i1 to vector<16xi1>
    %reduce_sum3A_1286 = tpu.scan <sum>, %select_n3A_1283 masked %reduce_sum3A_1285 : vector<16xf32>, vector<16xi1> -> vector<16xf32>
    %reduce_sum3A_1287 = vector.extract %reduce_sum3A_1286[15] : f32 from vector<16xf32>
    %lt3A_1288 = vector.broadcast %reduce_sum3A_1287 : f32 to vector<16xf32>
    %lt3A_1289 = arith.cmpf olt, %get3A_16, %lt3A_1288 : vector<16xf32>
    %eq3A_1290 = vector.broadcast %reduce_sum3A_1287 : f32 to vector<16xf32>
    %eq3A_1291 = arith.cmpf oeq, %get3A_16, %eq3A_1290 : vector<16xf32>
    %lt3A_1292 = arith.constant 24 : i32
    %lt3A_1293 = vector.broadcast %lt3A_1292 : i32 to vector<16xi32>
    %lt3A_1294 = arith.cmpi slt, %iota3A, %lt3A_1293 : vector<16xi32>
    %and3A_1295 = arith.andi %eq3A_1291, %lt3A_1294 : vector<16xi1>
    %or3A_1296 = arith.ori %lt3A_1289, %and3A_1295 : vector<16xi1>
    %lt3A_1297 = vector.broadcast %reduce_sum3A_1287 : f32 to vector<16xf32>
    %lt3A_1298 = arith.cmpf olt, %get3A_18, %lt3A_1297 : vector<16xf32>
    %eq3A_1299 = vector.broadcast %reduce_sum3A_1287 : f32 to vector<16xf32>
    %eq3A_1300 = arith.cmpf oeq, %get3A_18, %eq3A_1299 : vector<16xf32>
    %add3A_1301 = arith.constant 16 : i32
    %add3A_1302 = vector.broadcast %add3A_1301 : i32 to vector<16xi32>
    %add3A_1303 = arith.addi %iota3A, %add3A_1302 : vector<16xi32>
    %lt3A_1304 = arith.constant 24 : i32
    %lt3A_1305 = vector.broadcast %lt3A_1304 : i32 to vector<16xi32>
    %lt3A_1306 = arith.cmpi slt, %add3A_1303, %lt3A_1305 : vector<16xi32>
    %and3A_1307 = arith.andi %eq3A_1300, %lt3A_1306 : vector<16xi1>
    %or3A_1308 = arith.ori %lt3A_1298, %and3A_1307 : vector<16xi1>
    %jit3A_1309 = arith.constant 0.000000e+00 : f32
    %broadcast_in_dim3A_1310 = vector.broadcast %jit3A_1309 : f32 to vector<16xf32>
    %select_n3A_1311 = arith.select %or3A_1296, %get3A_16, %broadcast_in_dim3A_1310 : vector<16xi1>, vector<16xf32>
    %reduce_sum3A_1312 = arith.constant true
    %reduce_sum3A_1313 = vector.broadcast %reduce_sum3A_1312 : i1 to vector<16xi1>
    %reduce_sum3A_1314 = tpu.scan <sum>, %select_n3A_1311 masked %reduce_sum3A_1313 : vector<16xf32>, vector<16xi1> -> vector<16xf32>
    %reduce_sum3A_1315 = vector.extract %reduce_sum3A_1314[15] : f32 from vector<16xf32>
    %jit3A_1316 = arith.constant 0.000000e+00 : f32
    %broadcast_in_dim3A_1317 = vector.broadcast %jit3A_1316 : f32 to vector<16xf32>
    %select_n3A_1318 = arith.select %or3A_1308, %get3A_18, %broadcast_in_dim3A_1317 : vector<16xi1>, vector<16xf32>
    %reduce_sum3A_1319 = arith.constant true
    %reduce_sum3A_1320 = vector.broadcast %reduce_sum3A_1319 : i1 to vector<16xi1>
    %reduce_sum3A_1321 = tpu.scan <sum>, %select_n3A_1318 masked %reduce_sum3A_1320 : vector<16xf32>, vector<16xi1> -> vector<16xf32>
    %reduce_sum3A_1322 = vector.extract %reduce_sum3A_1321[15] : f32 from vector<16xf32>
    %add3A_1323 = arith.addf %reduce_sum3A_1315, %reduce_sum3A_1322 : f32
    %lt3A_1324 = arith.cmpf olt, %add3A_1323, %mul3A_31 : f32
    %add3A_1325 = arith.addf %add3A_1323, %reduce_sum3A_1287 : f32
    %ge3A_1326 = arith.cmpf oge, %add3A_1325, %mul3A_31 : f32
    %and3A_1327 = arith.andi %lt3A_1324, %ge3A_1326 : i1
    %jit3A_1328 = arith.constant 24 : i32
    %select_n3A_1329 = arith.select %and3A_1327, %jit3A_1328, %select_n3A_1277 : i32
    %eq3A_1330 = arith.constant 9 : i32
    %eq3A_1331 = vector.broadcast %eq3A_1330 : i32 to vector<16xi32>
    %eq3A_1332 = arith.cmpi eq, %iota3A, %eq3A_1331 : vector<16xi32>
    %jit3A_1333 = arith.constant 0.000000e+00 : f32
    %broadcast_in_dim3A_1334 = vector.broadcast %jit3A_1333 : f32 to vector<16xf32>
    %select_n3A_1335 = arith.select %eq3A_1332, %get3A_18, %broadcast_in_dim3A_1334 : vector<16xi1>, vector<16xf32>
    %reduce_sum3A_1336 = arith.constant true
    %reduce_sum3A_1337 = vector.broadcast %reduce_sum3A_1336 : i1 to vector<16xi1>
    %reduce_sum3A_1338 = tpu.scan <sum>, %select_n3A_1335 masked %reduce_sum3A_1337 : vector<16xf32>, vector<16xi1> -> vector<16xf32>
    %reduce_sum3A_1339 = vector.extract %reduce_sum3A_1338[15] : f32 from vector<16xf32>
    %lt3A_1340 = vector.broadcast %reduce_sum3A_1339 : f32 to vector<16xf32>
    %lt3A_1341 = arith.cmpf olt, %get3A_16, %lt3A_1340 : vector<16xf32>
    %eq3A_1342 = vector.broadcast %reduce_sum3A_1339 : f32 to vector<16xf32>
    %eq3A_1343 = arith.cmpf oeq, %get3A_16, %eq3A_1342 : vector<16xf32>
    %lt3A_1344 = arith.constant 25 : i32
    %lt3A_1345 = vector.broadcast %lt3A_1344 : i32 to vector<16xi32>
    %lt3A_1346 = arith.cmpi slt, %iota3A, %lt3A_1345 : vector<16xi32>
    %and3A_1347 = arith.andi %eq3A_1343, %lt3A_1346 : vector<16xi1>
    %or3A_1348 = arith.ori %lt3A_1341, %and3A_1347 : vector<16xi1>
    %lt3A_1349 = vector.broadcast %reduce_sum3A_1339 : f32 to vector<16xf32>
    %lt3A_1350 = arith.cmpf olt, %get3A_18, %lt3A_1349 : vector<16xf32>
    %eq3A_1351 = vector.broadcast %reduce_sum3A_1339 : f32 to vector<16xf32>
    %eq3A_1352 = arith.cmpf oeq, %get3A_18, %eq3A_1351 : vector<16xf32>
    %add3A_1353 = arith.constant 16 : i32
    %add3A_1354 = vector.broadcast %add3A_1353 : i32 to vector<16xi32>
    %add3A_1355 = arith.addi %iota3A, %add3A_1354 : vector<16xi32>
    %lt3A_1356 = arith.constant 25 : i32
    %lt3A_1357 = vector.broadcast %lt3A_1356 : i32 to vector<16xi32>
    %lt3A_1358 = arith.cmpi slt, %add3A_1355, %lt3A_1357 : vector<16xi32>
    %and3A_1359 = arith.andi %eq3A_1352, %lt3A_1358 : vector<16xi1>
    %or3A_1360 = arith.ori %lt3A_1350, %and3A_1359 : vector<16xi1>
    %jit3A_1361 = arith.constant 0.000000e+00 : f32
    %broadcast_in_dim3A_1362 = vector.broadcast %jit3A_1361 : f32 to vector<16xf32>
    %select_n3A_1363 = arith.select %or3A_1348, %get3A_16, %broadcast_in_dim3A_1362 : vector<16xi1>, vector<16xf32>
    %reduce_sum3A_1364 = arith.constant true
    %reduce_sum3A_1365 = vector.broadcast %reduce_sum3A_1364 : i1 to vector<16xi1>
    %reduce_sum3A_1366 = tpu.scan <sum>, %select_n3A_1363 masked %reduce_sum3A_1365 : vector<16xf32>, vector<16xi1> -> vector<16xf32>
    %reduce_sum3A_1367 = vector.extract %reduce_sum3A_1366[15] : f32 from vector<16xf32>
    %jit3A_1368 = arith.constant 0.000000e+00 : f32
    %broadcast_in_dim3A_1369 = vector.broadcast %jit3A_1368 : f32 to vector<16xf32>
    %select_n3A_1370 = arith.select %or3A_1360, %get3A_18, %broadcast_in_dim3A_1369 : vector<16xi1>, vector<16xf32>
    %reduce_sum3A_1371 = arith.constant true
    %reduce_sum3A_1372 = vector.broadcast %reduce_sum3A_1371 : i1 to vector<16xi1>
    %reduce_sum3A_1373 = tpu.scan <sum>, %select_n3A_1370 masked %reduce_sum3A_1372 : vector<16xf32>, vector<16xi1> -> vector<16xf32>
    %reduce_sum3A_1374 = vector.extract %reduce_sum3A_1373[15] : f32 from vector<16xf32>
    %add3A_1375 = arith.addf %reduce_sum3A_1367, %reduce_sum3A_1374 : f32
    %lt3A_1376 = arith.cmpf olt, %add3A_1375, %mul3A_31 : f32
    %add3A_1377 = arith.addf %add3A_1375, %reduce_sum3A_1339 : f32
    %ge3A_1378 = arith.cmpf oge, %add3A_1377, %mul3A_31 : f32
    %and3A_1379 = arith.andi %lt3A_1376, %ge3A_1378 : i1
    %jit3A_1380 = arith.constant 25 : i32
    %select_n3A_1381 = arith.select %and3A_1379, %jit3A_1380, %select_n3A_1329 : i32
    %mul3A_1382 = arith.constant 208 : i32
    %mul3A_1383 = arith.muli %select_n3A_1381, %mul3A_1382 : i32
    "tpu.region"() ({
      %run_scoped3A = tpu.sem_alloc : memref<!tpu.dma_semaphore, #tpu.memory_space<semaphore_mem>>
      %dma_start3A_1651 = tpu.memref_slice %arg2[%mul3A_1383] : memref<5408xi32, #tpu.memory_space<hbm>> -> memref<208xi32, #tpu.memory_space<hbm>>
      %dma_start3A_1652 = tpu.memref_slice %arg2[%mul3A_1383] : memref<5408xi32, #tpu.memory_space<hbm>> -> memref<208xi32, #tpu.memory_space<hbm>>
      tpu.enqueue_dma source(%dma_start3A_1652 : memref<208xi32, #tpu.memory_space<hbm>>) target(%arg8 : memref<208xi32, #tpu.memory_space<vmem>>) target_semaphore(%run_scoped3A : memref<!tpu.dma_semaphore, #tpu.memory_space<semaphore_mem>>)
      %dma_wait3A_1653 = tpu.memref_slice %arg2[%mul3A_1383] : memref<5408xi32, #tpu.memory_space<hbm>> -> memref<208xi32, #tpu.memory_space<hbm>>
      %dma_wait3A_1654 = tpu.memref_slice %arg2[%mul3A_1383] : memref<5408xi32, #tpu.memory_space<hbm>> -> memref<208xi32, #tpu.memory_space<hbm>>
      tpu.wait_dma2 semaphore(%run_scoped3A : memref<!tpu.dma_semaphore, #tpu.memory_space<semaphore_mem>>) src(%dma_wait3A_1654 : memref<208xi32, #tpu.memory_space<hbm>>) dst(%arg8 : memref<208xi32, #tpu.memory_space<vmem>>)
      tpu.yield
    }) : () -> ()
    "tpu.region"() ({
      %run_scoped3A = tpu.sem_alloc : memref<!tpu.dma_semaphore, #tpu.memory_space<semaphore_mem>>
      %dma_start3A_1651 = arith.constant 0 : i32
      %dma_start3A_1652 = arith.constant 0 : i32
      %dma_start3A_1653 = tpu.memref_slice %arg3[%select_n3A_1381, %dma_start3A_1651, %dma_start3A_1652] : memref<26x32x200xf32, #tpu.memory_space<hbm>> -> memref<1x32x200xf32, #tpu.memory_space<hbm>>
      %dma_start3A_1654 = tpu.memref_squeeze %dma_start3A_1653 : memref<1x32x200xf32, #tpu.memory_space<hbm>> -> memref<32x200xf32, #tpu.memory_space<hbm>>
      %dma_start3A_1655 = arith.constant 0 : i32
      %dma_start3A_1656 = arith.constant 0 : i32
      %dma_start3A_1657 = tpu.memref_slice %arg3[%select_n3A_1381, %dma_start3A_1655, %dma_start3A_1656] : memref<26x32x200xf32, #tpu.memory_space<hbm>> -> memref<1x32x200xf32, #tpu.memory_space<hbm>>
      %dma_start3A_1658 = tpu.memref_squeeze %dma_start3A_1657 : memref<1x32x200xf32, #tpu.memory_space<hbm>> -> memref<32x200xf32, #tpu.memory_space<hbm>>
      tpu.enqueue_dma source(%dma_start3A_1658 : memref<32x200xf32, #tpu.memory_space<hbm>>) target(%arg9 : memref<32x200xf32, #tpu.memory_space<vmem>>) target_semaphore(%run_scoped3A : memref<!tpu.dma_semaphore, #tpu.memory_space<semaphore_mem>>)
      %dma_wait3A_1659 = arith.constant 0 : i32
      %dma_wait3A_1660 = arith.constant 0 : i32
      %dma_wait3A_1661 = tpu.memref_slice %arg3[%select_n3A_1381, %dma_wait3A_1659, %dma_wait3A_1660] : memref<26x32x200xf32, #tpu.memory_space<hbm>> -> memref<1x32x200xf32, #tpu.memory_space<hbm>>
      %dma_wait3A_1662 = tpu.memref_squeeze %dma_wait3A_1661 : memref<1x32x200xf32, #tpu.memory_space<hbm>> -> memref<32x200xf32, #tpu.memory_space<hbm>>
      %dma_wait3A_1663 = arith.constant 0 : i32
      %dma_wait3A_1664 = arith.constant 0 : i32
      %dma_wait3A_1665 = tpu.memref_slice %arg3[%select_n3A_1381, %dma_wait3A_1663, %dma_wait3A_1664] : memref<26x32x200xf32, #tpu.memory_space<hbm>> -> memref<1x32x200xf32, #tpu.memory_space<hbm>>
      %dma_wait3A_1666 = tpu.memref_squeeze %dma_wait3A_1665 : memref<1x32x200xf32, #tpu.memory_space<hbm>> -> memref<32x200xf32, #tpu.memory_space<hbm>>
      tpu.wait_dma2 semaphore(%run_scoped3A : memref<!tpu.dma_semaphore, #tpu.memory_space<semaphore_mem>>) src(%dma_wait3A_1666 : memref<32x200xf32, #tpu.memory_space<hbm>>) dst(%arg9 : memref<32x200xf32, #tpu.memory_space<vmem>>)
      tpu.yield
    }) : () -> ()
    %dma_wait3A = arith.constant 0 : i32
    %dma_wait3A_1384 = tpu.memref_slice %arg5[%dma_wait3A, %mul3A_2] : memref<32x100000xf32, #tpu.memory_space<hbm>> -> memref<32x3072xf32, #tpu.memory_space<hbm>>
    %dma_wait3A_1385 = arith.constant 0 : i32
    %dma_wait3A_1386 = tpu.memref_slice %arg5[%dma_wait3A_1385, %mul3A_2] : memref<32x100000xf32, #tpu.memory_space<hbm>> -> memref<32x3072xf32, #tpu.memory_space<hbm>>
    tpu.wait_dma2 semaphore(%arg13 : memref<!tpu.dma_semaphore, #tpu.memory_space<semaphore_mem>>) src(%dma_wait3A_1386 : memref<32x3072xf32, #tpu.memory_space<hbm>>) dst(%arg10 : memref<32x3072xf32, #tpu.memory_space<vmem>>)
    %get3A_1387 = arith.constant 0 : index
    %get3A_1388 = tpu.vector_load %arg8[%get3A_1387] {strides = array<i32>} : memref<208xi32, #tpu.memory_space<vmem>>, vector<16xi32>,
    %ge3A_1389 = vector.broadcast %mul3A_2 : i32 to vector<16xi32>
    %ge3A_1390 = arith.cmpi sge, %get3A_1388, %ge3A_1389 : vector<16xi32>
    %add3A_1391 = arith.constant 3072 : i32
    %add3A_1392 = arith.addi %mul3A_2, %add3A_1391 : i32
    %lt3A_1393 = vector.broadcast %add3A_1392 : i32 to vector<16xi32>
    %lt3A_1394 = arith.cmpi slt, %get3A_1388, %lt3A_1393 : vector<16xi32>
    %and3A_1395 = arith.andi %ge3A_1390, %lt3A_1394 : vector<16xi1>
    %all_reduce_population_count3A = tpu.all_reduce %and3A_1395 {dim = 0 : i64, kind = #tpu.reduction_kind<sum>} : vector<16xi1> -> vector<16xi32>
    %reduce_max3A = arith.constant true
    %reduce_max3A_1396 = vector.broadcast %reduce_max3A : i1 to vector<16xi1>
    %reduce_max3A_1397 = arith.constant -2147483648 : i32
    %reduce_max3A_1398 = vector.broadcast %reduce_max3A_1397 : i32 to vector<16xi32>
    %reduce_max3A_1399 = arith.xori %all_reduce_population_count3A, %reduce_max3A_1398 : vector<16xi32>
    %reduce_max3A_1400 = tpu.scan <max>, %reduce_max3A_1399 masked %reduce_max3A_1396 : vector<16xi32>, vector<16xi1> -> vector<16xi32>
    %reduce_max3A_1401 = arith.xori %reduce_max3A_1400, %reduce_max3A_1398 : vector<16xi32>
    %reduce_max3A_1402 = vector.extract %reduce_max3A_1401[15] : i32 from vector<16xi32>
    %or3A_1403 = arith.constant 0 : i32
    %or3A_1404 = arith.ori %or3A_1403, %reduce_max3A_1402 : i32
    %get3A_1405 = arith.constant 16 : index
    %get3A_1406 = tpu.vector_load %arg8[%get3A_1405] {strides = array<i32>} : memref<208xi32, #tpu.memory_space<vmem>>, vector<16xi32>,
    %ge3A_1407 = vector.broadcast %mul3A_2 : i32 to vector<16xi32>
    %ge3A_1408 = arith.cmpi sge, %get3A_1406, %ge3A_1407 : vector<16xi32>
    %add3A_1409 = arith.constant 3072 : i32
    %add3A_1410 = arith.addi %mul3A_2, %add3A_1409 : i32
    %lt3A_1411 = vector.broadcast %add3A_1410 : i32 to vector<16xi32>
    %lt3A_1412 = arith.cmpi slt, %get3A_1406, %lt3A_1411 : vector<16xi32>
    %and3A_1413 = arith.andi %ge3A_1408, %lt3A_1412 : vector<16xi1>
    %all_reduce_population_count3A_1414 = tpu.all_reduce %and3A_1413 {dim = 0 : i64, kind = #tpu.reduction_kind<sum>} : vector<16xi1> -> vector<16xi32>
    %reduce_max3A_1415 = arith.constant true
    %reduce_max3A_1416 = vector.broadcast %reduce_max3A_1415 : i1 to vector<16xi1>
    %reduce_max3A_1417 = arith.constant -2147483648 : i32
    %reduce_max3A_1418 = vector.broadcast %reduce_max3A_1417 : i32 to vector<16xi32>
    %reduce_max3A_1419 = arith.xori %all_reduce_population_count3A_1414, %reduce_max3A_1418 : vector<16xi32>
    %reduce_max3A_1420 = tpu.scan <max>, %reduce_max3A_1419 masked %reduce_max3A_1416 : vector<16xi32>, vector<16xi1> -> vector<16xi32>
    %reduce_max3A_1421 = arith.xori %reduce_max3A_1420, %reduce_max3A_1418 : vector<16xi32>
    %reduce_max3A_1422 = vector.extract %reduce_max3A_1421[15] : i32 from vector<16xi32>
    %or3A_1423 = arith.ori %or3A_1404, %reduce_max3A_1422 : i32
    %get3A_1424 = arith.constant 32 : index
    %get3A_1425 = tpu.vector_load %arg8[%get3A_1424] {strides = array<i32>} : memref<208xi32, #tpu.memory_space<vmem>>, vector<16xi32>,
    %ge3A_1426 = vector.broadcast %mul3A_2 : i32 to vector<16xi32>
    %ge3A_1427 = arith.cmpi sge, %get3A_1425, %ge3A_1426 : vector<16xi32>
    %add3A_1428 = arith.constant 3072 : i32
    %add3A_1429 = arith.addi %mul3A_2, %add3A_1428 : i32
    %lt3A_1430 = vector.broadcast %add3A_1429 : i32 to vector<16xi32>
    %lt3A_1431 = arith.cmpi slt, %get3A_1425, %lt3A_1430 : vector<16xi32>
    %and3A_1432 = arith.andi %ge3A_1427, %lt3A_1431 : vector<16xi1>
    %all_reduce_population_count3A_1433 = tpu.all_reduce %and3A_1432 {dim = 0 : i64, kind = #tpu.reduction_kind<sum>} : vector<16xi1> -> vector<16xi32>
    %reduce_max3A_1434 = arith.constant true
    %reduce_max3A_1435 = vector.broadcast %reduce_max3A_1434 : i1 to vector<16xi1>
    %reduce_max3A_1436 = arith.constant -2147483648 : i32
    %reduce_max3A_1437 = vector.broadcast %reduce_max3A_1436 : i32 to vector<16xi32>
    %reduce_max3A_1438 = arith.xori %all_reduce_population_count3A_1433, %reduce_max3A_1437 : vector<16xi32>
    %reduce_max3A_1439 = tpu.scan <max>, %reduce_max3A_1438 masked %reduce_max3A_1435 : vector<16xi32>, vector<16xi1> -> vector<16xi32>
    %reduce_max3A_1440 = arith.xori %reduce_max3A_1439, %reduce_max3A_1437 : vector<16xi32>
    %reduce_max3A_1441 = vector.extract %reduce_max3A_1440[15] : i32 from vector<16xi32>
    %or3A_1442 = arith.ori %or3A_1423, %reduce_max3A_1441 : i32
    %get3A_1443 = arith.constant 48 : index
    %get3A_1444 = tpu.vector_load %arg8[%get3A_1443] {strides = array<i32>} : memref<208xi32, #tpu.memory_space<vmem>>, vector<16xi32>,
    %ge3A_1445 = vector.broadcast %mul3A_2 : i32 to vector<16xi32>
    %ge3A_1446 = arith.cmpi sge, %get3A_1444, %ge3A_1445 : vector<16xi32>
    %add3A_1447 = arith.constant 3072 : i32
    %add3A_1448 = arith.addi %mul3A_2, %add3A_1447 : i32
    %lt3A_1449 = vector.broadcast %add3A_1448 : i32 to vector<16xi32>
    %lt3A_1450 = arith.cmpi slt, %get3A_1444, %lt3A_1449 : vector<16xi32>
    %and3A_1451 = arith.andi %ge3A_1446, %lt3A_1450 : vector<16xi1>
    %all_reduce_population_count3A_1452 = tpu.all_reduce %and3A_1451 {dim = 0 : i64, kind = #tpu.reduction_kind<sum>} : vector<16xi1> -> vector<16xi32>
    %reduce_max3A_1453 = arith.constant true
    %reduce_max3A_1454 = vector.broadcast %reduce_max3A_1453 : i1 to vector<16xi1>
    %reduce_max3A_1455 = arith.constant -2147483648 : i32
    %reduce_max3A_1456 = vector.broadcast %reduce_max3A_1455 : i32 to vector<16xi32>
    %reduce_max3A_1457 = arith.xori %all_reduce_population_count3A_1452, %reduce_max3A_1456 : vector<16xi32>
    %reduce_max3A_1458 = tpu.scan <max>, %reduce_max3A_1457 masked %reduce_max3A_1454 : vector<16xi32>, vector<16xi1> -> vector<16xi32>
    %reduce_max3A_1459 = arith.xori %reduce_max3A_1458, %reduce_max3A_1456 : vector<16xi32>
    %reduce_max3A_1460 = vector.extract %reduce_max3A_1459[15] : i32 from vector<16xi32>
    %or3A_1461 = arith.ori %or3A_1442, %reduce_max3A_1460 : i32
    %get3A_1462 = arith.constant 64 : index
    %get3A_1463 = tpu.vector_load %arg8[%get3A_1462] {strides = array<i32>} : memref<208xi32, #tpu.memory_space<vmem>>, vector<16xi32>,
    %ge3A_1464 = vector.broadcast %mul3A_2 : i32 to vector<16xi32>
    %ge3A_1465 = arith.cmpi sge, %get3A_1463, %ge3A_1464 : vector<16xi32>
    %add3A_1466 = arith.constant 3072 : i32
    %add3A_1467 = arith.addi %mul3A_2, %add3A_1466 : i32
    %lt3A_1468 = vector.broadcast %add3A_1467 : i32 to vector<16xi32>
    %lt3A_1469 = arith.cmpi slt, %get3A_1463, %lt3A_1468 : vector<16xi32>
    %and3A_1470 = arith.andi %ge3A_1465, %lt3A_1469 : vector<16xi1>
    %all_reduce_population_count3A_1471 = tpu.all_reduce %and3A_1470 {dim = 0 : i64, kind = #tpu.reduction_kind<sum>} : vector<16xi1> -> vector<16xi32>
    %reduce_max3A_1472 = arith.constant true
    %reduce_max3A_1473 = vector.broadcast %reduce_max3A_1472 : i1 to vector<16xi1>
    %reduce_max3A_1474 = arith.constant -2147483648 : i32
    %reduce_max3A_1475 = vector.broadcast %reduce_max3A_1474 : i32 to vector<16xi32>
    %reduce_max3A_1476 = arith.xori %all_reduce_population_count3A_1471, %reduce_max3A_1475 : vector<16xi32>
    %reduce_max3A_1477 = tpu.scan <max>, %reduce_max3A_1476 masked %reduce_max3A_1473 : vector<16xi32>, vector<16xi1> -> vector<16xi32>
    %reduce_max3A_1478 = arith.xori %reduce_max3A_1477, %reduce_max3A_1475 : vector<16xi32>
    %reduce_max3A_1479 = vector.extract %reduce_max3A_1478[15] : i32 from vector<16xi32>
    %or3A_1480 = arith.ori %or3A_1461, %reduce_max3A_1479 : i32
    %get3A_1481 = arith.constant 80 : index
    %get3A_1482 = tpu.vector_load %arg8[%get3A_1481] {strides = array<i32>} : memref<208xi32, #tpu.memory_space<vmem>>, vector<16xi32>,
    %ge3A_1483 = vector.broadcast %mul3A_2 : i32 to vector<16xi32>
    %ge3A_1484 = arith.cmpi sge, %get3A_1482, %ge3A_1483 : vector<16xi32>
    %add3A_1485 = arith.constant 3072 : i32
    %add3A_1486 = arith.addi %mul3A_2, %add3A_1485 : i32
    %lt3A_1487 = vector.broadcast %add3A_1486 : i32 to vector<16xi32>
    %lt3A_1488 = arith.cmpi slt, %get3A_1482, %lt3A_1487 : vector<16xi32>
    %and3A_1489 = arith.andi %ge3A_1484, %lt3A_1488 : vector<16xi1>
    %all_reduce_population_count3A_1490 = tpu.all_reduce %and3A_1489 {dim = 0 : i64, kind = #tpu.reduction_kind<sum>} : vector<16xi1> -> vector<16xi32>
    %reduce_max3A_1491 = arith.constant true
    %reduce_max3A_1492 = vector.broadcast %reduce_max3A_1491 : i1 to vector<16xi1>
    %reduce_max3A_1493 = arith.constant -2147483648 : i32
    %reduce_max3A_1494 = vector.broadcast %reduce_max3A_1493 : i32 to vector<16xi32>
    %reduce_max3A_1495 = arith.xori %all_reduce_population_count3A_1490, %reduce_max3A_1494 : vector<16xi32>
    %reduce_max3A_1496 = tpu.scan <max>, %reduce_max3A_1495 masked %reduce_max3A_1492 : vector<16xi32>, vector<16xi1> -> vector<16xi32>
    %reduce_max3A_1497 = arith.xori %reduce_max3A_1496, %reduce_max3A_1494 : vector<16xi32>
    %reduce_max3A_1498 = vector.extract %reduce_max3A_1497[15] : i32 from vector<16xi32>
    %or3A_1499 = arith.ori %or3A_1480, %reduce_max3A_1498 : i32
    %get3A_1500 = arith.constant 96 : index
    %get3A_1501 = tpu.vector_load %arg8[%get3A_1500] {strides = array<i32>} : memref<208xi32, #tpu.memory_space<vmem>>, vector<16xi32>,
    %ge3A_1502 = vector.broadcast %mul3A_2 : i32 to vector<16xi32>
    %ge3A_1503 = arith.cmpi sge, %get3A_1501, %ge3A_1502 : vector<16xi32>
    %add3A_1504 = arith.constant 3072 : i32
    %add3A_1505 = arith.addi %mul3A_2, %add3A_1504 : i32
    %lt3A_1506 = vector.broadcast %add3A_1505 : i32 to vector<16xi32>
    %lt3A_1507 = arith.cmpi slt, %get3A_1501, %lt3A_1506 : vector<16xi32>
    %and3A_1508 = arith.andi %ge3A_1503, %lt3A_1507 : vector<16xi1>
    %all_reduce_population_count3A_1509 = tpu.all_reduce %and3A_1508 {dim = 0 : i64, kind = #tpu.reduction_kind<sum>} : vector<16xi1> -> vector<16xi32>
    %reduce_max3A_1510 = arith.constant true
    %reduce_max3A_1511 = vector.broadcast %reduce_max3A_1510 : i1 to vector<16xi1>
    %reduce_max3A_1512 = arith.constant -2147483648 : i32
    %reduce_max3A_1513 = vector.broadcast %reduce_max3A_1512 : i32 to vector<16xi32>
    %reduce_max3A_1514 = arith.xori %all_reduce_population_count3A_1509, %reduce_max3A_1513 : vector<16xi32>
    %reduce_max3A_1515 = tpu.scan <max>, %reduce_max3A_1514 masked %reduce_max3A_1511 : vector<16xi32>, vector<16xi1> -> vector<16xi32>
    %reduce_max3A_1516 = arith.xori %reduce_max3A_1515, %reduce_max3A_1513 : vector<16xi32>
    %reduce_max3A_1517 = vector.extract %reduce_max3A_1516[15] : i32 from vector<16xi32>
    %or3A_1518 = arith.ori %or3A_1499, %reduce_max3A_1517 : i32
    %get3A_1519 = arith.constant 112 : index
    %get3A_1520 = tpu.vector_load %arg8[%get3A_1519] {strides = array<i32>} : memref<208xi32, #tpu.memory_space<vmem>>, vector<16xi32>,
    %ge3A_1521 = vector.broadcast %mul3A_2 : i32 to vector<16xi32>
    %ge3A_1522 = arith.cmpi sge, %get3A_1520, %ge3A_1521 : vector<16xi32>
    %add3A_1523 = arith.constant 3072 : i32
    %add3A_1524 = arith.addi %mul3A_2, %add3A_1523 : i32
    %lt3A_1525 = vector.broadcast %add3A_1524 : i32 to vector<16xi32>
    %lt3A_1526 = arith.cmpi slt, %get3A_1520, %lt3A_1525 : vector<16xi32>
    %and3A_1527 = arith.andi %ge3A_1522, %lt3A_1526 : vector<16xi1>
    %all_reduce_population_count3A_1528 = tpu.all_reduce %and3A_1527 {dim = 0 : i64, kind = #tpu.reduction_kind<sum>} : vector<16xi1> -> vector<16xi32>
    %reduce_max3A_1529 = arith.constant true
    %reduce_max3A_1530 = vector.broadcast %reduce_max3A_1529 : i1 to vector<16xi1>
    %reduce_max3A_1531 = arith.constant -2147483648 : i32
    %reduce_max3A_1532 = vector.broadcast %reduce_max3A_1531 : i32 to vector<16xi32>
    %reduce_max3A_1533 = arith.xori %all_reduce_population_count3A_1528, %reduce_max3A_1532 : vector<16xi32>
    %reduce_max3A_1534 = tpu.scan <max>, %reduce_max3A_1533 masked %reduce_max3A_1530 : vector<16xi32>, vector<16xi1> -> vector<16xi32>
    %reduce_max3A_1535 = arith.xori %reduce_max3A_1534, %reduce_max3A_1532 : vector<16xi32>
    %reduce_max3A_1536 = vector.extract %reduce_max3A_1535[15] : i32 from vector<16xi32>
    %or3A_1537 = arith.ori %or3A_1518, %reduce_max3A_1536 : i32
    %get3A_1538 = arith.constant 128 : index
    %get3A_1539 = tpu.vector_load %arg8[%get3A_1538] {strides = array<i32>} : memref<208xi32, #tpu.memory_space<vmem>>, vector<16xi32>,
    %ge3A_1540 = vector.broadcast %mul3A_2 : i32 to vector<16xi32>
    %ge3A_1541 = arith.cmpi sge, %get3A_1539, %ge3A_1540 : vector<16xi32>
    %add3A_1542 = arith.constant 3072 : i32
    %add3A_1543 = arith.addi %mul3A_2, %add3A_1542 : i32
    %lt3A_1544 = vector.broadcast %add3A_1543 : i32 to vector<16xi32>
    %lt3A_1545 = arith.cmpi slt, %get3A_1539, %lt3A_1544 : vector<16xi32>
    %and3A_1546 = arith.andi %ge3A_1541, %lt3A_1545 : vector<16xi1>
    %all_reduce_population_count3A_1547 = tpu.all_reduce %and3A_1546 {dim = 0 : i64, kind = #tpu.reduction_kind<sum>} : vector<16xi1> -> vector<16xi32>
    %reduce_max3A_1548 = arith.constant true
    %reduce_max3A_1549 = vector.broadcast %reduce_max3A_1548 : i1 to vector<16xi1>
    %reduce_max3A_1550 = arith.constant -2147483648 : i32
    %reduce_max3A_1551 = vector.broadcast %reduce_max3A_1550 : i32 to vector<16xi32>
    %reduce_max3A_1552 = arith.xori %all_reduce_population_count3A_1547, %reduce_max3A_1551 : vector<16xi32>
    %reduce_max3A_1553 = tpu.scan <max>, %reduce_max3A_1552 masked %reduce_max3A_1549 : vector<16xi32>, vector<16xi1> -> vector<16xi32>
    %reduce_max3A_1554 = arith.xori %reduce_max3A_1553, %reduce_max3A_1551 : vector<16xi32>
    %reduce_max3A_1555 = vector.extract %reduce_max3A_1554[15] : i32 from vector<16xi32>
    %or3A_1556 = arith.ori %or3A_1537, %reduce_max3A_1555 : i32
    %get3A_1557 = arith.constant 144 : index
    %get3A_1558 = tpu.vector_load %arg8[%get3A_1557] {strides = array<i32>} : memref<208xi32, #tpu.memory_space<vmem>>, vector<16xi32>,
    %ge3A_1559 = vector.broadcast %mul3A_2 : i32 to vector<16xi32>
    %ge3A_1560 = arith.cmpi sge, %get3A_1558, %ge3A_1559 : vector<16xi32>
    %add3A_1561 = arith.constant 3072 : i32
    %add3A_1562 = arith.addi %mul3A_2, %add3A_1561 : i32
    %lt3A_1563 = vector.broadcast %add3A_1562 : i32 to vector<16xi32>
    %lt3A_1564 = arith.cmpi slt, %get3A_1558, %lt3A_1563 : vector<16xi32>
    %and3A_1565 = arith.andi %ge3A_1560, %lt3A_1564 : vector<16xi1>
    %all_reduce_population_count3A_1566 = tpu.all_reduce %and3A_1565 {dim = 0 : i64, kind = #tpu.reduction_kind<sum>} : vector<16xi1> -> vector<16xi32>
    %reduce_max3A_1567 = arith.constant true
    %reduce_max3A_1568 = vector.broadcast %reduce_max3A_1567 : i1 to vector<16xi1>
    %reduce_max3A_1569 = arith.constant -2147483648 : i32
    %reduce_max3A_1570 = vector.broadcast %reduce_max3A_1569 : i32 to vector<16xi32>
    %reduce_max3A_1571 = arith.xori %all_reduce_population_count3A_1566, %reduce_max3A_1570 : vector<16xi32>
    %reduce_max3A_1572 = tpu.scan <max>, %reduce_max3A_1571 masked %reduce_max3A_1568 : vector<16xi32>, vector<16xi1> -> vector<16xi32>
    %reduce_max3A_1573 = arith.xori %reduce_max3A_1572, %reduce_max3A_1570 : vector<16xi32>
    %reduce_max3A_1574 = vector.extract %reduce_max3A_1573[15] : i32 from vector<16xi32>
    %or3A_1575 = arith.ori %or3A_1556, %reduce_max3A_1574 : i32
    %get3A_1576 = arith.constant 160 : index
    %get3A_1577 = tpu.vector_load %arg8[%get3A_1576] {strides = array<i32>} : memref<208xi32, #tpu.memory_space<vmem>>, vector<16xi32>,
    %ge3A_1578 = vector.broadcast %mul3A_2 : i32 to vector<16xi32>
    %ge3A_1579 = arith.cmpi sge, %get3A_1577, %ge3A_1578 : vector<16xi32>
    %add3A_1580 = arith.constant 3072 : i32
    %add3A_1581 = arith.addi %mul3A_2, %add3A_1580 : i32
    %lt3A_1582 = vector.broadcast %add3A_1581 : i32 to vector<16xi32>
    %lt3A_1583 = arith.cmpi slt, %get3A_1577, %lt3A_1582 : vector<16xi32>
    %and3A_1584 = arith.andi %ge3A_1579, %lt3A_1583 : vector<16xi1>
    %all_reduce_population_count3A_1585 = tpu.all_reduce %and3A_1584 {dim = 0 : i64, kind = #tpu.reduction_kind<sum>} : vector<16xi1> -> vector<16xi32>
    %reduce_max3A_1586 = arith.constant true
    %reduce_max3A_1587 = vector.broadcast %reduce_max3A_1586 : i1 to vector<16xi1>
    %reduce_max3A_1588 = arith.constant -2147483648 : i32
    %reduce_max3A_1589 = vector.broadcast %reduce_max3A_1588 : i32 to vector<16xi32>
    %reduce_max3A_1590 = arith.xori %all_reduce_population_count3A_1585, %reduce_max3A_1589 : vector<16xi32>
    %reduce_max3A_1591 = tpu.scan <max>, %reduce_max3A_1590 masked %reduce_max3A_1587 : vector<16xi32>, vector<16xi1> -> vector<16xi32>
    %reduce_max3A_1592 = arith.xori %reduce_max3A_1591, %reduce_max3A_1589 : vector<16xi32>
    %reduce_max3A_1593 = vector.extract %reduce_max3A_1592[15] : i32 from vector<16xi32>
    %or3A_1594 = arith.ori %or3A_1575, %reduce_max3A_1593 : i32
    %get3A_1595 = arith.constant 176 : index
    %get3A_1596 = tpu.vector_load %arg8[%get3A_1595] {strides = array<i32>} : memref<208xi32, #tpu.memory_space<vmem>>, vector<16xi32>,
    %ge3A_1597 = vector.broadcast %mul3A_2 : i32 to vector<16xi32>
    %ge3A_1598 = arith.cmpi sge, %get3A_1596, %ge3A_1597 : vector<16xi32>
    %add3A_1599 = arith.constant 3072 : i32
    %add3A_1600 = arith.addi %mul3A_2, %add3A_1599 : i32
    %lt3A_1601 = vector.broadcast %add3A_1600 : i32 to vector<16xi32>
    %lt3A_1602 = arith.cmpi slt, %get3A_1596, %lt3A_1601 : vector<16xi32>
    %and3A_1603 = arith.andi %ge3A_1598, %lt3A_1602 : vector<16xi1>
    %all_reduce_population_count3A_1604 = tpu.all_reduce %and3A_1603 {dim = 0 : i64, kind = #tpu.reduction_kind<sum>} : vector<16xi1> -> vector<16xi32>
    %reduce_max3A_1605 = arith.constant true
    %reduce_max3A_1606 = vector.broadcast %reduce_max3A_1605 : i1 to vector<16xi1>
    %reduce_max3A_1607 = arith.constant -2147483648 : i32
    %reduce_max3A_1608 = vector.broadcast %reduce_max3A_1607 : i32 to vector<16xi32>
    %reduce_max3A_1609 = arith.xori %all_reduce_population_count3A_1604, %reduce_max3A_1608 : vector<16xi32>
    %reduce_max3A_1610 = tpu.scan <max>, %reduce_max3A_1609 masked %reduce_max3A_1606 : vector<16xi32>, vector<16xi1> -> vector<16xi32>
    %reduce_max3A_1611 = arith.xori %reduce_max3A_1610, %reduce_max3A_1608 : vector<16xi32>
    %reduce_max3A_1612 = vector.extract %reduce_max3A_1611[15] : i32 from vector<16xi32>
    %or3A_1613 = arith.ori %or3A_1594, %reduce_max3A_1612 : i32
    %get3A_1614 = arith.constant 192 : index
    %get3A_1615 = tpu.vector_load %arg8[%get3A_1614] {strides = array<i32>} : memref<208xi32, #tpu.memory_space<vmem>>, vector<16xi32>,
    %ge3A_1616 = vector.broadcast %mul3A_2 : i32 to vector<16xi32>
    %ge3A_1617 = arith.cmpi sge, %get3A_1615, %ge3A_1616 : vector<16xi32>
    %add3A_1618 = arith.constant 3072 : i32
    %add3A_1619 = arith.addi %mul3A_2, %add3A_1618 : i32
    %lt3A_1620 = vector.broadcast %add3A_1619 : i32 to vector<16xi32>
    %lt3A_1621 = arith.cmpi slt, %get3A_1615, %lt3A_1620 : vector<16xi32>
    %and3A_1622 = arith.andi %ge3A_1617, %lt3A_1621 : vector<16xi1>
    %all_reduce_population_count3A_1623 = tpu.all_reduce %and3A_1622 {dim = 0 : i64, kind = #tpu.reduction_kind<sum>} : vector<16xi1> -> vector<16xi32>
    %reduce_max3A_1624 = arith.constant true
    %reduce_max3A_1625 = vector.broadcast %reduce_max3A_1624 : i1 to vector<16xi1>
    %reduce_max3A_1626 = arith.constant -2147483648 : i32
    %reduce_max3A_1627 = vector.broadcast %reduce_max3A_1626 : i32 to vector<16xi32>
    %reduce_max3A_1628 = arith.xori %all_reduce_population_count3A_1623, %reduce_max3A_1627 : vector<16xi32>
    %reduce_max3A_1629 = tpu.scan <max>, %reduce_max3A_1628 masked %reduce_max3A_1625 : vector<16xi32>, vector<16xi1> -> vector<16xi32>
    %reduce_max3A_1630 = arith.xori %reduce_max3A_1629, %reduce_max3A_1627 : vector<16xi32>
    %reduce_max3A_1631 = vector.extract %reduce_max3A_1630[15] : i32 from vector<16xi32>
    %or3A_1632 = arith.ori %or3A_1613, %reduce_max3A_1631 : i32
    %gt3A = arith.constant 0 : i32
    %gt3A_1633 = arith.cmpi sgt, %or3A_1632, %gt3A : i32
    %convert_element_type3A_1634 = arith.extui %gt3A_1633 : i1 to i32
    %cond3A_1635 = arith.constant 0 : i32
    %cond3A_1636 = arith.cmpi ne, %convert_element_type3A_1634, %cond3A_1635 : i32
    scf.if %cond3A_1636 {
      %scan3A = arith.constant 0 : i32
      %scan3A_1651 = arith.constant 0 : i32
      %scan3A_1652 = arith.constant 13 : i32
      %scan3A_1653 = arith.addi %scan3A_1651, %scan3A_1652 : i32
      %scan3A_1654 = arith.constant 1 : i32
      scf.for %scan3A_1656 = %scan3A_1651 to %scan3A_1653 step %scan3A_1654  : i32 {
        %mul3A_1657 = arith.constant 16 : i32
        %mul3A_1658 = arith.muli %scan3A_1656, %mul3A_1657 : i32
        %get3A_1659 = arith.index_cast %mul3A_1658 : i32 to index
        %get3A_1660 = tpu.vector_load %arg8[%get3A_1659] {strides = array<i32>} : memref<208xi32, #tpu.memory_space<vmem>>, vector<16xi32>,
        %ge3A_1661 = vector.broadcast %mul3A_2 : i32 to vector<16xi32>
        %ge3A_1662 = arith.cmpi sge, %get3A_1660, %ge3A_1661 : vector<16xi32>
        %add3A_1663 = arith.constant 3072 : i32
        %add3A_1664 = arith.addi %mul3A_2, %add3A_1663 : i32
        %lt3A_1665 = vector.broadcast %add3A_1664 : i32 to vector<16xi32>
        %lt3A_1666 = arith.cmpi slt, %get3A_1660, %lt3A_1665 : vector<16xi32>
        %and3A_1667 = arith.andi %ge3A_1662, %lt3A_1666 : vector<16xi1>
        %all_reduce_population_count3A_1668 = tpu.all_reduce %and3A_1667 {dim = 0 : i64, kind = #tpu.reduction_kind<sum>} : vector<16xi1> -> vector<16xi32>
        %reduce_max3A_1669 = arith.constant true
        %reduce_max3A_1670 = vector.broadcast %reduce_max3A_1669 : i1 to vector<16xi1>
        %reduce_max3A_1671 = arith.constant -2147483648 : i32
        %reduce_max3A_1672 = vector.broadcast %reduce_max3A_1671 : i32 to vector<16xi32>
        %reduce_max3A_1673 = arith.xori %all_reduce_population_count3A_1668, %reduce_max3A_1672 : vector<16xi32>
        %reduce_max3A_1674 = tpu.scan <max>, %reduce_max3A_1673 masked %reduce_max3A_1670 : vector<16xi32>, vector<16xi1> -> vector<16xi32>
        %reduce_max3A_1675 = arith.xori %reduce_max3A_1674, %reduce_max3A_1672 : vector<16xi32>
        %reduce_max3A_1676 = vector.extract %reduce_max3A_1675[15] : i32 from vector<16xi32>
        %gt3A_1677 = arith.constant 0 : i32
        %gt3A_1678 = arith.cmpi sgt, %reduce_max3A_1676, %gt3A_1677 : i32
        %convert_element_type3A_1679 = arith.extui %gt3A_1678 : i1 to i32
        %cond3A_1680 = arith.constant 0 : i32
        %cond3A_1681 = arith.cmpi ne, %convert_element_type3A_1679, %cond3A_1680 : i32
        scf.if %cond3A_1681 {
          %sub3A = vector.broadcast %mul3A_2 : i32 to vector<16xi32>
          %sub3A_1682 = arith.subi %get3A_1660, %sub3A : vector<16xi32>
          %jit3A_1683 = arith.constant 0 : i32
          %broadcast_in_dim3A_1684 = vector.broadcast %jit3A_1683 : i32 to vector<16xi32>
          %select_n3A_1685 = arith.select %and3A_1667, %sub3A_1682, %broadcast_in_dim3A_1684 : vector<16xi1>, vector<16xi32>
          %mul3A_1686 = arith.constant 16 : i32
          %mul3A_1687 = arith.muli %scan3A_1656, %mul3A_1686 : i32
          %add3A_1688 = vector.broadcast %mul3A_1687 : i32 to vector<16xi32>
          %add3A_1689 = arith.addi %iota3A, %add3A_1688 : vector<16xi32>
          %min3A = arith.constant 199 : i32
          %min3A_1690 = vector.broadcast %min3A : i32 to vector<16xi32>
          %min3A_1691 = arith.minsi %add3A_1689, %min3A_1690 : vector<16xi32>
          %broadcast_in_dim3A_1692 = arith.constant 0 : i32
          %broadcast_in_dim3A_1693 = vector.broadcast %broadcast_in_dim3A_1692 : i32 to vector<16xi32>
          %gather3A = tpu.vector_load_idx %arg9[%broadcast_in_dim3A_1693, %min3A_1691] masked %and3A_1667 : memref<32x200xf32, #tpu.memory_space<vmem>>[vector<16xi32>, vector<16xi32>], vector<16xf32>, vector<16xi1>
          %gather3A_1694 = tpu.vector_load_idx %arg10[%broadcast_in_dim3A_1693, %select_n3A_1685] masked %and3A_1667 : memref<32x3072xf32, #tpu.memory_space<vmem>>[vector<16xi32>, vector<16xi32>], vector<16xf32>, vector<16xi1>
          %mul3A_1695 = arith.constant 0.00999999977 : f32
          %mul3A_1696 = vector.broadcast %mul3A_1695 : f32 to vector<16xf32>
          %mul3A_1697 = arith.mulf %mul3A_1696, %gather3A : vector<16xf32>
          %sub3A_1698 = arith.subf %gather3A_1694, %mul3A_1697 : vector<16xf32>
          tpu.vector_store_idx %arg10[%broadcast_in_dim3A_1693, %select_n3A_1685], %sub3A_1698 masked %and3A_1667 : memref<32x3072xf32, #tpu.memory_space<vmem>>[vector<16xi32>, vector<16xi32>], vector<16xf32>, vector<16xi1>
          %broadcast_in_dim3A_1699 = arith.constant 1 : i32
          %broadcast_in_dim3A_1700 = vector.broadcast %broadcast_in_dim3A_1699 : i32 to vector<16xi32>
          %gather3A_1701 = tpu.vector_load_idx %arg9[%broadcast_in_dim3A_1700, %min3A_1691] masked %and3A_1667 : memref<32x200xf32, #tpu.memory_space<vmem>>[vector<16xi32>, vector<16xi32>], vector<16xf32>, vector<16xi1>
          %gather3A_1702 = tpu.vector_load_idx %arg10[%broadcast_in_dim3A_1700, %select_n3A_1685] masked %and3A_1667 : memref<32x3072xf32, #tpu.memory_space<vmem>>[vector<16xi32>, vector<16xi32>], vector<16xf32>, vector<16xi1>
          %mul3A_1703 = arith.constant 0.00999999977 : f32
          %mul3A_1704 = vector.broadcast %mul3A_1703 : f32 to vector<16xf32>
          %mul3A_1705 = arith.mulf %mul3A_1704, %gather3A_1701 : vector<16xf32>
          %sub3A_1706 = arith.subf %gather3A_1702, %mul3A_1705 : vector<16xf32>
          tpu.vector_store_idx %arg10[%broadcast_in_dim3A_1700, %select_n3A_1685], %sub3A_1706 masked %and3A_1667 : memref<32x3072xf32, #tpu.memory_space<vmem>>[vector<16xi32>, vector<16xi32>], vector<16xf32>, vector<16xi1>
          %broadcast_in_dim3A_1707 = arith.constant 2 : i32
          %broadcast_in_dim3A_1708 = vector.broadcast %broadcast_in_dim3A_1707 : i32 to vector<16xi32>
          %gather3A_1709 = tpu.vector_load_idx %arg9[%broadcast_in_dim3A_1708, %min3A_1691] masked %and3A_1667 : memref<32x200xf32, #tpu.memory_space<vmem>>[vector<16xi32>, vector<16xi32>], vector<16xf32>, vector<16xi1>
          %gather3A_1710 = tpu.vector_load_idx %arg10[%broadcast_in_dim3A_1708, %select_n3A_1685] masked %and3A_1667 : memref<32x3072xf32, #tpu.memory_space<vmem>>[vector<16xi32>, vector<16xi32>], vector<16xf32>, vector<16xi1>
          %mul3A_1711 = arith.constant 0.00999999977 : f32
          %mul3A_1712 = vector.broadcast %mul3A_1711 : f32 to vector<16xf32>
          %mul3A_1713 = arith.mulf %mul3A_1712, %gather3A_1709 : vector<16xf32>
          %sub3A_1714 = arith.subf %gather3A_1710, %mul3A_1713 : vector<16xf32>
          tpu.vector_store_idx %arg10[%broadcast_in_dim3A_1708, %select_n3A_1685], %sub3A_1714 masked %and3A_1667 : memref<32x3072xf32, #tpu.memory_space<vmem>>[vector<16xi32>, vector<16xi32>], vector<16xf32>, vector<16xi1>
          %broadcast_in_dim3A_1715 = arith.constant 3 : i32
          %broadcast_in_dim3A_1716 = vector.broadcast %broadcast_in_dim3A_1715 : i32 to vector<16xi32>
          %gather3A_1717 = tpu.vector_load_idx %arg9[%broadcast_in_dim3A_1716, %min3A_1691] masked %and3A_1667 : memref<32x200xf32, #tpu.memory_space<vmem>>[vector<16xi32>, vector<16xi32>], vector<16xf32>, vector<16xi1>
          %gather3A_1718 = tpu.vector_load_idx %arg10[%broadcast_in_dim3A_1716, %select_n3A_1685] masked %and3A_1667 : memref<32x3072xf32, #tpu.memory_space<vmem>>[vector<16xi32>, vector<16xi32>], vector<16xf32>, vector<16xi1>
          %mul3A_1719 = arith.constant 0.00999999977 : f32
          %mul3A_1720 = vector.broadcast %mul3A_1719 : f32 to vector<16xf32>
          %mul3A_1721 = arith.mulf %mul3A_1720, %gather3A_1717 : vector<16xf32>
          %sub3A_1722 = arith.subf %gather3A_1718, %mul3A_1721 : vector<16xf32>
          tpu.vector_store_idx %arg10[%broadcast_in_dim3A_1716, %select_n3A_1685], %sub3A_1722 masked %and3A_1667 : memref<32x3072xf32, #tpu.memory_space<vmem>>[vector<16xi32>, vector<16xi32>], vector<16xf32>, vector<16xi1>
          %broadcast_in_dim3A_1723 = arith.constant 4 : i32
          %broadcast_in_dim3A_1724 = vector.broadcast %broadcast_in_dim3A_1723 : i32 to vector<16xi32>
          %gather3A_1725 = tpu.vector_load_idx %arg9[%broadcast_in_dim3A_1724, %min3A_1691] masked %and3A_1667 : memref<32x200xf32, #tpu.memory_space<vmem>>[vector<16xi32>, vector<16xi32>], vector<16xf32>, vector<16xi1>
          %gather3A_1726 = tpu.vector_load_idx %arg10[%broadcast_in_dim3A_1724, %select_n3A_1685] masked %and3A_1667 : memref<32x3072xf32, #tpu.memory_space<vmem>>[vector<16xi32>, vector<16xi32>], vector<16xf32>, vector<16xi1>
          %mul3A_1727 = arith.constant 0.00999999977 : f32
          %mul3A_1728 = vector.broadcast %mul3A_1727 : f32 to vector<16xf32>
          %mul3A_1729 = arith.mulf %mul3A_1728, %gather3A_1725 : vector<16xf32>
          %sub3A_1730 = arith.subf %gather3A_1726, %mul3A_1729 : vector<16xf32>
          tpu.vector_store_idx %arg10[%broadcast_in_dim3A_1724, %select_n3A_1685], %sub3A_1730 masked %and3A_1667 : memref<32x3072xf32, #tpu.memory_space<vmem>>[vector<16xi32>, vector<16xi32>], vector<16xf32>, vector<16xi1>
          %broadcast_in_dim3A_1731 = arith.constant 5 : i32
          %broadcast_in_dim3A_1732 = vector.broadcast %broadcast_in_dim3A_1731 : i32 to vector<16xi32>
          %gather3A_1733 = tpu.vector_load_idx %arg9[%broadcast_in_dim3A_1732, %min3A_1691] masked %and3A_1667 : memref<32x200xf32, #tpu.memory_space<vmem>>[vector<16xi32>, vector<16xi32>], vector<16xf32>, vector<16xi1>
          %gather3A_1734 = tpu.vector_load_idx %arg10[%broadcast_in_dim3A_1732, %select_n3A_1685] masked %and3A_1667 : memref<32x3072xf32, #tpu.memory_space<vmem>>[vector<16xi32>, vector<16xi32>], vector<16xf32>, vector<16xi1>
          %mul3A_1735 = arith.constant 0.00999999977 : f32
          %mul3A_1736 = vector.broadcast %mul3A_1735 : f32 to vector<16xf32>
          %mul3A_1737 = arith.mulf %mul3A_1736, %gather3A_1733 : vector<16xf32>
          %sub3A_1738 = arith.subf %gather3A_1734, %mul3A_1737 : vector<16xf32>
          tpu.vector_store_idx %arg10[%broadcast_in_dim3A_1732, %select_n3A_1685], %sub3A_1738 masked %and3A_1667 : memref<32x3072xf32, #tpu.memory_space<vmem>>[vector<16xi32>, vector<16xi32>], vector<16xf32>, vector<16xi1>
          %broadcast_in_dim3A_1739 = arith.constant 6 : i32
          %broadcast_in_dim3A_1740 = vector.broadcast %broadcast_in_dim3A_1739 : i32 to vector<16xi32>
          %gather3A_1741 = tpu.vector_load_idx %arg9[%broadcast_in_dim3A_1740, %min3A_1691] masked %and3A_1667 : memref<32x200xf32, #tpu.memory_space<vmem>>[vector<16xi32>, vector<16xi32>], vector<16xf32>, vector<16xi1>
          %gather3A_1742 = tpu.vector_load_idx %arg10[%broadcast_in_dim3A_1740, %select_n3A_1685] masked %and3A_1667 : memref<32x3072xf32, #tpu.memory_space<vmem>>[vector<16xi32>, vector<16xi32>], vector<16xf32>, vector<16xi1>
          %mul3A_1743 = arith.constant 0.00999999977 : f32
          %mul3A_1744 = vector.broadcast %mul3A_1743 : f32 to vector<16xf32>
          %mul3A_1745 = arith.mulf %mul3A_1744, %gather3A_1741 : vector<16xf32>
          %sub3A_1746 = arith.subf %gather3A_1742, %mul3A_1745 : vector<16xf32>
          tpu.vector_store_idx %arg10[%broadcast_in_dim3A_1740, %select_n3A_1685], %sub3A_1746 masked %and3A_1667 : memref<32x3072xf32, #tpu.memory_space<vmem>>[vector<16xi32>, vector<16xi32>], vector<16xf32>, vector<16xi1>
          %broadcast_in_dim3A_1747 = arith.constant 7 : i32
          %broadcast_in_dim3A_1748 = vector.broadcast %broadcast_in_dim3A_1747 : i32 to vector<16xi32>
          %gather3A_1749 = tpu.vector_load_idx %arg9[%broadcast_in_dim3A_1748, %min3A_1691] masked %and3A_1667 : memref<32x200xf32, #tpu.memory_space<vmem>>[vector<16xi32>, vector<16xi32>], vector<16xf32>, vector<16xi1>
          %gather3A_1750 = tpu.vector_load_idx %arg10[%broadcast_in_dim3A_1748, %select_n3A_1685] masked %and3A_1667 : memref<32x3072xf32, #tpu.memory_space<vmem>>[vector<16xi32>, vector<16xi32>], vector<16xf32>, vector<16xi1>
          %mul3A_1751 = arith.constant 0.00999999977 : f32
          %mul3A_1752 = vector.broadcast %mul3A_1751 : f32 to vector<16xf32>
          %mul3A_1753 = arith.mulf %mul3A_1752, %gather3A_1749 : vector<16xf32>
          %sub3A_1754 = arith.subf %gather3A_1750, %mul3A_1753 : vector<16xf32>
          tpu.vector_store_idx %arg10[%broadcast_in_dim3A_1748, %select_n3A_1685], %sub3A_1754 masked %and3A_1667 : memref<32x3072xf32, #tpu.memory_space<vmem>>[vector<16xi32>, vector<16xi32>], vector<16xf32>, vector<16xi1>
          %broadcast_in_dim3A_1755 = arith.constant 8 : i32
          %broadcast_in_dim3A_1756 = vector.broadcast %broadcast_in_dim3A_1755 : i32 to vector<16xi32>
          %gather3A_1757 = tpu.vector_load_idx %arg9[%broadcast_in_dim3A_1756, %min3A_1691] masked %and3A_1667 : memref<32x200xf32, #tpu.memory_space<vmem>>[vector<16xi32>, vector<16xi32>], vector<16xf32>, vector<16xi1>
          %gather3A_1758 = tpu.vector_load_idx %arg10[%broadcast_in_dim3A_1756, %select_n3A_1685] masked %and3A_1667 : memref<32x3072xf32, #tpu.memory_space<vmem>>[vector<16xi32>, vector<16xi32>], vector<16xf32>, vector<16xi1>
          %mul3A_1759 = arith.constant 0.00999999977 : f32
          %mul3A_1760 = vector.broadcast %mul3A_1759 : f32 to vector<16xf32>
          %mul3A_1761 = arith.mulf %mul3A_1760, %gather3A_1757 : vector<16xf32>
          %sub3A_1762 = arith.subf %gather3A_1758, %mul3A_1761 : vector<16xf32>
          tpu.vector_store_idx %arg10[%broadcast_in_dim3A_1756, %select_n3A_1685], %sub3A_1762 masked %and3A_1667 : memref<32x3072xf32, #tpu.memory_space<vmem>>[vector<16xi32>, vector<16xi32>], vector<16xf32>, vector<16xi1>
          %broadcast_in_dim3A_1763 = arith.constant 9 : i32
          %broadcast_in_dim3A_1764 = vector.broadcast %broadcast_in_dim3A_1763 : i32 to vector<16xi32>
          %gather3A_1765 = tpu.vector_load_idx %arg9[%broadcast_in_dim3A_1764, %min3A_1691] masked %and3A_1667 : memref<32x200xf32, #tpu.memory_space<vmem>>[vector<16xi32>, vector<16xi32>], vector<16xf32>, vector<16xi1>
          %gather3A_1766 = tpu.vector_load_idx %arg10[%broadcast_in_dim3A_1764, %select_n3A_1685] masked %and3A_1667 : memref<32x3072xf32, #tpu.memory_space<vmem>>[vector<16xi32>, vector<16xi32>], vector<16xf32>, vector<16xi1>
          %mul3A_1767 = arith.constant 0.00999999977 : f32
          %mul3A_1768 = vector.broadcast %mul3A_1767 : f32 to vector<16xf32>
          %mul3A_1769 = arith.mulf %mul3A_1768, %gather3A_1765 : vector<16xf32>
          %sub3A_1770 = arith.subf %gather3A_1766, %mul3A_1769 : vector<16xf32>
          tpu.vector_store_idx %arg10[%broadcast_in_dim3A_1764, %select_n3A_1685], %sub3A_1770 masked %and3A_1667 : memref<32x3072xf32, #tpu.memory_space<vmem>>[vector<16xi32>, vector<16xi32>], vector<16xf32>, vector<16xi1>
          %broadcast_in_dim3A_1771 = arith.constant 10 : i32
          %broadcast_in_dim3A_1772 = vector.broadcast %broadcast_in_dim3A_1771 : i32 to vector<16xi32>
          %gather3A_1773 = tpu.vector_load_idx %arg9[%broadcast_in_dim3A_1772, %min3A_1691] masked %and3A_1667 : memref<32x200xf32, #tpu.memory_space<vmem>>[vector<16xi32>, vector<16xi32>], vector<16xf32>, vector<16xi1>
          %gather3A_1774 = tpu.vector_load_idx %arg10[%broadcast_in_dim3A_1772, %select_n3A_1685] masked %and3A_1667 : memref<32x3072xf32, #tpu.memory_space<vmem>>[vector<16xi32>, vector<16xi32>], vector<16xf32>, vector<16xi1>
          %mul3A_1775 = arith.constant 0.00999999977 : f32
          %mul3A_1776 = vector.broadcast %mul3A_1775 : f32 to vector<16xf32>
          %mul3A_1777 = arith.mulf %mul3A_1776, %gather3A_1773 : vector<16xf32>
          %sub3A_1778 = arith.subf %gather3A_1774, %mul3A_1777 : vector<16xf32>
          tpu.vector_store_idx %arg10[%broadcast_in_dim3A_1772, %select_n3A_1685], %sub3A_1778 masked %and3A_1667 : memref<32x3072xf32, #tpu.memory_space<vmem>>[vector<16xi32>, vector<16xi32>], vector<16xf32>, vector<16xi1>
          %broadcast_in_dim3A_1779 = arith.constant 11 : i32
          %broadcast_in_dim3A_1780 = vector.broadcast %broadcast_in_dim3A_1779 : i32 to vector<16xi32>
          %gather3A_1781 = tpu.vector_load_idx %arg9[%broadcast_in_dim3A_1780, %min3A_1691] masked %and3A_1667 : memref<32x200xf32, #tpu.memory_space<vmem>>[vector<16xi32>, vector<16xi32>], vector<16xf32>, vector<16xi1>
          %gather3A_1782 = tpu.vector_load_idx %arg10[%broadcast_in_dim3A_1780, %select_n3A_1685] masked %and3A_1667 : memref<32x3072xf32, #tpu.memory_space<vmem>>[vector<16xi32>, vector<16xi32>], vector<16xf32>, vector<16xi1>
          %mul3A_1783 = arith.constant 0.00999999977 : f32
          %mul3A_1784 = vector.broadcast %mul3A_1783 : f32 to vector<16xf32>
          %mul3A_1785 = arith.mulf %mul3A_1784, %gather3A_1781 : vector<16xf32>
          %sub3A_1786 = arith.subf %gather3A_1782, %mul3A_1785 : vector<16xf32>
          tpu.vector_store_idx %arg10[%broadcast_in_dim3A_1780, %select_n3A_1685], %sub3A_1786 masked %and3A_1667 : memref<32x3072xf32, #tpu.memory_space<vmem>>[vector<16xi32>, vector<16xi32>], vector<16xf32>, vector<16xi1>
          %broadcast_in_dim3A_1787 = arith.constant 12 : i32
          %broadcast_in_dim3A_1788 = vector.broadcast %broadcast_in_dim3A_1787 : i32 to vector<16xi32>
          %gather3A_1789 = tpu.vector_load_idx %arg9[%broadcast_in_dim3A_1788, %min3A_1691] masked %and3A_1667 : memref<32x200xf32, #tpu.memory_space<vmem>>[vector<16xi32>, vector<16xi32>], vector<16xf32>, vector<16xi1>
          %gather3A_1790 = tpu.vector_load_idx %arg10[%broadcast_in_dim3A_1788, %select_n3A_1685] masked %and3A_1667 : memref<32x3072xf32, #tpu.memory_space<vmem>>[vector<16xi32>, vector<16xi32>], vector<16xf32>, vector<16xi1>
          %mul3A_1791 = arith.constant 0.00999999977 : f32
          %mul3A_1792 = vector.broadcast %mul3A_1791 : f32 to vector<16xf32>
          %mul3A_1793 = arith.mulf %mul3A_1792, %gather3A_1789 : vector<16xf32>
          %sub3A_1794 = arith.subf %gather3A_1790, %mul3A_1793 : vector<16xf32>
          tpu.vector_store_idx %arg10[%broadcast_in_dim3A_1788, %select_n3A_1685], %sub3A_1794 masked %and3A_1667 : memref<32x3072xf32, #tpu.memory_space<vmem>>[vector<16xi32>, vector<16xi32>], vector<16xf32>, vector<16xi1>
          %broadcast_in_dim3A_1795 = arith.constant 13 : i32
          %broadcast_in_dim3A_1796 = vector.broadcast %broadcast_in_dim3A_1795 : i32 to vector<16xi32>
          %gather3A_1797 = tpu.vector_load_idx %arg9[%broadcast_in_dim3A_1796, %min3A_1691] masked %and3A_1667 : memref<32x200xf32, #tpu.memory_space<vmem>>[vector<16xi32>, vector<16xi32>], vector<16xf32>, vector<16xi1>
          %gather3A_1798 = tpu.vector_load_idx %arg10[%broadcast_in_dim3A_1796, %select_n3A_1685] masked %and3A_1667 : memref<32x3072xf32, #tpu.memory_space<vmem>>[vector<16xi32>, vector<16xi32>], vector<16xf32>, vector<16xi1>
          %mul3A_1799 = arith.constant 0.00999999977 : f32
          %mul3A_1800 = vector.broadcast %mul3A_1799 : f32 to vector<16xf32>
          %mul3A_1801 = arith.mulf %mul3A_1800, %gather3A_1797 : vector<16xf32>
          %sub3A_1802 = arith.subf %gather3A_1798, %mul3A_1801 : vector<16xf32>
          tpu.vector_store_idx %arg10[%broadcast_in_dim3A_1796, %select_n3A_1685], %sub3A_1802 masked %and3A_1667 : memref<32x3072xf32, #tpu.memory_space<vmem>>[vector<16xi32>, vector<16xi32>], vector<16xf32>, vector<16xi1>
          %broadcast_in_dim3A_1803 = arith.constant 14 : i32
          %broadcast_in_dim3A_1804 = vector.broadcast %broadcast_in_dim3A_1803 : i32 to vector<16xi32>
          %gather3A_1805 = tpu.vector_load_idx %arg9[%broadcast_in_dim3A_1804, %min3A_1691] masked %and3A_1667 : memref<32x200xf32, #tpu.memory_space<vmem>>[vector<16xi32>, vector<16xi32>], vector<16xf32>, vector<16xi1>
          %gather3A_1806 = tpu.vector_load_idx %arg10[%broadcast_in_dim3A_1804, %select_n3A_1685] masked %and3A_1667 : memref<32x3072xf32, #tpu.memory_space<vmem>>[vector<16xi32>, vector<16xi32>], vector<16xf32>, vector<16xi1>
          %mul3A_1807 = arith.constant 0.00999999977 : f32
          %mul3A_1808 = vector.broadcast %mul3A_1807 : f32 to vector<16xf32>
          %mul3A_1809 = arith.mulf %mul3A_1808, %gather3A_1805 : vector<16xf32>
          %sub3A_1810 = arith.subf %gather3A_1806, %mul3A_1809 : vector<16xf32>
          tpu.vector_store_idx %arg10[%broadcast_in_dim3A_1804, %select_n3A_1685], %sub3A_1810 masked %and3A_1667 : memref<32x3072xf32, #tpu.memory_space<vmem>>[vector<16xi32>, vector<16xi32>], vector<16xf32>, vector<16xi1>
          %broadcast_in_dim3A_1811 = arith.constant 15 : i32
          %broadcast_in_dim3A_1812 = vector.broadcast %broadcast_in_dim3A_1811 : i32 to vector<16xi32>
          %gather3A_1813 = tpu.vector_load_idx %arg9[%broadcast_in_dim3A_1812, %min3A_1691] masked %and3A_1667 : memref<32x200xf32, #tpu.memory_space<vmem>>[vector<16xi32>, vector<16xi32>], vector<16xf32>, vector<16xi1>
          %gather3A_1814 = tpu.vector_load_idx %arg10[%broadcast_in_dim3A_1812, %select_n3A_1685] masked %and3A_1667 : memref<32x3072xf32, #tpu.memory_space<vmem>>[vector<16xi32>, vector<16xi32>], vector<16xf32>, vector<16xi1>
          %mul3A_1815 = arith.constant 0.00999999977 : f32
          %mul3A_1816 = vector.broadcast %mul3A_1815 : f32 to vector<16xf32>
          %mul3A_1817 = arith.mulf %mul3A_1816, %gather3A_1813 : vector<16xf32>
          %sub3A_1818 = arith.subf %gather3A_1814, %mul3A_1817 : vector<16xf32>
          tpu.vector_store_idx %arg10[%broadcast_in_dim3A_1812, %select_n3A_1685], %sub3A_1818 masked %and3A_1667 : memref<32x3072xf32, #tpu.memory_space<vmem>>[vector<16xi32>, vector<16xi32>], vector<16xf32>, vector<16xi1>
          %broadcast_in_dim3A_1819 = arith.constant 16 : i32
          %broadcast_in_dim3A_1820 = vector.broadcast %broadcast_in_dim3A_1819 : i32 to vector<16xi32>
          %gather3A_1821 = tpu.vector_load_idx %arg9[%broadcast_in_dim3A_1820, %min3A_1691] masked %and3A_1667 : memref<32x200xf32, #tpu.memory_space<vmem>>[vector<16xi32>, vector<16xi32>], vector<16xf32>, vector<16xi1>
          %gather3A_1822 = tpu.vector_load_idx %arg10[%broadcast_in_dim3A_1820, %select_n3A_1685] masked %and3A_1667 : memref<32x3072xf32, #tpu.memory_space<vmem>>[vector<16xi32>, vector<16xi32>], vector<16xf32>, vector<16xi1>
          %mul3A_1823 = arith.constant 0.00999999977 : f32
          %mul3A_1824 = vector.broadcast %mul3A_1823 : f32 to vector<16xf32>
          %mul3A_1825 = arith.mulf %mul3A_1824, %gather3A_1821 : vector<16xf32>
          %sub3A_1826 = arith.subf %gather3A_1822, %mul3A_1825 : vector<16xf32>
          tpu.vector_store_idx %arg10[%broadcast_in_dim3A_1820, %select_n3A_1685], %sub3A_1826 masked %and3A_1667 : memref<32x3072xf32, #tpu.memory_space<vmem>>[vector<16xi32>, vector<16xi32>], vector<16xf32>, vector<16xi1>
          %broadcast_in_dim3A_1827 = arith.constant 17 : i32
          %broadcast_in_dim3A_1828 = vector.broadcast %broadcast_in_dim3A_1827 : i32 to vector<16xi32>
          %gather3A_1829 = tpu.vector_load_idx %arg9[%broadcast_in_dim3A_1828, %min3A_1691] masked %and3A_1667 : memref<32x200xf32, #tpu.memory_space<vmem>>[vector<16xi32>, vector<16xi32>], vector<16xf32>, vector<16xi1>
          %gather3A_1830 = tpu.vector_load_idx %arg10[%broadcast_in_dim3A_1828, %select_n3A_1685] masked %and3A_1667 : memref<32x3072xf32, #tpu.memory_space<vmem>>[vector<16xi32>, vector<16xi32>], vector<16xf32>, vector<16xi1>
          %mul3A_1831 = arith.constant 0.00999999977 : f32
          %mul3A_1832 = vector.broadcast %mul3A_1831 : f32 to vector<16xf32>
          %mul3A_1833 = arith.mulf %mul3A_1832, %gather3A_1829 : vector<16xf32>
          %sub3A_1834 = arith.subf %gather3A_1830, %mul3A_1833 : vector<16xf32>
          tpu.vector_store_idx %arg10[%broadcast_in_dim3A_1828, %select_n3A_1685], %sub3A_1834 masked %and3A_1667 : memref<32x3072xf32, #tpu.memory_space<vmem>>[vector<16xi32>, vector<16xi32>], vector<16xf32>, vector<16xi1>
          %broadcast_in_dim3A_1835 = arith.constant 18 : i32
          %broadcast_in_dim3A_1836 = vector.broadcast %broadcast_in_dim3A_1835 : i32 to vector<16xi32>
          %gather3A_1837 = tpu.vector_load_idx %arg9[%broadcast_in_dim3A_1836, %min3A_1691] masked %and3A_1667 : memref<32x200xf32, #tpu.memory_space<vmem>>[vector<16xi32>, vector<16xi32>], vector<16xf32>, vector<16xi1>
          %gather3A_1838 = tpu.vector_load_idx %arg10[%broadcast_in_dim3A_1836, %select_n3A_1685] masked %and3A_1667 : memref<32x3072xf32, #tpu.memory_space<vmem>>[vector<16xi32>, vector<16xi32>], vector<16xf32>, vector<16xi1>
          %mul3A_1839 = arith.constant 0.00999999977 : f32
          %mul3A_1840 = vector.broadcast %mul3A_1839 : f32 to vector<16xf32>
          %mul3A_1841 = arith.mulf %mul3A_1840, %gather3A_1837 : vector<16xf32>
          %sub3A_1842 = arith.subf %gather3A_1838, %mul3A_1841 : vector<16xf32>
          tpu.vector_store_idx %arg10[%broadcast_in_dim3A_1836, %select_n3A_1685], %sub3A_1842 masked %and3A_1667 : memref<32x3072xf32, #tpu.memory_space<vmem>>[vector<16xi32>, vector<16xi32>], vector<16xf32>, vector<16xi1>
          %broadcast_in_dim3A_1843 = arith.constant 19 : i32
          %broadcast_in_dim3A_1844 = vector.broadcast %broadcast_in_dim3A_1843 : i32 to vector<16xi32>
          %gather3A_1845 = tpu.vector_load_idx %arg9[%broadcast_in_dim3A_1844, %min3A_1691] masked %and3A_1667 : memref<32x200xf32, #tpu.memory_space<vmem>>[vector<16xi32>, vector<16xi32>], vector<16xf32>, vector<16xi1>
          %gather3A_1846 = tpu.vector_load_idx %arg10[%broadcast_in_dim3A_1844, %select_n3A_1685] masked %and3A_1667 : memref<32x3072xf32, #tpu.memory_space<vmem>>[vector<16xi32>, vector<16xi32>], vector<16xf32>, vector<16xi1>
          %mul3A_1847 = arith.constant 0.00999999977 : f32
          %mul3A_1848 = vector.broadcast %mul3A_1847 : f32 to vector<16xf32>
          %mul3A_1849 = arith.mulf %mul3A_1848, %gather3A_1845 : vector<16xf32>
          %sub3A_1850 = arith.subf %gather3A_1846, %mul3A_1849 : vector<16xf32>
          tpu.vector_store_idx %arg10[%broadcast_in_dim3A_1844, %select_n3A_1685], %sub3A_1850 masked %and3A_1667 : memref<32x3072xf32, #tpu.memory_space<vmem>>[vector<16xi32>, vector<16xi32>], vector<16xf32>, vector<16xi1>
          %broadcast_in_dim3A_1851 = arith.constant 20 : i32
          %broadcast_in_dim3A_1852 = vector.broadcast %broadcast_in_dim3A_1851 : i32 to vector<16xi32>
          %gather3A_1853 = tpu.vector_load_idx %arg9[%broadcast_in_dim3A_1852, %min3A_1691] masked %and3A_1667 : memref<32x200xf32, #tpu.memory_space<vmem>>[vector<16xi32>, vector<16xi32>], vector<16xf32>, vector<16xi1>
          %gather3A_1854 = tpu.vector_load_idx %arg10[%broadcast_in_dim3A_1852, %select_n3A_1685] masked %and3A_1667 : memref<32x3072xf32, #tpu.memory_space<vmem>>[vector<16xi32>, vector<16xi32>], vector<16xf32>, vector<16xi1>
          %mul3A_1855 = arith.constant 0.00999999977 : f32
          %mul3A_1856 = vector.broadcast %mul3A_1855 : f32 to vector<16xf32>
          %mul3A_1857 = arith.mulf %mul3A_1856, %gather3A_1853 : vector<16xf32>
          %sub3A_1858 = arith.subf %gather3A_1854, %mul3A_1857 : vector<16xf32>
          tpu.vector_store_idx %arg10[%broadcast_in_dim3A_1852, %select_n3A_1685], %sub3A_1858 masked %and3A_1667 : memref<32x3072xf32, #tpu.memory_space<vmem>>[vector<16xi32>, vector<16xi32>], vector<16xf32>, vector<16xi1>
          %broadcast_in_dim3A_1859 = arith.constant 21 : i32
          %broadcast_in_dim3A_1860 = vector.broadcast %broadcast_in_dim3A_1859 : i32 to vector<16xi32>
          %gather3A_1861 = tpu.vector_load_idx %arg9[%broadcast_in_dim3A_1860, %min3A_1691] masked %and3A_1667 : memref<32x200xf32, #tpu.memory_space<vmem>>[vector<16xi32>, vector<16xi32>], vector<16xf32>, vector<16xi1>
          %gather3A_1862 = tpu.vector_load_idx %arg10[%broadcast_in_dim3A_1860, %select_n3A_1685] masked %and3A_1667 : memref<32x3072xf32, #tpu.memory_space<vmem>>[vector<16xi32>, vector<16xi32>], vector<16xf32>, vector<16xi1>
          %mul3A_1863 = arith.constant 0.00999999977 : f32
          %mul3A_1864 = vector.broadcast %mul3A_1863 : f32 to vector<16xf32>
          %mul3A_1865 = arith.mulf %mul3A_1864, %gather3A_1861 : vector<16xf32>
          %sub3A_1866 = arith.subf %gather3A_1862, %mul3A_1865 : vector<16xf32>
          tpu.vector_store_idx %arg10[%broadcast_in_dim3A_1860, %select_n3A_1685], %sub3A_1866 masked %and3A_1667 : memref<32x3072xf32, #tpu.memory_space<vmem>>[vector<16xi32>, vector<16xi32>], vector<16xf32>, vector<16xi1>
          %broadcast_in_dim3A_1867 = arith.constant 22 : i32
          %broadcast_in_dim3A_1868 = vector.broadcast %broadcast_in_dim3A_1867 : i32 to vector<16xi32>
          %gather3A_1869 = tpu.vector_load_idx %arg9[%broadcast_in_dim3A_1868, %min3A_1691] masked %and3A_1667 : memref<32x200xf32, #tpu.memory_space<vmem>>[vector<16xi32>, vector<16xi32>], vector<16xf32>, vector<16xi1>
          %gather3A_1870 = tpu.vector_load_idx %arg10[%broadcast_in_dim3A_1868, %select_n3A_1685] masked %and3A_1667 : memref<32x3072xf32, #tpu.memory_space<vmem>>[vector<16xi32>, vector<16xi32>], vector<16xf32>, vector<16xi1>
          %mul3A_1871 = arith.constant 0.00999999977 : f32
          %mul3A_1872 = vector.broadcast %mul3A_1871 : f32 to vector<16xf32>
          %mul3A_1873 = arith.mulf %mul3A_1872, %gather3A_1869 : vector<16xf32>
          %sub3A_1874 = arith.subf %gather3A_1870, %mul3A_1873 : vector<16xf32>
          tpu.vector_store_idx %arg10[%broadcast_in_dim3A_1868, %select_n3A_1685], %sub3A_1874 masked %and3A_1667 : memref<32x3072xf32, #tpu.memory_space<vmem>>[vector<16xi32>, vector<16xi32>], vector<16xf32>, vector<16xi1>
          %broadcast_in_dim3A_1875 = arith.constant 23 : i32
          %broadcast_in_dim3A_1876 = vector.broadcast %broadcast_in_dim3A_1875 : i32 to vector<16xi32>
          %gather3A_1877 = tpu.vector_load_idx %arg9[%broadcast_in_dim3A_1876, %min3A_1691] masked %and3A_1667 : memref<32x200xf32, #tpu.memory_space<vmem>>[vector<16xi32>, vector<16xi32>], vector<16xf32>, vector<16xi1>
          %gather3A_1878 = tpu.vector_load_idx %arg10[%broadcast_in_dim3A_1876, %select_n3A_1685] masked %and3A_1667 : memref<32x3072xf32, #tpu.memory_space<vmem>>[vector<16xi32>, vector<16xi32>], vector<16xf32>, vector<16xi1>
          %mul3A_1879 = arith.constant 0.00999999977 : f32
          %mul3A_1880 = vector.broadcast %mul3A_1879 : f32 to vector<16xf32>
          %mul3A_1881 = arith.mulf %mul3A_1880, %gather3A_1877 : vector<16xf32>
          %sub3A_1882 = arith.subf %gather3A_1878, %mul3A_1881 : vector<16xf32>
          tpu.vector_store_idx %arg10[%broadcast_in_dim3A_1876, %select_n3A_1685], %sub3A_1882 masked %and3A_1667 : memref<32x3072xf32, #tpu.memory_space<vmem>>[vector<16xi32>, vector<16xi32>], vector<16xf32>, vector<16xi1>
          %broadcast_in_dim3A_1883 = arith.constant 24 : i32
          %broadcast_in_dim3A_1884 = vector.broadcast %broadcast_in_dim3A_1883 : i32 to vector<16xi32>
          %gather3A_1885 = tpu.vector_load_idx %arg9[%broadcast_in_dim3A_1884, %min3A_1691] masked %and3A_1667 : memref<32x200xf32, #tpu.memory_space<vmem>>[vector<16xi32>, vector<16xi32>], vector<16xf32>, vector<16xi1>
          %gather3A_1886 = tpu.vector_load_idx %arg10[%broadcast_in_dim3A_1884, %select_n3A_1685] masked %and3A_1667 : memref<32x3072xf32, #tpu.memory_space<vmem>>[vector<16xi32>, vector<16xi32>], vector<16xf32>, vector<16xi1>
          %mul3A_1887 = arith.constant 0.00999999977 : f32
          %mul3A_1888 = vector.broadcast %mul3A_1887 : f32 to vector<16xf32>
          %mul3A_1889 = arith.mulf %mul3A_1888, %gather3A_1885 : vector<16xf32>
          %sub3A_1890 = arith.subf %gather3A_1886, %mul3A_1889 : vector<16xf32>
          tpu.vector_store_idx %arg10[%broadcast_in_dim3A_1884, %select_n3A_1685], %sub3A_1890 masked %and3A_1667 : memref<32x3072xf32, #tpu.memory_space<vmem>>[vector<16xi32>, vector<16xi32>], vector<16xf32>, vector<16xi1>
          %broadcast_in_dim3A_1891 = arith.constant 25 : i32
          %broadcast_in_dim3A_1892 = vector.broadcast %broadcast_in_dim3A_1891 : i32 to vector<16xi32>
          %gather3A_1893 = tpu.vector_load_idx %arg9[%broadcast_in_dim3A_1892, %min3A_1691] masked %and3A_1667 : memref<32x200xf32, #tpu.memory_space<vmem>>[vector<16xi32>, vector<16xi32>], vector<16xf32>, vector<16xi1>
          %gather3A_1894 = tpu.vector_load_idx %arg10[%broadcast_in_dim3A_1892, %select_n3A_1685] masked %and3A_1667 : memref<32x3072xf32, #tpu.memory_space<vmem>>[vector<16xi32>, vector<16xi32>], vector<16xf32>, vector<16xi1>
          %mul3A_1895 = arith.constant 0.00999999977 : f32
          %mul3A_1896 = vector.broadcast %mul3A_1895 : f32 to vector<16xf32>
          %mul3A_1897 = arith.mulf %mul3A_1896, %gather3A_1893 : vector<16xf32>
          %sub3A_1898 = arith.subf %gather3A_1894, %mul3A_1897 : vector<16xf32>
          tpu.vector_store_idx %arg10[%broadcast_in_dim3A_1892, %select_n3A_1685], %sub3A_1898 masked %and3A_1667 : memref<32x3072xf32, #tpu.memory_space<vmem>>[vector<16xi32>, vector<16xi32>], vector<16xf32>, vector<16xi1>
          %broadcast_in_dim3A_1899 = arith.constant 26 : i32
          %broadcast_in_dim3A_1900 = vector.broadcast %broadcast_in_dim3A_1899 : i32 to vector<16xi32>
          %gather3A_1901 = tpu.vector_load_idx %arg9[%broadcast_in_dim3A_1900, %min3A_1691] masked %and3A_1667 : memref<32x200xf32, #tpu.memory_space<vmem>>[vector<16xi32>, vector<16xi32>], vector<16xf32>, vector<16xi1>
          %gather3A_1902 = tpu.vector_load_idx %arg10[%broadcast_in_dim3A_1900, %select_n3A_1685] masked %and3A_1667 : memref<32x3072xf32, #tpu.memory_space<vmem>>[vector<16xi32>, vector<16xi32>], vector<16xf32>, vector<16xi1>
          %mul3A_1903 = arith.constant 0.00999999977 : f32
          %mul3A_1904 = vector.broadcast %mul3A_1903 : f32 to vector<16xf32>
          %mul3A_1905 = arith.mulf %mul3A_1904, %gather3A_1901 : vector<16xf32>
          %sub3A_1906 = arith.subf %gather3A_1902, %mul3A_1905 : vector<16xf32>
          tpu.vector_store_idx %arg10[%broadcast_in_dim3A_1900, %select_n3A_1685], %sub3A_1906 masked %and3A_1667 : memref<32x3072xf32, #tpu.memory_space<vmem>>[vector<16xi32>, vector<16xi32>], vector<16xf32>, vector<16xi1>
          %broadcast_in_dim3A_1907 = arith.constant 27 : i32
          %broadcast_in_dim3A_1908 = vector.broadcast %broadcast_in_dim3A_1907 : i32 to vector<16xi32>
          %gather3A_1909 = tpu.vector_load_idx %arg9[%broadcast_in_dim3A_1908, %min3A_1691] masked %and3A_1667 : memref<32x200xf32, #tpu.memory_space<vmem>>[vector<16xi32>, vector<16xi32>], vector<16xf32>, vector<16xi1>
          %gather3A_1910 = tpu.vector_load_idx %arg10[%broadcast_in_dim3A_1908, %select_n3A_1685] masked %and3A_1667 : memref<32x3072xf32, #tpu.memory_space<vmem>>[vector<16xi32>, vector<16xi32>], vector<16xf32>, vector<16xi1>
          %mul3A_1911 = arith.constant 0.00999999977 : f32
          %mul3A_1912 = vector.broadcast %mul3A_1911 : f32 to vector<16xf32>
          %mul3A_1913 = arith.mulf %mul3A_1912, %gather3A_1909 : vector<16xf32>
          %sub3A_1914 = arith.subf %gather3A_1910, %mul3A_1913 : vector<16xf32>
          tpu.vector_store_idx %arg10[%broadcast_in_dim3A_1908, %select_n3A_1685], %sub3A_1914 masked %and3A_1667 : memref<32x3072xf32, #tpu.memory_space<vmem>>[vector<16xi32>, vector<16xi32>], vector<16xf32>, vector<16xi1>
          %broadcast_in_dim3A_1915 = arith.constant 28 : i32
          %broadcast_in_dim3A_1916 = vector.broadcast %broadcast_in_dim3A_1915 : i32 to vector<16xi32>
          %gather3A_1917 = tpu.vector_load_idx %arg9[%broadcast_in_dim3A_1916, %min3A_1691] masked %and3A_1667 : memref<32x200xf32, #tpu.memory_space<vmem>>[vector<16xi32>, vector<16xi32>], vector<16xf32>, vector<16xi1>
          %gather3A_1918 = tpu.vector_load_idx %arg10[%broadcast_in_dim3A_1916, %select_n3A_1685] masked %and3A_1667 : memref<32x3072xf32, #tpu.memory_space<vmem>>[vector<16xi32>, vector<16xi32>], vector<16xf32>, vector<16xi1>
          %mul3A_1919 = arith.constant 0.00999999977 : f32
          %mul3A_1920 = vector.broadcast %mul3A_1919 : f32 to vector<16xf32>
          %mul3A_1921 = arith.mulf %mul3A_1920, %gather3A_1917 : vector<16xf32>
          %sub3A_1922 = arith.subf %gather3A_1918, %mul3A_1921 : vector<16xf32>
          tpu.vector_store_idx %arg10[%broadcast_in_dim3A_1916, %select_n3A_1685], %sub3A_1922 masked %and3A_1667 : memref<32x3072xf32, #tpu.memory_space<vmem>>[vector<16xi32>, vector<16xi32>], vector<16xf32>, vector<16xi1>
          %broadcast_in_dim3A_1923 = arith.constant 29 : i32
          %broadcast_in_dim3A_1924 = vector.broadcast %broadcast_in_dim3A_1923 : i32 to vector<16xi32>
          %gather3A_1925 = tpu.vector_load_idx %arg9[%broadcast_in_dim3A_1924, %min3A_1691] masked %and3A_1667 : memref<32x200xf32, #tpu.memory_space<vmem>>[vector<16xi32>, vector<16xi32>], vector<16xf32>, vector<16xi1>
          %gather3A_1926 = tpu.vector_load_idx %arg10[%broadcast_in_dim3A_1924, %select_n3A_1685] masked %and3A_1667 : memref<32x3072xf32, #tpu.memory_space<vmem>>[vector<16xi32>, vector<16xi32>], vector<16xf32>, vector<16xi1>
          %mul3A_1927 = arith.constant 0.00999999977 : f32
          %mul3A_1928 = vector.broadcast %mul3A_1927 : f32 to vector<16xf32>
          %mul3A_1929 = arith.mulf %mul3A_1928, %gather3A_1925 : vector<16xf32>
          %sub3A_1930 = arith.subf %gather3A_1926, %mul3A_1929 : vector<16xf32>
          tpu.vector_store_idx %arg10[%broadcast_in_dim3A_1924, %select_n3A_1685], %sub3A_1930 masked %and3A_1667 : memref<32x3072xf32, #tpu.memory_space<vmem>>[vector<16xi32>, vector<16xi32>], vector<16xf32>, vector<16xi1>
          %broadcast_in_dim3A_1931 = arith.constant 30 : i32
          %broadcast_in_dim3A_1932 = vector.broadcast %broadcast_in_dim3A_1931 : i32 to vector<16xi32>
          %gather3A_1933 = tpu.vector_load_idx %arg9[%broadcast_in_dim3A_1932, %min3A_1691] masked %and3A_1667 : memref<32x200xf32, #tpu.memory_space<vmem>>[vector<16xi32>, vector<16xi32>], vector<16xf32>, vector<16xi1>
          %gather3A_1934 = tpu.vector_load_idx %arg10[%broadcast_in_dim3A_1932, %select_n3A_1685] masked %and3A_1667 : memref<32x3072xf32, #tpu.memory_space<vmem>>[vector<16xi32>, vector<16xi32>], vector<16xf32>, vector<16xi1>
          %mul3A_1935 = arith.constant 0.00999999977 : f32
          %mul3A_1936 = vector.broadcast %mul3A_1935 : f32 to vector<16xf32>
          %mul3A_1937 = arith.mulf %mul3A_1936, %gather3A_1933 : vector<16xf32>
          %sub3A_1938 = arith.subf %gather3A_1934, %mul3A_1937 : vector<16xf32>
          tpu.vector_store_idx %arg10[%broadcast_in_dim3A_1932, %select_n3A_1685], %sub3A_1938 masked %and3A_1667 : memref<32x3072xf32, #tpu.memory_space<vmem>>[vector<16xi32>, vector<16xi32>], vector<16xf32>, vector<16xi1>
          %broadcast_in_dim3A_1939 = arith.constant 31 : i32
          %broadcast_in_dim3A_1940 = vector.broadcast %broadcast_in_dim3A_1939 : i32 to vector<16xi32>
          %gather3A_1941 = tpu.vector_load_idx %arg9[%broadcast_in_dim3A_1940, %min3A_1691] masked %and3A_1667 : memref<32x200xf32, #tpu.memory_space<vmem>>[vector<16xi32>, vector<16xi32>], vector<16xf32>, vector<16xi1>
          %gather3A_1942 = tpu.vector_load_idx %arg10[%broadcast_in_dim3A_1940, %select_n3A_1685] masked %and3A_1667 : memref<32x3072xf32, #tpu.memory_space<vmem>>[vector<16xi32>, vector<16xi32>], vector<16xf32>, vector<16xi1>
          %mul3A_1943 = arith.constant 0.00999999977 : f32
          %mul3A_1944 = vector.broadcast %mul3A_1943 : f32 to vector<16xf32>
          %mul3A_1945 = arith.mulf %mul3A_1944, %gather3A_1941 : vector<16xf32>
          %sub3A_1946 = arith.subf %gather3A_1942, %mul3A_1945 : vector<16xf32>
          tpu.vector_store_idx %arg10[%broadcast_in_dim3A_1940, %select_n3A_1685], %sub3A_1946 masked %and3A_1667 : memref<32x3072xf32, #tpu.memory_space<vmem>>[vector<16xi32>, vector<16xi32>], vector<16xf32>, vector<16xi1>
        } else {
        }
      }
      %scan3A_1655 = arith.constant 13 : i32
    } else {
    }
    %dma_start3A_1637 = arith.constant 0 : i32
    %dma_start3A_1638 = tpu.memref_slice %arg6[%dma_start3A_1637, %mul3A_2] : memref<32x100000xf32, #tpu.memory_space<hbm>> -> memref<32x3072xf32, #tpu.memory_space<hbm>>
    %dma_start3A_1639 = arith.constant 0 : i32
    %dma_start3A_1640 = tpu.memref_slice %arg6[%dma_start3A_1639, %mul3A_2] : memref<32x100000xf32, #tpu.memory_space<hbm>> -> memref<32x3072xf32, #tpu.memory_space<hbm>>
    tpu.enqueue_dma source(%arg10 : memref<32x3072xf32, #tpu.memory_space<vmem>>) target(%dma_start3A_1640 : memref<32x3072xf32, #tpu.memory_space<hbm>>) target_semaphore(%arg13 : memref<!tpu.dma_semaphore, #tpu.memory_space<semaphore_mem>>)
    %convert_element_type3A_1641 = arith.extui %lt3A_7 : i1 to i32
    %cond3A_1642 = arith.constant 0 : i32
    %cond3A_1643 = arith.cmpi ne, %convert_element_type3A_1641, %cond3A_1642 : i32
    scf.if %cond3A_1643 {
      %dma_wait3A_1651 = arith.constant 0 : i32
      %dma_wait3A_1652 = tpu.memref_slice %arg5[%dma_wait3A_1651, %add3A_6] : memref<32x100000xf32, #tpu.memory_space<hbm>> -> memref<32x128xf32, #tpu.memory_space<hbm>>
      %dma_wait3A_1653 = arith.constant 0 : i32
      %dma_wait3A_1654 = tpu.memref_slice %arg5[%dma_wait3A_1653, %add3A_6] : memref<32x100000xf32, #tpu.memory_space<hbm>> -> memref<32x128xf32, #tpu.memory_space<hbm>>
      tpu.wait_dma2 semaphore(%arg14 : memref<!tpu.dma_semaphore, #tpu.memory_space<semaphore_mem>>) src(%dma_wait3A_1654 : memref<32x128xf32, #tpu.memory_space<hbm>>) dst(%arg11 : memref<32x128xf32, #tpu.memory_space<vmem>>)
      %get3A_1655 = arith.constant 0 : index
      %get3A_1656 = tpu.vector_load %arg8[%get3A_1655] {strides = array<i32>} : memref<208xi32, #tpu.memory_space<vmem>>, vector<16xi32>,
      %ge3A_1657 = vector.broadcast %add3A_6 : i32 to vector<16xi32>
      %ge3A_1658 = arith.cmpi sge, %get3A_1656, %ge3A_1657 : vector<16xi32>
      %add3A_1659 = arith.constant 128 : i32
      %add3A_1660 = arith.addi %add3A_6, %add3A_1659 : i32
      %lt3A_1661 = vector.broadcast %add3A_1660 : i32 to vector<16xi32>
      %lt3A_1662 = arith.cmpi slt, %get3A_1656, %lt3A_1661 : vector<16xi32>
      %and3A_1663 = arith.andi %ge3A_1658, %lt3A_1662 : vector<16xi1>
      %all_reduce_population_count3A_1664 = tpu.all_reduce %and3A_1663 {dim = 0 : i64, kind = #tpu.reduction_kind<sum>} : vector<16xi1> -> vector<16xi32>
      %reduce_max3A_1665 = arith.constant true
      %reduce_max3A_1666 = vector.broadcast %reduce_max3A_1665 : i1 to vector<16xi1>
      %reduce_max3A_1667 = arith.constant -2147483648 : i32
      %reduce_max3A_1668 = vector.broadcast %reduce_max3A_1667 : i32 to vector<16xi32>
      %reduce_max3A_1669 = arith.xori %all_reduce_population_count3A_1664, %reduce_max3A_1668 : vector<16xi32>
      %reduce_max3A_1670 = tpu.scan <max>, %reduce_max3A_1669 masked %reduce_max3A_1666 : vector<16xi32>, vector<16xi1> -> vector<16xi32>
      %reduce_max3A_1671 = arith.xori %reduce_max3A_1670, %reduce_max3A_1668 : vector<16xi32>
      %reduce_max3A_1672 = vector.extract %reduce_max3A_1671[15] : i32 from vector<16xi32>
      %or3A_1673 = arith.constant 0 : i32
      %or3A_1674 = arith.ori %or3A_1673, %reduce_max3A_1672 : i32
      %get3A_1675 = arith.constant 16 : index
      %get3A_1676 = tpu.vector_load %arg8[%get3A_1675] {strides = array<i32>} : memref<208xi32, #tpu.memory_space<vmem>>, vector<16xi32>,
      %ge3A_1677 = vector.broadcast %add3A_6 : i32 to vector<16xi32>
      %ge3A_1678 = arith.cmpi sge, %get3A_1676, %ge3A_1677 : vector<16xi32>
      %add3A_1679 = arith.constant 128 : i32
      %add3A_1680 = arith.addi %add3A_6, %add3A_1679 : i32
      %lt3A_1681 = vector.broadcast %add3A_1680 : i32 to vector<16xi32>
      %lt3A_1682 = arith.cmpi slt, %get3A_1676, %lt3A_1681 : vector<16xi32>
      %and3A_1683 = arith.andi %ge3A_1678, %lt3A_1682 : vector<16xi1>
      %all_reduce_population_count3A_1684 = tpu.all_reduce %and3A_1683 {dim = 0 : i64, kind = #tpu.reduction_kind<sum>} : vector<16xi1> -> vector<16xi32>
      %reduce_max3A_1685 = arith.constant true
      %reduce_max3A_1686 = vector.broadcast %reduce_max3A_1685 : i1 to vector<16xi1>
      %reduce_max3A_1687 = arith.constant -2147483648 : i32
      %reduce_max3A_1688 = vector.broadcast %reduce_max3A_1687 : i32 to vector<16xi32>
      %reduce_max3A_1689 = arith.xori %all_reduce_population_count3A_1684, %reduce_max3A_1688 : vector<16xi32>
      %reduce_max3A_1690 = tpu.scan <max>, %reduce_max3A_1689 masked %reduce_max3A_1686 : vector<16xi32>, vector<16xi1> -> vector<16xi32>
      %reduce_max3A_1691 = arith.xori %reduce_max3A_1690, %reduce_max3A_1688 : vector<16xi32>
      %reduce_max3A_1692 = vector.extract %reduce_max3A_1691[15] : i32 from vector<16xi32>
      %or3A_1693 = arith.ori %or3A_1674, %reduce_max3A_1692 : i32
      %get3A_1694 = arith.constant 32 : index
      %get3A_1695 = tpu.vector_load %arg8[%get3A_1694] {strides = array<i32>} : memref<208xi32, #tpu.memory_space<vmem>>, vector<16xi32>,
      %ge3A_1696 = vector.broadcast %add3A_6 : i32 to vector<16xi32>
      %ge3A_1697 = arith.cmpi sge, %get3A_1695, %ge3A_1696 : vector<16xi32>
      %add3A_1698 = arith.constant 128 : i32
      %add3A_1699 = arith.addi %add3A_6, %add3A_1698 : i32
      %lt3A_1700 = vector.broadcast %add3A_1699 : i32 to vector<16xi32>
      %lt3A_1701 = arith.cmpi slt, %get3A_1695, %lt3A_1700 : vector<16xi32>
      %and3A_1702 = arith.andi %ge3A_1697, %lt3A_1701 : vector<16xi1>
      %all_reduce_population_count3A_1703 = tpu.all_reduce %and3A_1702 {dim = 0 : i64, kind = #tpu.reduction_kind<sum>} : vector<16xi1> -> vector<16xi32>
      %reduce_max3A_1704 = arith.constant true
      %reduce_max3A_1705 = vector.broadcast %reduce_max3A_1704 : i1 to vector<16xi1>
      %reduce_max3A_1706 = arith.constant -2147483648 : i32
      %reduce_max3A_1707 = vector.broadcast %reduce_max3A_1706 : i32 to vector<16xi32>
      %reduce_max3A_1708 = arith.xori %all_reduce_population_count3A_1703, %reduce_max3A_1707 : vector<16xi32>
      %reduce_max3A_1709 = tpu.scan <max>, %reduce_max3A_1708 masked %reduce_max3A_1705 : vector<16xi32>, vector<16xi1> -> vector<16xi32>
      %reduce_max3A_1710 = arith.xori %reduce_max3A_1709, %reduce_max3A_1707 : vector<16xi32>
      %reduce_max3A_1711 = vector.extract %reduce_max3A_1710[15] : i32 from vector<16xi32>
      %or3A_1712 = arith.ori %or3A_1693, %reduce_max3A_1711 : i32
      %get3A_1713 = arith.constant 48 : index
      %get3A_1714 = tpu.vector_load %arg8[%get3A_1713] {strides = array<i32>} : memref<208xi32, #tpu.memory_space<vmem>>, vector<16xi32>,
      %ge3A_1715 = vector.broadcast %add3A_6 : i32 to vector<16xi32>
      %ge3A_1716 = arith.cmpi sge, %get3A_1714, %ge3A_1715 : vector<16xi32>
      %add3A_1717 = arith.constant 128 : i32
      %add3A_1718 = arith.addi %add3A_6, %add3A_1717 : i32
      %lt3A_1719 = vector.broadcast %add3A_1718 : i32 to vector<16xi32>
      %lt3A_1720 = arith.cmpi slt, %get3A_1714, %lt3A_1719 : vector<16xi32>
      %and3A_1721 = arith.andi %ge3A_1716, %lt3A_1720 : vector<16xi1>
      %all_reduce_population_count3A_1722 = tpu.all_reduce %and3A_1721 {dim = 0 : i64, kind = #tpu.reduction_kind<sum>} : vector<16xi1> -> vector<16xi32>
      %reduce_max3A_1723 = arith.constant true
      %reduce_max3A_1724 = vector.broadcast %reduce_max3A_1723 : i1 to vector<16xi1>
      %reduce_max3A_1725 = arith.constant -2147483648 : i32
      %reduce_max3A_1726 = vector.broadcast %reduce_max3A_1725 : i32 to vector<16xi32>
      %reduce_max3A_1727 = arith.xori %all_reduce_population_count3A_1722, %reduce_max3A_1726 : vector<16xi32>
      %reduce_max3A_1728 = tpu.scan <max>, %reduce_max3A_1727 masked %reduce_max3A_1724 : vector<16xi32>, vector<16xi1> -> vector<16xi32>
      %reduce_max3A_1729 = arith.xori %reduce_max3A_1728, %reduce_max3A_1726 : vector<16xi32>
      %reduce_max3A_1730 = vector.extract %reduce_max3A_1729[15] : i32 from vector<16xi32>
      %or3A_1731 = arith.ori %or3A_1712, %reduce_max3A_1730 : i32
      %get3A_1732 = arith.constant 64 : index
      %get3A_1733 = tpu.vector_load %arg8[%get3A_1732] {strides = array<i32>} : memref<208xi32, #tpu.memory_space<vmem>>, vector<16xi32>,
      %ge3A_1734 = vector.broadcast %add3A_6 : i32 to vector<16xi32>
      %ge3A_1735 = arith.cmpi sge, %get3A_1733, %ge3A_1734 : vector<16xi32>
      %add3A_1736 = arith.constant 128 : i32
      %add3A_1737 = arith.addi %add3A_6, %add3A_1736 : i32
      %lt3A_1738 = vector.broadcast %add3A_1737 : i32 to vector<16xi32>
      %lt3A_1739 = arith.cmpi slt, %get3A_1733, %lt3A_1738 : vector<16xi32>
      %and3A_1740 = arith.andi %ge3A_1735, %lt3A_1739 : vector<16xi1>
      %all_reduce_population_count3A_1741 = tpu.all_reduce %and3A_1740 {dim = 0 : i64, kind = #tpu.reduction_kind<sum>} : vector<16xi1> -> vector<16xi32>
      %reduce_max3A_1742 = arith.constant true
      %reduce_max3A_1743 = vector.broadcast %reduce_max3A_1742 : i1 to vector<16xi1>
      %reduce_max3A_1744 = arith.constant -2147483648 : i32
      %reduce_max3A_1745 = vector.broadcast %reduce_max3A_1744 : i32 to vector<16xi32>
      %reduce_max3A_1746 = arith.xori %all_reduce_population_count3A_1741, %reduce_max3A_1745 : vector<16xi32>
      %reduce_max3A_1747 = tpu.scan <max>, %reduce_max3A_1746 masked %reduce_max3A_1743 : vector<16xi32>, vector<16xi1> -> vector<16xi32>
      %reduce_max3A_1748 = arith.xori %reduce_max3A_1747, %reduce_max3A_1745 : vector<16xi32>
      %reduce_max3A_1749 = vector.extract %reduce_max3A_1748[15] : i32 from vector<16xi32>
      %or3A_1750 = arith.ori %or3A_1731, %reduce_max3A_1749 : i32
      %get3A_1751 = arith.constant 80 : index
      %get3A_1752 = tpu.vector_load %arg8[%get3A_1751] {strides = array<i32>} : memref<208xi32, #tpu.memory_space<vmem>>, vector<16xi32>,
      %ge3A_1753 = vector.broadcast %add3A_6 : i32 to vector<16xi32>
      %ge3A_1754 = arith.cmpi sge, %get3A_1752, %ge3A_1753 : vector<16xi32>
      %add3A_1755 = arith.constant 128 : i32
      %add3A_1756 = arith.addi %add3A_6, %add3A_1755 : i32
      %lt3A_1757 = vector.broadcast %add3A_1756 : i32 to vector<16xi32>
      %lt3A_1758 = arith.cmpi slt, %get3A_1752, %lt3A_1757 : vector<16xi32>
      %and3A_1759 = arith.andi %ge3A_1754, %lt3A_1758 : vector<16xi1>
      %all_reduce_population_count3A_1760 = tpu.all_reduce %and3A_1759 {dim = 0 : i64, kind = #tpu.reduction_kind<sum>} : vector<16xi1> -> vector<16xi32>
      %reduce_max3A_1761 = arith.constant true
      %reduce_max3A_1762 = vector.broadcast %reduce_max3A_1761 : i1 to vector<16xi1>
      %reduce_max3A_1763 = arith.constant -2147483648 : i32
      %reduce_max3A_1764 = vector.broadcast %reduce_max3A_1763 : i32 to vector<16xi32>
      %reduce_max3A_1765 = arith.xori %all_reduce_population_count3A_1760, %reduce_max3A_1764 : vector<16xi32>
      %reduce_max3A_1766 = tpu.scan <max>, %reduce_max3A_1765 masked %reduce_max3A_1762 : vector<16xi32>, vector<16xi1> -> vector<16xi32>
      %reduce_max3A_1767 = arith.xori %reduce_max3A_1766, %reduce_max3A_1764 : vector<16xi32>
      %reduce_max3A_1768 = vector.extract %reduce_max3A_1767[15] : i32 from vector<16xi32>
      %or3A_1769 = arith.ori %or3A_1750, %reduce_max3A_1768 : i32
      %get3A_1770 = arith.constant 96 : index
      %get3A_1771 = tpu.vector_load %arg8[%get3A_1770] {strides = array<i32>} : memref<208xi32, #tpu.memory_space<vmem>>, vector<16xi32>,
      %ge3A_1772 = vector.broadcast %add3A_6 : i32 to vector<16xi32>
      %ge3A_1773 = arith.cmpi sge, %get3A_1771, %ge3A_1772 : vector<16xi32>
      %add3A_1774 = arith.constant 128 : i32
      %add3A_1775 = arith.addi %add3A_6, %add3A_1774 : i32
      %lt3A_1776 = vector.broadcast %add3A_1775 : i32 to vector<16xi32>
      %lt3A_1777 = arith.cmpi slt, %get3A_1771, %lt3A_1776 : vector<16xi32>
      %and3A_1778 = arith.andi %ge3A_1773, %lt3A_1777 : vector<16xi1>
      %all_reduce_population_count3A_1779 = tpu.all_reduce %and3A_1778 {dim = 0 : i64, kind = #tpu.reduction_kind<sum>} : vector<16xi1> -> vector<16xi32>
      %reduce_max3A_1780 = arith.constant true
      %reduce_max3A_1781 = vector.broadcast %reduce_max3A_1780 : i1 to vector<16xi1>
      %reduce_max3A_1782 = arith.constant -2147483648 : i32
      %reduce_max3A_1783 = vector.broadcast %reduce_max3A_1782 : i32 to vector<16xi32>
      %reduce_max3A_1784 = arith.xori %all_reduce_population_count3A_1779, %reduce_max3A_1783 : vector<16xi32>
      %reduce_max3A_1785 = tpu.scan <max>, %reduce_max3A_1784 masked %reduce_max3A_1781 : vector<16xi32>, vector<16xi1> -> vector<16xi32>
      %reduce_max3A_1786 = arith.xori %reduce_max3A_1785, %reduce_max3A_1783 : vector<16xi32>
      %reduce_max3A_1787 = vector.extract %reduce_max3A_1786[15] : i32 from vector<16xi32>
      %or3A_1788 = arith.ori %or3A_1769, %reduce_max3A_1787 : i32
      %get3A_1789 = arith.constant 112 : index
      %get3A_1790 = tpu.vector_load %arg8[%get3A_1789] {strides = array<i32>} : memref<208xi32, #tpu.memory_space<vmem>>, vector<16xi32>,
      %ge3A_1791 = vector.broadcast %add3A_6 : i32 to vector<16xi32>
      %ge3A_1792 = arith.cmpi sge, %get3A_1790, %ge3A_1791 : vector<16xi32>
      %add3A_1793 = arith.constant 128 : i32
      %add3A_1794 = arith.addi %add3A_6, %add3A_1793 : i32
      %lt3A_1795 = vector.broadcast %add3A_1794 : i32 to vector<16xi32>
      %lt3A_1796 = arith.cmpi slt, %get3A_1790, %lt3A_1795 : vector<16xi32>
      %and3A_1797 = arith.andi %ge3A_1792, %lt3A_1796 : vector<16xi1>
      %all_reduce_population_count3A_1798 = tpu.all_reduce %and3A_1797 {dim = 0 : i64, kind = #tpu.reduction_kind<sum>} : vector<16xi1> -> vector<16xi32>
      %reduce_max3A_1799 = arith.constant true
      %reduce_max3A_1800 = vector.broadcast %reduce_max3A_1799 : i1 to vector<16xi1>
      %reduce_max3A_1801 = arith.constant -2147483648 : i32
      %reduce_max3A_1802 = vector.broadcast %reduce_max3A_1801 : i32 to vector<16xi32>
      %reduce_max3A_1803 = arith.xori %all_reduce_population_count3A_1798, %reduce_max3A_1802 : vector<16xi32>
      %reduce_max3A_1804 = tpu.scan <max>, %reduce_max3A_1803 masked %reduce_max3A_1800 : vector<16xi32>, vector<16xi1> -> vector<16xi32>
      %reduce_max3A_1805 = arith.xori %reduce_max3A_1804, %reduce_max3A_1802 : vector<16xi32>
      %reduce_max3A_1806 = vector.extract %reduce_max3A_1805[15] : i32 from vector<16xi32>
      %or3A_1807 = arith.ori %or3A_1788, %reduce_max3A_1806 : i32
      %get3A_1808 = arith.constant 128 : index
      %get3A_1809 = tpu.vector_load %arg8[%get3A_1808] {strides = array<i32>} : memref<208xi32, #tpu.memory_space<vmem>>, vector<16xi32>,
      %ge3A_1810 = vector.broadcast %add3A_6 : i32 to vector<16xi32>
      %ge3A_1811 = arith.cmpi sge, %get3A_1809, %ge3A_1810 : vector<16xi32>
      %add3A_1812 = arith.constant 128 : i32
      %add3A_1813 = arith.addi %add3A_6, %add3A_1812 : i32
      %lt3A_1814 = vector.broadcast %add3A_1813 : i32 to vector<16xi32>
      %lt3A_1815 = arith.cmpi slt, %get3A_1809, %lt3A_1814 : vector<16xi32>
      %and3A_1816 = arith.andi %ge3A_1811, %lt3A_1815 : vector<16xi1>
      %all_reduce_population_count3A_1817 = tpu.all_reduce %and3A_1816 {dim = 0 : i64, kind = #tpu.reduction_kind<sum>} : vector<16xi1> -> vector<16xi32>
      %reduce_max3A_1818 = arith.constant true
      %reduce_max3A_1819 = vector.broadcast %reduce_max3A_1818 : i1 to vector<16xi1>
      %reduce_max3A_1820 = arith.constant -2147483648 : i32
      %reduce_max3A_1821 = vector.broadcast %reduce_max3A_1820 : i32 to vector<16xi32>
      %reduce_max3A_1822 = arith.xori %all_reduce_population_count3A_1817, %reduce_max3A_1821 : vector<16xi32>
      %reduce_max3A_1823 = tpu.scan <max>, %reduce_max3A_1822 masked %reduce_max3A_1819 : vector<16xi32>, vector<16xi1> -> vector<16xi32>
      %reduce_max3A_1824 = arith.xori %reduce_max3A_1823, %reduce_max3A_1821 : vector<16xi32>
      %reduce_max3A_1825 = vector.extract %reduce_max3A_1824[15] : i32 from vector<16xi32>
      %or3A_1826 = arith.ori %or3A_1807, %reduce_max3A_1825 : i32
      %get3A_1827 = arith.constant 144 : index
      %get3A_1828 = tpu.vector_load %arg8[%get3A_1827] {strides = array<i32>} : memref<208xi32, #tpu.memory_space<vmem>>, vector<16xi32>,
      %ge3A_1829 = vector.broadcast %add3A_6 : i32 to vector<16xi32>
      %ge3A_1830 = arith.cmpi sge, %get3A_1828, %ge3A_1829 : vector<16xi32>
      %add3A_1831 = arith.constant 128 : i32
      %add3A_1832 = arith.addi %add3A_6, %add3A_1831 : i32
      %lt3A_1833 = vector.broadcast %add3A_1832 : i32 to vector<16xi32>
      %lt3A_1834 = arith.cmpi slt, %get3A_1828, %lt3A_1833 : vector<16xi32>
      %and3A_1835 = arith.andi %ge3A_1830, %lt3A_1834 : vector<16xi1>
      %all_reduce_population_count3A_1836 = tpu.all_reduce %and3A_1835 {dim = 0 : i64, kind = #tpu.reduction_kind<sum>} : vector<16xi1> -> vector<16xi32>
      %reduce_max3A_1837 = arith.constant true
      %reduce_max3A_1838 = vector.broadcast %reduce_max3A_1837 : i1 to vector<16xi1>
      %reduce_max3A_1839 = arith.constant -2147483648 : i32
      %reduce_max3A_1840 = vector.broadcast %reduce_max3A_1839 : i32 to vector<16xi32>
      %reduce_max3A_1841 = arith.xori %all_reduce_population_count3A_1836, %reduce_max3A_1840 : vector<16xi32>
      %reduce_max3A_1842 = tpu.scan <max>, %reduce_max3A_1841 masked %reduce_max3A_1838 : vector<16xi32>, vector<16xi1> -> vector<16xi32>
      %reduce_max3A_1843 = arith.xori %reduce_max3A_1842, %reduce_max3A_1840 : vector<16xi32>
      %reduce_max3A_1844 = vector.extract %reduce_max3A_1843[15] : i32 from vector<16xi32>
      %or3A_1845 = arith.ori %or3A_1826, %reduce_max3A_1844 : i32
      %get3A_1846 = arith.constant 160 : index
      %get3A_1847 = tpu.vector_load %arg8[%get3A_1846] {strides = array<i32>} : memref<208xi32, #tpu.memory_space<vmem>>, vector<16xi32>,
      %ge3A_1848 = vector.broadcast %add3A_6 : i32 to vector<16xi32>
      %ge3A_1849 = arith.cmpi sge, %get3A_1847, %ge3A_1848 : vector<16xi32>
      %add3A_1850 = arith.constant 128 : i32
      %add3A_1851 = arith.addi %add3A_6, %add3A_1850 : i32
      %lt3A_1852 = vector.broadcast %add3A_1851 : i32 to vector<16xi32>
      %lt3A_1853 = arith.cmpi slt, %get3A_1847, %lt3A_1852 : vector<16xi32>
      %and3A_1854 = arith.andi %ge3A_1849, %lt3A_1853 : vector<16xi1>
      %all_reduce_population_count3A_1855 = tpu.all_reduce %and3A_1854 {dim = 0 : i64, kind = #tpu.reduction_kind<sum>} : vector<16xi1> -> vector<16xi32>
      %reduce_max3A_1856 = arith.constant true
      %reduce_max3A_1857 = vector.broadcast %reduce_max3A_1856 : i1 to vector<16xi1>
      %reduce_max3A_1858 = arith.constant -2147483648 : i32
      %reduce_max3A_1859 = vector.broadcast %reduce_max3A_1858 : i32 to vector<16xi32>
      %reduce_max3A_1860 = arith.xori %all_reduce_population_count3A_1855, %reduce_max3A_1859 : vector<16xi32>
      %reduce_max3A_1861 = tpu.scan <max>, %reduce_max3A_1860 masked %reduce_max3A_1857 : vector<16xi32>, vector<16xi1> -> vector<16xi32>
      %reduce_max3A_1862 = arith.xori %reduce_max3A_1861, %reduce_max3A_1859 : vector<16xi32>
      %reduce_max3A_1863 = vector.extract %reduce_max3A_1862[15] : i32 from vector<16xi32>
      %or3A_1864 = arith.ori %or3A_1845, %reduce_max3A_1863 : i32
      %get3A_1865 = arith.constant 176 : index
      %get3A_1866 = tpu.vector_load %arg8[%get3A_1865] {strides = array<i32>} : memref<208xi32, #tpu.memory_space<vmem>>, vector<16xi32>,
      %ge3A_1867 = vector.broadcast %add3A_6 : i32 to vector<16xi32>
      %ge3A_1868 = arith.cmpi sge, %get3A_1866, %ge3A_1867 : vector<16xi32>
      %add3A_1869 = arith.constant 128 : i32
      %add3A_1870 = arith.addi %add3A_6, %add3A_1869 : i32
      %lt3A_1871 = vector.broadcast %add3A_1870 : i32 to vector<16xi32>
      %lt3A_1872 = arith.cmpi slt, %get3A_1866, %lt3A_1871 : vector<16xi32>
      %and3A_1873 = arith.andi %ge3A_1868, %lt3A_1872 : vector<16xi1>
      %all_reduce_population_count3A_1874 = tpu.all_reduce %and3A_1873 {dim = 0 : i64, kind = #tpu.reduction_kind<sum>} : vector<16xi1> -> vector<16xi32>
      %reduce_max3A_1875 = arith.constant true
      %reduce_max3A_1876 = vector.broadcast %reduce_max3A_1875 : i1 to vector<16xi1>
      %reduce_max3A_1877 = arith.constant -2147483648 : i32
      %reduce_max3A_1878 = vector.broadcast %reduce_max3A_1877 : i32 to vector<16xi32>
      %reduce_max3A_1879 = arith.xori %all_reduce_population_count3A_1874, %reduce_max3A_1878 : vector<16xi32>
      %reduce_max3A_1880 = tpu.scan <max>, %reduce_max3A_1879 masked %reduce_max3A_1876 : vector<16xi32>, vector<16xi1> -> vector<16xi32>
      %reduce_max3A_1881 = arith.xori %reduce_max3A_1880, %reduce_max3A_1878 : vector<16xi32>
      %reduce_max3A_1882 = vector.extract %reduce_max3A_1881[15] : i32 from vector<16xi32>
      %or3A_1883 = arith.ori %or3A_1864, %reduce_max3A_1882 : i32
      %get3A_1884 = arith.constant 192 : index
      %get3A_1885 = tpu.vector_load %arg8[%get3A_1884] {strides = array<i32>} : memref<208xi32, #tpu.memory_space<vmem>>, vector<16xi32>,
      %ge3A_1886 = vector.broadcast %add3A_6 : i32 to vector<16xi32>
      %ge3A_1887 = arith.cmpi sge, %get3A_1885, %ge3A_1886 : vector<16xi32>
      %add3A_1888 = arith.constant 128 : i32
      %add3A_1889 = arith.addi %add3A_6, %add3A_1888 : i32
      %lt3A_1890 = vector.broadcast %add3A_1889 : i32 to vector<16xi32>
      %lt3A_1891 = arith.cmpi slt, %get3A_1885, %lt3A_1890 : vector<16xi32>
      %and3A_1892 = arith.andi %ge3A_1887, %lt3A_1891 : vector<16xi1>
      %all_reduce_population_count3A_1893 = tpu.all_reduce %and3A_1892 {dim = 0 : i64, kind = #tpu.reduction_kind<sum>} : vector<16xi1> -> vector<16xi32>
      %reduce_max3A_1894 = arith.constant true
      %reduce_max3A_1895 = vector.broadcast %reduce_max3A_1894 : i1 to vector<16xi1>
      %reduce_max3A_1896 = arith.constant -2147483648 : i32
      %reduce_max3A_1897 = vector.broadcast %reduce_max3A_1896 : i32 to vector<16xi32>
      %reduce_max3A_1898 = arith.xori %all_reduce_population_count3A_1893, %reduce_max3A_1897 : vector<16xi32>
      %reduce_max3A_1899 = tpu.scan <max>, %reduce_max3A_1898 masked %reduce_max3A_1895 : vector<16xi32>, vector<16xi1> -> vector<16xi32>
      %reduce_max3A_1900 = arith.xori %reduce_max3A_1899, %reduce_max3A_1897 : vector<16xi32>
      %reduce_max3A_1901 = vector.extract %reduce_max3A_1900[15] : i32 from vector<16xi32>
      %or3A_1902 = arith.ori %or3A_1883, %reduce_max3A_1901 : i32
      %gt3A_1903 = arith.constant 0 : i32
      %gt3A_1904 = arith.cmpi sgt, %or3A_1902, %gt3A_1903 : i32
      %convert_element_type3A_1905 = arith.extui %gt3A_1904 : i1 to i32
      %cond3A_1906 = arith.constant 0 : i32
      %cond3A_1907 = arith.cmpi ne, %convert_element_type3A_1905, %cond3A_1906 : i32
      scf.if %cond3A_1907 {
        %scan3A = arith.constant 0 : i32
        %scan3A_1908 = arith.constant 0 : i32
        %scan3A_1909 = arith.constant 13 : i32
        %scan3A_1910 = arith.addi %scan3A_1908, %scan3A_1909 : i32
        %scan3A_1911 = arith.constant 1 : i32
        scf.for %scan3A_1913 = %scan3A_1908 to %scan3A_1910 step %scan3A_1911  : i32 {
          %mul3A_1914 = arith.constant 16 : i32
          %mul3A_1915 = arith.muli %scan3A_1913, %mul3A_1914 : i32
          %get3A_1916 = arith.index_cast %mul3A_1915 : i32 to index
          %get3A_1917 = tpu.vector_load %arg8[%get3A_1916] {strides = array<i32>} : memref<208xi32, #tpu.memory_space<vmem>>, vector<16xi32>,
          %ge3A_1918 = vector.broadcast %add3A_6 : i32 to vector<16xi32>
          %ge3A_1919 = arith.cmpi sge, %get3A_1917, %ge3A_1918 : vector<16xi32>
          %add3A_1920 = arith.constant 128 : i32
          %add3A_1921 = arith.addi %add3A_6, %add3A_1920 : i32
          %lt3A_1922 = vector.broadcast %add3A_1921 : i32 to vector<16xi32>
          %lt3A_1923 = arith.cmpi slt, %get3A_1917, %lt3A_1922 : vector<16xi32>
          %and3A_1924 = arith.andi %ge3A_1919, %lt3A_1923 : vector<16xi1>
          %all_reduce_population_count3A_1925 = tpu.all_reduce %and3A_1924 {dim = 0 : i64, kind = #tpu.reduction_kind<sum>} : vector<16xi1> -> vector<16xi32>
          %reduce_max3A_1926 = arith.constant true
          %reduce_max3A_1927 = vector.broadcast %reduce_max3A_1926 : i1 to vector<16xi1>
          %reduce_max3A_1928 = arith.constant -2147483648 : i32
          %reduce_max3A_1929 = vector.broadcast %reduce_max3A_1928 : i32 to vector<16xi32>
          %reduce_max3A_1930 = arith.xori %all_reduce_population_count3A_1925, %reduce_max3A_1929 : vector<16xi32>
          %reduce_max3A_1931 = tpu.scan <max>, %reduce_max3A_1930 masked %reduce_max3A_1927 : vector<16xi32>, vector<16xi1> -> vector<16xi32>
          %reduce_max3A_1932 = arith.xori %reduce_max3A_1931, %reduce_max3A_1929 : vector<16xi32>
          %reduce_max3A_1933 = vector.extract %reduce_max3A_1932[15] : i32 from vector<16xi32>
          %gt3A_1934 = arith.constant 0 : i32
          %gt3A_1935 = arith.cmpi sgt, %reduce_max3A_1933, %gt3A_1934 : i32
          %convert_element_type3A_1936 = arith.extui %gt3A_1935 : i1 to i32
          %cond3A_1937 = arith.constant 0 : i32
          %cond3A_1938 = arith.cmpi ne, %convert_element_type3A_1936, %cond3A_1937 : i32
          scf.if %cond3A_1938 {
            %sub3A = vector.broadcast %add3A_6 : i32 to vector<16xi32>
            %sub3A_1939 = arith.subi %get3A_1917, %sub3A : vector<16xi32>
            %jit3A_1940 = arith.constant 0 : i32
            %broadcast_in_dim3A_1941 = vector.broadcast %jit3A_1940 : i32 to vector<16xi32>
            %select_n3A_1942 = arith.select %and3A_1924, %sub3A_1939, %broadcast_in_dim3A_1941 : vector<16xi1>, vector<16xi32>
            %mul3A_1943 = arith.constant 16 : i32
            %mul3A_1944 = arith.muli %scan3A_1913, %mul3A_1943 : i32
            %add3A_1945 = vector.broadcast %mul3A_1944 : i32 to vector<16xi32>
            %add3A_1946 = arith.addi %iota3A, %add3A_1945 : vector<16xi32>
            %min3A = arith.constant 199 : i32
            %min3A_1947 = vector.broadcast %min3A : i32 to vector<16xi32>
            %min3A_1948 = arith.minsi %add3A_1946, %min3A_1947 : vector<16xi32>
            %broadcast_in_dim3A_1949 = arith.constant 0 : i32
            %broadcast_in_dim3A_1950 = vector.broadcast %broadcast_in_dim3A_1949 : i32 to vector<16xi32>
            %gather3A = tpu.vector_load_idx %arg9[%broadcast_in_dim3A_1950, %min3A_1948] masked %and3A_1924 : memref<32x200xf32, #tpu.memory_space<vmem>>[vector<16xi32>, vector<16xi32>], vector<16xf32>, vector<16xi1>
            %gather3A_1951 = tpu.vector_load_idx %arg11[%broadcast_in_dim3A_1950, %select_n3A_1942] masked %and3A_1924 : memref<32x128xf32, #tpu.memory_space<vmem>>[vector<16xi32>, vector<16xi32>], vector<16xf32>, vector<16xi1>
            %mul3A_1952 = arith.constant 0.00999999977 : f32
            %mul3A_1953 = vector.broadcast %mul3A_1952 : f32 to vector<16xf32>
            %mul3A_1954 = arith.mulf %mul3A_1953, %gather3A : vector<16xf32>
            %sub3A_1955 = arith.subf %gather3A_1951, %mul3A_1954 : vector<16xf32>
            tpu.vector_store_idx %arg11[%broadcast_in_dim3A_1950, %select_n3A_1942], %sub3A_1955 masked %and3A_1924 : memref<32x128xf32, #tpu.memory_space<vmem>>[vector<16xi32>, vector<16xi32>], vector<16xf32>, vector<16xi1>
            %broadcast_in_dim3A_1956 = arith.constant 1 : i32
            %broadcast_in_dim3A_1957 = vector.broadcast %broadcast_in_dim3A_1956 : i32 to vector<16xi32>
            %gather3A_1958 = tpu.vector_load_idx %arg9[%broadcast_in_dim3A_1957, %min3A_1948] masked %and3A_1924 : memref<32x200xf32, #tpu.memory_space<vmem>>[vector<16xi32>, vector<16xi32>], vector<16xf32>, vector<16xi1>
            %gather3A_1959 = tpu.vector_load_idx %arg11[%broadcast_in_dim3A_1957, %select_n3A_1942] masked %and3A_1924 : memref<32x128xf32, #tpu.memory_space<vmem>>[vector<16xi32>, vector<16xi32>], vector<16xf32>, vector<16xi1>
            %mul3A_1960 = arith.constant 0.00999999977 : f32
            %mul3A_1961 = vector.broadcast %mul3A_1960 : f32 to vector<16xf32>
            %mul3A_1962 = arith.mulf %mul3A_1961, %gather3A_1958 : vector<16xf32>
            %sub3A_1963 = arith.subf %gather3A_1959, %mul3A_1962 : vector<16xf32>
            tpu.vector_store_idx %arg11[%broadcast_in_dim3A_1957, %select_n3A_1942], %sub3A_1963 masked %and3A_1924 : memref<32x128xf32, #tpu.memory_space<vmem>>[vector<16xi32>, vector<16xi32>], vector<16xf32>, vector<16xi1>
            %broadcast_in_dim3A_1964 = arith.constant 2 : i32
            %broadcast_in_dim3A_1965 = vector.broadcast %broadcast_in_dim3A_1964 : i32 to vector<16xi32>
            %gather3A_1966 = tpu.vector_load_idx %arg9[%broadcast_in_dim3A_1965, %min3A_1948] masked %and3A_1924 : memref<32x200xf32, #tpu.memory_space<vmem>>[vector<16xi32>, vector<16xi32>], vector<16xf32>, vector<16xi1>
            %gather3A_1967 = tpu.vector_load_idx %arg11[%broadcast_in_dim3A_1965, %select_n3A_1942] masked %and3A_1924 : memref<32x128xf32, #tpu.memory_space<vmem>>[vector<16xi32>, vector<16xi32>], vector<16xf32>, vector<16xi1>
            %mul3A_1968 = arith.constant 0.00999999977 : f32
            %mul3A_1969 = vector.broadcast %mul3A_1968 : f32 to vector<16xf32>
            %mul3A_1970 = arith.mulf %mul3A_1969, %gather3A_1966 : vector<16xf32>
            %sub3A_1971 = arith.subf %gather3A_1967, %mul3A_1970 : vector<16xf32>
            tpu.vector_store_idx %arg11[%broadcast_in_dim3A_1965, %select_n3A_1942], %sub3A_1971 masked %and3A_1924 : memref<32x128xf32, #tpu.memory_space<vmem>>[vector<16xi32>, vector<16xi32>], vector<16xf32>, vector<16xi1>
            %broadcast_in_dim3A_1972 = arith.constant 3 : i32
            %broadcast_in_dim3A_1973 = vector.broadcast %broadcast_in_dim3A_1972 : i32 to vector<16xi32>
            %gather3A_1974 = tpu.vector_load_idx %arg9[%broadcast_in_dim3A_1973, %min3A_1948] masked %and3A_1924 : memref<32x200xf32, #tpu.memory_space<vmem>>[vector<16xi32>, vector<16xi32>], vector<16xf32>, vector<16xi1>
            %gather3A_1975 = tpu.vector_load_idx %arg11[%broadcast_in_dim3A_1973, %select_n3A_1942] masked %and3A_1924 : memref<32x128xf32, #tpu.memory_space<vmem>>[vector<16xi32>, vector<16xi32>], vector<16xf32>, vector<16xi1>
            %mul3A_1976 = arith.constant 0.00999999977 : f32
            %mul3A_1977 = vector.broadcast %mul3A_1976 : f32 to vector<16xf32>
            %mul3A_1978 = arith.mulf %mul3A_1977, %gather3A_1974 : vector<16xf32>
            %sub3A_1979 = arith.subf %gather3A_1975, %mul3A_1978 : vector<16xf32>
            tpu.vector_store_idx %arg11[%broadcast_in_dim3A_1973, %select_n3A_1942], %sub3A_1979 masked %and3A_1924 : memref<32x128xf32, #tpu.memory_space<vmem>>[vector<16xi32>, vector<16xi32>], vector<16xf32>, vector<16xi1>
            %broadcast_in_dim3A_1980 = arith.constant 4 : i32
            %broadcast_in_dim3A_1981 = vector.broadcast %broadcast_in_dim3A_1980 : i32 to vector<16xi32>
            %gather3A_1982 = tpu.vector_load_idx %arg9[%broadcast_in_dim3A_1981, %min3A_1948] masked %and3A_1924 : memref<32x200xf32, #tpu.memory_space<vmem>>[vector<16xi32>, vector<16xi32>], vector<16xf32>, vector<16xi1>
            %gather3A_1983 = tpu.vector_load_idx %arg11[%broadcast_in_dim3A_1981, %select_n3A_1942] masked %and3A_1924 : memref<32x128xf32, #tpu.memory_space<vmem>>[vector<16xi32>, vector<16xi32>], vector<16xf32>, vector<16xi1>
            %mul3A_1984 = arith.constant 0.00999999977 : f32
            %mul3A_1985 = vector.broadcast %mul3A_1984 : f32 to vector<16xf32>
            %mul3A_1986 = arith.mulf %mul3A_1985, %gather3A_1982 : vector<16xf32>
            %sub3A_1987 = arith.subf %gather3A_1983, %mul3A_1986 : vector<16xf32>
            tpu.vector_store_idx %arg11[%broadcast_in_dim3A_1981, %select_n3A_1942], %sub3A_1987 masked %and3A_1924 : memref<32x128xf32, #tpu.memory_space<vmem>>[vector<16xi32>, vector<16xi32>], vector<16xf32>, vector<16xi1>
            %broadcast_in_dim3A_1988 = arith.constant 5 : i32
            %broadcast_in_dim3A_1989 = vector.broadcast %broadcast_in_dim3A_1988 : i32 to vector<16xi32>
            %gather3A_1990 = tpu.vector_load_idx %arg9[%broadcast_in_dim3A_1989, %min3A_1948] masked %and3A_1924 : memref<32x200xf32, #tpu.memory_space<vmem>>[vector<16xi32>, vector<16xi32>], vector<16xf32>, vector<16xi1>
            %gather3A_1991 = tpu.vector_load_idx %arg11[%broadcast_in_dim3A_1989, %select_n3A_1942] masked %and3A_1924 : memref<32x128xf32, #tpu.memory_space<vmem>>[vector<16xi32>, vector<16xi32>], vector<16xf32>, vector<16xi1>
            %mul3A_1992 = arith.constant 0.00999999977 : f32
            %mul3A_1993 = vector.broadcast %mul3A_1992 : f32 to vector<16xf32>
            %mul3A_1994 = arith.mulf %mul3A_1993, %gather3A_1990 : vector<16xf32>
            %sub3A_1995 = arith.subf %gather3A_1991, %mul3A_1994 : vector<16xf32>
            tpu.vector_store_idx %arg11[%broadcast_in_dim3A_1989, %select_n3A_1942], %sub3A_1995 masked %and3A_1924 : memref<32x128xf32, #tpu.memory_space<vmem>>[vector<16xi32>, vector<16xi32>], vector<16xf32>, vector<16xi1>
            %broadcast_in_dim3A_1996 = arith.constant 6 : i32
            %broadcast_in_dim3A_1997 = vector.broadcast %broadcast_in_dim3A_1996 : i32 to vector<16xi32>
            %gather3A_1998 = tpu.vector_load_idx %arg9[%broadcast_in_dim3A_1997, %min3A_1948] masked %and3A_1924 : memref<32x200xf32, #tpu.memory_space<vmem>>[vector<16xi32>, vector<16xi32>], vector<16xf32>, vector<16xi1>
            %gather3A_1999 = tpu.vector_load_idx %arg11[%broadcast_in_dim3A_1997, %select_n3A_1942] masked %and3A_1924 : memref<32x128xf32, #tpu.memory_space<vmem>>[vector<16xi32>, vector<16xi32>], vector<16xf32>, vector<16xi1>
            %mul3A_2000 = arith.constant 0.00999999977 : f32
            %mul3A_2001 = vector.broadcast %mul3A_2000 : f32 to vector<16xf32>
            %mul3A_2002 = arith.mulf %mul3A_2001, %gather3A_1998 : vector<16xf32>
            %sub3A_2003 = arith.subf %gather3A_1999, %mul3A_2002 : vector<16xf32>
            tpu.vector_store_idx %arg11[%broadcast_in_dim3A_1997, %select_n3A_1942], %sub3A_2003 masked %and3A_1924 : memref<32x128xf32, #tpu.memory_space<vmem>>[vector<16xi32>, vector<16xi32>], vector<16xf32>, vector<16xi1>
            %broadcast_in_dim3A_2004 = arith.constant 7 : i32
            %broadcast_in_dim3A_2005 = vector.broadcast %broadcast_in_dim3A_2004 : i32 to vector<16xi32>
            %gather3A_2006 = tpu.vector_load_idx %arg9[%broadcast_in_dim3A_2005, %min3A_1948] masked %and3A_1924 : memref<32x200xf32, #tpu.memory_space<vmem>>[vector<16xi32>, vector<16xi32>], vector<16xf32>, vector<16xi1>
            %gather3A_2007 = tpu.vector_load_idx %arg11[%broadcast_in_dim3A_2005, %select_n3A_1942] masked %and3A_1924 : memref<32x128xf32, #tpu.memory_space<vmem>>[vector<16xi32>, vector<16xi32>], vector<16xf32>, vector<16xi1>
            %mul3A_2008 = arith.constant 0.00999999977 : f32
            %mul3A_2009 = vector.broadcast %mul3A_2008 : f32 to vector<16xf32>
            %mul3A_2010 = arith.mulf %mul3A_2009, %gather3A_2006 : vector<16xf32>
            %sub3A_2011 = arith.subf %gather3A_2007, %mul3A_2010 : vector<16xf32>
            tpu.vector_store_idx %arg11[%broadcast_in_dim3A_2005, %select_n3A_1942], %sub3A_2011 masked %and3A_1924 : memref<32x128xf32, #tpu.memory_space<vmem>>[vector<16xi32>, vector<16xi32>], vector<16xf32>, vector<16xi1>
            %broadcast_in_dim3A_2012 = arith.constant 8 : i32
            %broadcast_in_dim3A_2013 = vector.broadcast %broadcast_in_dim3A_2012 : i32 to vector<16xi32>
            %gather3A_2014 = tpu.vector_load_idx %arg9[%broadcast_in_dim3A_2013, %min3A_1948] masked %and3A_1924 : memref<32x200xf32, #tpu.memory_space<vmem>>[vector<16xi32>, vector<16xi32>], vector<16xf32>, vector<16xi1>
            %gather3A_2015 = tpu.vector_load_idx %arg11[%broadcast_in_dim3A_2013, %select_n3A_1942] masked %and3A_1924 : memref<32x128xf32, #tpu.memory_space<vmem>>[vector<16xi32>, vector<16xi32>], vector<16xf32>, vector<16xi1>
            %mul3A_2016 = arith.constant 0.00999999977 : f32
            %mul3A_2017 = vector.broadcast %mul3A_2016 : f32 to vector<16xf32>
            %mul3A_2018 = arith.mulf %mul3A_2017, %gather3A_2014 : vector<16xf32>
            %sub3A_2019 = arith.subf %gather3A_2015, %mul3A_2018 : vector<16xf32>
            tpu.vector_store_idx %arg11[%broadcast_in_dim3A_2013, %select_n3A_1942], %sub3A_2019 masked %and3A_1924 : memref<32x128xf32, #tpu.memory_space<vmem>>[vector<16xi32>, vector<16xi32>], vector<16xf32>, vector<16xi1>
            %broadcast_in_dim3A_2020 = arith.constant 9 : i32
            %broadcast_in_dim3A_2021 = vector.broadcast %broadcast_in_dim3A_2020 : i32 to vector<16xi32>
            %gather3A_2022 = tpu.vector_load_idx %arg9[%broadcast_in_dim3A_2021, %min3A_1948] masked %and3A_1924 : memref<32x200xf32, #tpu.memory_space<vmem>>[vector<16xi32>, vector<16xi32>], vector<16xf32>, vector<16xi1>
            %gather3A_2023 = tpu.vector_load_idx %arg11[%broadcast_in_dim3A_2021, %select_n3A_1942] masked %and3A_1924 : memref<32x128xf32, #tpu.memory_space<vmem>>[vector<16xi32>, vector<16xi32>], vector<16xf32>, vector<16xi1>
            %mul3A_2024 = arith.constant 0.00999999977 : f32
            %mul3A_2025 = vector.broadcast %mul3A_2024 : f32 to vector<16xf32>
            %mul3A_2026 = arith.mulf %mul3A_2025, %gather3A_2022 : vector<16xf32>
            %sub3A_2027 = arith.subf %gather3A_2023, %mul3A_2026 : vector<16xf32>
            tpu.vector_store_idx %arg11[%broadcast_in_dim3A_2021, %select_n3A_1942], %sub3A_2027 masked %and3A_1924 : memref<32x128xf32, #tpu.memory_space<vmem>>[vector<16xi32>, vector<16xi32>], vector<16xf32>, vector<16xi1>
            %broadcast_in_dim3A_2028 = arith.constant 10 : i32
            %broadcast_in_dim3A_2029 = vector.broadcast %broadcast_in_dim3A_2028 : i32 to vector<16xi32>
            %gather3A_2030 = tpu.vector_load_idx %arg9[%broadcast_in_dim3A_2029, %min3A_1948] masked %and3A_1924 : memref<32x200xf32, #tpu.memory_space<vmem>>[vector<16xi32>, vector<16xi32>], vector<16xf32>, vector<16xi1>
            %gather3A_2031 = tpu.vector_load_idx %arg11[%broadcast_in_dim3A_2029, %select_n3A_1942] masked %and3A_1924 : memref<32x128xf32, #tpu.memory_space<vmem>>[vector<16xi32>, vector<16xi32>], vector<16xf32>, vector<16xi1>
            %mul3A_2032 = arith.constant 0.00999999977 : f32
            %mul3A_2033 = vector.broadcast %mul3A_2032 : f32 to vector<16xf32>
            %mul3A_2034 = arith.mulf %mul3A_2033, %gather3A_2030 : vector<16xf32>
            %sub3A_2035 = arith.subf %gather3A_2031, %mul3A_2034 : vector<16xf32>
            tpu.vector_store_idx %arg11[%broadcast_in_dim3A_2029, %select_n3A_1942], %sub3A_2035 masked %and3A_1924 : memref<32x128xf32, #tpu.memory_space<vmem>>[vector<16xi32>, vector<16xi32>], vector<16xf32>, vector<16xi1>
            %broadcast_in_dim3A_2036 = arith.constant 11 : i32
            %broadcast_in_dim3A_2037 = vector.broadcast %broadcast_in_dim3A_2036 : i32 to vector<16xi32>
            %gather3A_2038 = tpu.vector_load_idx %arg9[%broadcast_in_dim3A_2037, %min3A_1948] masked %and3A_1924 : memref<32x200xf32, #tpu.memory_space<vmem>>[vector<16xi32>, vector<16xi32>], vector<16xf32>, vector<16xi1>
            %gather3A_2039 = tpu.vector_load_idx %arg11[%broadcast_in_dim3A_2037, %select_n3A_1942] masked %and3A_1924 : memref<32x128xf32, #tpu.memory_space<vmem>>[vector<16xi32>, vector<16xi32>], vector<16xf32>, vector<16xi1>
            %mul3A_2040 = arith.constant 0.00999999977 : f32
            %mul3A_2041 = vector.broadcast %mul3A_2040 : f32 to vector<16xf32>
            %mul3A_2042 = arith.mulf %mul3A_2041, %gather3A_2038 : vector<16xf32>
            %sub3A_2043 = arith.subf %gather3A_2039, %mul3A_2042 : vector<16xf32>
            tpu.vector_store_idx %arg11[%broadcast_in_dim3A_2037, %select_n3A_1942], %sub3A_2043 masked %and3A_1924 : memref<32x128xf32, #tpu.memory_space<vmem>>[vector<16xi32>, vector<16xi32>], vector<16xf32>, vector<16xi1>
            %broadcast_in_dim3A_2044 = arith.constant 12 : i32
            %broadcast_in_dim3A_2045 = vector.broadcast %broadcast_in_dim3A_2044 : i32 to vector<16xi32>
            %gather3A_2046 = tpu.vector_load_idx %arg9[%broadcast_in_dim3A_2045, %min3A_1948] masked %and3A_1924 : memref<32x200xf32, #tpu.memory_space<vmem>>[vector<16xi32>, vector<16xi32>], vector<16xf32>, vector<16xi1>
            %gather3A_2047 = tpu.vector_load_idx %arg11[%broadcast_in_dim3A_2045, %select_n3A_1942] masked %and3A_1924 : memref<32x128xf32, #tpu.memory_space<vmem>>[vector<16xi32>, vector<16xi32>], vector<16xf32>, vector<16xi1>
            %mul3A_2048 = arith.constant 0.00999999977 : f32
            %mul3A_2049 = vector.broadcast %mul3A_2048 : f32 to vector<16xf32>
            %mul3A_2050 = arith.mulf %mul3A_2049, %gather3A_2046 : vector<16xf32>
            %sub3A_2051 = arith.subf %gather3A_2047, %mul3A_2050 : vector<16xf32>
            tpu.vector_store_idx %arg11[%broadcast_in_dim3A_2045, %select_n3A_1942], %sub3A_2051 masked %and3A_1924 : memref<32x128xf32, #tpu.memory_space<vmem>>[vector<16xi32>, vector<16xi32>], vector<16xf32>, vector<16xi1>
            %broadcast_in_dim3A_2052 = arith.constant 13 : i32
            %broadcast_in_dim3A_2053 = vector.broadcast %broadcast_in_dim3A_2052 : i32 to vector<16xi32>
            %gather3A_2054 = tpu.vector_load_idx %arg9[%broadcast_in_dim3A_2053, %min3A_1948] masked %and3A_1924 : memref<32x200xf32, #tpu.memory_space<vmem>>[vector<16xi32>, vector<16xi32>], vector<16xf32>, vector<16xi1>
            %gather3A_2055 = tpu.vector_load_idx %arg11[%broadcast_in_dim3A_2053, %select_n3A_1942] masked %and3A_1924 : memref<32x128xf32, #tpu.memory_space<vmem>>[vector<16xi32>, vector<16xi32>], vector<16xf32>, vector<16xi1>
            %mul3A_2056 = arith.constant 0.00999999977 : f32
            %mul3A_2057 = vector.broadcast %mul3A_2056 : f32 to vector<16xf32>
            %mul3A_2058 = arith.mulf %mul3A_2057, %gather3A_2054 : vector<16xf32>
            %sub3A_2059 = arith.subf %gather3A_2055, %mul3A_2058 : vector<16xf32>
            tpu.vector_store_idx %arg11[%broadcast_in_dim3A_2053, %select_n3A_1942], %sub3A_2059 masked %and3A_1924 : memref<32x128xf32, #tpu.memory_space<vmem>>[vector<16xi32>, vector<16xi32>], vector<16xf32>, vector<16xi1>
            %broadcast_in_dim3A_2060 = arith.constant 14 : i32
            %broadcast_in_dim3A_2061 = vector.broadcast %broadcast_in_dim3A_2060 : i32 to vector<16xi32>
            %gather3A_2062 = tpu.vector_load_idx %arg9[%broadcast_in_dim3A_2061, %min3A_1948] masked %and3A_1924 : memref<32x200xf32, #tpu.memory_space<vmem>>[vector<16xi32>, vector<16xi32>], vector<16xf32>, vector<16xi1>
            %gather3A_2063 = tpu.vector_load_idx %arg11[%broadcast_in_dim3A_2061, %select_n3A_1942] masked %and3A_1924 : memref<32x128xf32, #tpu.memory_space<vmem>>[vector<16xi32>, vector<16xi32>], vector<16xf32>, vector<16xi1>
            %mul3A_2064 = arith.constant 0.00999999977 : f32
            %mul3A_2065 = vector.broadcast %mul3A_2064 : f32 to vector<16xf32>
            %mul3A_2066 = arith.mulf %mul3A_2065, %gather3A_2062 : vector<16xf32>
            %sub3A_2067 = arith.subf %gather3A_2063, %mul3A_2066 : vector<16xf32>
            tpu.vector_store_idx %arg11[%broadcast_in_dim3A_2061, %select_n3A_1942], %sub3A_2067 masked %and3A_1924 : memref<32x128xf32, #tpu.memory_space<vmem>>[vector<16xi32>, vector<16xi32>], vector<16xf32>, vector<16xi1>
            %broadcast_in_dim3A_2068 = arith.constant 15 : i32
            %broadcast_in_dim3A_2069 = vector.broadcast %broadcast_in_dim3A_2068 : i32 to vector<16xi32>
            %gather3A_2070 = tpu.vector_load_idx %arg9[%broadcast_in_dim3A_2069, %min3A_1948] masked %and3A_1924 : memref<32x200xf32, #tpu.memory_space<vmem>>[vector<16xi32>, vector<16xi32>], vector<16xf32>, vector<16xi1>
            %gather3A_2071 = tpu.vector_load_idx %arg11[%broadcast_in_dim3A_2069, %select_n3A_1942] masked %and3A_1924 : memref<32x128xf32, #tpu.memory_space<vmem>>[vector<16xi32>, vector<16xi32>], vector<16xf32>, vector<16xi1>
            %mul3A_2072 = arith.constant 0.00999999977 : f32
            %mul3A_2073 = vector.broadcast %mul3A_2072 : f32 to vector<16xf32>
            %mul3A_2074 = arith.mulf %mul3A_2073, %gather3A_2070 : vector<16xf32>
            %sub3A_2075 = arith.subf %gather3A_2071, %mul3A_2074 : vector<16xf32>
            tpu.vector_store_idx %arg11[%broadcast_in_dim3A_2069, %select_n3A_1942], %sub3A_2075 masked %and3A_1924 : memref<32x128xf32, #tpu.memory_space<vmem>>[vector<16xi32>, vector<16xi32>], vector<16xf32>, vector<16xi1>
            %broadcast_in_dim3A_2076 = arith.constant 16 : i32
            %broadcast_in_dim3A_2077 = vector.broadcast %broadcast_in_dim3A_2076 : i32 to vector<16xi32>
            %gather3A_2078 = tpu.vector_load_idx %arg9[%broadcast_in_dim3A_2077, %min3A_1948] masked %and3A_1924 : memref<32x200xf32, #tpu.memory_space<vmem>>[vector<16xi32>, vector<16xi32>], vector<16xf32>, vector<16xi1>
            %gather3A_2079 = tpu.vector_load_idx %arg11[%broadcast_in_dim3A_2077, %select_n3A_1942] masked %and3A_1924 : memref<32x128xf32, #tpu.memory_space<vmem>>[vector<16xi32>, vector<16xi32>], vector<16xf32>, vector<16xi1>
            %mul3A_2080 = arith.constant 0.00999999977 : f32
            %mul3A_2081 = vector.broadcast %mul3A_2080 : f32 to vector<16xf32>
            %mul3A_2082 = arith.mulf %mul3A_2081, %gather3A_2078 : vector<16xf32>
            %sub3A_2083 = arith.subf %gather3A_2079, %mul3A_2082 : vector<16xf32>
            tpu.vector_store_idx %arg11[%broadcast_in_dim3A_2077, %select_n3A_1942], %sub3A_2083 masked %and3A_1924 : memref<32x128xf32, #tpu.memory_space<vmem>>[vector<16xi32>, vector<16xi32>], vector<16xf32>, vector<16xi1>
            %broadcast_in_dim3A_2084 = arith.constant 17 : i32
            %broadcast_in_dim3A_2085 = vector.broadcast %broadcast_in_dim3A_2084 : i32 to vector<16xi32>
            %gather3A_2086 = tpu.vector_load_idx %arg9[%broadcast_in_dim3A_2085, %min3A_1948] masked %and3A_1924 : memref<32x200xf32, #tpu.memory_space<vmem>>[vector<16xi32>, vector<16xi32>], vector<16xf32>, vector<16xi1>
            %gather3A_2087 = tpu.vector_load_idx %arg11[%broadcast_in_dim3A_2085, %select_n3A_1942] masked %and3A_1924 : memref<32x128xf32, #tpu.memory_space<vmem>>[vector<16xi32>, vector<16xi32>], vector<16xf32>, vector<16xi1>
            %mul3A_2088 = arith.constant 0.00999999977 : f32
            %mul3A_2089 = vector.broadcast %mul3A_2088 : f32 to vector<16xf32>
            %mul3A_2090 = arith.mulf %mul3A_2089, %gather3A_2086 : vector<16xf32>
            %sub3A_2091 = arith.subf %gather3A_2087, %mul3A_2090 : vector<16xf32>
            tpu.vector_store_idx %arg11[%broadcast_in_dim3A_2085, %select_n3A_1942], %sub3A_2091 masked %and3A_1924 : memref<32x128xf32, #tpu.memory_space<vmem>>[vector<16xi32>, vector<16xi32>], vector<16xf32>, vector<16xi1>
            %broadcast_in_dim3A_2092 = arith.constant 18 : i32
            %broadcast_in_dim3A_2093 = vector.broadcast %broadcast_in_dim3A_2092 : i32 to vector<16xi32>
            %gather3A_2094 = tpu.vector_load_idx %arg9[%broadcast_in_dim3A_2093, %min3A_1948] masked %and3A_1924 : memref<32x200xf32, #tpu.memory_space<vmem>>[vector<16xi32>, vector<16xi32>], vector<16xf32>, vector<16xi1>
            %gather3A_2095 = tpu.vector_load_idx %arg11[%broadcast_in_dim3A_2093, %select_n3A_1942] masked %and3A_1924 : memref<32x128xf32, #tpu.memory_space<vmem>>[vector<16xi32>, vector<16xi32>], vector<16xf32>, vector<16xi1>
            %mul3A_2096 = arith.constant 0.00999999977 : f32
            %mul3A_2097 = vector.broadcast %mul3A_2096 : f32 to vector<16xf32>
            %mul3A_2098 = arith.mulf %mul3A_2097, %gather3A_2094 : vector<16xf32>
            %sub3A_2099 = arith.subf %gather3A_2095, %mul3A_2098 : vector<16xf32>
            tpu.vector_store_idx %arg11[%broadcast_in_dim3A_2093, %select_n3A_1942], %sub3A_2099 masked %and3A_1924 : memref<32x128xf32, #tpu.memory_space<vmem>>[vector<16xi32>, vector<16xi32>], vector<16xf32>, vector<16xi1>
            %broadcast_in_dim3A_2100 = arith.constant 19 : i32
            %broadcast_in_dim3A_2101 = vector.broadcast %broadcast_in_dim3A_2100 : i32 to vector<16xi32>
            %gather3A_2102 = tpu.vector_load_idx %arg9[%broadcast_in_dim3A_2101, %min3A_1948] masked %and3A_1924 : memref<32x200xf32, #tpu.memory_space<vmem>>[vector<16xi32>, vector<16xi32>], vector<16xf32>, vector<16xi1>
            %gather3A_2103 = tpu.vector_load_idx %arg11[%broadcast_in_dim3A_2101, %select_n3A_1942] masked %and3A_1924 : memref<32x128xf32, #tpu.memory_space<vmem>>[vector<16xi32>, vector<16xi32>], vector<16xf32>, vector<16xi1>
            %mul3A_2104 = arith.constant 0.00999999977 : f32
            %mul3A_2105 = vector.broadcast %mul3A_2104 : f32 to vector<16xf32>
            %mul3A_2106 = arith.mulf %mul3A_2105, %gather3A_2102 : vector<16xf32>
            %sub3A_2107 = arith.subf %gather3A_2103, %mul3A_2106 : vector<16xf32>
            tpu.vector_store_idx %arg11[%broadcast_in_dim3A_2101, %select_n3A_1942], %sub3A_2107 masked %and3A_1924 : memref<32x128xf32, #tpu.memory_space<vmem>>[vector<16xi32>, vector<16xi32>], vector<16xf32>, vector<16xi1>
            %broadcast_in_dim3A_2108 = arith.constant 20 : i32
            %broadcast_in_dim3A_2109 = vector.broadcast %broadcast_in_dim3A_2108 : i32 to vector<16xi32>
            %gather3A_2110 = tpu.vector_load_idx %arg9[%broadcast_in_dim3A_2109, %min3A_1948] masked %and3A_1924 : memref<32x200xf32, #tpu.memory_space<vmem>>[vector<16xi32>, vector<16xi32>], vector<16xf32>, vector<16xi1>
            %gather3A_2111 = tpu.vector_load_idx %arg11[%broadcast_in_dim3A_2109, %select_n3A_1942] masked %and3A_1924 : memref<32x128xf32, #tpu.memory_space<vmem>>[vector<16xi32>, vector<16xi32>], vector<16xf32>, vector<16xi1>
            %mul3A_2112 = arith.constant 0.00999999977 : f32
            %mul3A_2113 = vector.broadcast %mul3A_2112 : f32 to vector<16xf32>
            %mul3A_2114 = arith.mulf %mul3A_2113, %gather3A_2110 : vector<16xf32>
            %sub3A_2115 = arith.subf %gather3A_2111, %mul3A_2114 : vector<16xf32>
            tpu.vector_store_idx %arg11[%broadcast_in_dim3A_2109, %select_n3A_1942], %sub3A_2115 masked %and3A_1924 : memref<32x128xf32, #tpu.memory_space<vmem>>[vector<16xi32>, vector<16xi32>], vector<16xf32>, vector<16xi1>
            %broadcast_in_dim3A_2116 = arith.constant 21 : i32
            %broadcast_in_dim3A_2117 = vector.broadcast %broadcast_in_dim3A_2116 : i32 to vector<16xi32>
            %gather3A_2118 = tpu.vector_load_idx %arg9[%broadcast_in_dim3A_2117, %min3A_1948] masked %and3A_1924 : memref<32x200xf32, #tpu.memory_space<vmem>>[vector<16xi32>, vector<16xi32>], vector<16xf32>, vector<16xi1>
            %gather3A_2119 = tpu.vector_load_idx %arg11[%broadcast_in_dim3A_2117, %select_n3A_1942] masked %and3A_1924 : memref<32x128xf32, #tpu.memory_space<vmem>>[vector<16xi32>, vector<16xi32>], vector<16xf32>, vector<16xi1>
            %mul3A_2120 = arith.constant 0.00999999977 : f32
            %mul3A_2121 = vector.broadcast %mul3A_2120 : f32 to vector<16xf32>
            %mul3A_2122 = arith.mulf %mul3A_2121, %gather3A_2118 : vector<16xf32>
            %sub3A_2123 = arith.subf %gather3A_2119, %mul3A_2122 : vector<16xf32>
            tpu.vector_store_idx %arg11[%broadcast_in_dim3A_2117, %select_n3A_1942], %sub3A_2123 masked %and3A_1924 : memref<32x128xf32, #tpu.memory_space<vmem>>[vector<16xi32>, vector<16xi32>], vector<16xf32>, vector<16xi1>
            %broadcast_in_dim3A_2124 = arith.constant 22 : i32
            %broadcast_in_dim3A_2125 = vector.broadcast %broadcast_in_dim3A_2124 : i32 to vector<16xi32>
            %gather3A_2126 = tpu.vector_load_idx %arg9[%broadcast_in_dim3A_2125, %min3A_1948] masked %and3A_1924 : memref<32x200xf32, #tpu.memory_space<vmem>>[vector<16xi32>, vector<16xi32>], vector<16xf32>, vector<16xi1>
            %gather3A_2127 = tpu.vector_load_idx %arg11[%broadcast_in_dim3A_2125, %select_n3A_1942] masked %and3A_1924 : memref<32x128xf32, #tpu.memory_space<vmem>>[vector<16xi32>, vector<16xi32>], vector<16xf32>, vector<16xi1>
            %mul3A_2128 = arith.constant 0.00999999977 : f32
            %mul3A_2129 = vector.broadcast %mul3A_2128 : f32 to vector<16xf32>
            %mul3A_2130 = arith.mulf %mul3A_2129, %gather3A_2126 : vector<16xf32>
            %sub3A_2131 = arith.subf %gather3A_2127, %mul3A_2130 : vector<16xf32>
            tpu.vector_store_idx %arg11[%broadcast_in_dim3A_2125, %select_n3A_1942], %sub3A_2131 masked %and3A_1924 : memref<32x128xf32, #tpu.memory_space<vmem>>[vector<16xi32>, vector<16xi32>], vector<16xf32>, vector<16xi1>
            %broadcast_in_dim3A_2132 = arith.constant 23 : i32
            %broadcast_in_dim3A_2133 = vector.broadcast %broadcast_in_dim3A_2132 : i32 to vector<16xi32>
            %gather3A_2134 = tpu.vector_load_idx %arg9[%broadcast_in_dim3A_2133, %min3A_1948] masked %and3A_1924 : memref<32x200xf32, #tpu.memory_space<vmem>>[vector<16xi32>, vector<16xi32>], vector<16xf32>, vector<16xi1>
            %gather3A_2135 = tpu.vector_load_idx %arg11[%broadcast_in_dim3A_2133, %select_n3A_1942] masked %and3A_1924 : memref<32x128xf32, #tpu.memory_space<vmem>>[vector<16xi32>, vector<16xi32>], vector<16xf32>, vector<16xi1>
            %mul3A_2136 = arith.constant 0.00999999977 : f32
            %mul3A_2137 = vector.broadcast %mul3A_2136 : f32 to vector<16xf32>
            %mul3A_2138 = arith.mulf %mul3A_2137, %gather3A_2134 : vector<16xf32>
            %sub3A_2139 = arith.subf %gather3A_2135, %mul3A_2138 : vector<16xf32>
            tpu.vector_store_idx %arg11[%broadcast_in_dim3A_2133, %select_n3A_1942], %sub3A_2139 masked %and3A_1924 : memref<32x128xf32, #tpu.memory_space<vmem>>[vector<16xi32>, vector<16xi32>], vector<16xf32>, vector<16xi1>
            %broadcast_in_dim3A_2140 = arith.constant 24 : i32
            %broadcast_in_dim3A_2141 = vector.broadcast %broadcast_in_dim3A_2140 : i32 to vector<16xi32>
            %gather3A_2142 = tpu.vector_load_idx %arg9[%broadcast_in_dim3A_2141, %min3A_1948] masked %and3A_1924 : memref<32x200xf32, #tpu.memory_space<vmem>>[vector<16xi32>, vector<16xi32>], vector<16xf32>, vector<16xi1>
            %gather3A_2143 = tpu.vector_load_idx %arg11[%broadcast_in_dim3A_2141, %select_n3A_1942] masked %and3A_1924 : memref<32x128xf32, #tpu.memory_space<vmem>>[vector<16xi32>, vector<16xi32>], vector<16xf32>, vector<16xi1>
            %mul3A_2144 = arith.constant 0.00999999977 : f32
            %mul3A_2145 = vector.broadcast %mul3A_2144 : f32 to vector<16xf32>
            %mul3A_2146 = arith.mulf %mul3A_2145, %gather3A_2142 : vector<16xf32>
            %sub3A_2147 = arith.subf %gather3A_2143, %mul3A_2146 : vector<16xf32>
            tpu.vector_store_idx %arg11[%broadcast_in_dim3A_2141, %select_n3A_1942], %sub3A_2147 masked %and3A_1924 : memref<32x128xf32, #tpu.memory_space<vmem>>[vector<16xi32>, vector<16xi32>], vector<16xf32>, vector<16xi1>
            %broadcast_in_dim3A_2148 = arith.constant 25 : i32
            %broadcast_in_dim3A_2149 = vector.broadcast %broadcast_in_dim3A_2148 : i32 to vector<16xi32>
            %gather3A_2150 = tpu.vector_load_idx %arg9[%broadcast_in_dim3A_2149, %min3A_1948] masked %and3A_1924 : memref<32x200xf32, #tpu.memory_space<vmem>>[vector<16xi32>, vector<16xi32>], vector<16xf32>, vector<16xi1>
            %gather3A_2151 = tpu.vector_load_idx %arg11[%broadcast_in_dim3A_2149, %select_n3A_1942] masked %and3A_1924 : memref<32x128xf32, #tpu.memory_space<vmem>>[vector<16xi32>, vector<16xi32>], vector<16xf32>, vector<16xi1>
            %mul3A_2152 = arith.constant 0.00999999977 : f32
            %mul3A_2153 = vector.broadcast %mul3A_2152 : f32 to vector<16xf32>
            %mul3A_2154 = arith.mulf %mul3A_2153, %gather3A_2150 : vector<16xf32>
            %sub3A_2155 = arith.subf %gather3A_2151, %mul3A_2154 : vector<16xf32>
            tpu.vector_store_idx %arg11[%broadcast_in_dim3A_2149, %select_n3A_1942], %sub3A_2155 masked %and3A_1924 : memref<32x128xf32, #tpu.memory_space<vmem>>[vector<16xi32>, vector<16xi32>], vector<16xf32>, vector<16xi1>
            %broadcast_in_dim3A_2156 = arith.constant 26 : i32
            %broadcast_in_dim3A_2157 = vector.broadcast %broadcast_in_dim3A_2156 : i32 to vector<16xi32>
            %gather3A_2158 = tpu.vector_load_idx %arg9[%broadcast_in_dim3A_2157, %min3A_1948] masked %and3A_1924 : memref<32x200xf32, #tpu.memory_space<vmem>>[vector<16xi32>, vector<16xi32>], vector<16xf32>, vector<16xi1>
            %gather3A_2159 = tpu.vector_load_idx %arg11[%broadcast_in_dim3A_2157, %select_n3A_1942] masked %and3A_1924 : memref<32x128xf32, #tpu.memory_space<vmem>>[vector<16xi32>, vector<16xi32>], vector<16xf32>, vector<16xi1>
            %mul3A_2160 = arith.constant 0.00999999977 : f32
            %mul3A_2161 = vector.broadcast %mul3A_2160 : f32 to vector<16xf32>
            %mul3A_2162 = arith.mulf %mul3A_2161, %gather3A_2158 : vector<16xf32>
            %sub3A_2163 = arith.subf %gather3A_2159, %mul3A_2162 : vector<16xf32>
            tpu.vector_store_idx %arg11[%broadcast_in_dim3A_2157, %select_n3A_1942], %sub3A_2163 masked %and3A_1924 : memref<32x128xf32, #tpu.memory_space<vmem>>[vector<16xi32>, vector<16xi32>], vector<16xf32>, vector<16xi1>
            %broadcast_in_dim3A_2164 = arith.constant 27 : i32
            %broadcast_in_dim3A_2165 = vector.broadcast %broadcast_in_dim3A_2164 : i32 to vector<16xi32>
            %gather3A_2166 = tpu.vector_load_idx %arg9[%broadcast_in_dim3A_2165, %min3A_1948] masked %and3A_1924 : memref<32x200xf32, #tpu.memory_space<vmem>>[vector<16xi32>, vector<16xi32>], vector<16xf32>, vector<16xi1>
            %gather3A_2167 = tpu.vector_load_idx %arg11[%broadcast_in_dim3A_2165, %select_n3A_1942] masked %and3A_1924 : memref<32x128xf32, #tpu.memory_space<vmem>>[vector<16xi32>, vector<16xi32>], vector<16xf32>, vector<16xi1>
            %mul3A_2168 = arith.constant 0.00999999977 : f32
            %mul3A_2169 = vector.broadcast %mul3A_2168 : f32 to vector<16xf32>
            %mul3A_2170 = arith.mulf %mul3A_2169, %gather3A_2166 : vector<16xf32>
            %sub3A_2171 = arith.subf %gather3A_2167, %mul3A_2170 : vector<16xf32>
            tpu.vector_store_idx %arg11[%broadcast_in_dim3A_2165, %select_n3A_1942], %sub3A_2171 masked %and3A_1924 : memref<32x128xf32, #tpu.memory_space<vmem>>[vector<16xi32>, vector<16xi32>], vector<16xf32>, vector<16xi1>
            %broadcast_in_dim3A_2172 = arith.constant 28 : i32
            %broadcast_in_dim3A_2173 = vector.broadcast %broadcast_in_dim3A_2172 : i32 to vector<16xi32>
            %gather3A_2174 = tpu.vector_load_idx %arg9[%broadcast_in_dim3A_2173, %min3A_1948] masked %and3A_1924 : memref<32x200xf32, #tpu.memory_space<vmem>>[vector<16xi32>, vector<16xi32>], vector<16xf32>, vector<16xi1>
            %gather3A_2175 = tpu.vector_load_idx %arg11[%broadcast_in_dim3A_2173, %select_n3A_1942] masked %and3A_1924 : memref<32x128xf32, #tpu.memory_space<vmem>>[vector<16xi32>, vector<16xi32>], vector<16xf32>, vector<16xi1>
            %mul3A_2176 = arith.constant 0.00999999977 : f32
            %mul3A_2177 = vector.broadcast %mul3A_2176 : f32 to vector<16xf32>
            %mul3A_2178 = arith.mulf %mul3A_2177, %gather3A_2174 : vector<16xf32>
            %sub3A_2179 = arith.subf %gather3A_2175, %mul3A_2178 : vector<16xf32>
            tpu.vector_store_idx %arg11[%broadcast_in_dim3A_2173, %select_n3A_1942], %sub3A_2179 masked %and3A_1924 : memref<32x128xf32, #tpu.memory_space<vmem>>[vector<16xi32>, vector<16xi32>], vector<16xf32>, vector<16xi1>
            %broadcast_in_dim3A_2180 = arith.constant 29 : i32
            %broadcast_in_dim3A_2181 = vector.broadcast %broadcast_in_dim3A_2180 : i32 to vector<16xi32>
            %gather3A_2182 = tpu.vector_load_idx %arg9[%broadcast_in_dim3A_2181, %min3A_1948] masked %and3A_1924 : memref<32x200xf32, #tpu.memory_space<vmem>>[vector<16xi32>, vector<16xi32>], vector<16xf32>, vector<16xi1>
            %gather3A_2183 = tpu.vector_load_idx %arg11[%broadcast_in_dim3A_2181, %select_n3A_1942] masked %and3A_1924 : memref<32x128xf32, #tpu.memory_space<vmem>>[vector<16xi32>, vector<16xi32>], vector<16xf32>, vector<16xi1>
            %mul3A_2184 = arith.constant 0.00999999977 : f32
            %mul3A_2185 = vector.broadcast %mul3A_2184 : f32 to vector<16xf32>
            %mul3A_2186 = arith.mulf %mul3A_2185, %gather3A_2182 : vector<16xf32>
            %sub3A_2187 = arith.subf %gather3A_2183, %mul3A_2186 : vector<16xf32>
            tpu.vector_store_idx %arg11[%broadcast_in_dim3A_2181, %select_n3A_1942], %sub3A_2187 masked %and3A_1924 : memref<32x128xf32, #tpu.memory_space<vmem>>[vector<16xi32>, vector<16xi32>], vector<16xf32>, vector<16xi1>
            %broadcast_in_dim3A_2188 = arith.constant 30 : i32
            %broadcast_in_dim3A_2189 = vector.broadcast %broadcast_in_dim3A_2188 : i32 to vector<16xi32>
            %gather3A_2190 = tpu.vector_load_idx %arg9[%broadcast_in_dim3A_2189, %min3A_1948] masked %and3A_1924 : memref<32x200xf32, #tpu.memory_space<vmem>>[vector<16xi32>, vector<16xi32>], vector<16xf32>, vector<16xi1>
            %gather3A_2191 = tpu.vector_load_idx %arg11[%broadcast_in_dim3A_2189, %select_n3A_1942] masked %and3A_1924 : memref<32x128xf32, #tpu.memory_space<vmem>>[vector<16xi32>, vector<16xi32>], vector<16xf32>, vector<16xi1>
            %mul3A_2192 = arith.constant 0.00999999977 : f32
            %mul3A_2193 = vector.broadcast %mul3A_2192 : f32 to vector<16xf32>
            %mul3A_2194 = arith.mulf %mul3A_2193, %gather3A_2190 : vector<16xf32>
            %sub3A_2195 = arith.subf %gather3A_2191, %mul3A_2194 : vector<16xf32>
            tpu.vector_store_idx %arg11[%broadcast_in_dim3A_2189, %select_n3A_1942], %sub3A_2195 masked %and3A_1924 : memref<32x128xf32, #tpu.memory_space<vmem>>[vector<16xi32>, vector<16xi32>], vector<16xf32>, vector<16xi1>
            %broadcast_in_dim3A_2196 = arith.constant 31 : i32
            %broadcast_in_dim3A_2197 = vector.broadcast %broadcast_in_dim3A_2196 : i32 to vector<16xi32>
            %gather3A_2198 = tpu.vector_load_idx %arg9[%broadcast_in_dim3A_2197, %min3A_1948] masked %and3A_1924 : memref<32x200xf32, #tpu.memory_space<vmem>>[vector<16xi32>, vector<16xi32>], vector<16xf32>, vector<16xi1>
            %gather3A_2199 = tpu.vector_load_idx %arg11[%broadcast_in_dim3A_2197, %select_n3A_1942] masked %and3A_1924 : memref<32x128xf32, #tpu.memory_space<vmem>>[vector<16xi32>, vector<16xi32>], vector<16xf32>, vector<16xi1>
            %mul3A_2200 = arith.constant 0.00999999977 : f32
            %mul3A_2201 = vector.broadcast %mul3A_2200 : f32 to vector<16xf32>
            %mul3A_2202 = arith.mulf %mul3A_2201, %gather3A_2198 : vector<16xf32>
            %sub3A_2203 = arith.subf %gather3A_2199, %mul3A_2202 : vector<16xf32>
            tpu.vector_store_idx %arg11[%broadcast_in_dim3A_2197, %select_n3A_1942], %sub3A_2203 masked %and3A_1924 : memref<32x128xf32, #tpu.memory_space<vmem>>[vector<16xi32>, vector<16xi32>], vector<16xf32>, vector<16xi1>
          } else {
          }
        }
        %scan3A_1912 = arith.constant 13 : i32
      } else {
      }
      "tpu.region"() ({
        %run_scoped3A = tpu.sem_alloc : memref<!tpu.dma_semaphore, #tpu.memory_space<semaphore_mem>>
        %dma_start3A_1908 = arith.constant 0 : i32
        %dma_start3A_1909 = tpu.memref_slice %arg6[%dma_start3A_1908, %add3A_6] : memref<32x100000xf32, #tpu.memory_space<hbm>> -> memref<32x128xf32, #tpu.memory_space<hbm>>
        %dma_start3A_1910 = arith.constant 0 : i32
        %dma_start3A_1911 = tpu.memref_slice %arg6[%dma_start3A_1910, %add3A_6] : memref<32x100000xf32, #tpu.memory_space<hbm>> -> memref<32x128xf32, #tpu.memory_space<hbm>>
        tpu.enqueue_dma source(%arg11 : memref<32x128xf32, #tpu.memory_space<vmem>>) target(%dma_start3A_1911 : memref<32x128xf32, #tpu.memory_space<hbm>>) target_semaphore(%run_scoped3A : memref<!tpu.dma_semaphore, #tpu.memory_space<semaphore_mem>>)
        %dma_wait3A_1912 = arith.constant 0 : i32
        %dma_wait3A_1913 = tpu.memref_slice %arg6[%dma_wait3A_1912, %add3A_6] : memref<32x100000xf32, #tpu.memory_space<hbm>> -> memref<32x128xf32, #tpu.memory_space<hbm>>
        %dma_wait3A_1914 = arith.constant 0 : i32
        %dma_wait3A_1915 = tpu.memref_slice %arg6[%dma_wait3A_1914, %add3A_6] : memref<32x100000xf32, #tpu.memory_space<hbm>> -> memref<32x128xf32, #tpu.memory_space<hbm>>
        tpu.wait_dma2 semaphore(%run_scoped3A : memref<!tpu.dma_semaphore, #tpu.memory_space<semaphore_mem>>) src(%arg11 : memref<32x128xf32, #tpu.memory_space<vmem>>) dst(%dma_wait3A_1915 : memref<32x128xf32, #tpu.memory_space<hbm>>)
        tpu.yield
      }) : () -> ()
    } else {
    }
    %convert_element_type3A_1644 = arith.extui %eq3A_8 : i1 to i32
    %cond3A_1645 = arith.constant 0 : i32
    %cond3A_1646 = arith.cmpi ne, %convert_element_type3A_1644, %cond3A_1645 : i32
    scf.if %cond3A_1646 {
      %dma_wait3A_1651 = arith.constant 0 : i32
      %dma_wait3A_1652 = arith.constant 99968 : i32
      %dma_wait3A_1653 = tpu.memref_slice %arg5[%dma_wait3A_1651, %dma_wait3A_1652] : memref<32x100000xf32, #tpu.memory_space<hbm>> -> memref<32x32xf32, #tpu.memory_space<hbm>>
      %dma_wait3A_1654 = arith.constant 0 : i32
      %dma_wait3A_1655 = arith.constant 99968 : i32
      %dma_wait3A_1656 = tpu.memref_slice %arg5[%dma_wait3A_1654, %dma_wait3A_1655] : memref<32x100000xf32, #tpu.memory_space<hbm>> -> memref<32x32xf32, #tpu.memory_space<hbm>>
      tpu.wait_dma2 semaphore(%arg14 : memref<!tpu.dma_semaphore, #tpu.memory_space<semaphore_mem>>) src(%dma_wait3A_1656 : memref<32x32xf32, #tpu.memory_space<hbm>>) dst(%arg12 : memref<32x32xf32, #tpu.memory_space<vmem>>)
      %get3A_1657 = arith.constant 0 : index
      %get3A_1658 = tpu.vector_load %arg8[%get3A_1657] {strides = array<i32>} : memref<208xi32, #tpu.memory_space<vmem>>, vector<16xi32>,
      %ge3A_1659 = arith.constant 99968 : i32
      %ge3A_1660 = vector.broadcast %ge3A_1659 : i32 to vector<16xi32>
      %ge3A_1661 = arith.cmpi sge, %get3A_1658, %ge3A_1660 : vector<16xi32>
      %lt3A_1662 = arith.constant 100000 : i32
      %lt3A_1663 = vector.broadcast %lt3A_1662 : i32 to vector<16xi32>
      %lt3A_1664 = arith.cmpi slt, %get3A_1658, %lt3A_1663 : vector<16xi32>
      %and3A_1665 = arith.andi %ge3A_1661, %lt3A_1664 : vector<16xi1>
      %all_reduce_population_count3A_1666 = tpu.all_reduce %and3A_1665 {dim = 0 : i64, kind = #tpu.reduction_kind<sum>} : vector<16xi1> -> vector<16xi32>
      %reduce_max3A_1667 = arith.constant true
      %reduce_max3A_1668 = vector.broadcast %reduce_max3A_1667 : i1 to vector<16xi1>
      %reduce_max3A_1669 = arith.constant -2147483648 : i32
      %reduce_max3A_1670 = vector.broadcast %reduce_max3A_1669 : i32 to vector<16xi32>
      %reduce_max3A_1671 = arith.xori %all_reduce_population_count3A_1666, %reduce_max3A_1670 : vector<16xi32>
      %reduce_max3A_1672 = tpu.scan <max>, %reduce_max3A_1671 masked %reduce_max3A_1668 : vector<16xi32>, vector<16xi1> -> vector<16xi32>
      %reduce_max3A_1673 = arith.xori %reduce_max3A_1672, %reduce_max3A_1670 : vector<16xi32>
      %reduce_max3A_1674 = vector.extract %reduce_max3A_1673[15] : i32 from vector<16xi32>
      %or3A_1675 = arith.constant 0 : i32
      %or3A_1676 = arith.ori %or3A_1675, %reduce_max3A_1674 : i32
      %get3A_1677 = arith.constant 16 : index
      %get3A_1678 = tpu.vector_load %arg8[%get3A_1677] {strides = array<i32>} : memref<208xi32, #tpu.memory_space<vmem>>, vector<16xi32>,
      %ge3A_1679 = arith.constant 99968 : i32
      %ge3A_1680 = vector.broadcast %ge3A_1679 : i32 to vector<16xi32>
      %ge3A_1681 = arith.cmpi sge, %get3A_1678, %ge3A_1680 : vector<16xi32>
      %lt3A_1682 = arith.constant 100000 : i32
      %lt3A_1683 = vector.broadcast %lt3A_1682 : i32 to vector<16xi32>
      %lt3A_1684 = arith.cmpi slt, %get3A_1678, %lt3A_1683 : vector<16xi32>
      %and3A_1685 = arith.andi %ge3A_1681, %lt3A_1684 : vector<16xi1>
      %all_reduce_population_count3A_1686 = tpu.all_reduce %and3A_1685 {dim = 0 : i64, kind = #tpu.reduction_kind<sum>} : vector<16xi1> -> vector<16xi32>
      %reduce_max3A_1687 = arith.constant true
      %reduce_max3A_1688 = vector.broadcast %reduce_max3A_1687 : i1 to vector<16xi1>
      %reduce_max3A_1689 = arith.constant -2147483648 : i32
      %reduce_max3A_1690 = vector.broadcast %reduce_max3A_1689 : i32 to vector<16xi32>
      %reduce_max3A_1691 = arith.xori %all_reduce_population_count3A_1686, %reduce_max3A_1690 : vector<16xi32>
      %reduce_max3A_1692 = tpu.scan <max>, %reduce_max3A_1691 masked %reduce_max3A_1688 : vector<16xi32>, vector<16xi1> -> vector<16xi32>
      %reduce_max3A_1693 = arith.xori %reduce_max3A_1692, %reduce_max3A_1690 : vector<16xi32>
      %reduce_max3A_1694 = vector.extract %reduce_max3A_1693[15] : i32 from vector<16xi32>
      %or3A_1695 = arith.ori %or3A_1676, %reduce_max3A_1694 : i32
      %get3A_1696 = arith.constant 32 : index
      %get3A_1697 = tpu.vector_load %arg8[%get3A_1696] {strides = array<i32>} : memref<208xi32, #tpu.memory_space<vmem>>, vector<16xi32>,
      %ge3A_1698 = arith.constant 99968 : i32
      %ge3A_1699 = vector.broadcast %ge3A_1698 : i32 to vector<16xi32>
      %ge3A_1700 = arith.cmpi sge, %get3A_1697, %ge3A_1699 : vector<16xi32>
      %lt3A_1701 = arith.constant 100000 : i32
      %lt3A_1702 = vector.broadcast %lt3A_1701 : i32 to vector<16xi32>
      %lt3A_1703 = arith.cmpi slt, %get3A_1697, %lt3A_1702 : vector<16xi32>
      %and3A_1704 = arith.andi %ge3A_1700, %lt3A_1703 : vector<16xi1>
      %all_reduce_population_count3A_1705 = tpu.all_reduce %and3A_1704 {dim = 0 : i64, kind = #tpu.reduction_kind<sum>} : vector<16xi1> -> vector<16xi32>
      %reduce_max3A_1706 = arith.constant true
      %reduce_max3A_1707 = vector.broadcast %reduce_max3A_1706 : i1 to vector<16xi1>
      %reduce_max3A_1708 = arith.constant -2147483648 : i32
      %reduce_max3A_1709 = vector.broadcast %reduce_max3A_1708 : i32 to vector<16xi32>
      %reduce_max3A_1710 = arith.xori %all_reduce_population_count3A_1705, %reduce_max3A_1709 : vector<16xi32>
      %reduce_max3A_1711 = tpu.scan <max>, %reduce_max3A_1710 masked %reduce_max3A_1707 : vector<16xi32>, vector<16xi1> -> vector<16xi32>
      %reduce_max3A_1712 = arith.xori %reduce_max3A_1711, %reduce_max3A_1709 : vector<16xi32>
      %reduce_max3A_1713 = vector.extract %reduce_max3A_1712[15] : i32 from vector<16xi32>
      %or3A_1714 = arith.ori %or3A_1695, %reduce_max3A_1713 : i32
      %get3A_1715 = arith.constant 48 : index
      %get3A_1716 = tpu.vector_load %arg8[%get3A_1715] {strides = array<i32>} : memref<208xi32, #tpu.memory_space<vmem>>, vector<16xi32>,
      %ge3A_1717 = arith.constant 99968 : i32
      %ge3A_1718 = vector.broadcast %ge3A_1717 : i32 to vector<16xi32>
      %ge3A_1719 = arith.cmpi sge, %get3A_1716, %ge3A_1718 : vector<16xi32>
      %lt3A_1720 = arith.constant 100000 : i32
      %lt3A_1721 = vector.broadcast %lt3A_1720 : i32 to vector<16xi32>
      %lt3A_1722 = arith.cmpi slt, %get3A_1716, %lt3A_1721 : vector<16xi32>
      %and3A_1723 = arith.andi %ge3A_1719, %lt3A_1722 : vector<16xi1>
      %all_reduce_population_count3A_1724 = tpu.all_reduce %and3A_1723 {dim = 0 : i64, kind = #tpu.reduction_kind<sum>} : vector<16xi1> -> vector<16xi32>
      %reduce_max3A_1725 = arith.constant true
      %reduce_max3A_1726 = vector.broadcast %reduce_max3A_1725 : i1 to vector<16xi1>
      %reduce_max3A_1727 = arith.constant -2147483648 : i32
      %reduce_max3A_1728 = vector.broadcast %reduce_max3A_1727 : i32 to vector<16xi32>
      %reduce_max3A_1729 = arith.xori %all_reduce_population_count3A_1724, %reduce_max3A_1728 : vector<16xi32>
      %reduce_max3A_1730 = tpu.scan <max>, %reduce_max3A_1729 masked %reduce_max3A_1726 : vector<16xi32>, vector<16xi1> -> vector<16xi32>
      %reduce_max3A_1731 = arith.xori %reduce_max3A_1730, %reduce_max3A_1728 : vector<16xi32>
      %reduce_max3A_1732 = vector.extract %reduce_max3A_1731[15] : i32 from vector<16xi32>
      %or3A_1733 = arith.ori %or3A_1714, %reduce_max3A_1732 : i32
      %get3A_1734 = arith.constant 64 : index
      %get3A_1735 = tpu.vector_load %arg8[%get3A_1734] {strides = array<i32>} : memref<208xi32, #tpu.memory_space<vmem>>, vector<16xi32>,
      %ge3A_1736 = arith.constant 99968 : i32
      %ge3A_1737 = vector.broadcast %ge3A_1736 : i32 to vector<16xi32>
      %ge3A_1738 = arith.cmpi sge, %get3A_1735, %ge3A_1737 : vector<16xi32>
      %lt3A_1739 = arith.constant 100000 : i32
      %lt3A_1740 = vector.broadcast %lt3A_1739 : i32 to vector<16xi32>
      %lt3A_1741 = arith.cmpi slt, %get3A_1735, %lt3A_1740 : vector<16xi32>
      %and3A_1742 = arith.andi %ge3A_1738, %lt3A_1741 : vector<16xi1>
      %all_reduce_population_count3A_1743 = tpu.all_reduce %and3A_1742 {dim = 0 : i64, kind = #tpu.reduction_kind<sum>} : vector<16xi1> -> vector<16xi32>
      %reduce_max3A_1744 = arith.constant true
      %reduce_max3A_1745 = vector.broadcast %reduce_max3A_1744 : i1 to vector<16xi1>
      %reduce_max3A_1746 = arith.constant -2147483648 : i32
      %reduce_max3A_1747 = vector.broadcast %reduce_max3A_1746 : i32 to vector<16xi32>
      %reduce_max3A_1748 = arith.xori %all_reduce_population_count3A_1743, %reduce_max3A_1747 : vector<16xi32>
      %reduce_max3A_1749 = tpu.scan <max>, %reduce_max3A_1748 masked %reduce_max3A_1745 : vector<16xi32>, vector<16xi1> -> vector<16xi32>
      %reduce_max3A_1750 = arith.xori %reduce_max3A_1749, %reduce_max3A_1747 : vector<16xi32>
      %reduce_max3A_1751 = vector.extract %reduce_max3A_1750[15] : i32 from vector<16xi32>
      %or3A_1752 = arith.ori %or3A_1733, %reduce_max3A_1751 : i32
      %get3A_1753 = arith.constant 80 : index
      %get3A_1754 = tpu.vector_load %arg8[%get3A_1753] {strides = array<i32>} : memref<208xi32, #tpu.memory_space<vmem>>, vector<16xi32>,
      %ge3A_1755 = arith.constant 99968 : i32
      %ge3A_1756 = vector.broadcast %ge3A_1755 : i32 to vector<16xi32>
      %ge3A_1757 = arith.cmpi sge, %get3A_1754, %ge3A_1756 : vector<16xi32>
      %lt3A_1758 = arith.constant 100000 : i32
      %lt3A_1759 = vector.broadcast %lt3A_1758 : i32 to vector<16xi32>
      %lt3A_1760 = arith.cmpi slt, %get3A_1754, %lt3A_1759 : vector<16xi32>
      %and3A_1761 = arith.andi %ge3A_1757, %lt3A_1760 : vector<16xi1>
      %all_reduce_population_count3A_1762 = tpu.all_reduce %and3A_1761 {dim = 0 : i64, kind = #tpu.reduction_kind<sum>} : vector<16xi1> -> vector<16xi32>
      %reduce_max3A_1763 = arith.constant true
      %reduce_max3A_1764 = vector.broadcast %reduce_max3A_1763 : i1 to vector<16xi1>
      %reduce_max3A_1765 = arith.constant -2147483648 : i32
      %reduce_max3A_1766 = vector.broadcast %reduce_max3A_1765 : i32 to vector<16xi32>
      %reduce_max3A_1767 = arith.xori %all_reduce_population_count3A_1762, %reduce_max3A_1766 : vector<16xi32>
      %reduce_max3A_1768 = tpu.scan <max>, %reduce_max3A_1767 masked %reduce_max3A_1764 : vector<16xi32>, vector<16xi1> -> vector<16xi32>
      %reduce_max3A_1769 = arith.xori %reduce_max3A_1768, %reduce_max3A_1766 : vector<16xi32>
      %reduce_max3A_1770 = vector.extract %reduce_max3A_1769[15] : i32 from vector<16xi32>
      %or3A_1771 = arith.ori %or3A_1752, %reduce_max3A_1770 : i32
      %get3A_1772 = arith.constant 96 : index
      %get3A_1773 = tpu.vector_load %arg8[%get3A_1772] {strides = array<i32>} : memref<208xi32, #tpu.memory_space<vmem>>, vector<16xi32>,
      %ge3A_1774 = arith.constant 99968 : i32
      %ge3A_1775 = vector.broadcast %ge3A_1774 : i32 to vector<16xi32>
      %ge3A_1776 = arith.cmpi sge, %get3A_1773, %ge3A_1775 : vector<16xi32>
      %lt3A_1777 = arith.constant 100000 : i32
      %lt3A_1778 = vector.broadcast %lt3A_1777 : i32 to vector<16xi32>
      %lt3A_1779 = arith.cmpi slt, %get3A_1773, %lt3A_1778 : vector<16xi32>
      %and3A_1780 = arith.andi %ge3A_1776, %lt3A_1779 : vector<16xi1>
      %all_reduce_population_count3A_1781 = tpu.all_reduce %and3A_1780 {dim = 0 : i64, kind = #tpu.reduction_kind<sum>} : vector<16xi1> -> vector<16xi32>
      %reduce_max3A_1782 = arith.constant true
      %reduce_max3A_1783 = vector.broadcast %reduce_max3A_1782 : i1 to vector<16xi1>
      %reduce_max3A_1784 = arith.constant -2147483648 : i32
      %reduce_max3A_1785 = vector.broadcast %reduce_max3A_1784 : i32 to vector<16xi32>
      %reduce_max3A_1786 = arith.xori %all_reduce_population_count3A_1781, %reduce_max3A_1785 : vector<16xi32>
      %reduce_max3A_1787 = tpu.scan <max>, %reduce_max3A_1786 masked %reduce_max3A_1783 : vector<16xi32>, vector<16xi1> -> vector<16xi32>
      %reduce_max3A_1788 = arith.xori %reduce_max3A_1787, %reduce_max3A_1785 : vector<16xi32>
      %reduce_max3A_1789 = vector.extract %reduce_max3A_1788[15] : i32 from vector<16xi32>
      %or3A_1790 = arith.ori %or3A_1771, %reduce_max3A_1789 : i32
      %get3A_1791 = arith.constant 112 : index
      %get3A_1792 = tpu.vector_load %arg8[%get3A_1791] {strides = array<i32>} : memref<208xi32, #tpu.memory_space<vmem>>, vector<16xi32>,
      %ge3A_1793 = arith.constant 99968 : i32
      %ge3A_1794 = vector.broadcast %ge3A_1793 : i32 to vector<16xi32>
      %ge3A_1795 = arith.cmpi sge, %get3A_1792, %ge3A_1794 : vector<16xi32>
      %lt3A_1796 = arith.constant 100000 : i32
      %lt3A_1797 = vector.broadcast %lt3A_1796 : i32 to vector<16xi32>
      %lt3A_1798 = arith.cmpi slt, %get3A_1792, %lt3A_1797 : vector<16xi32>
      %and3A_1799 = arith.andi %ge3A_1795, %lt3A_1798 : vector<16xi1>
      %all_reduce_population_count3A_1800 = tpu.all_reduce %and3A_1799 {dim = 0 : i64, kind = #tpu.reduction_kind<sum>} : vector<16xi1> -> vector<16xi32>
      %reduce_max3A_1801 = arith.constant true
      %reduce_max3A_1802 = vector.broadcast %reduce_max3A_1801 : i1 to vector<16xi1>
      %reduce_max3A_1803 = arith.constant -2147483648 : i32
      %reduce_max3A_1804 = vector.broadcast %reduce_max3A_1803 : i32 to vector<16xi32>
      %reduce_max3A_1805 = arith.xori %all_reduce_population_count3A_1800, %reduce_max3A_1804 : vector<16xi32>
      %reduce_max3A_1806 = tpu.scan <max>, %reduce_max3A_1805 masked %reduce_max3A_1802 : vector<16xi32>, vector<16xi1> -> vector<16xi32>
      %reduce_max3A_1807 = arith.xori %reduce_max3A_1806, %reduce_max3A_1804 : vector<16xi32>
      %reduce_max3A_1808 = vector.extract %reduce_max3A_1807[15] : i32 from vector<16xi32>
      %or3A_1809 = arith.ori %or3A_1790, %reduce_max3A_1808 : i32
      %get3A_1810 = arith.constant 128 : index
      %get3A_1811 = tpu.vector_load %arg8[%get3A_1810] {strides = array<i32>} : memref<208xi32, #tpu.memory_space<vmem>>, vector<16xi32>,
      %ge3A_1812 = arith.constant 99968 : i32
      %ge3A_1813 = vector.broadcast %ge3A_1812 : i32 to vector<16xi32>
      %ge3A_1814 = arith.cmpi sge, %get3A_1811, %ge3A_1813 : vector<16xi32>
      %lt3A_1815 = arith.constant 100000 : i32
      %lt3A_1816 = vector.broadcast %lt3A_1815 : i32 to vector<16xi32>
      %lt3A_1817 = arith.cmpi slt, %get3A_1811, %lt3A_1816 : vector<16xi32>
      %and3A_1818 = arith.andi %ge3A_1814, %lt3A_1817 : vector<16xi1>
      %all_reduce_population_count3A_1819 = tpu.all_reduce %and3A_1818 {dim = 0 : i64, kind = #tpu.reduction_kind<sum>} : vector<16xi1> -> vector<16xi32>
      %reduce_max3A_1820 = arith.constant true
      %reduce_max3A_1821 = vector.broadcast %reduce_max3A_1820 : i1 to vector<16xi1>
      %reduce_max3A_1822 = arith.constant -2147483648 : i32
      %reduce_max3A_1823 = vector.broadcast %reduce_max3A_1822 : i32 to vector<16xi32>
      %reduce_max3A_1824 = arith.xori %all_reduce_population_count3A_1819, %reduce_max3A_1823 : vector<16xi32>
      %reduce_max3A_1825 = tpu.scan <max>, %reduce_max3A_1824 masked %reduce_max3A_1821 : vector<16xi32>, vector<16xi1> -> vector<16xi32>
      %reduce_max3A_1826 = arith.xori %reduce_max3A_1825, %reduce_max3A_1823 : vector<16xi32>
      %reduce_max3A_1827 = vector.extract %reduce_max3A_1826[15] : i32 from vector<16xi32>
      %or3A_1828 = arith.ori %or3A_1809, %reduce_max3A_1827 : i32
      %get3A_1829 = arith.constant 144 : index
      %get3A_1830 = tpu.vector_load %arg8[%get3A_1829] {strides = array<i32>} : memref<208xi32, #tpu.memory_space<vmem>>, vector<16xi32>,
      %ge3A_1831 = arith.constant 99968 : i32
      %ge3A_1832 = vector.broadcast %ge3A_1831 : i32 to vector<16xi32>
      %ge3A_1833 = arith.cmpi sge, %get3A_1830, %ge3A_1832 : vector<16xi32>
      %lt3A_1834 = arith.constant 100000 : i32
      %lt3A_1835 = vector.broadcast %lt3A_1834 : i32 to vector<16xi32>
      %lt3A_1836 = arith.cmpi slt, %get3A_1830, %lt3A_1835 : vector<16xi32>
      %and3A_1837 = arith.andi %ge3A_1833, %lt3A_1836 : vector<16xi1>
      %all_reduce_population_count3A_1838 = tpu.all_reduce %and3A_1837 {dim = 0 : i64, kind = #tpu.reduction_kind<sum>} : vector<16xi1> -> vector<16xi32>
      %reduce_max3A_1839 = arith.constant true
      %reduce_max3A_1840 = vector.broadcast %reduce_max3A_1839 : i1 to vector<16xi1>
      %reduce_max3A_1841 = arith.constant -2147483648 : i32
      %reduce_max3A_1842 = vector.broadcast %reduce_max3A_1841 : i32 to vector<16xi32>
      %reduce_max3A_1843 = arith.xori %all_reduce_population_count3A_1838, %reduce_max3A_1842 : vector<16xi32>
      %reduce_max3A_1844 = tpu.scan <max>, %reduce_max3A_1843 masked %reduce_max3A_1840 : vector<16xi32>, vector<16xi1> -> vector<16xi32>
      %reduce_max3A_1845 = arith.xori %reduce_max3A_1844, %reduce_max3A_1842 : vector<16xi32>
      %reduce_max3A_1846 = vector.extract %reduce_max3A_1845[15] : i32 from vector<16xi32>
      %or3A_1847 = arith.ori %or3A_1828, %reduce_max3A_1846 : i32
      %get3A_1848 = arith.constant 160 : index
      %get3A_1849 = tpu.vector_load %arg8[%get3A_1848] {strides = array<i32>} : memref<208xi32, #tpu.memory_space<vmem>>, vector<16xi32>,
      %ge3A_1850 = arith.constant 99968 : i32
      %ge3A_1851 = vector.broadcast %ge3A_1850 : i32 to vector<16xi32>
      %ge3A_1852 = arith.cmpi sge, %get3A_1849, %ge3A_1851 : vector<16xi32>
      %lt3A_1853 = arith.constant 100000 : i32
      %lt3A_1854 = vector.broadcast %lt3A_1853 : i32 to vector<16xi32>
      %lt3A_1855 = arith.cmpi slt, %get3A_1849, %lt3A_1854 : vector<16xi32>
      %and3A_1856 = arith.andi %ge3A_1852, %lt3A_1855 : vector<16xi1>
      %all_reduce_population_count3A_1857 = tpu.all_reduce %and3A_1856 {dim = 0 : i64, kind = #tpu.reduction_kind<sum>} : vector<16xi1> -> vector<16xi32>
      %reduce_max3A_1858 = arith.constant true
      %reduce_max3A_1859 = vector.broadcast %reduce_max3A_1858 : i1 to vector<16xi1>
      %reduce_max3A_1860 = arith.constant -2147483648 : i32
      %reduce_max3A_1861 = vector.broadcast %reduce_max3A_1860 : i32 to vector<16xi32>
      %reduce_max3A_1862 = arith.xori %all_reduce_population_count3A_1857, %reduce_max3A_1861 : vector<16xi32>
      %reduce_max3A_1863 = tpu.scan <max>, %reduce_max3A_1862 masked %reduce_max3A_1859 : vector<16xi32>, vector<16xi1> -> vector<16xi32>
      %reduce_max3A_1864 = arith.xori %reduce_max3A_1863, %reduce_max3A_1861 : vector<16xi32>
      %reduce_max3A_1865 = vector.extract %reduce_max3A_1864[15] : i32 from vector<16xi32>
      %or3A_1866 = arith.ori %or3A_1847, %reduce_max3A_1865 : i32
      %get3A_1867 = arith.constant 176 : index
      %get3A_1868 = tpu.vector_load %arg8[%get3A_1867] {strides = array<i32>} : memref<208xi32, #tpu.memory_space<vmem>>, vector<16xi32>,
      %ge3A_1869 = arith.constant 99968 : i32
      %ge3A_1870 = vector.broadcast %ge3A_1869 : i32 to vector<16xi32>
      %ge3A_1871 = arith.cmpi sge, %get3A_1868, %ge3A_1870 : vector<16xi32>
      %lt3A_1872 = arith.constant 100000 : i32
      %lt3A_1873 = vector.broadcast %lt3A_1872 : i32 to vector<16xi32>
      %lt3A_1874 = arith.cmpi slt, %get3A_1868, %lt3A_1873 : vector<16xi32>
      %and3A_1875 = arith.andi %ge3A_1871, %lt3A_1874 : vector<16xi1>
      %all_reduce_population_count3A_1876 = tpu.all_reduce %and3A_1875 {dim = 0 : i64, kind = #tpu.reduction_kind<sum>} : vector<16xi1> -> vector<16xi32>
      %reduce_max3A_1877 = arith.constant true
      %reduce_max3A_1878 = vector.broadcast %reduce_max3A_1877 : i1 to vector<16xi1>
      %reduce_max3A_1879 = arith.constant -2147483648 : i32
      %reduce_max3A_1880 = vector.broadcast %reduce_max3A_1879 : i32 to vector<16xi32>
      %reduce_max3A_1881 = arith.xori %all_reduce_population_count3A_1876, %reduce_max3A_1880 : vector<16xi32>
      %reduce_max3A_1882 = tpu.scan <max>, %reduce_max3A_1881 masked %reduce_max3A_1878 : vector<16xi32>, vector<16xi1> -> vector<16xi32>
      %reduce_max3A_1883 = arith.xori %reduce_max3A_1882, %reduce_max3A_1880 : vector<16xi32>
      %reduce_max3A_1884 = vector.extract %reduce_max3A_1883[15] : i32 from vector<16xi32>
      %or3A_1885 = arith.ori %or3A_1866, %reduce_max3A_1884 : i32
      %get3A_1886 = arith.constant 192 : index
      %get3A_1887 = tpu.vector_load %arg8[%get3A_1886] {strides = array<i32>} : memref<208xi32, #tpu.memory_space<vmem>>, vector<16xi32>,
      %ge3A_1888 = arith.constant 99968 : i32
      %ge3A_1889 = vector.broadcast %ge3A_1888 : i32 to vector<16xi32>
      %ge3A_1890 = arith.cmpi sge, %get3A_1887, %ge3A_1889 : vector<16xi32>
      %lt3A_1891 = arith.constant 100000 : i32
      %lt3A_1892 = vector.broadcast %lt3A_1891 : i32 to vector<16xi32>
      %lt3A_1893 = arith.cmpi slt, %get3A_1887, %lt3A_1892 : vector<16xi32>
      %and3A_1894 = arith.andi %ge3A_1890, %lt3A_1893 : vector<16xi1>
      %all_reduce_population_count3A_1895 = tpu.all_reduce %and3A_1894 {dim = 0 : i64, kind = #tpu.reduction_kind<sum>} : vector<16xi1> -> vector<16xi32>
      %reduce_max3A_1896 = arith.constant true
      %reduce_max3A_1897 = vector.broadcast %reduce_max3A_1896 : i1 to vector<16xi1>
      %reduce_max3A_1898 = arith.constant -2147483648 : i32
      %reduce_max3A_1899 = vector.broadcast %reduce_max3A_1898 : i32 to vector<16xi32>
      %reduce_max3A_1900 = arith.xori %all_reduce_population_count3A_1895, %reduce_max3A_1899 : vector<16xi32>
      %reduce_max3A_1901 = tpu.scan <max>, %reduce_max3A_1900 masked %reduce_max3A_1897 : vector<16xi32>, vector<16xi1> -> vector<16xi32>
      %reduce_max3A_1902 = arith.xori %reduce_max3A_1901, %reduce_max3A_1899 : vector<16xi32>
      %reduce_max3A_1903 = vector.extract %reduce_max3A_1902[15] : i32 from vector<16xi32>
      %or3A_1904 = arith.ori %or3A_1885, %reduce_max3A_1903 : i32
      %gt3A_1905 = arith.constant 0 : i32
      %gt3A_1906 = arith.cmpi sgt, %or3A_1904, %gt3A_1905 : i32
      %convert_element_type3A_1907 = arith.extui %gt3A_1906 : i1 to i32
      %cond3A_1908 = arith.constant 0 : i32
      %cond3A_1909 = arith.cmpi ne, %convert_element_type3A_1907, %cond3A_1908 : i32
      scf.if %cond3A_1909 {
        %scan3A = arith.constant 0 : i32
        %scan3A_1910 = arith.constant 0 : i32
        %scan3A_1911 = arith.constant 13 : i32
        %scan3A_1912 = arith.addi %scan3A_1910, %scan3A_1911 : i32
        %scan3A_1913 = arith.constant 1 : i32
        scf.for %scan3A_1915 = %scan3A_1910 to %scan3A_1912 step %scan3A_1913  : i32 {
          %mul3A_1916 = arith.constant 16 : i32
          %mul3A_1917 = arith.muli %scan3A_1915, %mul3A_1916 : i32
          %get3A_1918 = arith.index_cast %mul3A_1917 : i32 to index
          %get3A_1919 = tpu.vector_load %arg8[%get3A_1918] {strides = array<i32>} : memref<208xi32, #tpu.memory_space<vmem>>, vector<16xi32>,
          %ge3A_1920 = arith.constant 99968 : i32
          %ge3A_1921 = vector.broadcast %ge3A_1920 : i32 to vector<16xi32>
          %ge3A_1922 = arith.cmpi sge, %get3A_1919, %ge3A_1921 : vector<16xi32>
          %lt3A_1923 = arith.constant 100000 : i32
          %lt3A_1924 = vector.broadcast %lt3A_1923 : i32 to vector<16xi32>
          %lt3A_1925 = arith.cmpi slt, %get3A_1919, %lt3A_1924 : vector<16xi32>
          %and3A_1926 = arith.andi %ge3A_1922, %lt3A_1925 : vector<16xi1>
          %all_reduce_population_count3A_1927 = tpu.all_reduce %and3A_1926 {dim = 0 : i64, kind = #tpu.reduction_kind<sum>} : vector<16xi1> -> vector<16xi32>
          %reduce_max3A_1928 = arith.constant true
          %reduce_max3A_1929 = vector.broadcast %reduce_max3A_1928 : i1 to vector<16xi1>
          %reduce_max3A_1930 = arith.constant -2147483648 : i32
          %reduce_max3A_1931 = vector.broadcast %reduce_max3A_1930 : i32 to vector<16xi32>
          %reduce_max3A_1932 = arith.xori %all_reduce_population_count3A_1927, %reduce_max3A_1931 : vector<16xi32>
          %reduce_max3A_1933 = tpu.scan <max>, %reduce_max3A_1932 masked %reduce_max3A_1929 : vector<16xi32>, vector<16xi1> -> vector<16xi32>
          %reduce_max3A_1934 = arith.xori %reduce_max3A_1933, %reduce_max3A_1931 : vector<16xi32>
          %reduce_max3A_1935 = vector.extract %reduce_max3A_1934[15] : i32 from vector<16xi32>
          %gt3A_1936 = arith.constant 0 : i32
          %gt3A_1937 = arith.cmpi sgt, %reduce_max3A_1935, %gt3A_1936 : i32
          %convert_element_type3A_1938 = arith.extui %gt3A_1937 : i1 to i32
          %cond3A_1939 = arith.constant 0 : i32
          %cond3A_1940 = arith.cmpi ne, %convert_element_type3A_1938, %cond3A_1939 : i32
          scf.if %cond3A_1940 {
            %sub3A = arith.constant 99968 : i32
            %sub3A_1941 = vector.broadcast %sub3A : i32 to vector<16xi32>
            %sub3A_1942 = arith.subi %get3A_1919, %sub3A_1941 : vector<16xi32>
            %jit3A_1943 = arith.constant 0 : i32
            %broadcast_in_dim3A_1944 = vector.broadcast %jit3A_1943 : i32 to vector<16xi32>
            %select_n3A_1945 = arith.select %and3A_1926, %sub3A_1942, %broadcast_in_dim3A_1944 : vector<16xi1>, vector<16xi32>
            %mul3A_1946 = arith.constant 16 : i32
            %mul3A_1947 = arith.muli %scan3A_1915, %mul3A_1946 : i32
            %add3A_1948 = vector.broadcast %mul3A_1947 : i32 to vector<16xi32>
            %add3A_1949 = arith.addi %iota3A, %add3A_1948 : vector<16xi32>
            %min3A = arith.constant 199 : i32
            %min3A_1950 = vector.broadcast %min3A : i32 to vector<16xi32>
            %min3A_1951 = arith.minsi %add3A_1949, %min3A_1950 : vector<16xi32>
            %broadcast_in_dim3A_1952 = arith.constant 0 : i32
            %broadcast_in_dim3A_1953 = vector.broadcast %broadcast_in_dim3A_1952 : i32 to vector<16xi32>
            %gather3A = tpu.vector_load_idx %arg9[%broadcast_in_dim3A_1953, %min3A_1951] masked %and3A_1926 : memref<32x200xf32, #tpu.memory_space<vmem>>[vector<16xi32>, vector<16xi32>], vector<16xf32>, vector<16xi1>
            %gather3A_1954 = tpu.vector_load_idx %arg12[%broadcast_in_dim3A_1953, %select_n3A_1945] masked %and3A_1926 : memref<32x32xf32, #tpu.memory_space<vmem>>[vector<16xi32>, vector<16xi32>], vector<16xf32>, vector<16xi1>
            %mul3A_1955 = arith.constant 0.00999999977 : f32
            %mul3A_1956 = vector.broadcast %mul3A_1955 : f32 to vector<16xf32>
            %mul3A_1957 = arith.mulf %mul3A_1956, %gather3A : vector<16xf32>
            %sub3A_1958 = arith.subf %gather3A_1954, %mul3A_1957 : vector<16xf32>
            tpu.vector_store_idx %arg12[%broadcast_in_dim3A_1953, %select_n3A_1945], %sub3A_1958 masked %and3A_1926 : memref<32x32xf32, #tpu.memory_space<vmem>>[vector<16xi32>, vector<16xi32>], vector<16xf32>, vector<16xi1>
            %broadcast_in_dim3A_1959 = arith.constant 1 : i32
            %broadcast_in_dim3A_1960 = vector.broadcast %broadcast_in_dim3A_1959 : i32 to vector<16xi32>
            %gather3A_1961 = tpu.vector_load_idx %arg9[%broadcast_in_dim3A_1960, %min3A_1951] masked %and3A_1926 : memref<32x200xf32, #tpu.memory_space<vmem>>[vector<16xi32>, vector<16xi32>], vector<16xf32>, vector<16xi1>
            %gather3A_1962 = tpu.vector_load_idx %arg12[%broadcast_in_dim3A_1960, %select_n3A_1945] masked %and3A_1926 : memref<32x32xf32, #tpu.memory_space<vmem>>[vector<16xi32>, vector<16xi32>], vector<16xf32>, vector<16xi1>
            %mul3A_1963 = arith.constant 0.00999999977 : f32
            %mul3A_1964 = vector.broadcast %mul3A_1963 : f32 to vector<16xf32>
            %mul3A_1965 = arith.mulf %mul3A_1964, %gather3A_1961 : vector<16xf32>
            %sub3A_1966 = arith.subf %gather3A_1962, %mul3A_1965 : vector<16xf32>
            tpu.vector_store_idx %arg12[%broadcast_in_dim3A_1960, %select_n3A_1945], %sub3A_1966 masked %and3A_1926 : memref<32x32xf32, #tpu.memory_space<vmem>>[vector<16xi32>, vector<16xi32>], vector<16xf32>, vector<16xi1>
            %broadcast_in_dim3A_1967 = arith.constant 2 : i32
            %broadcast_in_dim3A_1968 = vector.broadcast %broadcast_in_dim3A_1967 : i32 to vector<16xi32>
            %gather3A_1969 = tpu.vector_load_idx %arg9[%broadcast_in_dim3A_1968, %min3A_1951] masked %and3A_1926 : memref<32x200xf32, #tpu.memory_space<vmem>>[vector<16xi32>, vector<16xi32>], vector<16xf32>, vector<16xi1>
            %gather3A_1970 = tpu.vector_load_idx %arg12[%broadcast_in_dim3A_1968, %select_n3A_1945] masked %and3A_1926 : memref<32x32xf32, #tpu.memory_space<vmem>>[vector<16xi32>, vector<16xi32>], vector<16xf32>, vector<16xi1>
            %mul3A_1971 = arith.constant 0.00999999977 : f32
            %mul3A_1972 = vector.broadcast %mul3A_1971 : f32 to vector<16xf32>
            %mul3A_1973 = arith.mulf %mul3A_1972, %gather3A_1969 : vector<16xf32>
            %sub3A_1974 = arith.subf %gather3A_1970, %mul3A_1973 : vector<16xf32>
            tpu.vector_store_idx %arg12[%broadcast_in_dim3A_1968, %select_n3A_1945], %sub3A_1974 masked %and3A_1926 : memref<32x32xf32, #tpu.memory_space<vmem>>[vector<16xi32>, vector<16xi32>], vector<16xf32>, vector<16xi1>
            %broadcast_in_dim3A_1975 = arith.constant 3 : i32
            %broadcast_in_dim3A_1976 = vector.broadcast %broadcast_in_dim3A_1975 : i32 to vector<16xi32>
            %gather3A_1977 = tpu.vector_load_idx %arg9[%broadcast_in_dim3A_1976, %min3A_1951] masked %and3A_1926 : memref<32x200xf32, #tpu.memory_space<vmem>>[vector<16xi32>, vector<16xi32>], vector<16xf32>, vector<16xi1>
            %gather3A_1978 = tpu.vector_load_idx %arg12[%broadcast_in_dim3A_1976, %select_n3A_1945] masked %and3A_1926 : memref<32x32xf32, #tpu.memory_space<vmem>>[vector<16xi32>, vector<16xi32>], vector<16xf32>, vector<16xi1>
            %mul3A_1979 = arith.constant 0.00999999977 : f32
            %mul3A_1980 = vector.broadcast %mul3A_1979 : f32 to vector<16xf32>
            %mul3A_1981 = arith.mulf %mul3A_1980, %gather3A_1977 : vector<16xf32>
            %sub3A_1982 = arith.subf %gather3A_1978, %mul3A_1981 : vector<16xf32>
            tpu.vector_store_idx %arg12[%broadcast_in_dim3A_1976, %select_n3A_1945], %sub3A_1982 masked %and3A_1926 : memref<32x32xf32, #tpu.memory_space<vmem>>[vector<16xi32>, vector<16xi32>], vector<16xf32>, vector<16xi1>
            %broadcast_in_dim3A_1983 = arith.constant 4 : i32
            %broadcast_in_dim3A_1984 = vector.broadcast %broadcast_in_dim3A_1983 : i32 to vector<16xi32>
            %gather3A_1985 = tpu.vector_load_idx %arg9[%broadcast_in_dim3A_1984, %min3A_1951] masked %and3A_1926 : memref<32x200xf32, #tpu.memory_space<vmem>>[vector<16xi32>, vector<16xi32>], vector<16xf32>, vector<16xi1>
            %gather3A_1986 = tpu.vector_load_idx %arg12[%broadcast_in_dim3A_1984, %select_n3A_1945] masked %and3A_1926 : memref<32x32xf32, #tpu.memory_space<vmem>>[vector<16xi32>, vector<16xi32>], vector<16xf32>, vector<16xi1>
            %mul3A_1987 = arith.constant 0.00999999977 : f32
            %mul3A_1988 = vector.broadcast %mul3A_1987 : f32 to vector<16xf32>
            %mul3A_1989 = arith.mulf %mul3A_1988, %gather3A_1985 : vector<16xf32>
            %sub3A_1990 = arith.subf %gather3A_1986, %mul3A_1989 : vector<16xf32>
            tpu.vector_store_idx %arg12[%broadcast_in_dim3A_1984, %select_n3A_1945], %sub3A_1990 masked %and3A_1926 : memref<32x32xf32, #tpu.memory_space<vmem>>[vector<16xi32>, vector<16xi32>], vector<16xf32>, vector<16xi1>
            %broadcast_in_dim3A_1991 = arith.constant 5 : i32
            %broadcast_in_dim3A_1992 = vector.broadcast %broadcast_in_dim3A_1991 : i32 to vector<16xi32>
            %gather3A_1993 = tpu.vector_load_idx %arg9[%broadcast_in_dim3A_1992, %min3A_1951] masked %and3A_1926 : memref<32x200xf32, #tpu.memory_space<vmem>>[vector<16xi32>, vector<16xi32>], vector<16xf32>, vector<16xi1>
            %gather3A_1994 = tpu.vector_load_idx %arg12[%broadcast_in_dim3A_1992, %select_n3A_1945] masked %and3A_1926 : memref<32x32xf32, #tpu.memory_space<vmem>>[vector<16xi32>, vector<16xi32>], vector<16xf32>, vector<16xi1>
            %mul3A_1995 = arith.constant 0.00999999977 : f32
            %mul3A_1996 = vector.broadcast %mul3A_1995 : f32 to vector<16xf32>
            %mul3A_1997 = arith.mulf %mul3A_1996, %gather3A_1993 : vector<16xf32>
            %sub3A_1998 = arith.subf %gather3A_1994, %mul3A_1997 : vector<16xf32>
            tpu.vector_store_idx %arg12[%broadcast_in_dim3A_1992, %select_n3A_1945], %sub3A_1998 masked %and3A_1926 : memref<32x32xf32, #tpu.memory_space<vmem>>[vector<16xi32>, vector<16xi32>], vector<16xf32>, vector<16xi1>
            %broadcast_in_dim3A_1999 = arith.constant 6 : i32
            %broadcast_in_dim3A_2000 = vector.broadcast %broadcast_in_dim3A_1999 : i32 to vector<16xi32>
            %gather3A_2001 = tpu.vector_load_idx %arg9[%broadcast_in_dim3A_2000, %min3A_1951] masked %and3A_1926 : memref<32x200xf32, #tpu.memory_space<vmem>>[vector<16xi32>, vector<16xi32>], vector<16xf32>, vector<16xi1>
            %gather3A_2002 = tpu.vector_load_idx %arg12[%broadcast_in_dim3A_2000, %select_n3A_1945] masked %and3A_1926 : memref<32x32xf32, #tpu.memory_space<vmem>>[vector<16xi32>, vector<16xi32>], vector<16xf32>, vector<16xi1>
            %mul3A_2003 = arith.constant 0.00999999977 : f32
            %mul3A_2004 = vector.broadcast %mul3A_2003 : f32 to vector<16xf32>
            %mul3A_2005 = arith.mulf %mul3A_2004, %gather3A_2001 : vector<16xf32>
            %sub3A_2006 = arith.subf %gather3A_2002, %mul3A_2005 : vector<16xf32>
            tpu.vector_store_idx %arg12[%broadcast_in_dim3A_2000, %select_n3A_1945], %sub3A_2006 masked %and3A_1926 : memref<32x32xf32, #tpu.memory_space<vmem>>[vector<16xi32>, vector<16xi32>], vector<16xf32>, vector<16xi1>
            %broadcast_in_dim3A_2007 = arith.constant 7 : i32
            %broadcast_in_dim3A_2008 = vector.broadcast %broadcast_in_dim3A_2007 : i32 to vector<16xi32>
            %gather3A_2009 = tpu.vector_load_idx %arg9[%broadcast_in_dim3A_2008, %min3A_1951] masked %and3A_1926 : memref<32x200xf32, #tpu.memory_space<vmem>>[vector<16xi32>, vector<16xi32>], vector<16xf32>, vector<16xi1>
            %gather3A_2010 = tpu.vector_load_idx %arg12[%broadcast_in_dim3A_2008, %select_n3A_1945] masked %and3A_1926 : memref<32x32xf32, #tpu.memory_space<vmem>>[vector<16xi32>, vector<16xi32>], vector<16xf32>, vector<16xi1>
            %mul3A_2011 = arith.constant 0.00999999977 : f32
            %mul3A_2012 = vector.broadcast %mul3A_2011 : f32 to vector<16xf32>
            %mul3A_2013 = arith.mulf %mul3A_2012, %gather3A_2009 : vector<16xf32>
            %sub3A_2014 = arith.subf %gather3A_2010, %mul3A_2013 : vector<16xf32>
            tpu.vector_store_idx %arg12[%broadcast_in_dim3A_2008, %select_n3A_1945], %sub3A_2014 masked %and3A_1926 : memref<32x32xf32, #tpu.memory_space<vmem>>[vector<16xi32>, vector<16xi32>], vector<16xf32>, vector<16xi1>
            %broadcast_in_dim3A_2015 = arith.constant 8 : i32
            %broadcast_in_dim3A_2016 = vector.broadcast %broadcast_in_dim3A_2015 : i32 to vector<16xi32>
            %gather3A_2017 = tpu.vector_load_idx %arg9[%broadcast_in_dim3A_2016, %min3A_1951] masked %and3A_1926 : memref<32x200xf32, #tpu.memory_space<vmem>>[vector<16xi32>, vector<16xi32>], vector<16xf32>, vector<16xi1>
            %gather3A_2018 = tpu.vector_load_idx %arg12[%broadcast_in_dim3A_2016, %select_n3A_1945] masked %and3A_1926 : memref<32x32xf32, #tpu.memory_space<vmem>>[vector<16xi32>, vector<16xi32>], vector<16xf32>, vector<16xi1>
            %mul3A_2019 = arith.constant 0.00999999977 : f32
            %mul3A_2020 = vector.broadcast %mul3A_2019 : f32 to vector<16xf32>
            %mul3A_2021 = arith.mulf %mul3A_2020, %gather3A_2017 : vector<16xf32>
            %sub3A_2022 = arith.subf %gather3A_2018, %mul3A_2021 : vector<16xf32>
            tpu.vector_store_idx %arg12[%broadcast_in_dim3A_2016, %select_n3A_1945], %sub3A_2022 masked %and3A_1926 : memref<32x32xf32, #tpu.memory_space<vmem>>[vector<16xi32>, vector<16xi32>], vector<16xf32>, vector<16xi1>
            %broadcast_in_dim3A_2023 = arith.constant 9 : i32
            %broadcast_in_dim3A_2024 = vector.broadcast %broadcast_in_dim3A_2023 : i32 to vector<16xi32>
            %gather3A_2025 = tpu.vector_load_idx %arg9[%broadcast_in_dim3A_2024, %min3A_1951] masked %and3A_1926 : memref<32x200xf32, #tpu.memory_space<vmem>>[vector<16xi32>, vector<16xi32>], vector<16xf32>, vector<16xi1>
            %gather3A_2026 = tpu.vector_load_idx %arg12[%broadcast_in_dim3A_2024, %select_n3A_1945] masked %and3A_1926 : memref<32x32xf32, #tpu.memory_space<vmem>>[vector<16xi32>, vector<16xi32>], vector<16xf32>, vector<16xi1>
            %mul3A_2027 = arith.constant 0.00999999977 : f32
            %mul3A_2028 = vector.broadcast %mul3A_2027 : f32 to vector<16xf32>
            %mul3A_2029 = arith.mulf %mul3A_2028, %gather3A_2025 : vector<16xf32>
            %sub3A_2030 = arith.subf %gather3A_2026, %mul3A_2029 : vector<16xf32>
            tpu.vector_store_idx %arg12[%broadcast_in_dim3A_2024, %select_n3A_1945], %sub3A_2030 masked %and3A_1926 : memref<32x32xf32, #tpu.memory_space<vmem>>[vector<16xi32>, vector<16xi32>], vector<16xf32>, vector<16xi1>
            %broadcast_in_dim3A_2031 = arith.constant 10 : i32
            %broadcast_in_dim3A_2032 = vector.broadcast %broadcast_in_dim3A_2031 : i32 to vector<16xi32>
            %gather3A_2033 = tpu.vector_load_idx %arg9[%broadcast_in_dim3A_2032, %min3A_1951] masked %and3A_1926 : memref<32x200xf32, #tpu.memory_space<vmem>>[vector<16xi32>, vector<16xi32>], vector<16xf32>, vector<16xi1>
            %gather3A_2034 = tpu.vector_load_idx %arg12[%broadcast_in_dim3A_2032, %select_n3A_1945] masked %and3A_1926 : memref<32x32xf32, #tpu.memory_space<vmem>>[vector<16xi32>, vector<16xi32>], vector<16xf32>, vector<16xi1>
            %mul3A_2035 = arith.constant 0.00999999977 : f32
            %mul3A_2036 = vector.broadcast %mul3A_2035 : f32 to vector<16xf32>
            %mul3A_2037 = arith.mulf %mul3A_2036, %gather3A_2033 : vector<16xf32>
            %sub3A_2038 = arith.subf %gather3A_2034, %mul3A_2037 : vector<16xf32>
            tpu.vector_store_idx %arg12[%broadcast_in_dim3A_2032, %select_n3A_1945], %sub3A_2038 masked %and3A_1926 : memref<32x32xf32, #tpu.memory_space<vmem>>[vector<16xi32>, vector<16xi32>], vector<16xf32>, vector<16xi1>
            %broadcast_in_dim3A_2039 = arith.constant 11 : i32
            %broadcast_in_dim3A_2040 = vector.broadcast %broadcast_in_dim3A_2039 : i32 to vector<16xi32>
            %gather3A_2041 = tpu.vector_load_idx %arg9[%broadcast_in_dim3A_2040, %min3A_1951] masked %and3A_1926 : memref<32x200xf32, #tpu.memory_space<vmem>>[vector<16xi32>, vector<16xi32>], vector<16xf32>, vector<16xi1>
            %gather3A_2042 = tpu.vector_load_idx %arg12[%broadcast_in_dim3A_2040, %select_n3A_1945] masked %and3A_1926 : memref<32x32xf32, #tpu.memory_space<vmem>>[vector<16xi32>, vector<16xi32>], vector<16xf32>, vector<16xi1>
            %mul3A_2043 = arith.constant 0.00999999977 : f32
            %mul3A_2044 = vector.broadcast %mul3A_2043 : f32 to vector<16xf32>
            %mul3A_2045 = arith.mulf %mul3A_2044, %gather3A_2041 : vector<16xf32>
            %sub3A_2046 = arith.subf %gather3A_2042, %mul3A_2045 : vector<16xf32>
            tpu.vector_store_idx %arg12[%broadcast_in_dim3A_2040, %select_n3A_1945], %sub3A_2046 masked %and3A_1926 : memref<32x32xf32, #tpu.memory_space<vmem>>[vector<16xi32>, vector<16xi32>], vector<16xf32>, vector<16xi1>
            %broadcast_in_dim3A_2047 = arith.constant 12 : i32
            %broadcast_in_dim3A_2048 = vector.broadcast %broadcast_in_dim3A_2047 : i32 to vector<16xi32>
            %gather3A_2049 = tpu.vector_load_idx %arg9[%broadcast_in_dim3A_2048, %min3A_1951] masked %and3A_1926 : memref<32x200xf32, #tpu.memory_space<vmem>>[vector<16xi32>, vector<16xi32>], vector<16xf32>, vector<16xi1>
            %gather3A_2050 = tpu.vector_load_idx %arg12[%broadcast_in_dim3A_2048, %select_n3A_1945] masked %and3A_1926 : memref<32x32xf32, #tpu.memory_space<vmem>>[vector<16xi32>, vector<16xi32>], vector<16xf32>, vector<16xi1>
            %mul3A_2051 = arith.constant 0.00999999977 : f32
            %mul3A_2052 = vector.broadcast %mul3A_2051 : f32 to vector<16xf32>
            %mul3A_2053 = arith.mulf %mul3A_2052, %gather3A_2049 : vector<16xf32>
            %sub3A_2054 = arith.subf %gather3A_2050, %mul3A_2053 : vector<16xf32>
            tpu.vector_store_idx %arg12[%broadcast_in_dim3A_2048, %select_n3A_1945], %sub3A_2054 masked %and3A_1926 : memref<32x32xf32, #tpu.memory_space<vmem>>[vector<16xi32>, vector<16xi32>], vector<16xf32>, vector<16xi1>
            %broadcast_in_dim3A_2055 = arith.constant 13 : i32
            %broadcast_in_dim3A_2056 = vector.broadcast %broadcast_in_dim3A_2055 : i32 to vector<16xi32>
            %gather3A_2057 = tpu.vector_load_idx %arg9[%broadcast_in_dim3A_2056, %min3A_1951] masked %and3A_1926 : memref<32x200xf32, #tpu.memory_space<vmem>>[vector<16xi32>, vector<16xi32>], vector<16xf32>, vector<16xi1>
            %gather3A_2058 = tpu.vector_load_idx %arg12[%broadcast_in_dim3A_2056, %select_n3A_1945] masked %and3A_1926 : memref<32x32xf32, #tpu.memory_space<vmem>>[vector<16xi32>, vector<16xi32>], vector<16xf32>, vector<16xi1>
            %mul3A_2059 = arith.constant 0.00999999977 : f32
            %mul3A_2060 = vector.broadcast %mul3A_2059 : f32 to vector<16xf32>
            %mul3A_2061 = arith.mulf %mul3A_2060, %gather3A_2057 : vector<16xf32>
            %sub3A_2062 = arith.subf %gather3A_2058, %mul3A_2061 : vector<16xf32>
            tpu.vector_store_idx %arg12[%broadcast_in_dim3A_2056, %select_n3A_1945], %sub3A_2062 masked %and3A_1926 : memref<32x32xf32, #tpu.memory_space<vmem>>[vector<16xi32>, vector<16xi32>], vector<16xf32>, vector<16xi1>
            %broadcast_in_dim3A_2063 = arith.constant 14 : i32
            %broadcast_in_dim3A_2064 = vector.broadcast %broadcast_in_dim3A_2063 : i32 to vector<16xi32>
            %gather3A_2065 = tpu.vector_load_idx %arg9[%broadcast_in_dim3A_2064, %min3A_1951] masked %and3A_1926 : memref<32x200xf32, #tpu.memory_space<vmem>>[vector<16xi32>, vector<16xi32>], vector<16xf32>, vector<16xi1>
            %gather3A_2066 = tpu.vector_load_idx %arg12[%broadcast_in_dim3A_2064, %select_n3A_1945] masked %and3A_1926 : memref<32x32xf32, #tpu.memory_space<vmem>>[vector<16xi32>, vector<16xi32>], vector<16xf32>, vector<16xi1>
            %mul3A_2067 = arith.constant 0.00999999977 : f32
            %mul3A_2068 = vector.broadcast %mul3A_2067 : f32 to vector<16xf32>
            %mul3A_2069 = arith.mulf %mul3A_2068, %gather3A_2065 : vector<16xf32>
            %sub3A_2070 = arith.subf %gather3A_2066, %mul3A_2069 : vector<16xf32>
            tpu.vector_store_idx %arg12[%broadcast_in_dim3A_2064, %select_n3A_1945], %sub3A_2070 masked %and3A_1926 : memref<32x32xf32, #tpu.memory_space<vmem>>[vector<16xi32>, vector<16xi32>], vector<16xf32>, vector<16xi1>
            %broadcast_in_dim3A_2071 = arith.constant 15 : i32
            %broadcast_in_dim3A_2072 = vector.broadcast %broadcast_in_dim3A_2071 : i32 to vector<16xi32>
            %gather3A_2073 = tpu.vector_load_idx %arg9[%broadcast_in_dim3A_2072, %min3A_1951] masked %and3A_1926 : memref<32x200xf32, #tpu.memory_space<vmem>>[vector<16xi32>, vector<16xi32>], vector<16xf32>, vector<16xi1>
            %gather3A_2074 = tpu.vector_load_idx %arg12[%broadcast_in_dim3A_2072, %select_n3A_1945] masked %and3A_1926 : memref<32x32xf32, #tpu.memory_space<vmem>>[vector<16xi32>, vector<16xi32>], vector<16xf32>, vector<16xi1>
            %mul3A_2075 = arith.constant 0.00999999977 : f32
            %mul3A_2076 = vector.broadcast %mul3A_2075 : f32 to vector<16xf32>
            %mul3A_2077 = arith.mulf %mul3A_2076, %gather3A_2073 : vector<16xf32>
            %sub3A_2078 = arith.subf %gather3A_2074, %mul3A_2077 : vector<16xf32>
            tpu.vector_store_idx %arg12[%broadcast_in_dim3A_2072, %select_n3A_1945], %sub3A_2078 masked %and3A_1926 : memref<32x32xf32, #tpu.memory_space<vmem>>[vector<16xi32>, vector<16xi32>], vector<16xf32>, vector<16xi1>
            %broadcast_in_dim3A_2079 = arith.constant 16 : i32
            %broadcast_in_dim3A_2080 = vector.broadcast %broadcast_in_dim3A_2079 : i32 to vector<16xi32>
            %gather3A_2081 = tpu.vector_load_idx %arg9[%broadcast_in_dim3A_2080, %min3A_1951] masked %and3A_1926 : memref<32x200xf32, #tpu.memory_space<vmem>>[vector<16xi32>, vector<16xi32>], vector<16xf32>, vector<16xi1>
            %gather3A_2082 = tpu.vector_load_idx %arg12[%broadcast_in_dim3A_2080, %select_n3A_1945] masked %and3A_1926 : memref<32x32xf32, #tpu.memory_space<vmem>>[vector<16xi32>, vector<16xi32>], vector<16xf32>, vector<16xi1>
            %mul3A_2083 = arith.constant 0.00999999977 : f32
            %mul3A_2084 = vector.broadcast %mul3A_2083 : f32 to vector<16xf32>
            %mul3A_2085 = arith.mulf %mul3A_2084, %gather3A_2081 : vector<16xf32>
            %sub3A_2086 = arith.subf %gather3A_2082, %mul3A_2085 : vector<16xf32>
            tpu.vector_store_idx %arg12[%broadcast_in_dim3A_2080, %select_n3A_1945], %sub3A_2086 masked %and3A_1926 : memref<32x32xf32, #tpu.memory_space<vmem>>[vector<16xi32>, vector<16xi32>], vector<16xf32>, vector<16xi1>
            %broadcast_in_dim3A_2087 = arith.constant 17 : i32
            %broadcast_in_dim3A_2088 = vector.broadcast %broadcast_in_dim3A_2087 : i32 to vector<16xi32>
            %gather3A_2089 = tpu.vector_load_idx %arg9[%broadcast_in_dim3A_2088, %min3A_1951] masked %and3A_1926 : memref<32x200xf32, #tpu.memory_space<vmem>>[vector<16xi32>, vector<16xi32>], vector<16xf32>, vector<16xi1>
            %gather3A_2090 = tpu.vector_load_idx %arg12[%broadcast_in_dim3A_2088, %select_n3A_1945] masked %and3A_1926 : memref<32x32xf32, #tpu.memory_space<vmem>>[vector<16xi32>, vector<16xi32>], vector<16xf32>, vector<16xi1>
            %mul3A_2091 = arith.constant 0.00999999977 : f32
            %mul3A_2092 = vector.broadcast %mul3A_2091 : f32 to vector<16xf32>
            %mul3A_2093 = arith.mulf %mul3A_2092, %gather3A_2089 : vector<16xf32>
            %sub3A_2094 = arith.subf %gather3A_2090, %mul3A_2093 : vector<16xf32>
            tpu.vector_store_idx %arg12[%broadcast_in_dim3A_2088, %select_n3A_1945], %sub3A_2094 masked %and3A_1926 : memref<32x32xf32, #tpu.memory_space<vmem>>[vector<16xi32>, vector<16xi32>], vector<16xf32>, vector<16xi1>
            %broadcast_in_dim3A_2095 = arith.constant 18 : i32
            %broadcast_in_dim3A_2096 = vector.broadcast %broadcast_in_dim3A_2095 : i32 to vector<16xi32>
            %gather3A_2097 = tpu.vector_load_idx %arg9[%broadcast_in_dim3A_2096, %min3A_1951] masked %and3A_1926 : memref<32x200xf32, #tpu.memory_space<vmem>>[vector<16xi32>, vector<16xi32>], vector<16xf32>, vector<16xi1>
            %gather3A_2098 = tpu.vector_load_idx %arg12[%broadcast_in_dim3A_2096, %select_n3A_1945] masked %and3A_1926 : memref<32x32xf32, #tpu.memory_space<vmem>>[vector<16xi32>, vector<16xi32>], vector<16xf32>, vector<16xi1>
            %mul3A_2099 = arith.constant 0.00999999977 : f32
            %mul3A_2100 = vector.broadcast %mul3A_2099 : f32 to vector<16xf32>
            %mul3A_2101 = arith.mulf %mul3A_2100, %gather3A_2097 : vector<16xf32>
            %sub3A_2102 = arith.subf %gather3A_2098, %mul3A_2101 : vector<16xf32>
            tpu.vector_store_idx %arg12[%broadcast_in_dim3A_2096, %select_n3A_1945], %sub3A_2102 masked %and3A_1926 : memref<32x32xf32, #tpu.memory_space<vmem>>[vector<16xi32>, vector<16xi32>], vector<16xf32>, vector<16xi1>
            %broadcast_in_dim3A_2103 = arith.constant 19 : i32
            %broadcast_in_dim3A_2104 = vector.broadcast %broadcast_in_dim3A_2103 : i32 to vector<16xi32>
            %gather3A_2105 = tpu.vector_load_idx %arg9[%broadcast_in_dim3A_2104, %min3A_1951] masked %and3A_1926 : memref<32x200xf32, #tpu.memory_space<vmem>>[vector<16xi32>, vector<16xi32>], vector<16xf32>, vector<16xi1>
            %gather3A_2106 = tpu.vector_load_idx %arg12[%broadcast_in_dim3A_2104, %select_n3A_1945] masked %and3A_1926 : memref<32x32xf32, #tpu.memory_space<vmem>>[vector<16xi32>, vector<16xi32>], vector<16xf32>, vector<16xi1>
            %mul3A_2107 = arith.constant 0.00999999977 : f32
            %mul3A_2108 = vector.broadcast %mul3A_2107 : f32 to vector<16xf32>
            %mul3A_2109 = arith.mulf %mul3A_2108, %gather3A_2105 : vector<16xf32>
            %sub3A_2110 = arith.subf %gather3A_2106, %mul3A_2109 : vector<16xf32>
            tpu.vector_store_idx %arg12[%broadcast_in_dim3A_2104, %select_n3A_1945], %sub3A_2110 masked %and3A_1926 : memref<32x32xf32, #tpu.memory_space<vmem>>[vector<16xi32>, vector<16xi32>], vector<16xf32>, vector<16xi1>
            %broadcast_in_dim3A_2111 = arith.constant 20 : i32
            %broadcast_in_dim3A_2112 = vector.broadcast %broadcast_in_dim3A_2111 : i32 to vector<16xi32>
            %gather3A_2113 = tpu.vector_load_idx %arg9[%broadcast_in_dim3A_2112, %min3A_1951] masked %and3A_1926 : memref<32x200xf32, #tpu.memory_space<vmem>>[vector<16xi32>, vector<16xi32>], vector<16xf32>, vector<16xi1>
            %gather3A_2114 = tpu.vector_load_idx %arg12[%broadcast_in_dim3A_2112, %select_n3A_1945] masked %and3A_1926 : memref<32x32xf32, #tpu.memory_space<vmem>>[vector<16xi32>, vector<16xi32>], vector<16xf32>, vector<16xi1>
            %mul3A_2115 = arith.constant 0.00999999977 : f32
            %mul3A_2116 = vector.broadcast %mul3A_2115 : f32 to vector<16xf32>
            %mul3A_2117 = arith.mulf %mul3A_2116, %gather3A_2113 : vector<16xf32>
            %sub3A_2118 = arith.subf %gather3A_2114, %mul3A_2117 : vector<16xf32>
            tpu.vector_store_idx %arg12[%broadcast_in_dim3A_2112, %select_n3A_1945], %sub3A_2118 masked %and3A_1926 : memref<32x32xf32, #tpu.memory_space<vmem>>[vector<16xi32>, vector<16xi32>], vector<16xf32>, vector<16xi1>
            %broadcast_in_dim3A_2119 = arith.constant 21 : i32
            %broadcast_in_dim3A_2120 = vector.broadcast %broadcast_in_dim3A_2119 : i32 to vector<16xi32>
            %gather3A_2121 = tpu.vector_load_idx %arg9[%broadcast_in_dim3A_2120, %min3A_1951] masked %and3A_1926 : memref<32x200xf32, #tpu.memory_space<vmem>>[vector<16xi32>, vector<16xi32>], vector<16xf32>, vector<16xi1>
            %gather3A_2122 = tpu.vector_load_idx %arg12[%broadcast_in_dim3A_2120, %select_n3A_1945] masked %and3A_1926 : memref<32x32xf32, #tpu.memory_space<vmem>>[vector<16xi32>, vector<16xi32>], vector<16xf32>, vector<16xi1>
            %mul3A_2123 = arith.constant 0.00999999977 : f32
            %mul3A_2124 = vector.broadcast %mul3A_2123 : f32 to vector<16xf32>
            %mul3A_2125 = arith.mulf %mul3A_2124, %gather3A_2121 : vector<16xf32>
            %sub3A_2126 = arith.subf %gather3A_2122, %mul3A_2125 : vector<16xf32>
            tpu.vector_store_idx %arg12[%broadcast_in_dim3A_2120, %select_n3A_1945], %sub3A_2126 masked %and3A_1926 : memref<32x32xf32, #tpu.memory_space<vmem>>[vector<16xi32>, vector<16xi32>], vector<16xf32>, vector<16xi1>
            %broadcast_in_dim3A_2127 = arith.constant 22 : i32
            %broadcast_in_dim3A_2128 = vector.broadcast %broadcast_in_dim3A_2127 : i32 to vector<16xi32>
            %gather3A_2129 = tpu.vector_load_idx %arg9[%broadcast_in_dim3A_2128, %min3A_1951] masked %and3A_1926 : memref<32x200xf32, #tpu.memory_space<vmem>>[vector<16xi32>, vector<16xi32>], vector<16xf32>, vector<16xi1>
            %gather3A_2130 = tpu.vector_load_idx %arg12[%broadcast_in_dim3A_2128, %select_n3A_1945] masked %and3A_1926 : memref<32x32xf32, #tpu.memory_space<vmem>>[vector<16xi32>, vector<16xi32>], vector<16xf32>, vector<16xi1>
            %mul3A_2131 = arith.constant 0.00999999977 : f32
            %mul3A_2132 = vector.broadcast %mul3A_2131 : f32 to vector<16xf32>
            %mul3A_2133 = arith.mulf %mul3A_2132, %gather3A_2129 : vector<16xf32>
            %sub3A_2134 = arith.subf %gather3A_2130, %mul3A_2133 : vector<16xf32>
            tpu.vector_store_idx %arg12[%broadcast_in_dim3A_2128, %select_n3A_1945], %sub3A_2134 masked %and3A_1926 : memref<32x32xf32, #tpu.memory_space<vmem>>[vector<16xi32>, vector<16xi32>], vector<16xf32>, vector<16xi1>
            %broadcast_in_dim3A_2135 = arith.constant 23 : i32
            %broadcast_in_dim3A_2136 = vector.broadcast %broadcast_in_dim3A_2135 : i32 to vector<16xi32>
            %gather3A_2137 = tpu.vector_load_idx %arg9[%broadcast_in_dim3A_2136, %min3A_1951] masked %and3A_1926 : memref<32x200xf32, #tpu.memory_space<vmem>>[vector<16xi32>, vector<16xi32>], vector<16xf32>, vector<16xi1>
            %gather3A_2138 = tpu.vector_load_idx %arg12[%broadcast_in_dim3A_2136, %select_n3A_1945] masked %and3A_1926 : memref<32x32xf32, #tpu.memory_space<vmem>>[vector<16xi32>, vector<16xi32>], vector<16xf32>, vector<16xi1>
            %mul3A_2139 = arith.constant 0.00999999977 : f32
            %mul3A_2140 = vector.broadcast %mul3A_2139 : f32 to vector<16xf32>
            %mul3A_2141 = arith.mulf %mul3A_2140, %gather3A_2137 : vector<16xf32>
            %sub3A_2142 = arith.subf %gather3A_2138, %mul3A_2141 : vector<16xf32>
            tpu.vector_store_idx %arg12[%broadcast_in_dim3A_2136, %select_n3A_1945], %sub3A_2142 masked %and3A_1926 : memref<32x32xf32, #tpu.memory_space<vmem>>[vector<16xi32>, vector<16xi32>], vector<16xf32>, vector<16xi1>
            %broadcast_in_dim3A_2143 = arith.constant 24 : i32
            %broadcast_in_dim3A_2144 = vector.broadcast %broadcast_in_dim3A_2143 : i32 to vector<16xi32>
            %gather3A_2145 = tpu.vector_load_idx %arg9[%broadcast_in_dim3A_2144, %min3A_1951] masked %and3A_1926 : memref<32x200xf32, #tpu.memory_space<vmem>>[vector<16xi32>, vector<16xi32>], vector<16xf32>, vector<16xi1>
            %gather3A_2146 = tpu.vector_load_idx %arg12[%broadcast_in_dim3A_2144, %select_n3A_1945] masked %and3A_1926 : memref<32x32xf32, #tpu.memory_space<vmem>>[vector<16xi32>, vector<16xi32>], vector<16xf32>, vector<16xi1>
            %mul3A_2147 = arith.constant 0.00999999977 : f32
            %mul3A_2148 = vector.broadcast %mul3A_2147 : f32 to vector<16xf32>
            %mul3A_2149 = arith.mulf %mul3A_2148, %gather3A_2145 : vector<16xf32>
            %sub3A_2150 = arith.subf %gather3A_2146, %mul3A_2149 : vector<16xf32>
            tpu.vector_store_idx %arg12[%broadcast_in_dim3A_2144, %select_n3A_1945], %sub3A_2150 masked %and3A_1926 : memref<32x32xf32, #tpu.memory_space<vmem>>[vector<16xi32>, vector<16xi32>], vector<16xf32>, vector<16xi1>
            %broadcast_in_dim3A_2151 = arith.constant 25 : i32
            %broadcast_in_dim3A_2152 = vector.broadcast %broadcast_in_dim3A_2151 : i32 to vector<16xi32>
            %gather3A_2153 = tpu.vector_load_idx %arg9[%broadcast_in_dim3A_2152, %min3A_1951] masked %and3A_1926 : memref<32x200xf32, #tpu.memory_space<vmem>>[vector<16xi32>, vector<16xi32>], vector<16xf32>, vector<16xi1>
            %gather3A_2154 = tpu.vector_load_idx %arg12[%broadcast_in_dim3A_2152, %select_n3A_1945] masked %and3A_1926 : memref<32x32xf32, #tpu.memory_space<vmem>>[vector<16xi32>, vector<16xi32>], vector<16xf32>, vector<16xi1>
            %mul3A_2155 = arith.constant 0.00999999977 : f32
            %mul3A_2156 = vector.broadcast %mul3A_2155 : f32 to vector<16xf32>
            %mul3A_2157 = arith.mulf %mul3A_2156, %gather3A_2153 : vector<16xf32>
            %sub3A_2158 = arith.subf %gather3A_2154, %mul3A_2157 : vector<16xf32>
            tpu.vector_store_idx %arg12[%broadcast_in_dim3A_2152, %select_n3A_1945], %sub3A_2158 masked %and3A_1926 : memref<32x32xf32, #tpu.memory_space<vmem>>[vector<16xi32>, vector<16xi32>], vector<16xf32>, vector<16xi1>
            %broadcast_in_dim3A_2159 = arith.constant 26 : i32
            %broadcast_in_dim3A_2160 = vector.broadcast %broadcast_in_dim3A_2159 : i32 to vector<16xi32>
            %gather3A_2161 = tpu.vector_load_idx %arg9[%broadcast_in_dim3A_2160, %min3A_1951] masked %and3A_1926 : memref<32x200xf32, #tpu.memory_space<vmem>>[vector<16xi32>, vector<16xi32>], vector<16xf32>, vector<16xi1>
            %gather3A_2162 = tpu.vector_load_idx %arg12[%broadcast_in_dim3A_2160, %select_n3A_1945] masked %and3A_1926 : memref<32x32xf32, #tpu.memory_space<vmem>>[vector<16xi32>, vector<16xi32>], vector<16xf32>, vector<16xi1>
            %mul3A_2163 = arith.constant 0.00999999977 : f32
            %mul3A_2164 = vector.broadcast %mul3A_2163 : f32 to vector<16xf32>
            %mul3A_2165 = arith.mulf %mul3A_2164, %gather3A_2161 : vector<16xf32>
            %sub3A_2166 = arith.subf %gather3A_2162, %mul3A_2165 : vector<16xf32>
            tpu.vector_store_idx %arg12[%broadcast_in_dim3A_2160, %select_n3A_1945], %sub3A_2166 masked %and3A_1926 : memref<32x32xf32, #tpu.memory_space<vmem>>[vector<16xi32>, vector<16xi32>], vector<16xf32>, vector<16xi1>
            %broadcast_in_dim3A_2167 = arith.constant 27 : i32
            %broadcast_in_dim3A_2168 = vector.broadcast %broadcast_in_dim3A_2167 : i32 to vector<16xi32>
            %gather3A_2169 = tpu.vector_load_idx %arg9[%broadcast_in_dim3A_2168, %min3A_1951] masked %and3A_1926 : memref<32x200xf32, #tpu.memory_space<vmem>>[vector<16xi32>, vector<16xi32>], vector<16xf32>, vector<16xi1>
            %gather3A_2170 = tpu.vector_load_idx %arg12[%broadcast_in_dim3A_2168, %select_n3A_1945] masked %and3A_1926 : memref<32x32xf32, #tpu.memory_space<vmem>>[vector<16xi32>, vector<16xi32>], vector<16xf32>, vector<16xi1>
            %mul3A_2171 = arith.constant 0.00999999977 : f32
            %mul3A_2172 = vector.broadcast %mul3A_2171 : f32 to vector<16xf32>
            %mul3A_2173 = arith.mulf %mul3A_2172, %gather3A_2169 : vector<16xf32>
            %sub3A_2174 = arith.subf %gather3A_2170, %mul3A_2173 : vector<16xf32>
            tpu.vector_store_idx %arg12[%broadcast_in_dim3A_2168, %select_n3A_1945], %sub3A_2174 masked %and3A_1926 : memref<32x32xf32, #tpu.memory_space<vmem>>[vector<16xi32>, vector<16xi32>], vector<16xf32>, vector<16xi1>
            %broadcast_in_dim3A_2175 = arith.constant 28 : i32
            %broadcast_in_dim3A_2176 = vector.broadcast %broadcast_in_dim3A_2175 : i32 to vector<16xi32>
            %gather3A_2177 = tpu.vector_load_idx %arg9[%broadcast_in_dim3A_2176, %min3A_1951] masked %and3A_1926 : memref<32x200xf32, #tpu.memory_space<vmem>>[vector<16xi32>, vector<16xi32>], vector<16xf32>, vector<16xi1>
            %gather3A_2178 = tpu.vector_load_idx %arg12[%broadcast_in_dim3A_2176, %select_n3A_1945] masked %and3A_1926 : memref<32x32xf32, #tpu.memory_space<vmem>>[vector<16xi32>, vector<16xi32>], vector<16xf32>, vector<16xi1>
            %mul3A_2179 = arith.constant 0.00999999977 : f32
            %mul3A_2180 = vector.broadcast %mul3A_2179 : f32 to vector<16xf32>
            %mul3A_2181 = arith.mulf %mul3A_2180, %gather3A_2177 : vector<16xf32>
            %sub3A_2182 = arith.subf %gather3A_2178, %mul3A_2181 : vector<16xf32>
            tpu.vector_store_idx %arg12[%broadcast_in_dim3A_2176, %select_n3A_1945], %sub3A_2182 masked %and3A_1926 : memref<32x32xf32, #tpu.memory_space<vmem>>[vector<16xi32>, vector<16xi32>], vector<16xf32>, vector<16xi1>
            %broadcast_in_dim3A_2183 = arith.constant 29 : i32
            %broadcast_in_dim3A_2184 = vector.broadcast %broadcast_in_dim3A_2183 : i32 to vector<16xi32>
            %gather3A_2185 = tpu.vector_load_idx %arg9[%broadcast_in_dim3A_2184, %min3A_1951] masked %and3A_1926 : memref<32x200xf32, #tpu.memory_space<vmem>>[vector<16xi32>, vector<16xi32>], vector<16xf32>, vector<16xi1>
            %gather3A_2186 = tpu.vector_load_idx %arg12[%broadcast_in_dim3A_2184, %select_n3A_1945] masked %and3A_1926 : memref<32x32xf32, #tpu.memory_space<vmem>>[vector<16xi32>, vector<16xi32>], vector<16xf32>, vector<16xi1>
            %mul3A_2187 = arith.constant 0.00999999977 : f32
            %mul3A_2188 = vector.broadcast %mul3A_2187 : f32 to vector<16xf32>
            %mul3A_2189 = arith.mulf %mul3A_2188, %gather3A_2185 : vector<16xf32>
            %sub3A_2190 = arith.subf %gather3A_2186, %mul3A_2189 : vector<16xf32>
            tpu.vector_store_idx %arg12[%broadcast_in_dim3A_2184, %select_n3A_1945], %sub3A_2190 masked %and3A_1926 : memref<32x32xf32, #tpu.memory_space<vmem>>[vector<16xi32>, vector<16xi32>], vector<16xf32>, vector<16xi1>
            %broadcast_in_dim3A_2191 = arith.constant 30 : i32
            %broadcast_in_dim3A_2192 = vector.broadcast %broadcast_in_dim3A_2191 : i32 to vector<16xi32>
            %gather3A_2193 = tpu.vector_load_idx %arg9[%broadcast_in_dim3A_2192, %min3A_1951] masked %and3A_1926 : memref<32x200xf32, #tpu.memory_space<vmem>>[vector<16xi32>, vector<16xi32>], vector<16xf32>, vector<16xi1>
            %gather3A_2194 = tpu.vector_load_idx %arg12[%broadcast_in_dim3A_2192, %select_n3A_1945] masked %and3A_1926 : memref<32x32xf32, #tpu.memory_space<vmem>>[vector<16xi32>, vector<16xi32>], vector<16xf32>, vector<16xi1>
            %mul3A_2195 = arith.constant 0.00999999977 : f32
            %mul3A_2196 = vector.broadcast %mul3A_2195 : f32 to vector<16xf32>
            %mul3A_2197 = arith.mulf %mul3A_2196, %gather3A_2193 : vector<16xf32>
            %sub3A_2198 = arith.subf %gather3A_2194, %mul3A_2197 : vector<16xf32>
            tpu.vector_store_idx %arg12[%broadcast_in_dim3A_2192, %select_n3A_1945], %sub3A_2198 masked %and3A_1926 : memref<32x32xf32, #tpu.memory_space<vmem>>[vector<16xi32>, vector<16xi32>], vector<16xf32>, vector<16xi1>
            %broadcast_in_dim3A_2199 = arith.constant 31 : i32
            %broadcast_in_dim3A_2200 = vector.broadcast %broadcast_in_dim3A_2199 : i32 to vector<16xi32>
            %gather3A_2201 = tpu.vector_load_idx %arg9[%broadcast_in_dim3A_2200, %min3A_1951] masked %and3A_1926 : memref<32x200xf32, #tpu.memory_space<vmem>>[vector<16xi32>, vector<16xi32>], vector<16xf32>, vector<16xi1>
            %gather3A_2202 = tpu.vector_load_idx %arg12[%broadcast_in_dim3A_2200, %select_n3A_1945] masked %and3A_1926 : memref<32x32xf32, #tpu.memory_space<vmem>>[vector<16xi32>, vector<16xi32>], vector<16xf32>, vector<16xi1>
            %mul3A_2203 = arith.constant 0.00999999977 : f32
            %mul3A_2204 = vector.broadcast %mul3A_2203 : f32 to vector<16xf32>
            %mul3A_2205 = arith.mulf %mul3A_2204, %gather3A_2201 : vector<16xf32>
            %sub3A_2206 = arith.subf %gather3A_2202, %mul3A_2205 : vector<16xf32>
            tpu.vector_store_idx %arg12[%broadcast_in_dim3A_2200, %select_n3A_1945], %sub3A_2206 masked %and3A_1926 : memref<32x32xf32, #tpu.memory_space<vmem>>[vector<16xi32>, vector<16xi32>], vector<16xf32>, vector<16xi1>
          } else {
          }
        }
        %scan3A_1914 = arith.constant 13 : i32
      } else {
      }
      "tpu.region"() ({
        %run_scoped3A = tpu.sem_alloc : memref<!tpu.dma_semaphore, #tpu.memory_space<semaphore_mem>>
        %dma_start3A_1910 = arith.constant 0 : i32
        %dma_start3A_1911 = arith.constant 99968 : i32
        %dma_start3A_1912 = tpu.memref_slice %arg6[%dma_start3A_1910, %dma_start3A_1911] : memref<32x100000xf32, #tpu.memory_space<hbm>> -> memref<32x32xf32, #tpu.memory_space<hbm>>
        %dma_start3A_1913 = arith.constant 0 : i32
        %dma_start3A_1914 = arith.constant 99968 : i32
        %dma_start3A_1915 = tpu.memref_slice %arg6[%dma_start3A_1913, %dma_start3A_1914] : memref<32x100000xf32, #tpu.memory_space<hbm>> -> memref<32x32xf32, #tpu.memory_space<hbm>>
        tpu.enqueue_dma source(%arg12 : memref<32x32xf32, #tpu.memory_space<vmem>>) target(%dma_start3A_1915 : memref<32x32xf32, #tpu.memory_space<hbm>>) target_semaphore(%run_scoped3A : memref<!tpu.dma_semaphore, #tpu.memory_space<semaphore_mem>>)
        %dma_wait3A_1916 = arith.constant 0 : i32
        %dma_wait3A_1917 = arith.constant 99968 : i32
        %dma_wait3A_1918 = tpu.memref_slice %arg6[%dma_wait3A_1916, %dma_wait3A_1917] : memref<32x100000xf32, #tpu.memory_space<hbm>> -> memref<32x32xf32, #tpu.memory_space<hbm>>
        %dma_wait3A_1919 = arith.constant 0 : i32
        %dma_wait3A_1920 = arith.constant 99968 : i32
        %dma_wait3A_1921 = tpu.memref_slice %arg6[%dma_wait3A_1919, %dma_wait3A_1920] : memref<32x100000xf32, #tpu.memory_space<hbm>> -> memref<32x32xf32, #tpu.memory_space<hbm>>
        tpu.wait_dma2 semaphore(%run_scoped3A : memref<!tpu.dma_semaphore, #tpu.memory_space<semaphore_mem>>) src(%arg12 : memref<32x32xf32, #tpu.memory_space<vmem>>) dst(%dma_wait3A_1921 : memref<32x32xf32, #tpu.memory_space<hbm>>)
        tpu.yield
      }) : () -> ()
    } else {
    }
    %dma_wait3A_1647 = arith.constant 0 : i32
    %dma_wait3A_1648 = tpu.memref_slice %arg6[%dma_wait3A_1647, %mul3A_2] : memref<32x100000xf32, #tpu.memory_space<hbm>> -> memref<32x3072xf32, #tpu.memory_space<hbm>>
    %dma_wait3A_1649 = arith.constant 0 : i32
    %dma_wait3A_1650 = tpu.memref_slice %arg6[%dma_wait3A_1649, %mul3A_2] : memref<32x100000xf32, #tpu.memory_space<hbm>> -> memref<32x3072xf32, #tpu.memory_space<hbm>>
    tpu.wait_dma2 semaphore(%arg13 : memref<!tpu.dma_semaphore, #tpu.memory_space<semaphore_mem>>) src(%arg10 : memref<32x3072xf32, #tpu.memory_space<vmem>>) dst(%dma_wait3A_1650 : memref<32x3072xf32, #tpu.memory_space<hbm>>)
    return
  }
}

</mosaic_0001>

<sc_bundles>
// kernel: _run.3.cloned.1.call-start
scs
__scs_entry_jumppad:
0x0: {  	(pc) =	sbr.rel $0x88, $3  }
0x1: {  	(tag) =	ssettag $0x0;
	lr =	simm.s32 $0x1  }
0x2: {  	[smem:$0x3F9D] =	sst lr;
	_ =	strace $0xD0000000  }
0x3: {  	_ = 	snop  }
0x4: {  	_ = 	snop  }
0x5: {  	_ = 	snop  }
0x6: {  	_ = 	snop  }
0x7: {  	_ = 	snop  }
__scs_overlays_trampoline_lowered:
0x8: {  	[smem:$0x3FAC] =	sst s0  }
0x9: {  	[smem:$0x3FAD] =	sst s1  }
0xa: {  	[smem:$0x3FAE] =	sst s2  }
0xb: {  	[smem:$0x3FAF] =	sst s3  }
0xc: {  	[smem:$0x3FB0] =	sst s4  }
0xd: {  	[smem:$0x3FB1] =	sst s5  }
0xe: {  	[smem:$0x3FB2] =	sst s6  }
0xf: {  	[smem:$0x3FB3] =	sst s7  }
0x10: {  	[smem:$0x3FB4] =	sst s8  }
0x11: {  	[smem:$0x3FB5] =	sst s9;
	s0 =	simm.s32 @!p0 $0x0  }
0x12: {  	s1 =	sld [smem:$0x3F9B];
	s0 =	simm.s32 @p0 $0x1  }
0x13: {  	[smem:$0x3FB6] =	sst s0;
	s0 =	simm.s32 @!p1 $0x0  }
0x14: {  	s2 =	sld [smem:$0x3F9A];
	s0 =	simm.s32 @p1 $0x1  }
0x15: {  	[smem:$0x3FB7] =	sst s0;
	s0 =	simm.s32 @!p2 $0x0  }
0x16: {  	s3 =	sld [smem:$0x3FDB];
	s0 =	simm.s32 @p2 $0x1  }
0x17: {  	s4 =	simm.s32 $0x1BF5;
	[smem:$0x3FB9] =	sst s0  }
0x18: {  	s0 =	sld [smem:$0x3F9C];
	_ =	swait.ge [sflag:s4], $0x0  }
0x19: {  	s7 =	sld [smem:$0x3F9D]  }
0x1a: {  	s8 =	sadd.s32 $0xFFFFE003, lr  }
0x1b: {  	s9 =	sadd.s32 $0xFFFFFEF7, lr;
	s5 =	simm.s32 $0xFFFFFFFF;
	p2 =	slt.u32 s8, $0xFFFFF086  }
0x1c: {  	p1 =	slt.u32 s9, $0xF7A;
	s5 =	simm.s32 @!p2 $0x0  }
0x1d: {  	s5 =	simm.s32 @p1 $0x1;
	p0 =	seq.s32 s7, s2  }
0x1e: {  	s7 =	smul.u32 @!p0 $0xF7A, s2;
	p2 =	seq.s32 @!p0 s5, $0x0  }
0x1f: {  	s9 =	smul.u32 $0xF7A, s1;
	s8 =	simm.s32 @!p0 $0x1BF5;
	p2 =	por !p2, p0  }
0x20: {  	[sflag:s8] =	ssyncset.s32 @!p0 $0xFFFFF086;
	s6 =	sadd.s32 @!p0 s3, s7;
	s7 =	simm.s32 @!p0 $0x108  }
0x21: {  	s3 =	sadd.s32 s3, s9;
	s6 =	sadd.s32 @!p0 $0x88, s6;
	s7 =	simm.s32 @p2 $0x1082  }
0x22: {  	[simem:s7], [sflag:s8] =	dma.local @!p0 [hbm:s6], $0xF7A  }
0x23: {  	s9 =	sor.u32 $0xD0000000, s2;
	s6 =	simm.s32 $0x108;
	_ =	swait.ge @!p0 [sflag:s8], $0x0  }
0x24: {  	s3 =	sadd.s32 $0x88, s3;
	s6 =	simm.s32 @!p1 $0x1082;
	[sflag:s4] =	ssyncset.s32 $0xFFFFF086  }
0x25: {  	[simem:s6], [sflag:s4] =	dma.local [hbm:s3], $0xF7A  }
0x26: {  	[smem:$0x3F9D] =	sst s1;
	(tag) =	ssettag s2;
	_ =	strace s9  }
0x27: {  	s1 =	sld [smem:$0x3FAD]  }
0x28: {  	s2 =	sld [smem:$0x3FAE]  }
0x29: {  	s4 =	sld [smem:$0x3FB0]  }
0x2a: {  	p0 =	seq.s32 s5, $0x0;
	s5 =	sld [smem:$0x3FB1]  }
0x2b: {  	s6 =	sld [smem:$0x3FB2]  }
0x2c: {  	s7 =	sld [smem:$0x3FB3]  }
0x2d: {  	s3 =	simm.s32 $0x108;
	s8 =	sld [smem:$0x3FB4]  }
0x2e: {  	s3 =	simm.s32 @!p0 $0x1082;
	s9 =	sld [smem:$0x3FB5]  }
0x2f: {  	lr =	sadd.s32 s0, s3;
	s0 =	sld [smem:$0x3FAC]  }
0x30: {  	s3 =	sld [smem:$0x3FAF]  }
0x31: {  	[smem:$0x3FB8] =	sst s10  }
0x32: {  	s10 =	sld [smem:$0x3FB6];
	_ =	sdelay $0x3  }
0x33: {  	p0 =	seq.s32 s10, $0x1;
	s10 =	sld [smem:$0x3FB8];
	_ =	sdelay $0x3  }
0x34: {  	[smem:$0x3FB8] =	sst s10  }
0x35: {  	s10 =	sld [smem:$0x3FB7];
	_ =	sdelay $0x3  }
0x36: {  	p1 =	seq.s32 s10, $0x1;
	s10 =	sld [smem:$0x3FB8];
	_ =	sdelay $0x3  }
0x37: {  	[smem:$0x3FB8] =	sst s10  }
0x38: {  	s10 =	sld [smem:$0x3FB9]  }
0x39: {  	_ = 	snop;
	(pc) =	sbr.ind lr, $3  }
0x3a: {  	_ = 	snop  }
0x3b: {  	_ = 	snop  }
0x3c: {  	p2 =	seq.s32 s10, $0x1;
	s10 =	sld [smem:$0x3FB8]  }
0x3d: {  	_ =	shalt  }
0x3e: {  	_ =	shalt  }
0x3f: {  	_ =	shalt  }
0x40: {  	_ =	shalt  }
0x41: {  	_ =	shalt  }
0x42: {  	_ =	shalt  }
0x43: {  	_ =	shalt  }
0x44: {  	_ =	shalt  }
0x45: {  	_ =	shalt  }
0x46: {  	_ =	shalt  }
0x47: {  	_ =	shalt  }
0x48: {  	_ =	shalt  }
0x49: {  	_ =	shalt  }
0x4a: {  	_ =	shalt  }
0x4b: {  	_ =	shalt  }
0x4c: {  	_ =	shalt  }
0x4d: {  	_ =	shalt  }
0x4e: {  	_ =	shalt  }
0x4f: {  	_ =	shalt  }
0x50: {  	_ =	shalt  }
0x51: {  	_ =	shalt  }
0x52: {  	_ =	shalt  }
0x53: {  	_ =	shalt  }
0x54: {  	_ =	shalt  }
0x55: {  	_ =	shalt  }
0x56: {  	_ =	shalt  }
0x57: {  	_ =	shalt  }
0x58: {  	_ =	shalt  }
0x59: {  	_ =	shalt  }
0x5a: {  	_ =	shalt  }
0x5b: {  	_ =	shalt  }
0x5c: {  	_ =	shalt  }
0x5d: {  	_ =	shalt  }
0x5e: {  	_ =	shalt  }
0x5f: {  	_ =	shalt  }
0x60: {  	_ =	shalt  }
0x61: {  	_ =	shalt  }
0x62: {  	_ =	shalt  }
0x63: {  	_ =	shalt  }
0x64: {  	_ =	shalt  }
0x65: {  	_ =	shalt  }
0x66: {  	_ =	shalt  }
0x67: {  	_ =	shalt  }
0x68: {  	_ =	shalt  }
0x69: {  	_ =	shalt  }
0x6a: {  	_ =	shalt  }
0x6b: {  	_ =	shalt  }
0x6c: {  	_ =	shalt  }
0x6d: {  	_ =	shalt  }
0x6e: {  	_ =	shalt  }
0x6f: {  	_ =	shalt  }
0x70: {  	_ =	shalt  }
0x71: {  	_ =	shalt  }
0x72: {  	_ =	shalt  }
0x73: {  	_ =	shalt  }
0x74: {  	_ =	shalt  }
0x75: {  	_ =	shalt  }
0x76: {  	_ =	shalt  }
0x77: {  	_ =	shalt  }
0x78: {  	_ =	shalt  }
0x79: {  	_ =	shalt  }
0x7a: {  	_ =	shalt  }
0x7b: {  	_ =	shalt  }
0x7c: {  	_ =	shalt  }
0x7d: {  	_ =	shalt  }
0x7e: {  	_ =	shalt  }
0x7f: {  	_ =	shalt  }
0x80: {  	_ =	shalt  }
0x81: {  	_ =	shalt  }
0x82: {  	_ =	shalt  }
0x83: {  	_ =	shalt  }
0x84: {  	_ =	shalt  }
0x85: {  	_ =	shalt  }
0x86: {  	_ =	shalt  }
0x87: {  	_ =	shalt  }
.Lfunc_end0:
.L_simem_size_0:
called_computation_lowered:
.L_overlay_start_0:
0x88: {  	s2 =	sld [smem:$0x3FD9]  }
0x89: {  	s3 =	sld [smem:$0x3FFE];
	_ =	sdelay $0x1  }
0x8a: {  	s1 =	srdreg.scid  }
0x8b: {  	s0 =	sand.u32 $0x1, s1  }
0x8c: {  	s18 =	sshll.u32 s0, $0xA;
	s2 =	sadd.s32 s3, s2  }
0x8d: {  	s2 =	sadd.s32 s2, s18  }
0x8e: {  	[smem:$0x3FC4] =	sst s2  }
0x8f: {  	_ = 	snop  }
0x90: {  	s2 =	sld [smem:$0x3FC9]  }
0x91: {  	s19 =	sld [smem:$0x3FC8]  }
0x92: {  	s4 =	sld [smem:$0x3FC7]  }
0x93: {  	s5 =	sld [smem:$0x3FC6]  }
0x94: {  	s6 =	sld [smem:$0x3FD0];
	(tm) =	ssettm $0x1  }
0x95: {  	s7 =	sld [smem:$0x3FFB];
	_ =	sdelay $0x3  }
0x96: {  	_ =	strace s7  }
0x97: {  	s7 =	sld [smem:$0x3FFC];
	_ =	sdelay $0x3  }
0x98: {  	_ =	strace s7  }
0x99: {  	s7 =	sld [smem:$0x3FFD];
	_ =	sdelay $0x3  }
0x9a: {  	_ =	strace s7  }
0x9b: {  	_ =	strace $0x8FFFFFFF  }
0x9c: {  	s20 =	sld [smem:$0x3FDB];
	_ =	sdelay $0x1  }
0x9d: {  	s8 =	simm.s32 $_scs_section_size  }
0x9e: {  	s9 =	simm.s32 $_size__tile_overlayer_lowered;
	s10 =	simm.s32 $_tile_overlayer_lowered  }
0x9f: {  	s23 =	simm.s32 $0x1BFF;
	s22 =	sshll.u32 s10, $0x1;
	s7 =	sadd.s32 s8, s20  }
0xa0: {  	s11 =	simm.s32 $0x0;
	s21 =	sshll.u32 s9, $0x1;
	s9 =	sadd.s32 s22, s7  }
0xa1: {  	[timem:s11], [sflag:s23] =	dma.local [hbm:s9], s21  }
0xa2: {  	_ =	swait.ge [sflag:s23], s21  }
0xa3: {  	s8 =	ssub.s32 $0x0, s21;
	[sflag:s23] =	ssyncset.done $0x0  }
0xa4: {  	[sflag:s23] =	ssyncadd.s32 s8;
	_ =	sdelay $0x1  }
0xa5: {  	s24 =	simm.s32 $0x1B8B  }
0xa6: {  	_ =	swait.ge [sflag:s24], $0x1  }
0xa7: {  	[sflag:s24] =	ssyncset.done $0x0  }
0xa8: {  	s25 =	simm.s32 $0x1B8E;
	[sflag:s24] =	ssyncadd.s32 $0xFFFFFFFF  }
0xa9: {  	s26 =	simm.s32 $execute0_lowered;
	[smem:$0x3FD2] =	sst s25  }
0xaa: {  	s8 =	sshll.u32 s26, $0x1;
	_ =	strace $0x80000046;
	[dreg:$0x1] =	wrdreg $0xFFFFFFFF  }
0xab: {  	s28 =	simm.s32 $_size_execute0_lowered;
	s7 =	sadd.s32 s7, s8;
	[dreg:$0x0] =	wrdreg $0x0  }
0xac: {  	s8 =	sshll.u32 s28, $0x1;
	[dreg:$0x2] =	wrdreg s7  }
0xad: {  	[dreg:$0x3] =	wrdreg s8  }
0xae: {  	[dreg:$0x4] =	wrdreg $0xC0  }
0xaf: {  	_ =	task [dreg:s11], $0x5FFFF  }
0xb0: {  	[dreg:$0x1] =	wrdreg $0xFFFFFFFF  }
0xb1: {  	[dreg:$0x0] =	wrdreg $0x60  }
0xb2: {  	[dreg:$0x2] =	wrdreg s2  }
0xb3: {  	[dreg:$0x3] =	wrdreg s19  }
0xb4: {  	[dreg:$0x4] =	wrdreg s4  }
0xb5: {  	[dreg:$0x5] =	wrdreg s5  }
0xb6: {  	[dreg:$0x6] =	wrdreg s6  }
0xb7: {  	[dreg:$0x7] =	wrdreg $0x9  }
0xb8: {  	_ =	task.clear_ibuf [dreg:s11], $0x8FFFF;
	_ =	strace $0x90000046  }
0xb9: {  	s29 =	simm.s32 $0x9;
	_ =	strace $0x80000048  }
0xba: {  	_ =	swait.ge [sflag:s29], $0x1  }
0xbb: {  	[sflag:s29] =	ssyncadd.s32 $0xFFFFFFFF  }
0xbc: {  	_ =	strace $0x90000048  }
0xbd: {  	_ =	sfence  }
0xbe: {  	s30 =	sld [smem:$0x0];
	_ =	sdelay $0x2  }
0xbf: {  	s31 =	sshll.u32 s1, $0xD;
	s1 =	sshrl.u32 s1, $0x2  }
0xc0: {  	s3 =	sand.u32 $0x4000, s31;
	s1 =	sadd.s32 s1, s30  }
0xc1: {  	s0 =	sor.u32 s3, s0;
	s1 =	sshll.u32 s1, $0x11  }
0xc2: {  	s0 =	sor.u32 s1, s0  }
0xc3: {  	s0 =	sadd.s32 $0x8F2B, s0  }
0xc4: {  	[sflag:s0] =	ssyncadd.remote.s32 $0x1  }
0xc5: {  	_ =	sfence.sel $0xFFFF  }
0xc6: {  	[dreg:$0x0] =	wrdreg $0xFFFFFFFF;
	(pc) =	sbr.abs _section_cstart, $3  }
0xc7: {  	[dreg:$0x1] =	wrdreg $0xFFFFFFFF  }
0xc8: {  	_ =	task.clear_ibuf [dreg:s11], $0x2FFFF;
	_ =	strace $0x9FFFFFFF  }
0xc9: {  	(tm) =	ssettm $0x7FFFFFFF  }
tec
execute0_lowered:
.L_overlay_start_1:
0x0: {  	(tag) =	ssettag $0x1  }
0x1: {  	vm0 =	vmmov $0x3ff;
	v4 =	vimm.s32 $0x0  }
0x2: {  	s1 =	rddreg [dreg:$0x0];
	v4 =	vsel vm0, $0xFFFFFFFF, v4  }
0x3: {  	s2 =	rddreg [dreg:$0x1];
	vm6 =	vmmov $0x1;
	[tilespmem:$0x1FF10] =	vst v4;
	v4 =	vimm.s32 $0x0  }
0x4: {  	s13 =	rddreg [dreg:$0x3];
	v4 =	vsel vm6, $0xFFFFFFFF, v4  }
0x5: {  	s9 =	rddreg [dreg:$0x4];
	s5 =	simm.s32 $0x0;
	vm7 =	vmmov $0x3;
	[tilespmem:$0x1FF20] =	vst v4;
	v4 =	vimm.s32 $0x0  }
0x6: {  	s3 =	srdreg.scid;
	[smem:$0x7FF] =	sst s5;
	v4 =	vsel vm7, $0xFFFFFFFF, v4  }
0x7: {  	vm8 =	vmmov $0x7;
	s6 =	sand.u32 $0x1, s3;
	s3 =	rddreg [dreg:$0x2];
	_ =	strace $0x80000047;
	[tilespmem:$0x1FF30] =	vst v4;
	v4 =	vimm.s32 $0x0  }
0x8: {  	v4 =	vsel vm8, $0xFFFFFFFF, v4  }
0x9: {  	vm9 =	vmmov $0xf;
	[tilespmem:$0x1FF40] =	vst v4;
	v4 =	vimm.s32 $0x0  }
0xa: {  	v4 =	vsel vm9, $0xFFFFFFFF, v4  }
0xb: {  	vm10 =	vmmov $0x1f;
	[tilespmem:$0x1FF50] =	vst v4;
	v4 =	vimm.s32 $0x0  }
0xc: {  	v4 =	vsel vm10, $0xFFFFFFFF, v4  }
0xd: {  	vm11 =	vmmov $0x3f;
	[tilespmem:$0x1FF60] =	vst v4;
	v4 =	vimm.s32 $0x0  }
0xe: {  	v4 =	vsel vm11, $0xFFFFFFFF, v4  }
0xf: {  	vm4 =	vmmov $0x7f;
	[tilespmem:$0x1FF70] =	vst v4;
	v4 =	vimm.s32 $0x0  }
0x10: {  	v4 =	vsel vm4, $0xFFFFFFFF, v4  }
0x11: {  	vm5 =	vmmov $0xff;
	[tilespmem:$0x1FF80] =	vst v4;
	v4 =	vimm.s32 $0x0  }
0x12: {  	v4 =	vsel vm5, $0xFFFFFFFF, v4  }
0x13: {  	vm6 =	vmmov $0x1ff;
	[tilespmem:$0x1FF90] =	vst v4;
	v4 =	vimm.s32 $0x0  }
0x14: {  	s0 =	stileid.u32;
	s11 =	simm.s32 $0x1A180;
	s12 =	simm.s32 $0x1A180;
	v4 =	vsel vm6, $0xFFFFFFFF, v4  }
0x15: {  	s15 =	simm.s32 $0xC3800;
	s16 =	simm.s32 $0x2180;
	s17 =	simm.s32 $0x3;
	vm7 =	vmmov $0x7ff;
	[tilespmem:$0x1FFA0] =	vst v4;
	v4 =	vimm.s32 $0x0  }
0x16: {  	s18 =	simm.s32 $0x1;
	s19 =	simm.s32 $0x180;
	s4 =	sshll.u32 s0, $0x1;
	v4 =	vsel vm7, $0xFFFFFFFF, v4  }
0x17: {  	s20 =	simm.s32 $0x2;
	s21 =	simm.s32 $0x400;
	s22 =	sor.u32 s6, s4;
	vm8 =	vmmov $0xfff;
	[tilespmem:$0x1FFB0] =	vst v4;
	v4 =	vimm.s32 $0x0  }
0x18: {  	s23 =	simm.s32 $0x0;
	s6 =	ssub.s32 $0x2, s6;
	s7 =	smul.u32 $0xC00, s22;
	v4 =	vsel vm8, $0xFFFFFFFF, v4  }
0x19: {  	s4 =	sshll.u32 s22, $0x7;
	s30 =	sshrl.u32 s6, $0x1;
	p0 =	slt.u32 s22, $0xD;
	vm9 =	vmmov $0x1fff;
	[tilespmem:$0x1FFC0] =	vst v4;
	v4 =	vimm.s32 $0x0  }
0x1a: {  	p1 =	sgt.u32 s22, $0xC;
	p2 =	sne.s32 s22, $0xD;
	s22 =	simm.s32 $0x1B180;
	v4 =	vsel vm9, $0xFFFFFFFF, v4  }
.Ltmp0:
0x1b: {  	s14 =	sor.u32 $0x18000, s4;
	s10 =	sadd.s32 $0x18080, s4;
	vm10 =	vmmov $0x3fff;
	[tilespmem:$0x1FFD0] =	vst v4;
	v4 =	vimm.s32 $0x0;
	(pc) =	sbr.rel .LBB2_1-.Ltmp0, $4  }
0x1c: {  	s31 =	ssub.s32 s6, s30;
	s12 =	simm.s32 @!p0 $0x1B180;
	v0 =	vmov s7;
	s8 =	sadd.s32 $0xC00, s7;
	v4 =	vsel vm10, $0xFFFFFFFF, v4  }
0x1d: {  	v3 =	vmov s10;
	s6 =	sadd.s32 s13, s7;
	s7 =	sadd.s32 s9, s7;
	s10 =	smax.u32 s31, $0x1;
	vm11 =	vmmov $0x7fff;
	[tilespmem:$0x1FFE0] =	vst v4;
	v4 =	vimm.s32 $0x0  }
0x1e: {  	v2 =	vmov s14;
	v1 =	vmov s8;
	s8 =	sadd.s32 s9, s14;
	s9 =	sadd.s32 $0x18680, s9;
	s14 =	simm.s32 @!p0 $0x18680;
	v4 =	vsel vm11, $0xFFFFFFFF, v4  }
0x1f: {  	vm12 =	vcmask $0x1318;
	vm15 =	vcmask $0x1B20;
	p0 =	sgt.u32 s0, $0x6;
	s13 =	sadd.s32 s13, s14;
	s14 =	simm.s32 $0x6000;
	[tilespmem:$0x1FFF0] =	vst v4  }
.LBB2_18:
0x20: {  	[hbm4b:s9+s21] =	stream.strided.scatter [tilespmem:s22], [sflag:$0x3], $0x1000, s15, s21, $0x38;
	[tilespmem:$0x1C180] =	vst v63  }
0x21: {  	_ =	swait.ge [sflag:s17], $0x1000  }
0x22: {  	[sflag:s17] =	ssyncset.done $0x0  }
0x23: {  	[sflag:s17] =	ssyncadd.s32 $0xFFFFF000  }
.LBB2_19:
0x24: {  	s23 =	sadd.s32 $0x1, s23  }
0x25: {  	p3 =	sne.s32 s23, s10  }
.Ltmp1:
0x26: {  	_ = 	snop;
	(pc) =	sbr.rel @!p3 .LBB2_20-.Ltmp1, $4  }
0x27: {  	_ = 	snop  }
0x28: {  	_ =	swait.ge [sflag:s18], $0x18000  }
0x29: {  	[sflag:s18] =	ssyncset.done $0x0  }
0x2a: {  	[sflag:s18] =	ssyncadd.s32 $0xFFFE8000  }
.LBB2_1:
0x2b: {  	[tilespmem:s16], [sflag:$0x1] =	stream.strided.gather [hbm4b:s6+s14], $0x18000, s15, s14, $0x38;
	[tilespmem:$0x1C180] =	vst v63  }
0x2c: {  	s24 =	simm.s32 @!p0 $0x400;
	s25 =	simm.s32 @!p0 $0xC3800  }
0x2d: {  	[tilespmem:s12], [sflag:$0x2] =	stream.strided.gather @!p0 [hbm4b:s13+s24], $0x1000, s25, s24, $0x38;
	[tilespmem:$0x1C180] =	vst v63  }
0x2e: {  	_ = 	snop  }
0x2f: {  	[tilespmem:s5], [sflag:$0x3] =	stream.linear.gather [hbm4b:s3+s5], $0x80, $0x38;
	[tilespmem:$0x1C180] =	vst v63  }
0x30: {  	_ =	swait.ge [sflag:s17], $0x80  }
0x31: {  	[sflag:s17] =	ssyncset.done $0x0  }
0x32: {  	v4 =	vld [tilespmem:$0x1FF10];
	[sflag:s17] =	ssyncadd.s32 $0xFFFFFF80  }
0x33: {  	v5 =	vld [tilespmem:$0x10];
	_ =	sdelay $0x1  }
0x34: {  	v6 =	vld [tilespmem:$0x0];
	_ =	sdelay $0x1  }
0x35: {  	vm4 =	vnez.u8 v4  }
0x36: {  	v7 =	vnsel vm4, $0x0, v5  }
0x37: {  	vm9 =	vcmask $0x308;
	(xrf2) =	vadd.scan.msk.f32 $0xffff, v7  }
0x38: {  	v44 =	vsel vm9, $0x0, v6;
	(xrf2) =	vadd.scan.msk.f32 $0xffff, v6  }
0x39: {  	(xrf2) =	vadd.scan.msk.f32 $0xffff, v44;
	_ =	sdelay $0x7  }
0x3a: {  	v4 =	vld [tilespmem:$0x1FF20];
	v20, _, _ =	vpop (xrf2)  }
0x3b: {  	v13, _, _ =	vpop (xrf2)  }
0x3c: {  	v11, _, _ =	vpop (xrf2)  }
0x3d: {  	v45 =	vbroadcast v11, $0xF;
	_ =	sdelay $0x1  }
0x3e: {  	vm2 =	vnez.u8 v4;
	vm3 =	veq.f32 v6, v45  }
0x3f: {  	vm7 =	vlt.f32 v6, v45;
	vm3 =	vmand vm3, vm2  }
0x40: {  	vm3 =	vmor vm7, vm3  }
0x41: {  	vm10 =	vlt.f32 v5, v45;
	v46 =	vnsel vm3, $0x0, v6  }
0x42: {  	vm11 =	vcmask $0x70C;
	v47 =	vnsel vm10, $0x0, v5;
	(xrf2) =	vadd.scan.msk.f32 $0xffff, v46  }
0x43: {  	v48 =	vsel vm11, $0x0, v6;
	(xrf2) =	vadd.scan.msk.f32 $0xffff, v47  }
0x44: {  	(xrf2) =	vadd.scan.msk.f32 $0xffff, v48;
	_ =	sdelay $0x7  }
0x45: {  	v4 =	vld [tilespmem:$0x1FF30];
	v27, _, _ =	vpop (xrf2)  }
0x46: {  	v26, _, _ =	vpop (xrf2)  }
0x47: {  	v25, _, _ =	vpop (xrf2)  }
0x48: {  	v49 =	vbroadcast v25, $0xF;
	_ =	sdelay $0x1  }
0x49: {  	vm6 =	vnez.u8 v4;
	vm11 =	veq.f32 v6, v49  }
0x4a: {  	vm10 =	vlt.f32 v6, v49;
	vm3 =	vmand vm11, vm6  }
0x4b: {  	vm3 =	vmor vm10, vm3  }
0x4c: {  	vm11 =	vlt.f32 v5, v49;
	v50 =	vnsel vm3, $0x0, v6  }
0x4d: {  	vm13 =	vcmask $0xB10;
	v51 =	vnsel vm11, $0x0, v5;
	(xrf2) =	vadd.scan.msk.f32 $0xffff, v50  }
0x4e: {  	v52 =	vsel vm13, $0x0, v6;
	(xrf2) =	vadd.scan.msk.f32 $0xffff, v51  }
0x4f: {  	(xrf2) =	vadd.scan.msk.f32 $0xffff, v52;
	_ =	sdelay $0x7  }
0x50: {  	v4 =	vld [tilespmem:$0x1FF40];
	v41, _, _ =	vpop (xrf2)  }
0x51: {  	v42, _, _ =	vpop (xrf2)  }
0x52: {  	v40, _, _ =	vpop (xrf2)  }
0x53: {  	v53 =	vbroadcast v40, $0xF;
	_ =	sdelay $0x1  }
0x54: {  	vm8 =	vnez.u8 v4;
	vm3 =	veq.f32 v6, v53  }
0x55: {  	vm7 =	vlt.f32 v6, v53;
	vm3 =	vmand vm3, vm8  }
0x56: {  	vm3 =	vmor vm7, vm3  }
0x57: {  	vm0 =	vlt.f32 v5, v53;
	v54 =	vnsel vm3, $0x0, v6  }
0x58: {  	v55 =	vnsel vm0, $0x0, v5;
	vm0 =	vcmask $0xF14;
	(xrf2) =	vadd.scan.msk.f32 $0xffff, v54  }
0x59: {  	v56 =	vsel vm0, $0x0, v6;
	(xrf2) =	vadd.scan.msk.f32 $0xffff, v55  }
0x5a: {  	(xrf2) =	vadd.scan.msk.f32 $0xffff, v56;
	_ =	sdelay $0x7  }
0x5b: {  	v4 =	vld [tilespmem:$0x1FF50];
	v59, _, _ =	vpop (xrf2)  }
0x5c: {  	v54, _, _ =	vpop (xrf2)  }
0x5d: {  	v52, _, _ =	vpop (xrf2)  }
0x5e: {  	v57 =	vbroadcast v52, $0xF;
	_ =	sdelay $0x1  }
0x5f: {  	vm10 =	vnez.u8 v4;
	vm3 =	veq.f32 v6, v57  }
0x60: {  	vm7 =	vlt.f32 v6, v57;
	vm3 =	vmand vm3, vm10  }
0x61: {  	vm3 =	vmor vm7, vm3  }
0x62: {  	vm1 =	vlt.f32 v5, v57;
	v58 =	vnsel vm3, $0x0, v6  }
0x63: {  	v60 =	vnsel vm1, $0x0, v5;
	(xrf2) =	vadd.scan.msk.f32 $0xffff, v58  }
0x64: {  	v61 =	vsel vm12, $0x0, v6;
	(xrf2) =	vadd.scan.msk.f32 $0xffff, v60  }
0x65: {  	(xrf2) =	vadd.scan.msk.f32 $0xffff, v61;
	_ =	sdelay $0x7  }
0x66: {  	v4 =	vld [tilespmem:$0x1FF60];
	v63, _, _ =	vpop (xrf2)  }
0x67: {  	v55, _, _ =	vpop (xrf2)  }
0x68: {  	v43, _, _ =	vpop (xrf2)  }
0x69: {  	v62 =	vbroadcast v43, $0xF;
	_ =	sdelay $0x1  }
0x6a: {  	vm14 =	vnez.u8 v4;
	vm3 =	veq.f32 v6, v62  }
0x6b: {  	vm11 =	vlt.f32 v6, v62;
	vm3 =	vmand vm3, vm14  }
0x6c: {  	vm3 =	vmor vm11, vm3  }
0x6d: {  	vm1 =	vlt.f32 v5, v62;
	v9 =	vnsel vm3, $0x0, v6  }
0x6e: {  	v10 =	vnsel vm1, $0x0, v5;
	vm1 =	vcmask $0x171C;
	(xrf2) =	vadd.scan.msk.f32 $0xffff, v9  }
0x6f: {  	v16 =	vsel vm1, $0x0, v6;
	(xrf2) =	vadd.scan.msk.f32 $0xffff, v10  }
0x70: {  	(xrf2) =	vadd.scan.msk.f32 $0xffff, v16;
	_ =	sdelay $0x7  }
0x71: {  	v4 =	vld [tilespmem:$0x1FF70];
	v60, _, _ =	vpop (xrf2)  }
0x72: {  	v56, _, _ =	vpop (xrf2)  }
0x73: {  	v47, _, _ =	vpop (xrf2)  }
0x74: {  	v17 =	vbroadcast v47, $0xF;
	_ =	sdelay $0x1  }
0x75: {  	vm5 =	vnez.u8 v4;
	vm3 =	veq.f32 v6, v17  }
0x76: {  	vm11 =	vlt.f32 v6, v17;
	vm3 =	vmand vm3, vm5  }
0x77: {  	vm3 =	vmor vm11, vm3  }
0x78: {  	vm1 =	vlt.f32 v5, v17;
	v18 =	vnsel vm3, $0x0, v6  }
0x79: {  	v19 =	vnsel vm1, $0x0, v5;
	(xrf2) =	vadd.scan.msk.f32 $0xffff, v18  }
0x7a: {  	v21 =	vsel vm15, $0x0, v6;
	(xrf2) =	vadd.scan.msk.f32 $0xffff, v19  }
0x7b: {  	(xrf2) =	vadd.scan.msk.f32 $0xffff, v21;
	_ =	sdelay $0x7  }
0x7c: {  	v4 =	vld [tilespmem:$0x1FF80];
	v61, _, _ =	vpop (xrf2)  }
0x7d: {  	v57, _, _ =	vpop (xrf2)  }
0x7e: {  	v44, _, _ =	vpop (xrf2)  }
0x7f: {  	v22 =	vbroadcast v44, $0xF;
	_ =	sdelay $0x1  }
0x80: {  	vm0 =	vnez.u8 v4;
	vm3 =	veq.f32 v6, v22  }
0x81: {  	vm11 =	vlt.f32 v6, v22;
	vm3 =	vmand vm3, vm0  }
0x82: {  	vm3 =	vmor vm11, vm3  }
0x83: {  	vm1 =	vlt.f32 v5, v22;
	v23 =	vnsel vm3, $0x0, v6  }
0x84: {  	vm7 =	vcmask $0x1F24;
	v24 =	vnsel vm1, $0x0, v5;
	(xrf2) =	vadd.scan.msk.f32 $0xffff, v23  }
0x85: {  	v28 =	vsel vm7, $0x0, v6;
	(xrf2) =	vadd.scan.msk.f32 $0xffff, v24  }
0x86: {  	(xrf2) =	vadd.scan.msk.f32 $0xffff, v28;
	_ =	sdelay $0x7  }
0x87: {  	v4 =	vld [tilespmem:$0x1FF90];
	v62, _, _ =	vpop (xrf2)  }
0x88: {  	v58, _, _ =	vpop (xrf2)  }
0x89: {  	v38, _, _ =	vpop (xrf2)  }
0x8a: {  	v29 =	vbroadcast v38, $0xF;
	_ =	sdelay $0x1  }
0x8b: {  	vm1 =	vnez.u8 v4;
	vm3 =	veq.f32 v6, v29  }
0x8c: {  	vm11 =	vlt.f32 v6, v29;
	vm3 =	vmand vm3, vm1  }
0x8d: {  	vm3 =	vmor vm11, vm3  }
0x8e: {  	vm11 =	vlt.f32 v5, v29;
	v30 =	vnsel vm3, $0x0, v6  }
0x8f: {  	v31 =	vnsel vm11, $0x0, v5;
	vm11 =	vcmask $0x2328;
	(xrf2) =	vadd.scan.msk.f32 $0xffff, v30  }
0x90: {  	v32 =	vsel vm11, $0x0, v6;
	(xrf2) =	vadd.scan.msk.f32 $0xffff, v31  }
0x91: {  	(xrf2) =	vadd.scan.msk.f32 $0xffff, v32;
	_ =	sdelay $0x7  }
0x92: {  	v4 =	vld [tilespmem:$0x1FFA0];
	v51, _, _ =	vpop (xrf2)  }
0x93: {  	v48, _, _ =	vpop (xrf2)  }
0x94: {  	v32, _, _ =	vpop (xrf2)  }
0x95: {  	v33 =	vbroadcast v32, $0xF;
	_ =	sdelay $0x1  }
0x96: {  	vm11 =	vnez.u8 v4;
	vm3 =	veq.f32 v6, v33  }
0x97: {  	vm7 =	vlt.f32 v6, v33;
	vm3 =	vmand vm3, vm11  }
0x98: {  	vm3 =	vmor vm7, vm3  }
0x99: {  	vm7 =	vlt.f32 v5, v33;
	v34 =	vnsel vm3, $0x0, v6  }
0x9a: {  	v35 =	vnsel vm7, $0x0, v5;
	vm7 =	vcmask $0x272C;
	(xrf2) =	vadd.scan.msk.f32 $0xffff, v34  }
0x9b: {  	v36 =	vsel vm7, $0x0, v6;
	(xrf2) =	vadd.scan.msk.f32 $0xffff, v35  }
0x9c: {  	(xrf2) =	vadd.scan.msk.f32 $0xffff, v36;
	_ =	sdelay $0x7  }
0x9d: {  	v50, _, _ =	vpop (xrf2)  }
0x9e: {  	v45, _, _ =	vpop (xrf2)  }
0x9f: {  	v33, _, _ =	vpop (xrf2)  }
0xa0: {  	v37 =	vbroadcast v33, $0xF;
	_ =	sdelay $0x1  }
0xa1: {  	vm3 =	veq.f32 v6, v37  }
0xa2: {  	vm7 =	vlt.f32 v6, v37;
	vm3 =	vmand vm3, vm4  }
0xa3: {  	vm3 =	vmor vm7, vm3  }
0xa4: {  	vm7 =	vlt.f32 v5, v37;
	v39 =	vnsel vm3, $0x0, v6  }
0xa5: {  	v46 =	vnsel vm7, $0x0, v5;
	vm7 =	vcmask $0x2B30;
	(xrf2) =	vadd.scan.msk.f32 $0xffff, v39  }
0xa6: {  	v49 =	vsel vm7, $0x0, v6;
	(xrf2) =	vadd.scan.msk.f32 $0xffff, v46  }
0xa7: {  	(xrf2) =	vadd.scan.msk.f32 $0xffff, v49;
	_ =	sdelay $0x7  }
0xa8: {  	v4 =	vld [tilespmem:$0x1FFB0];
	v49, _, _ =	vpop (xrf2)  }
0xa9: {  	v46, _, _ =	vpop (xrf2)  }
0xaa: {  	v37, _, _ =	vpop (xrf2)  }
0xab: {  	v53 =	vbroadcast v37, $0xF;
	_ =	sdelay $0x1  }
0xac: {  	vm4 =	vnez.u8 v4;
	vm3 =	veq.f32 v6, v53  }
0xad: {  	vm7 =	vlt.f32 v6, v53;
	vm3 =	vmand vm3, vm4  }
0xae: {  	vm3 =	vmor vm7, vm3  }
0xaf: {  	vm7 =	vlt.f32 v5, v53;
	v9 =	vnsel vm3, $0x0, v6  }
0xb0: {  	v10 =	vnsel vm7, $0x0, v5;
	vm7 =	vcmask $0x2F34;
	(xrf2) =	vadd.scan.msk.f32 $0xffff, v9  }
0xb1: {  	v16 =	vsel vm7, $0x0, v6;
	(xrf2) =	vadd.scan.msk.f32 $0xffff, v10  }
0xb2: {  	(xrf2) =	vadd.scan.msk.f32 $0xffff, v16;
	_ =	sdelay $0x7  }
0xb3: {  	v4 =	vld [tilespmem:$0x1FFC0];
	v53, _, _ =	vpop (xrf2)  }
0xb4: {  	v39, _, _ =	vpop (xrf2)  }
0xb5: {  	v21, _, _ =	vpop (xrf2)  }
0xb6: {  	v17 =	vbroadcast v21, $0xF;
	_ =	sdelay $0x1  }
0xb7: {  	vm4 =	vnez.u8 v4;
	vm3 =	veq.f32 v6, v17  }
0xb8: {  	vm7 =	vlt.f32 v6, v17;
	vm3 =	vmand vm3, vm4  }
0xb9: {  	vm3 =	vmor vm7, vm3  }
0xba: {  	vm7 =	vlt.f32 v5, v17;
	v18 =	vnsel vm3, $0x0, v6  }
0xbb: {  	v19 =	vnsel vm7, $0x0, v5;
	vm7 =	vcmask $0x3338;
	(xrf2) =	vadd.scan.msk.f32 $0xffff, v18  }
0xbc: {  	v22 =	vsel vm7, $0x0, v6;
	(xrf2) =	vadd.scan.msk.f32 $0xffff, v19  }
0xbd: {  	(xrf2) =	vadd.scan.msk.f32 $0xffff, v22;
	_ =	sdelay $0x7  }
0xbe: {  	v4 =	vld [tilespmem:$0x1FFD0];
	v35, _, _ =	vpop (xrf2)  }
0xbf: {  	v29, _, _ =	vpop (xrf2)  }
0xc0: {  	v22, _, _ =	vpop (xrf2)  }
0xc1: {  	v23 =	vbroadcast v22, $0xF;
	_ =	sdelay $0x1  }
0xc2: {  	vm4 =	vnez.u8 v4;
	vm3 =	veq.f32 v6, v23  }
0xc3: {  	vm7 =	vlt.f32 v6, v23;
	vm3 =	vmand vm3, vm4  }
0xc4: {  	vm3 =	vmor vm7, vm3  }
0xc5: {  	vm7 =	vlt.f32 v5, v23;
	v24 =	vnsel vm3, $0x0, v6  }
0xc6: {  	v28 =	vnsel vm7, $0x0, v5;
	vm7 =	vcmask $0x373C;
	(xrf2) =	vadd.scan.msk.f32 $0xffff, v24  }
0xc7: {  	v30 =	vsel vm7, $0x0, v6;
	(xrf2) =	vadd.scan.msk.f32 $0xffff, v28  }
0xc8: {  	(xrf2) =	vadd.scan.msk.f32 $0xffff, v30;
	_ =	sdelay $0x6  }
0xc9: {  	v4 =	vld [tilespmem:$0x1FFE0]  }
0xca: {  	v36, _, _ =	vpop (xrf2)  }
0xcb: {  	v30, _, _ =	vpop (xrf2)  }
0xcc: {  	v16, _, _ =	vpop (xrf2)  }
0xcd: {  	v31 =	vbroadcast v16, $0xF  }
0xce: {  	vm4 =	vnez.u8 v4;
	v4 =	vld [tilespmem:$0x1FFF0]  }
0xcf: {  	vm3 =	veq.f32 v6, v31  }
0xd0: {  	vm7 =	vlt.f32 v6, v31;
	vm3 =	vmand vm3, vm4  }
0xd1: {  	vm3 =	vmor vm7, vm3  }
0xd2: {  	vm7 =	vlt.f32 v5, v31;
	v34 =	vnsel vm3, $0x0, v6  }
0xd3: {  	vm4 =	vnez.u8 v4;
	v9 =	vnsel vm7, $0x0, v5;
	(xrf2) =	vadd.scan.msk.f32 $0xffff, v34  }
0xd4: {  	v10 =	vsel vm4, $0x0, v6;
	(xrf2) =	vadd.scan.msk.f32 $0xffff, v9  }
0xd5: {  	(xrf2) =	vadd.scan.msk.f32 $0xffff, v10;
	_ =	sdelay $0x7  }
0xd6: {  	v34, _, _ =	vpop (xrf2)  }
0xd7: {  	v31, _, _ =	vpop (xrf2)  }
0xd8: {  	v14, _, _ =	vpop (xrf2)  }
0xd9: {  	v17 =	vbroadcast v14, $0xF;
	_ =	sdelay $0x1  }
0xda: {  	vm3 =	veq.f32 v6, v17  }
0xdb: {  	vm7 =	vlt.f32 v6, v17;
	vm3 =	vmand vm3, vm4  }
0xdc: {  	vm3 =	vmor vm7, vm3  }
0xdd: {  	vm7 =	vlt.f32 v5, v17;
	v18 =	vnsel vm3, $0x0, v6  }
0xde: {  	v19 =	vnsel vm7, $0x0, v5;
	(xrf2) =	vadd.scan.msk.f32 $0xffff, v18  }
0xdf: {  	v23 =	vnsel vm2, $0x0, v5;
	(xrf2) =	vadd.scan.msk.f32 $0xffff, v19  }
0xe0: {  	(xrf2) =	vadd.scan.msk.f32 $0xffff, v23;
	_ =	sdelay $0x7  }
0xe1: {  	v28, _, _ =	vpop (xrf2)  }
0xe2: {  	v23, _, _ =	vpop (xrf2)  }
0xe3: {  	v10, _, _ =	vpop (xrf2)  }
0xe4: {  	v24 =	vbroadcast v10, $0xF;
	_ =	sdelay $0x1  }
0xe5: {  	vm3 =	vle.f32 v6, v24  }
0xe6: {  	vm7 =	vlt.f32 v5, v24;
	v9 =	vnsel vm3, $0x0, v6  }
0xe7: {  	v17 =	vnsel vm7, $0x0, v5;
	(xrf2) =	vadd.scan.msk.f32 $0xffff, v9  }
0xe8: {  	v18 =	vsel vm9, $0x0, v5;
	(xrf2) =	vadd.scan.msk.f32 $0xffff, v17  }
0xe9: {  	(xrf2) =	vadd.scan.msk.f32 $0xffff, v18;
	_ =	sdelay $0x7  }
0xea: {  	v17, _, _ =	vpop (xrf2)  }
0xeb: {  	v15, _, _ =	vpop (xrf2)  }
0xec: {  	v8, _, _ =	vpop (xrf2)  }
0xed: {  	v19 =	vbroadcast v8, $0xF;
	_ =	sdelay $0x1  }
0xee: {  	vm3 =	veq.f32 v5, v19  }
0xef: {  	vm7 =	vle.f32 v6, v19;
	vm9 =	vlt.f32 v5, v19;
	vm3 =	vmand vm3, vm2  }
0xf0: {  	v24 =	vnsel vm7, $0x0, v6;
	vm3 =	vmor vm9, vm3  }
0xf1: {  	vm4 =	vcmask $0x70C;
	(xrf2) =	vadd.scan.msk.f32 $0xffff, v24;
	v9 =	vnsel vm3, $0x0, v5  }
0xf2: {  	v18 =	vsel vm4, $0x0, v5;
	(xrf2) =	vadd.scan.msk.f32 $0xffff, v9  }
0xf3: {  	(xrf2) =	vadd.scan.msk.f32 $0xffff, v18;
	_ =	sdelay $0x7  }
0xf4: {  	v18, _, _ =	vpop (xrf2)  }
0xf5: {  	v12, _, _ =	vpop (xrf2)  }
0xf6: {  	v9, _, _ =	vpop (xrf2)  }
0xf7: {  	v19 =	vbroadcast v9, $0xF;
	_ =	sdelay $0x1  }
0xf8: {  	vm3 =	veq.f32 v5, v19  }
0xf9: {  	vm7 =	vle.f32 v6, v19;
	vm9 =	vlt.f32 v5, v19;
	vm3 =	vmand vm3, vm6  }
0xfa: {  	v24 =	vnsel vm7, $0x0, v6;
	vm3 =	vmor vm9, vm3  }
0xfb: {  	(xrf2) =	vadd.scan.msk.f32 $0xffff, v24;
	v19 =	vnsel vm3, $0x0, v5  }
0xfc: {  	v24 =	vsel vm13, $0x0, v5;
	(xrf2) =	vadd.scan.msk.f32 $0xffff, v19  }
0xfd: {  	(xrf2) =	vadd.scan.msk.f32 $0xffff, v24;
	_ =	sdelay $0x7  }
0xfe: {  	v24, _, _ =	vpop (xrf2)  }
0xff: {  	v19, _, _ =	vpop (xrf2)  }
0x100: {  	v7, _, _ =	vpop (xrf2)  }
0x101: {  	v4 =	vbroadcast v7, $0xF;
	_ =	sdelay $0x1  }
0x102: {  	vm3 =	veq.f32 v5, v4  }
0x103: {  	vm7 =	vle.f32 v6, v4;
	vm6 =	vlt.f32 v5, v4;
	vm3 =	vmand vm3, vm8  }
0x104: {  	(v2sf) =	vpush v20, $0xF;
	v4 =	vnsel vm7, $0x0, v6;
	vm3 =	vmor vm6, vm3  }
0x105: {  	(v2sf) =	vpush v13, $0xF;
	vm4 =	vcmask $0xF14;
	(xrf2) =	vadd.scan.msk.f32 $0xffff, v4;
	v4 =	vnsel vm3, $0x0, v5  }
0x106: {  	(v2sf) =	vpush v11, $0xF;
	(xrf2) =	vadd.scan.msk.f32 $0xffff, v4;
	v4 =	vsel vm4, $0x0, v5  }
0x107: {  	(v2sf) =	vpush v27, $0xF;
	(xrf2) =	vadd.scan.msk.f32 $0xffff, v4  }
0x108: {  	(v2sf) =	vpush v26, $0xF;
	_ =	sdelay $0x2  }
0x109: {  	(v2sf) =	vpush v25, $0xF  }
0x10a: {  	(v2sf) =	vpush v41, $0xF  }
0x10b: {  	(v2sf) =	vpush v42, $0xF;
	_ =	sdelay $0x1  }
0x10c: {  	v41, _, _ =	vpop (xrf2)  }
0x10d: {  	(v2sf) =	vpush v40, $0xF;
	v13, _, _ =	vpop (xrf2)  }
0x10e: {  	(v2sf) =	vpush v59, $0xF;
	v42, _, _ =	vpop (xrf2)  }
0x10f: {  	(v2sf) =	vpush v54, $0xF;
	v4 =	vbroadcast v42, $0xF  }
0x110: {  	s30 =	spop (v2sf)  }
0x111: {  	s31 =	spop (v2sf);
	(v2sf) =	vpush v52, $0xF;
	vm3 =	veq.f32 v5, v4  }
0x112: {  	s26 =	spop (v2sf);
	vm7 =	vle.f32 v6, v4;
	vm6 =	vlt.f32 v5, v4;
	vm3 =	vmand vm3, vm10  }
0x113: {  	s28 =	spop (v2sf);
	(v2sf) =	vpush v63, $0xF;
	v4 =	vnsel vm7, $0x0, v6;
	vm3 =	vmor vm6, vm3  }
0x114: {  	s4 =	spop (v2sf);
	(v2sf) =	vpush v55, $0xF;
	(xrf2) =	vadd.scan.msk.f32 $0xffff, v4;
	v4 =	vnsel vm3, $0x0, v5  }
0x115: {  	s24 =	sadd.f32 s30, s31;
	(xrf2) =	vadd.scan.msk.f32 $0xffff, v4;
	v4 =	vsel vm12, $0x0, v5  }
0x116: {  	s25 =	sadd.f32 s28, s4;
	(xrf2) =	vadd.scan.msk.f32 $0xffff, v4  }
0x117: {  	s24 =	smul.f32 $5.000000000e-01, s24;
	s29 =	spop (v2sf);
	(v2sf) =	vpush v43, $0xF  }
0x118: {  	s26 =	sadd.f32 s25, s26;
	s30 =	spop (v2sf);
	(v2sf) =	vpush v60, $0xF  }
0x119: {  	s31 =	spop (v2sf);
	(v2sf) =	vpush v56, $0xF  }
0x11a: {  	p4 =	sge.f32 s26, s24;
	s26 =	sadd.f32 s30, s31  }
0x11b: {  	p3 =	slt.f32 s25, s24  }
0x11c: {  	s28 =	sadd.f32 s26, s29;
	s29 =	spop (v2sf);
	(v2sf) =	vpush v47, $0xF  }
0x11d: {  	p3 =	por !p3, !p4;
	s30 =	spop (v2sf);
	(v2sf) =	vpush v61, $0xF  }
0x11e: {  	s25 =	simm.s32 $0x1;
	p3 =	por !p3, !p3;
	s4 =	spop (v2sf);
	(v2sf) =	vpush v57, $0xF;
	v55, _, _ =	vpop (xrf2)  }
0x11f: {  	s25 =	simm.s32 @!p3 $0x0;
	p3 =	sge.f32 s28, s24;
	s28 =	sadd.f32 s30, s4;
	v56, _, _ =	vpop (xrf2)  }
0x120: {  	v57, _, _ =	vpop (xrf2)  }
0x121: {  	s4 =	sadd.f32 s28, s29;
	s29 =	spop (v2sf);
	(v2sf) =	vpush v44, $0xF;
	v4 =	vbroadcast v57, $0xF  }
0x122: {  	s31 =	smov.u32 s25;
	s30 =	spop (v2sf);
	(v2sf) =	vpush v62, $0xF  }
0x123: {  	s31 =	simm.s32 @p3 $0x2;
	p3 =	sge.f32 s4, s24;
	s4 =	spop (v2sf);
	(v2sf) =	vpush v58, $0xF;
	vm3 =	veq.f32 v5, v4  }
0x124: {  	p4 =	slt.f32 s26, s24;
	s26 =	sadd.f32 s30, s4;
	vm7 =	vle.f32 v6, v4;
	vm6 =	vlt.f32 v5, v4;
	vm3 =	vmand vm3, vm14  }
0x125: {  	v4 =	vnsel vm7, $0x0, v6;
	vm3 =	vmor vm6, vm3  }
0x126: {  	s25 =	smov.u32 @p4 s31;
	s4 =	sadd.f32 s26, s29;
	s29 =	spop (v2sf);
	(v2sf) =	vpush v38, $0xF;
	vm4 =	vcmask $0x171C;
	(xrf2) =	vadd.scan.msk.f32 $0xffff, v4;
	v4 =	vnsel vm3, $0x0, v5  }
0x127: {  	s31 =	smov.u32 s25;
	s30 =	spop (v2sf);
	(v2sf) =	vpush v51, $0xF;
	(xrf2) =	vadd.scan.msk.f32 $0xffff, v4;
	v4 =	vsel vm4, $0x0, v5  }
0x128: {  	s31 =	simm.s32 @p3 $0x3;
	p3 =	sge.f32 s4, s24;
	s4 =	spop (v2sf);
	(v2sf) =	vpush v48, $0xF;
	(xrf2) =	vadd.scan.msk.f32 $0xffff, v4  }
0x129: {  	p4 =	slt.f32 s28, s24;
	s28 =	sadd.f32 s30, s4  }
0x12a: {  	_ = 	snop  }
0x12b: {  	s25 =	smov.u32 @p4 s31;
	s4 =	sadd.f32 s28, s29;
	s29 =	spop (v2sf);
	(v2sf) =	vpush v32, $0xF  }
0x12c: {  	s31 =	smov.u32 s25;
	s30 =	spop (v2sf);
	(v2sf) =	vpush v50, $0xF  }
0x12d: {  	s31 =	simm.s32 @p3 $0x4;
	p3 =	sge.f32 s4, s24;
	s4 =	spop (v2sf);
	(v2sf) =	vpush v45, $0xF  }
0x12e: {  	p4 =	slt.f32 s26, s24;
	s26 =	sadd.f32 s30, s4  }
0x12f: {  	_ = 	snop  }
0x130: {  	s25 =	smov.u32 @p4 s31;
	s4 =	sadd.f32 s26, s29;
	s29 =	spop (v2sf);
	(v2sf) =	vpush v33, $0xF;
	v58, _, _ =	vpop (xrf2)  }
0x131: {  	s31 =	smov.u32 s25;
	s30 =	spop (v2sf);
	(v2sf) =	vpush v49, $0xF;
	v59, _, _ =	vpop (xrf2)  }
0x132: {  	s31 =	simm.s32 @p3 $0x5;
	p3 =	sge.f32 s4, s24;
	s4 =	spop (v2sf);
	(v2sf) =	vpush v46, $0xF;
	v60, _, _ =	vpop (xrf2)  }
0x133: {  	p4 =	slt.f32 s28, s24;
	s28 =	sadd.f32 s30, s4;
	v4 =	vbroadcast v60, $0xF  }
0x134: {  	(v2sf) =	vpush v37, $0xF  }
0x135: {  	s25 =	smov.u32 @p4 s31;
	s4 =	sadd.f32 s28, s29;
	s29 =	spop (v2sf);
	(v2sf) =	vpush v53, $0xF;
	vm3 =	veq.f32 v5, v4  }
0x136: {  	s31 =	smov.u32 s25;
	s30 =	spop (v2sf);
	vm7 =	vle.f32 v6, v4;
	vm6 =	vlt.f32 v5, v4;
	vm3 =	vmand vm3, vm5  }
0x137: {  	s31 =	simm.s32 @p3 $0x6;
	p3 =	sge.f32 s4, s24;
	s4 =	spop (v2sf);
	(v2sf) =	vpush v39, $0xF;
	v4 =	vnsel vm7, $0x0, v6;
	vm3 =	vmor vm6, vm3  }
0x138: {  	p4 =	slt.f32 s26, s24;
	s26 =	sadd.f32 s30, s4;
	(xrf2) =	vadd.scan.msk.f32 $0xffff, v4;
	v4 =	vnsel vm3, $0x0, v5  }
0x139: {  	(xrf2) =	vadd.scan.msk.f32 $0xffff, v4;
	v4 =	vsel vm15, $0x0, v5  }
0x13a: {  	s25 =	smov.u32 @p4 s31;
	s4 =	sadd.f32 s26, s29;
	s29 =	spop (v2sf);
	(v2sf) =	vpush v21, $0xF;
	(xrf2) =	vadd.scan.msk.f32 $0xffff, v4  }
0x13b: {  	s31 =	smov.u32 s25;
	s30 =	spop (v2sf);
	(v2sf) =	vpush v35, $0xF  }
0x13c: {  	s31 =	simm.s32 @p3 $0x7;
	p3 =	sge.f32 s4, s24;
	s4 =	spop (v2sf);
	(v2sf) =	vpush v29, $0xF  }
0x13d: {  	p4 =	slt.f32 s28, s24;
	s28 =	sadd.f32 s30, s4  }
0x13e: {  	_ = 	snop  }
0x13f: {  	s25 =	smov.u32 @p4 s31;
	s4 =	sadd.f32 s28, s29;
	s29 =	spop (v2sf);
	(v2sf) =	vpush v22, $0xF  }
0x140: {  	s31 =	smov.u32 s25;
	s30 =	spop (v2sf);
	(v2sf) =	vpush v36, $0xF  }
0x141: {  	s31 =	simm.s32 @p3 $0x8;
	p3 =	sge.f32 s4, s24;
	s4 =	spop (v2sf);
	(v2sf) =	vpush v30, $0xF  }
0x142: {  	p4 =	slt.f32 s26, s24;
	s26 =	sadd.f32 s30, s4;
	v61, _, _ =	vpop (xrf2)  }
0x143: {  	v62, _, _ =	vpop (xrf2)  }
0x144: {  	s25 =	smov.u32 @p4 s31;
	s4 =	sadd.f32 s26, s29;
	s29 =	spop (v2sf);
	(v2sf) =	vpush v16, $0xF;
	v63, _, _ =	vpop (xrf2)  }
0x145: {  	s31 =	smov.u32 s25;
	s30 =	spop (v2sf);
	(v2sf) =	vpush v34, $0xF;
	v4 =	vbroadcast v63, $0xF  }
0x146: {  	s31 =	simm.s32 @p3 $0x9;
	p3 =	sge.f32 s4, s24;
	s4 =	spop (v2sf);
	(v2sf) =	vpush v31, $0xF  }
0x147: {  	p4 =	slt.f32 s28, s24;
	s28 =	sadd.f32 s30, s4;
	vm3 =	veq.f32 v5, v4  }
0x148: {  	vm7 =	vle.f32 v6, v4;
	vm6 =	vlt.f32 v5, v4;
	vm3 =	vmand vm3, vm0  }
0x149: {  	s25 =	smov.u32 @p4 s31;
	s4 =	sadd.f32 s28, s29;
	s29 =	spop (v2sf);
	(v2sf) =	vpush v14, $0xF;
	v4 =	vnsel vm7, $0x0, v6;
	vm3 =	vmor vm6, vm3  }
0x14a: {  	s31 =	smov.u32 s25;
	s30 =	spop (v2sf);
	(v2sf) =	vpush v28, $0xF;
	vm5 =	vcmask $0x1F24;
	(xrf2) =	vadd.scan.msk.f32 $0xffff, v4;
	v4 =	vnsel vm3, $0x0, v5  }
0x14b: {  	s31 =	simm.s32 @p3 $0xA;
	p3 =	sge.f32 s4, s24;
	s4 =	spop (v2sf);
	(v2sf) =	vpush v23, $0xF;
	(xrf2) =	vadd.scan.msk.f32 $0xffff, v4;
	v4 =	vsel vm5, $0x0, v5  }
0x14c: {  	p4 =	slt.f32 s26, s24;
	s26 =	sadd.f32 s30, s4;
	(xrf2) =	vadd.scan.msk.f32 $0xffff, v4  }
0x14d: {  	_ = 	snop  }
0x14e: {  	s25 =	smov.u32 @p4 s31;
	s4 =	sadd.f32 s26, s29;
	s29 =	spop (v2sf);
	(v2sf) =	vpush v10, $0xF  }
0x14f: {  	s31 =	smov.u32 s25;
	s30 =	spop (v2sf);
	(v2sf) =	vpush v17, $0xF  }
0x150: {  	s31 =	simm.s32 @p3 $0xB;
	p3 =	sge.f32 s4, s24;
	s4 =	spop (v2sf);
	(v2sf) =	vpush v15, $0xF  }
0x151: {  	p4 =	slt.f32 s28, s24;
	s28 =	sadd.f32 s30, s4  }
0x152: {  	_ = 	snop  }
0x153: {  	s25 =	smov.u32 @p4 s31;
	s4 =	sadd.f32 s28, s29;
	s29 =	spop (v2sf);
	(v2sf) =	vpush v8, $0xF  }
0x154: {  	s31 =	smov.u32 s25;
	s30 =	spop (v2sf);
	(v2sf) =	vpush v18, $0xF;
	v4, _, _ =	vpop (xrf2)  }
0x155: {  	s31 =	simm.s32 @p3 $0xC;
	p3 =	sge.f32 s4, s24;
	s4 =	spop (v2sf);
	(v2sf) =	vpush v12, $0xF;
	v23, _, _ =	vpop (xrf2)  }
0x156: {  	p4 =	slt.f32 s26, s24;
	s26 =	sadd.f32 s30, s4;
	v28, _, _ =	vpop (xrf2)  }
0x157: {  	(v2sf) =	vpush v9, $0xF;
	v29 =	vbroadcast v28, $0xF  }
0x158: {  	s25 =	smov.u32 @p4 s31;
	s4 =	sadd.f32 s26, s29;
	s29 =	spop (v2sf);
	(v2sf) =	vpush v24, $0xF  }
0x159: {  	s31 =	smov.u32 s25;
	s30 =	spop (v2sf);
	(v2sf) =	vpush v19, $0xF;
	vm3 =	veq.f32 v5, v29  }
0x15a: {  	s31 =	simm.s32 @p3 $0xD;
	p3 =	sge.f32 s4, s24;
	s4 =	spop (v2sf);
	vm7 =	vle.f32 v6, v29;
	vm6 =	vlt.f32 v5, v29;
	vm3 =	vmand vm3, vm1  }
0x15b: {  	p4 =	slt.f32 s28, s24;
	s28 =	sadd.f32 s30, s4;
	v30 =	vnsel vm7, $0x0, v6;
	vm3 =	vmor vm6, vm3  }
0x15c: {  	vm5 =	vcmask $0x2328;
	(xrf2) =	vadd.scan.msk.f32 $0xffff, v30;
	v31 =	vnsel vm3, $0x0, v5  }
0x15d: {  	s25 =	smov.u32 @p4 s31;
	s4 =	sadd.f32 s28, s29;
	s29 =	spop (v2sf);
	(v2sf) =	vpush v7, $0xF;
	v34 =	vsel vm5, $0x0, v5;
	(xrf2) =	vadd.scan.msk.f32 $0xffff, v31  }
0x15e: {  	s31 =	smov.u32 s25;
	s30 =	spop (v2sf);
	(v2sf) =	vpush v41, $0xF;
	(xrf2) =	vadd.scan.msk.f32 $0xffff, v34  }
0x15f: {  	s31 =	simm.s32 @p3 $0xE;
	p3 =	sge.f32 s4, s24;
	s4 =	spop (v2sf);
	(v2sf) =	vpush v13, $0xF  }
0x160: {  	p4 =	slt.f32 s26, s24;
	s26 =	sadd.f32 s4, s30  }
0x161: {  	_ = 	snop  }
0x162: {  	s25 =	smov.u32 @p4 s31;
	s4 =	sadd.f32 s26, s29;
	s29 =	spop (v2sf);
	(v2sf) =	vpush v42, $0xF  }
0x163: {  	s31 =	smov.u32 s25;
	s30 =	spop (v2sf);
	(v2sf) =	vpush v55, $0xF  }
0x164: {  	s31 =	simm.s32 @p3 $0xF;
	p3 =	sge.f32 s4, s24;
	s4 =	spop (v2sf);
	(v2sf) =	vpush v56, $0xF  }
0x165: {  	p4 =	slt.f32 s28, s24;
	s28 =	sadd.f32 s4, s30  }
0x166: {  	v35, _, _ =	vpop (xrf2)  }
0x167: {  	s25 =	smov.u32 @p4 s31;
	s4 =	sadd.f32 s28, s29;
	s29 =	spop (v2sf);
	(v2sf) =	vpush v57, $0xF;
	v9, _, _ =	vpop (xrf2)  }
0x168: {  	s31 =	smov.u32 s25;
	s30 =	spop (v2sf);
	(v2sf) =	vpush v58, $0xF;
	v36, _, _ =	vpop (xrf2)  }
0x169: {  	s31 =	simm.s32 @p3 $0x10;
	p3 =	sge.f32 s4, s24;
	s4 =	spop (v2sf);
	(v2sf) =	vpush v59, $0xF;
	v12 =	vbroadcast v36, $0xF  }
0x16a: {  	p4 =	slt.f32 s26, s24;
	s26 =	sadd.f32 s4, s30;
	(v2sf) =	vpush v60, $0xF  }
0x16b: {  	(v2sf) =	vpush v61, $0xF;
	vm3 =	veq.f32 v5, v12  }
0x16c: {  	s25 =	smov.u32 @p4 s31;
	s4 =	sadd.f32 s26, s29;
	s29 =	spop (v2sf);
	vm7 =	vle.f32 v6, v12;
	vm6 =	vlt.f32 v5, v12;
	vm3 =	vmand vm3, vm11  }
0x16d: {  	s31 =	smov.u32 s25;
	s30 =	spop (v2sf);
	(v2sf) =	vpush v62, $0xF;
	v6 =	vnsel vm7, $0x0, v6;
	vm3 =	vmor vm6, vm3  }
0x16e: {  	s31 =	simm.s32 @p3 $0x11;
	p3 =	sge.f32 s4, s24;
	s4 =	spop (v2sf);
	(xrf2) =	vadd.scan.msk.f32 $0xffff, v6;
	v5 =	vnsel vm3, $0x0, v5  }
0x16f: {  	p4 =	slt.f32 s28, s24;
	s28 =	sadd.f32 s4, s30;
	(xrf2) =	vadd.scan.msk.f32 $0xffff, v5  }
0x170: {  	_ = 	snop  }
0x171: {  	s25 =	smov.u32 @p4 s31;
	s4 =	sadd.f32 s28, s29;
	s29 =	spop (v2sf);
	(v2sf) =	vpush v63, $0xF  }
0x172: {  	s31 =	smov.u32 s25;
	p4 =	slt.f32 s26, s24;
	s30 =	spop (v2sf);
	(v2sf) =	vpush v4, $0xF  }
0x173: {  	s31 =	simm.s32 @p3 $0x12;
	p3 =	sge.f32 s4, s24;
	s4 =	spop (v2sf);
	(v2sf) =	vpush v23, $0xF  }
0x174: {  	s26 =	sadd.f32 s4, s30  }
0x175: {  	s25 =	smov.u32 @p4 s31;
	p4 =	slt.f32 s28, s24;
	(v2sf) =	vpush v28, $0xF  }
0x176: {  	s31 =	smov.u32 s25;
	s28 =	sadd.f32 s26, s29;
	s29 =	spop (v2sf);
	(v2sf) =	vpush v35, $0xF  }
0x177: {  	s31 =	simm.s32 @p3 $0x13;
	s4 =	spop (v2sf);
	(v2sf) =	vpush v9, $0xF  }
0x178: {  	s25 =	smov.u32 @p4 s31;
	s31 =	spop (v2sf);
	(v2sf) =	vpush v36, $0xF;
	v4, _, _ =	vpop (xrf2)  }
0x179: {  	p3 =	sge.f32 s28, s24;
	s28 =	sadd.f32 s31, s4;
	(v2sf) =	vpush v4, $0xF;
	v4, _, _ =	vpop (xrf2)  }
0x17a: {  	p4 =	slt.f32 s26, s24;
	s30 =	spop (v2sf);
	(v2sf) =	vpush v4, $0xF  }
0x17b: {  	s26 =	smov.u32 s25;
	s29 =	sadd.f32 s28, s29;
	s31 =	spop (v2sf)  }
0x17c: {  	s26 =	simm.s32 @p3 $0x14;
	s4 =	spop (v2sf)  }
0x17d: {  	s25 =	smov.u32 @p4 s26;
	p3 =	sge.f32 s29, s24;
	s26 =	sadd.f32 s4, s31  }
0x17e: {  	p4 =	slt.f32 s28, s24;
	s28 =	smov.u32 s25  }
0x17f: {  	s28 =	simm.s32 @p3 $0x15;
	s30 =	sadd.f32 s26, s30  }
0x180: {  	s25 =	smov.u32 @p4 s28;
	s28 =	spop (v2sf)  }
0x181: {  	p3 =	sge.f32 s30, s24;
	s31 =	spop (v2sf)  }
0x182: {  	p4 =	slt.f32 s26, s24;
	s26 =	smov.u32 s25;
	s4 =	spop (v2sf)  }
0x183: {  	s26 =	simm.s32 @p3 $0x16;
	s29 =	sadd.f32 s4, s31  }
0x184: {  	s25 =	smov.u32 @p4 s26;
	s26 =	spop (v2sf)  }
0x185: {  	p3 =	slt.f32 s29, s24;
	s31 =	spop (v2sf)  }
0x186: {  	s28 =	sadd.f32 s29, s28;
	s4 =	spop (v2sf)  }
0x187: {  	s29 =	sadd.f32 s4, s31;
	s30 =	spop (v2sf)  }
0x188: {  	p4 =	sge.f32 s28, s24;
	s28 =	spop (v2sf)  }
0x189: {  	s31 =	smov.u32 s25;
	s26 =	sadd.f32 s29, s26;
	s4 =	spop (v2sf)  }
0x18a: {  	s31 =	simm.s32 @p4 $0x17;
	s4 =	sadd.f32 s4, s28  }
0x18b: {  	s25 =	smov.u32 @p3 s31;
	p3 =	sge.f32 s26, s24  }
0x18c: {  	p4 =	slt.f32 s29, s24;
	s26 =	smov.u32 s25;
	s28 =	sadd.f32 s4, s30  }
0x18d: {  	s26 =	simm.s32 @p3 $0x18  }
0x18e: {  	s25 =	smov.u32 @p4 s26;
	p3 =	sge.f32 s28, s24  }
0x18f: {  	p4 =	slt.f32 s4, s24;
	s4 =	smov.u32 s25  }
0x190: {  	s4 =	simm.s32 @p3 $0x19  }
0x191: {  	s25 =	smov.u32 @p4 s4  }
0x192: {  	s4 =	smul.u32 $0x1A, s25;
	_ =	sdelay $0x1  }
0x193: {  	s24 =	simm.s32 $0x80;
	s4 =	sadd.s32 s1, s4  }
0x194: {  	[tilespmem:s24], [sflag:$0x3] =	stream.linear.gather [hbm4b:s4+s5], $0xD0, $0x38;
	[tilespmem:$0x1C180] =	vst v63  }
0x195: {  	s26 =	sshll.u32 s25, $0xA;
	_ =	swait.ge [sflag:s17], $0xD0  }
0x196: {  	s4 =	sand.u32 $0x1FFFFC00, s26;
	[sflag:s17] =	ssyncset.done $0x0  }
0x197: {  	s4 =	sadd.s32 s2, s4;
	[sflag:s17] =	ssyncadd.s32 $0xFFFFFF30  }
0x198: {  	[tilespmem:s19], [sflag:$0x3] =	stream.linear.gather [hbm4b:s4+s5], $0x2000, $0x38;
	[tilespmem:$0x1C180] =	vst v63  }
0x199: {  	_ =	swait.ge [sflag:s17], $0x2000  }
0x19a: {  	[sflag:s17] =	ssyncset.done $0x0  }
0x19b: {  	[sflag:s17] =	ssyncadd.s32 $0xFFFFE000  }
0x19c: {  	_ =	swait.ge [sflag:s18], $0x18000  }
0x19d: {  	[sflag:s18] =	ssyncset.done $0x0  }
0x19e: {  	[sflag:s18] =	ssyncadd.s32 $0xFFFE8000  }
0x19f: {  	v4 =	vld [tilespmem:$0x80]  }
0x1a0: {  	v5 =	vld [tilespmem:$0x90]  }
0x1a1: {  	v37 =	vld [tilespmem:$0xA0]  }
0x1a2: {  	v44 =	vld [tilespmem:$0x100]  }
0x1a3: {  	v38 =	vld [tilespmem:$0xC0];
	_ =	sdelay $0x1  }
0x1a4: {  	vm9 =	vge.s32 v4, v0;
	vm10 =	vlt.s32 v4, v1  }
0x1a5: {  	v4 =	vld [tilespmem:$0xB0];
	vm11 =	vge.s32 v5, v0;
	vm1 =	vlt.s32 v5, v1;
	vm2 =	vge.s32 v37, v0  }
0x1a6: {  	v5 =	vld [tilespmem:$0xD0];
	vm6 =	vlt.s32 v37, v1;
	vm4 =	vge.s32 v44, v0;
	vm5 =	vlt.s32 v44, v1  }
0x1a7: {  	v42 =	vld [tilespmem:$0xE0];
	vm3 =	vmand vm9, vm10;
	vm10 =	vmand vm2, vm6;
	vm2 =	vge.s32 v38, v0  }
0x1a8: {  	vm6 =	vlt.s32 v38, v1;
	vm9 =	vmand vm4, vm5;
	v39 =	vmpcnt.ones.xlane vm3  }
0x1a9: {  	vm3 =	vmand vm11, vm1;
	v43 =	vmpcnt.ones.xlane vm10;
	vm7 =	vmand vm2, vm6  }
0x1aa: {  	v41 =	vmpcnt.ones.xlane vm3;
	vm11 =	vge.s32 v4, v0;
	vm1 =	vlt.s32 v4, v1;
	v4 =	vld [tilespmem:$0xF0]  }
0x1ab: {  	vm0 =	vge.s32 v5, v0;
	vm3 =	vmand vm11, vm1;
	vm1 =	vlt.s32 v5, v1;
	v5 =	vld [tilespmem:$0x110]  }
0x1ac: {  	vm2 =	vge.s32 v42, v0;
	v12 =	vmpcnt.ones.xlane vm7;
	v40 =	vxor.u32 $0x80000000, v39  }
0x1ad: {  	v50 =	vxor.u32 $0x80000000, v43;
	(xrf0) =	vmax.scan.msk.u32 $0xffff, v40;
	v45 =	vmpcnt.ones.xlane vm3;
	vm3 =	vmand vm0, vm1  }
0x1ae: {  	v49 =	vld [tilespmem:$0x140];
	v47 =	vxor.u32 $0x80000000, v41;
	vm0 =	vlt.s32 v42, v1;
	v46 =	vmpcnt.ones.xlane vm3  }
0x1af: {  	vm3 =	vmand vm2, vm0;
	vm1 =	vge.s32 v4, v0;
	vm2 =	vlt.s32 v4, v1;
	v4 =	vld [tilespmem:$0x120]  }
0x1b0: {  	v48 =	vmpcnt.ones.xlane vm3;
	vm6 =	vge.s32 v5, v0;
	vm13 =	vlt.s32 v5, v1;
	v5 =	vld [tilespmem:$0x130]  }
0x1b1: {  	v52 =	vxor.u32 $0x80000000, v12;
	(xrf0) =	vmax.scan.msk.u32 $0xffff, v47;
	v51 =	vxor.u32 $0x80000000, v45;
	vm7 =	vmand vm1, vm2  }
0x1b2: {  	(xrf0) =	vmax.scan.msk.u32 $0xffff, v50;
	v53 =	vxor.u32 $0x80000000, v46;
	v7 =	vxor.u32 $0x80000000, v48;
	v54 =	vmpcnt.ones.xlane vm7  }
0x1b3: {  	(xrf0) =	vmax.scan.msk.u32 $0xffff, v51;
	vm2 =	vge.s32 v49, v0;
	v55, _, _ =	vpop (xrf0);
	vm3 =	vmand vm6, vm13;
	vm6 =	vlt.s32 v49, v1  }
0x1b4: {  	(xrf0) =	vmax.scan.msk.u32 $0xffff, v52;
	(v2sf) =	vpush v55, $0xF;
	v56 =	vxor.u32 $0x80000000, v54;
	vm0 =	vge.s32 v4, v0  }
0x1b5: {  	(xrf0) =	vmax.scan.msk.u32 $0xffff, v53;
	vm1 =	vlt.s32 v4, v1;
	v4 =	vmpcnt.ones.xlane vm9;
	vm9 =	vge.s32 v5, v0  }
0x1b6: {  	(xrf0) =	vmax.scan.msk.u32 $0xffff, v7;
	vm13 =	vlt.s32 v5, v1;
	v5 =	vmpcnt.ones.xlane vm3;
	vm3 =	vmand vm0, vm1  }
0x1b7: {  	v58, _, _ =	vpop (xrf0);
	(xrf0) =	vmax.scan.msk.u32 $0xffff, v56;
	vm9 =	vmand vm9, vm13;
	v57 =	vmpcnt.ones.xlane vm3;
	v4 =	vxor.u32 $0x80000000, v4  }
0x1b8: {  	vm7 =	vmand vm2, vm6;
	v60, _, _ =	vpop (xrf0);
	v59 =	vmpcnt.ones.xlane vm9;
	(xrf0) =	vmax.scan.msk.u32 $0xffff, v4;
	v4 =	vxor.u32 $0x80000000, v5  }
0x1b9: {  	(v2sf) =	vpush v58, $0xF;
	v61, _, _ =	vpop (xrf0);
	v5 =	vmpcnt.ones.xlane vm7;
	(xrf0) =	vmax.scan.msk.u32 $0xffff, v4;
	v4 =	vxor.u32 $0x80000000, v57  }
0x1ba: {  	(v2sf) =	vpush v60, $0xF;
	v62, _, _ =	vpop (xrf0);
	(xrf0) =	vmax.scan.msk.u32 $0xffff, v4;
	v4 =	vxor.u32 $0x80000000, v59  }
0x1bb: {  	(v2sf) =	vpush v61, $0xF;
	v63, _, _ =	vpop (xrf0);
	(xrf0) =	vmax.scan.msk.u32 $0xffff, v4;
	v4 =	vxor.u32 $0x80000000, v5  }
0x1bc: {  	(v2sf) =	vpush v62, $0xF  }
0x1bd: {  	(v2sf) =	vpush v63, $0xF;
	v5, _, _ =	vpop (xrf0);
	(xrf0) =	vmax.scan.msk.u32 $0xffff, v4  }
0x1be: {  	(v2sf) =	vpush v5, $0xF;
	v4, _, _ =	vpop (xrf0)  }
0x1bf: {  	v5, _, _ =	vpop (xrf0);
	(v2sf) =	vpush v4, $0xF  }
0x1c0: {  	v4, _, _ =	vpop (xrf0);
	(v2sf) =	vpush v5, $0xF  }
0x1c1: {  	v5, _, _ =	vpop (xrf0);
	(v2sf) =	vpush v4, $0xF  }
0x1c2: {  	v4, _, _ =	vpop (xrf0);
	(v2sf) =	vpush v5, $0xF  }
0x1c3: {  	(v2sf) =	vpush v4, $0xF;
	v4, _, _ =	vpop (xrf0)  }
0x1c4: {  	(v2sf) =	vpush v4, $0xF;
	_ =	sdelay $0x2  }
0x1c5: {  	s28 =	spop (v2sf)  }
0x1c6: {  	s29 =	spop (v2sf)  }
0x1c7: {  	s4 =	sxor.u32 $0x80000000, s28;
	s30 =	spop (v2sf);
	s25 =	sxor.u32 $0x80000000, s29  }
0x1c8: {  	s4 =	sor.u32 s4, s25;
	s26 =	sxor.u32 $0x80000000, s30;
	s31 =	spop (v2sf)  }
0x1c9: {  	s4 =	sor.u32 s26, s4;
	s29 =	spop (v2sf);
	s30 =	sxor.u32 $0x80000000, s31  }
0x1ca: {  	s31 =	spop (v2sf);
	s4 =	sor.u32 s30, s4;
	s26 =	sxor.u32 $0x80000000, s29  }
0x1cb: {  	s4 =	sor.u32 s26, s4;
	s30 =	sxor.u32 $0x80000000, s31;
	s29 =	spop (v2sf)  }
0x1cc: {  	s4 =	sor.u32 s30, s4;
	s26 =	sxor.u32 $0x80000000, s29;
	s31 =	spop (v2sf)  }
0x1cd: {  	s4 =	sor.u32 s26, s4;
	s29 =	spop (v2sf);
	s30 =	sxor.u32 $0x80000000, s31  }
0x1ce: {  	s31 =	spop (v2sf);
	s4 =	sor.u32 s30, s4;
	s26 =	sxor.u32 $0x80000000, s29  }
0x1cf: {  	s29 =	spop (v2sf);
	s4 =	sor.u32 s26, s4;
	s30 =	sxor.u32 $0x80000000, s31  }
0x1d0: {  	s31 =	spop (v2sf);
	s4 =	sor.u32 s30, s4;
	s26 =	sxor.u32 $0x80000000, s29  }
0x1d1: {  	s4 =	sor.u32 s26, s4;
	s29 =	sxor.u32 $0x80000000, s31;
	s30 =	spop (v2sf)  }
0x1d2: {  	s4 =	sor.u32 s29, s4;
	s31 =	sxor.u32 $0x80000000, s30  }
0x1d3: {  	s4 =	sor.u32 s31, s4  }
0x1d4: {  	p3 =	slt.s32 s4, $0x1  }
.Ltmp2:
0x1d5: {  	_ = 	snop;
	(pc) =	sbr.rel @!p3 .LBB2_2-.Ltmp2, $2  }
0x1d6: {  	_ =	sdelay $0x2  }
0x1d7: {  	v13 =	vlaneseq.u32;
	s25 =	simm.s32 $0x0  }
.LBB2_5:
.Ltmp3:
0x1d8: {  	(pc) =	sbr.rel @p1 .LBB2_12-.Ltmp3, $2  }
0x1d9: {  	_ =	sdelay $0x2  }
0x1da: {  	[hbm4b:s7+s14] =	stream.strided.scatter [tilespmem:s16], [sflag:$0x1], $0x18000, s15, s14, $0x38;
	[tilespmem:$0x1C180] =	vst v63  }
0x1db: {  	_ =	swait.ge [sflag:s20], $0x1000  }
0x1dc: {  	[sflag:s20] =	ssyncset.done $0x0  }
0x1dd: {  	[sflag:s20] =	ssyncadd.s32 $0xFFFFF000  }
0x1de: {  	v4 =	vld [tilespmem:$0x80]  }
0x1df: {  	v5 =	vld [tilespmem:$0x90]  }
0x1e0: {  	v6 =	vld [tilespmem:$0xA0]  }
0x1e1: {  	v7 =	vld [tilespmem:$0xC0]  }
0x1e2: {  	v9 =	vld [tilespmem:$0xE0];
	_ =	sdelay $0x2  }
0x1e3: {  	v48 =	vld [tilespmem:$0x120];
	vm3 =	vge.s32 v4, v2;
	vm7 =	vlt.s32 v4, v3  }
0x1e4: {  	v4 =	vld [tilespmem:$0xB0];
	vm11 =	vge.s32 v5, v2;
	vm1 =	vlt.s32 v5, v3;
	vm2 =	vge.s32 v6, v2  }
0x1e5: {  	vm9 =	vlt.s32 v6, v3;
	vm0 =	vlt.s32 v7, v3;
	vm5 =	vlt.s32 v9, v3  }
0x1e6: {  	v5 =	vld [tilespmem:$0xD0];
	vm3 =	vmand vm3, vm7;
	vm10 =	vmand vm2, vm9;
	vm2 =	vge.s32 v7, v2  }
0x1e7: {  	v8 =	vmpcnt.ones.xlane vm3;
	vm3 =	vmand vm11, vm1;
	v10 =	vmpcnt.ones.xlane vm10  }
0x1e8: {  	v46 =	vld [tilespmem:$0x100];
	vm7 =	vmand vm2, vm0;
	vm2 =	vge.s32 v9, v2;
	vm10 =	vge.s32 v48, v2  }
0x1e9: {  	v45 =	vmpcnt.ones.xlane vm3;
	vm11 =	vge.s32 v4, v2;
	vm1 =	vlt.s32 v4, v3;
	v4 =	vld [tilespmem:$0xF0]  }
0x1ea: {  	v12 =	vmpcnt.ones.xlane vm7;
	v44 =	vxor.u32 $0x80000000, v8;
	v50 =	vxor.u32 $0x80000000, v10  }
0x1eb: {  	vm3 =	vmand vm11, vm1;
	vm1 =	vge.s32 v5, v2;
	vm11 =	vlt.s32 v5, v3;
	v5 =	vld [tilespmem:$0x110]  }
0x1ec: {  	v49 =	vxor.u32 $0x80000000, v45;
	v11 =	vmpcnt.ones.xlane vm3;
	vm3 =	vmand vm1, vm11  }
0x1ed: {  	v53 =	vld [tilespmem:$0x140];
	(xrf0) =	vmax.scan.msk.u32 $0xffff, v44;
	v52 =	vxor.u32 $0x80000000, v12;
	vm11 =	vlt.s32 v48, v3;
	v47 =	vmpcnt.ones.xlane vm3  }
0x1ee: {  	vm3 =	vmand vm2, vm5;
	vm2 =	vlt.s32 v46, v3;
	vm7 =	vge.s32 v4, v2  }
0x1ef: {  	vm6 =	vlt.s32 v4, v3;
	v4 =	vmpcnt.ones.xlane vm3;
	vm3 =	vge.s32 v46, v2  }
0x1f0: {  	(xrf0) =	vmax.scan.msk.u32 $0xffff, v49;
	vm7 =	vmand vm7, vm6;
	vm6 =	vge.s32 v5, v2;
	vm13 =	vlt.s32 v5, v3;
	v5 =	vld [tilespmem:$0x130]  }
0x1f1: {  	(xrf0) =	vmax.scan.msk.u32 $0xffff, v50;
	v51 =	vxor.u32 $0x80000000, v11;
	v54 =	vxor.u32 $0x80000000, v47;
	vm3 =	vmand vm3, vm2  }
0x1f2: {  	(xrf0) =	vmax.scan.msk.u32 $0xffff, v51;
	vm2 =	vge.s32 v53, v2;
	vm9 =	vmand vm6, vm13;
	v55 =	vmpcnt.ones.xlane vm7  }
0x1f3: {  	(xrf0) =	vmax.scan.msk.u32 $0xffff, v52;
	v57, _, _ =	vpop (xrf0);
	v12 =	vmpcnt.ones.xlane vm3;
	vm3 =	vmand vm10, vm11;
	v4 =	vxor.u32 $0x80000000, v4  }
0x1f4: {  	(xrf0) =	vmax.scan.msk.u32 $0xffff, v54;
	vm6 =	vlt.s32 v53, v3;
	(v2sf) =	vpush v57, $0xF;
	v56 =	vmpcnt.ones.xlane vm9  }
0x1f5: {  	(xrf0) =	vmax.scan.msk.u32 $0xffff, v4;
	v4 =	vxor.u32 $0x80000000, v55;
	vm0 =	vge.s32 v5, v2;
	vm1 =	vlt.s32 v5, v3  }
0x1f6: {  	v58, _, _ =	vpop (xrf0);
	(xrf0) =	vmax.scan.msk.u32 $0xffff, v4;
	v4 =	vxor.u32 $0x80000000, v12;
	v5 =	vmpcnt.ones.xlane vm3;
	vm3 =	vmand vm0, vm1  }
0x1f7: {  	vm7 =	vmand vm2, vm6;
	v59, _, _ =	vpop (xrf0);
	(xrf0) =	vmax.scan.msk.u32 $0xffff, v4;
	v4 =	vxor.u32 $0x80000000, v56;
	v60 =	vmpcnt.ones.xlane vm3  }
0x1f8: {  	(v2sf) =	vpush v58, $0xF;
	v61, _, _ =	vpop (xrf0);
	(xrf0) =	vmax.scan.msk.u32 $0xffff, v4;
	v4 =	vxor.u32 $0x80000000, v5;
	v5 =	vmpcnt.ones.xlane vm7  }
0x1f9: {  	(v2sf) =	vpush v59, $0xF;
	v62, _, _ =	vpop (xrf0);
	(xrf0) =	vmax.scan.msk.u32 $0xffff, v4;
	v4 =	vxor.u32 $0x80000000, v60  }
0x1fa: {  	(v2sf) =	vpush v61, $0xF;
	v63, _, _ =	vpop (xrf0);
	(xrf0) =	vmax.scan.msk.u32 $0xffff, v4;
	v4 =	vxor.u32 $0x80000000, v5  }
0x1fb: {  	(v2sf) =	vpush v62, $0xF  }
0x1fc: {  	(v2sf) =	vpush v63, $0xF;
	v5, _, _ =	vpop (xrf0);
	(xrf0) =	vmax.scan.msk.u32 $0xffff, v4  }
0x1fd: {  	(v2sf) =	vpush v5, $0xF;
	v4, _, _ =	vpop (xrf0)  }
0x1fe: {  	v5, _, _ =	vpop (xrf0);
	(v2sf) =	vpush v4, $0xF  }
0x1ff: {  	v4, _, _ =	vpop (xrf0);
	(v2sf) =	vpush v5, $0xF  }
0x200: {  	v5, _, _ =	vpop (xrf0);
	(v2sf) =	vpush v4, $0xF  }
0x201: {  	v4, _, _ =	vpop (xrf0);
	(v2sf) =	vpush v5, $0xF  }
0x202: {  	(v2sf) =	vpush v4, $0xF;
	v4, _, _ =	vpop (xrf0)  }
0x203: {  	(v2sf) =	vpush v4, $0xF;
	_ =	sdelay $0x2  }
0x204: {  	s4 =	spop (v2sf)  }
0x205: {  	s24 =	spop (v2sf)  }
0x206: {  	s4 =	sxor.u32 $0x80000000, s4;
	s25 =	spop (v2sf);
	s24 =	sxor.u32 $0x80000000, s24  }
0x207: {  	s4 =	sor.u32 s4, s24;
	s25 =	sxor.u32 $0x80000000, s25;
	s31 =	spop (v2sf)  }
0x208: {  	s4 =	sor.u32 s25, s4;
	s26 =	spop (v2sf);
	s24 =	sxor.u32 $0x80000000, s31  }
0x209: {  	s4 =	sor.u32 s24, s4;
	s28 =	spop (v2sf);
	s25 =	sxor.u32 $0x80000000, s26  }
0x20a: {  	s4 =	sor.u32 s25, s4;
	s24 =	sxor.u32 $0x80000000, s28;
	s29 =	spop (v2sf)  }
0x20b: {  	s4 =	sor.u32 s24, s4;
	s25 =	sxor.u32 $0x80000000, s29;
	s30 =	spop (v2sf)  }
0x20c: {  	s4 =	sor.u32 s25, s4;
	s31 =	spop (v2sf);
	s24 =	sxor.u32 $0x80000000, s30  }
0x20d: {  	s4 =	sor.u32 s24, s4;
	s26 =	spop (v2sf);
	s25 =	sxor.u32 $0x80000000, s31  }
0x20e: {  	s4 =	sor.u32 s25, s4;
	s28 =	spop (v2sf);
	s24 =	sxor.u32 $0x80000000, s26  }
0x20f: {  	s4 =	sor.u32 s24, s4;
	s29 =	spop (v2sf);
	s25 =	sxor.u32 $0x80000000, s28  }
0x210: {  	s4 =	sor.u32 s25, s4;
	s24 =	sxor.u32 $0x80000000, s29;
	s30 =	spop (v2sf)  }
0x211: {  	s4 =	sor.u32 s24, s4;
	s31 =	sxor.u32 $0x80000000, s30  }
0x212: {  	s4 =	sor.u32 s31, s4  }
0x213: {  	p3 =	slt.s32 s4, $0x1  }
.Ltmp4:
0x214: {  	_ = 	snop;
	(pc) =	sbr.rel @p3 .LBB2_11-.Ltmp4, $1  }
0x215: {  	_ =	sdelay $0x3  }
.Ltmp5:
0x216: {  	(pc) =	sbr.rel .LBB2_8-.Ltmp5, $2  }
0x217: {  	_ =	sdelay $0x2  }
0x218: {  	s24 =	simm.s32 $0x0;
	s25 =	simm.s32 $0x80  }
.LBB2_4:
0x219: {  	s25 =	sadd.s32 $0x10, s25  }
0x21a: {  	p3 =	sne.s32 s25, $0xD0  }
.Ltmp6:
0x21b: {  	_ = 	snop;
	(pc) =	sbr.rel @!p3 .LBB2_5-.Ltmp6, $2  }
0x21c: {  	_ =	sdelay $0x2  }
0x21d: {  	s24 =	sadd.s32 $0x10, s24  }
.LBB2_2:
0x21e: {  	v5 =	vld [tilespmem:s24+$0x0];
	_ =	sdelay $0x4  }
0x21f: {  	vm3 =	vge.s32 v5, v0;
	vm7 =	vlt.s32 v5, v1  }
0x220: {  	vm3 =	vmand vm3, vm7  }
0x221: {  	v4 =	vmpcnt.ones.xlane vm3;
	_ =	sdelay $0x1  }
0x222: {  	v4 =	vxor.u32 $0x80000000, v4  }
0x223: {  	(xrf0) =	vmax.scan.msk.u32 $0xffff, v4;
	_ =	sdelay $0x5  }
0x224: {  	v4, _, _ =	vpop (xrf0)  }
0x225: {  	(v2sf) =	vpush v4, $0xF;
	_ =	sdelay $0xe  }
0x226: {  	s4 =	spop (v2sf)  }
0x227: {  	p3 =	slt.u32 s4, $0x80000001  }
.Ltmp7:
0x228: {  	_ = 	snop;
	(pc) =	sbr.rel @p3 .LBB2_4-.Ltmp7, $1  }
0x229: {  	_ =	sdelay $0x3  }
0x22a: {  	v4 =	vor.u32 s25, v13  }
0x22b: {  	vm7 =	vlt.s32 v4, $0xC7  }
0x22c: {  	v4 =	vnsel vm7, $0xC7, v4  }
0x22d: {  	v5 =	vsub.s32 v5, v0;
	v6 =	vshll.u32 v4, $0x3  }
0x22e: {  	v7 =	vnsel vm3, $0x0, v5;
	v4 =	vand.u32 $0x7F, v4;
	v5 =	vand.u32 $0x400, v6  }
0x22f: {  	v5 =	vor.u32 v4, v5;
	v4 =	vshll.u32 v7, $0x3  }
0x230: {  	v51 =	vand.u32 $0x7F, v7;
	v4 =	vand.u32 $0xFFFFFC00, v4  }
0x231: {  	v6 =	vor.u32 v51, v4;
	_ =	sdelay $0x2  }
0x232: {  	v4 =	vld.idx.msk [tilespmem:v5+s19+$0x0], vm3;
	_ =	sdelay $0x1  }
0x233: {  	v52 =	vld.idx.msk [tilespmem:v6+s16+$0x0], vm3;
	_ =	sdelay $0x2  }
0x234: {  	v8 =	vor.u32 $0x80, v5;
	v4 =	vmul.f32 $9.999999770e-03, v4;
	_ =	sdelay $0x1  }
0x235: {  	v53 =	vor.u32 $0x80, v6;
	v4 =	vsub.f32 v52, v4;
	_ =	sdelay $0x1  }
0x236: {  	[tilespmem:v6+s16+$0x0] =	vst.idx.msk vm3, v4  }
0x237: {  	v4 =	vld.idx.msk [tilespmem:v8+s19+$0x0], vm3;
	_ =	sdelay $0x1  }
0x238: {  	v54 =	vld.idx.msk [tilespmem:v53+s16+$0x0], vm3;
	_ =	sdelay $0x2  }
0x239: {  	v9 =	vor.u32 $0x100, v5;
	v4 =	vmul.f32 $9.999999770e-03, v4;
	_ =	sdelay $0x1  }
0x23a: {  	v55 =	vor.u32 $0x100, v6;
	v4 =	vsub.f32 v54, v4;
	_ =	sdelay $0x1  }
0x23b: {  	[tilespmem:v53+s16+$0x0] =	vst.idx.msk vm3, v4  }
0x23c: {  	v4 =	vld.idx.msk [tilespmem:v9+s19+$0x0], vm3;
	_ =	sdelay $0x1  }
0x23d: {  	v7 =	vld.idx.msk [tilespmem:v55+s16+$0x0], vm3;
	_ =	sdelay $0x2  }
0x23e: {  	v56 =	vor.u32 $0x180, v5;
	v4 =	vmul.f32 $9.999999770e-03, v4;
	_ =	sdelay $0x1  }
0x23f: {  	v57 =	vor.u32 $0x180, v6;
	v4 =	vsub.f32 v7, v4;
	_ =	sdelay $0x1  }
0x240: {  	[tilespmem:v55+s16+$0x0] =	vst.idx.msk vm3, v4  }
0x241: {  	v4 =	vld.idx.msk [tilespmem:v56+s19+$0x0], vm3;
	_ =	sdelay $0x1  }
0x242: {  	v8 =	vld.idx.msk [tilespmem:v57+s16+$0x0], vm3;
	_ =	sdelay $0x2  }
0x243: {  	v58 =	vor.u32 $0x200, v5;
	v4 =	vmul.f32 $9.999999770e-03, v4;
	_ =	sdelay $0x1  }
0x244: {  	v59 =	vor.u32 $0x200, v6;
	v4 =	vsub.f32 v8, v4;
	_ =	sdelay $0x1  }
0x245: {  	[tilespmem:v57+s16+$0x0] =	vst.idx.msk vm3, v4  }
0x246: {  	v4 =	vld.idx.msk [tilespmem:v58+s19+$0x0], vm3;
	_ =	sdelay $0x1  }
0x247: {  	v7 =	vld.idx.msk [tilespmem:v59+s16+$0x0], vm3;
	_ =	sdelay $0x2  }
0x248: {  	v60 =	vor.u32 $0x280, v5;
	v4 =	vmul.f32 $9.999999770e-03, v4;
	_ =	sdelay $0x1  }
0x249: {  	v61 =	vor.u32 $0x280, v6;
	v4 =	vsub.f32 v7, v4;
	_ =	sdelay $0x1  }
0x24a: {  	[tilespmem:v59+s16+$0x0] =	vst.idx.msk vm3, v4  }
0x24b: {  	v4 =	vld.idx.msk [tilespmem:v60+s19+$0x0], vm3;
	_ =	sdelay $0x1  }
0x24c: {  	v8 =	vld.idx.msk [tilespmem:v61+s16+$0x0], vm3;
	_ =	sdelay $0x2  }
0x24d: {  	v62 =	vor.u32 $0x300, v5;
	v4 =	vmul.f32 $9.999999770e-03, v4;
	_ =	sdelay $0x1  }
0x24e: {  	v63 =	vor.u32 $0x300, v6;
	v4 =	vsub.f32 v8, v4;
	_ =	sdelay $0x1  }
0x24f: {  	[tilespmem:v61+s16+$0x0] =	vst.idx.msk vm3, v4  }
0x250: {  	v4 =	vld.idx.msk [tilespmem:v62+s19+$0x0], vm3;
	_ =	sdelay $0x1  }
0x251: {  	v7 =	vld.idx.msk [tilespmem:v63+s16+$0x0], vm3;
	_ =	sdelay $0x2  }
0x252: {  	v16 =	vor.u32 $0x380, v5;
	v4 =	vmul.f32 $9.999999770e-03, v4;
	_ =	sdelay $0x1  }
0x253: {  	v17 =	vor.u32 $0x380, v6;
	v4 =	vsub.f32 v7, v4;
	_ =	sdelay $0x1  }
0x254: {  	[tilespmem:v63+s16+$0x0] =	vst.idx.msk vm3, v4  }
0x255: {  	v4 =	vld.idx.msk [tilespmem:v16+s19+$0x0], vm3;
	_ =	sdelay $0x1  }
0x256: {  	v8 =	vld.idx.msk [tilespmem:v17+s16+$0x0], vm3;
	_ =	sdelay $0x2  }
0x257: {  	v18 =	vor.u32 $0x800, v5;
	v4 =	vmul.f32 $9.999999770e-03, v4;
	_ =	sdelay $0x1  }
0x258: {  	v19 =	vadd.s32 $0x6000, v6;
	v4 =	vsub.f32 v8, v4;
	_ =	sdelay $0x1  }
0x259: {  	[tilespmem:v17+s16+$0x0] =	vst.idx.msk vm3, v4  }
0x25a: {  	v4 =	vld.idx.msk [tilespmem:v18+s19+$0x0], vm3;
	_ =	sdelay $0x1  }
0x25b: {  	v7 =	vld.idx.msk [tilespmem:v19+s16+$0x0], vm3;
	_ =	sdelay $0x2  }
0x25c: {  	v20 =	vor.u32 $0x880, v5;
	v4 =	vmul.f32 $9.999999770e-03, v4;
	_ =	sdelay $0x1  }
0x25d: {  	v21 =	vadd.s32 $0x6080, v6;
	v4 =	vsub.f32 v7, v4;
	_ =	sdelay $0x1  }
0x25e: {  	[tilespmem:v19+s16+$0x0] =	vst.idx.msk vm3, v4  }
0x25f: {  	v4 =	vld.idx.msk [tilespmem:v20+s19+$0x0], vm3;
	_ =	sdelay $0x1  }
0x260: {  	v8 =	vld.idx.msk [tilespmem:v21+s16+$0x0], vm3;
	_ =	sdelay $0x2  }
0x261: {  	v22 =	vor.u32 $0x900, v5;
	v4 =	vmul.f32 $9.999999770e-03, v4;
	_ =	sdelay $0x1  }
0x262: {  	v23 =	vadd.s32 $0x6100, v6;
	v4 =	vsub.f32 v8, v4;
	_ =	sdelay $0x1  }
0x263: {  	[tilespmem:v21+s16+$0x0] =	vst.idx.msk vm3, v4  }
0x264: {  	v4 =	vld.idx.msk [tilespmem:v22+s19+$0x0], vm3;
	_ =	sdelay $0x1  }
0x265: {  	v7 =	vld.idx.msk [tilespmem:v23+s16+$0x0], vm3;
	_ =	sdelay $0x2  }
0x266: {  	v24 =	vor.u32 $0x980, v5;
	v4 =	vmul.f32 $9.999999770e-03, v4;
	_ =	sdelay $0x1  }
0x267: {  	v25 =	vadd.s32 $0x6180, v6;
	v4 =	vsub.f32 v7, v4;
	_ =	sdelay $0x1  }
0x268: {  	[tilespmem:v23+s16+$0x0] =	vst.idx.msk vm3, v4  }
0x269: {  	v4 =	vld.idx.msk [tilespmem:v24+s19+$0x0], vm3;
	_ =	sdelay $0x1  }
0x26a: {  	v8 =	vld.idx.msk [tilespmem:v25+s16+$0x0], vm3;
	_ =	sdelay $0x2  }
0x26b: {  	v26 =	vor.u32 $0xA00, v5;
	v4 =	vmul.f32 $9.999999770e-03, v4;
	_ =	sdelay $0x1  }
0x26c: {  	v27 =	vadd.s32 $0x6200, v6;
	v4 =	vsub.f32 v8, v4;
	_ =	sdelay $0x1  }
0x26d: {  	[tilespmem:v25+s16+$0x0] =	vst.idx.msk vm3, v4  }
0x26e: {  	v4 =	vld.idx.msk [tilespmem:v26+s19+$0x0], vm3;
	_ =	sdelay $0x1  }
0x26f: {  	v7 =	vld.idx.msk [tilespmem:v27+s16+$0x0], vm3;
	_ =	sdelay $0x2  }
0x270: {  	v28 =	vor.u32 $0xA80, v5;
	v4 =	vmul.f32 $9.999999770e-03, v4;
	_ =	sdelay $0x1  }
0x271: {  	v29 =	vadd.s32 $0x6280, v6;
	v4 =	vsub.f32 v7, v4;
	_ =	sdelay $0x1  }
0x272: {  	[tilespmem:v27+s16+$0x0] =	vst.idx.msk vm3, v4  }
0x273: {  	v4 =	vld.idx.msk [tilespmem:v28+s19+$0x0], vm3;
	_ =	sdelay $0x1  }
0x274: {  	v8 =	vld.idx.msk [tilespmem:v29+s16+$0x0], vm3;
	_ =	sdelay $0x2  }
0x275: {  	v30 =	vor.u32 $0xB00, v5;
	v4 =	vmul.f32 $9.999999770e-03, v4;
	_ =	sdelay $0x1  }
0x276: {  	v31 =	vadd.s32 $0x6300, v6;
	v4 =	vsub.f32 v8, v4;
	_ =	sdelay $0x1  }
0x277: {  	[tilespmem:v29+s16+$0x0] =	vst.idx.msk vm3, v4  }
0x278: {  	v4 =	vld.idx.msk [tilespmem:v30+s19+$0x0], vm3;
	_ =	sdelay $0x1  }
0x279: {  	v7 =	vld.idx.msk [tilespmem:v31+s16+$0x0], vm3;
	_ =	sdelay $0x2  }
0x27a: {  	v32 =	vor.u32 $0xB80, v5;
	v4 =	vmul.f32 $9.999999770e-03, v4;
	_ =	sdelay $0x1  }
0x27b: {  	v33 =	vadd.s32 $0x6380, v6;
	v4 =	vsub.f32 v7, v4;
	_ =	sdelay $0x1  }
0x27c: {  	[tilespmem:v31+s16+$0x0] =	vst.idx.msk vm3, v4  }
0x27d: {  	v4 =	vld.idx.msk [tilespmem:v32+s19+$0x0], vm3;
	_ =	sdelay $0x1  }
0x27e: {  	v8 =	vld.idx.msk [tilespmem:v33+s16+$0x0], vm3;
	_ =	sdelay $0x2  }
0x27f: {  	v34 =	vor.u32 $0x1000, v5;
	v4 =	vmul.f32 $9.999999770e-03, v4;
	_ =	sdelay $0x1  }
0x280: {  	v35 =	vadd.s32 $0xC000, v6;
	v4 =	vsub.f32 v8, v4;
	_ =	sdelay $0x1  }
0x281: {  	[tilespmem:v33+s16+$0x0] =	vst.idx.msk vm3, v4  }
0x282: {  	v4 =	vld.idx.msk [tilespmem:v34+s19+$0x0], vm3;
	_ =	sdelay $0x1  }
0x283: {  	v7 =	vld.idx.msk [tilespmem:v35+s16+$0x0], vm3;
	_ =	sdelay $0x2  }
0x284: {  	v36 =	vor.u32 $0x1080, v5;
	v4 =	vmul.f32 $9.999999770e-03, v4;
	_ =	sdelay $0x1  }
0x285: {  	v37 =	vadd.s32 $0xC080, v6;
	v4 =	vsub.f32 v7, v4;
	_ =	sdelay $0x1  }
0x286: {  	[tilespmem:v35+s16+$0x0] =	vst.idx.msk vm3, v4  }
0x287: {  	v4 =	vld.idx.msk [tilespmem:v36+s19+$0x0], vm3;
	_ =	sdelay $0x1  }
0x288: {  	v8 =	vld.idx.msk [tilespmem:v37+s16+$0x0], vm3;
	_ =	sdelay $0x2  }
0x289: {  	v38 =	vor.u32 $0x1100, v5;
	v4 =	vmul.f32 $9.999999770e-03, v4;
	_ =	sdelay $0x1  }
0x28a: {  	v39 =	vadd.s32 $0xC100, v6;
	v4 =	vsub.f32 v8, v4;
	_ =	sdelay $0x1  }
0x28b: {  	[tilespmem:v37+s16+$0x0] =	vst.idx.msk vm3, v4  }
0x28c: {  	v4 =	vld.idx.msk [tilespmem:v38+s19+$0x0], vm3;
	_ =	sdelay $0x1  }
0x28d: {  	v7 =	vld.idx.msk [tilespmem:v39+s16+$0x0], vm3;
	_ =	sdelay $0x2  }
0x28e: {  	v40 =	vor.u32 $0x1180, v5;
	v4 =	vmul.f32 $9.999999770e-03, v4;
	_ =	sdelay $0x1  }
0x28f: {  	v41 =	vadd.s32 $0xC180, v6;
	v4 =	vsub.f32 v7, v4;
	_ =	sdelay $0x1  }
0x290: {  	[tilespmem:v39+s16+$0x0] =	vst.idx.msk vm3, v4  }
0x291: {  	v4 =	vld.idx.msk [tilespmem:v40+s19+$0x0], vm3;
	_ =	sdelay $0x1  }
0x292: {  	v8 =	vld.idx.msk [tilespmem:v41+s16+$0x0], vm3;
	_ =	sdelay $0x2  }
0x293: {  	v42 =	vor.u32 $0x1200, v5;
	v4 =	vmul.f32 $9.999999770e-03, v4;
	_ =	sdelay $0x1  }
0x294: {  	v43 =	vadd.s32 $0xC200, v6;
	v4 =	vsub.f32 v8, v4;
	_ =	sdelay $0x1  }
0x295: {  	[tilespmem:v41+s16+$0x0] =	vst.idx.msk vm3, v4  }
0x296: {  	v4 =	vld.idx.msk [tilespmem:v42+s19+$0x0], vm3;
	_ =	sdelay $0x1  }
0x297: {  	v7 =	vld.idx.msk [tilespmem:v43+s16+$0x0], vm3;
	_ =	sdelay $0x2  }
0x298: {  	v44 =	vor.u32 $0x1280, v5;
	v4 =	vmul.f32 $9.999999770e-03, v4;
	_ =	sdelay $0x1  }
0x299: {  	v45 =	vadd.s32 $0xC280, v6;
	v4 =	vsub.f32 v7, v4;
	_ =	sdelay $0x1  }
0x29a: {  	[tilespmem:v43+s16+$0x0] =	vst.idx.msk vm3, v4  }
0x29b: {  	v4 =	vld.idx.msk [tilespmem:v44+s19+$0x0], vm3;
	_ =	sdelay $0x1  }
0x29c: {  	v8 =	vld.idx.msk [tilespmem:v45+s16+$0x0], vm3;
	_ =	sdelay $0x2  }
0x29d: {  	v46 =	vor.u32 $0x1300, v5;
	v4 =	vmul.f32 $9.999999770e-03, v4;
	_ =	sdelay $0x1  }
0x29e: {  	v47 =	vadd.s32 $0xC300, v6;
	v4 =	vsub.f32 v8, v4;
	_ =	sdelay $0x1  }
0x29f: {  	[tilespmem:v45+s16+$0x0] =	vst.idx.msk vm3, v4  }
0x2a0: {  	v4 =	vld.idx.msk [tilespmem:v46+s19+$0x0], vm3;
	_ =	sdelay $0x1  }
0x2a1: {  	v7 =	vld.idx.msk [tilespmem:v47+s16+$0x0], vm3;
	_ =	sdelay $0x2  }
0x2a2: {  	v48 =	vor.u32 $0x1380, v5;
	v4 =	vmul.f32 $9.999999770e-03, v4;
	_ =	sdelay $0x1  }
0x2a3: {  	v49 =	vadd.s32 $0xC380, v6;
	v4 =	vsub.f32 v7, v4;
	_ =	sdelay $0x1  }
0x2a4: {  	[tilespmem:v47+s16+$0x0] =	vst.idx.msk vm3, v4  }
0x2a5: {  	v4 =	vld.idx.msk [tilespmem:v48+s19+$0x0], vm3;
	_ =	sdelay $0x1  }
0x2a6: {  	v8 =	vld.idx.msk [tilespmem:v49+s16+$0x0], vm3;
	_ =	sdelay $0x2  }
0x2a7: {  	v50 =	vor.u32 $0x1800, v5;
	v4 =	vmul.f32 $9.999999770e-03, v4;
	_ =	sdelay $0x1  }
0x2a8: {  	v51 =	vadd.s32 $0x12000, v6;
	v4 =	vsub.f32 v8, v4;
	_ =	sdelay $0x1  }
0x2a9: {  	[tilespmem:v49+s16+$0x0] =	vst.idx.msk vm3, v4  }
0x2aa: {  	v4 =	vld.idx.msk [tilespmem:v50+s19+$0x0], vm3;
	_ =	sdelay $0x1  }
0x2ab: {  	v7 =	vld.idx.msk [tilespmem:v51+s16+$0x0], vm3;
	_ =	sdelay $0x2  }
0x2ac: {  	v52 =	vor.u32 $0x1880, v5;
	v4 =	vmul.f32 $9.999999770e-03, v4;
	_ =	sdelay $0x1  }
0x2ad: {  	v53 =	vadd.s32 $0x12080, v6;
	v4 =	vsub.f32 v7, v4;
	_ =	sdelay $0x1  }
0x2ae: {  	[tilespmem:v51+s16+$0x0] =	vst.idx.msk vm3, v4  }
0x2af: {  	v4 =	vld.idx.msk [tilespmem:v52+s19+$0x0], vm3;
	_ =	sdelay $0x1  }
0x2b0: {  	v8 =	vld.idx.msk [tilespmem:v53+s16+$0x0], vm3;
	_ =	sdelay $0x2  }
0x2b1: {  	v54 =	vor.u32 $0x1900, v5;
	v4 =	vmul.f32 $9.999999770e-03, v4;
	_ =	sdelay $0x1  }
0x2b2: {  	v55 =	vadd.s32 $0x12100, v6;
	v4 =	vsub.f32 v8, v4;
	_ =	sdelay $0x1  }
0x2b3: {  	[tilespmem:v53+s16+$0x0] =	vst.idx.msk vm3, v4  }
0x2b4: {  	v4 =	vld.idx.msk [tilespmem:v54+s19+$0x0], vm3;
	_ =	sdelay $0x1  }
0x2b5: {  	v7 =	vld.idx.msk [tilespmem:v55+s16+$0x0], vm3;
	_ =	sdelay $0x2  }
0x2b6: {  	v56 =	vor.u32 $0x1980, v5;
	v4 =	vmul.f32 $9.999999770e-03, v4;
	_ =	sdelay $0x1  }
0x2b7: {  	v57 =	vadd.s32 $0x12180, v6;
	v4 =	vsub.f32 v7, v4;
	_ =	sdelay $0x1  }
0x2b8: {  	[tilespmem:v55+s16+$0x0] =	vst.idx.msk vm3, v4  }
0x2b9: {  	v4 =	vld.idx.msk [tilespmem:v56+s19+$0x0], vm3;
	_ =	sdelay $0x1  }
0x2ba: {  	v8 =	vld.idx.msk [tilespmem:v57+s16+$0x0], vm3;
	_ =	sdelay $0x2  }
0x2bb: {  	v58 =	vor.u32 $0x1A00, v5;
	v4 =	vmul.f32 $9.999999770e-03, v4;
	_ =	sdelay $0x1  }
0x2bc: {  	v59 =	vadd.s32 $0x12200, v6;
	v4 =	vsub.f32 v8, v4;
	_ =	sdelay $0x1  }
0x2bd: {  	[tilespmem:v57+s16+$0x0] =	vst.idx.msk vm3, v4  }
0x2be: {  	v4 =	vld.idx.msk [tilespmem:v58+s19+$0x0], vm3;
	_ =	sdelay $0x1  }
0x2bf: {  	v7 =	vld.idx.msk [tilespmem:v59+s16+$0x0], vm3;
	_ =	sdelay $0x2  }
0x2c0: {  	v60 =	vor.u32 $0x1A80, v5;
	v4 =	vmul.f32 $9.999999770e-03, v4;
	_ =	sdelay $0x1  }
0x2c1: {  	v61 =	vadd.s32 $0x12280, v6;
	v4 =	vsub.f32 v7, v4;
	_ =	sdelay $0x1  }
0x2c2: {  	[tilespmem:v59+s16+$0x0] =	vst.idx.msk vm3, v4  }
0x2c3: {  	v4 =	vld.idx.msk [tilespmem:v60+s19+$0x0], vm3;
	_ =	sdelay $0x1  }
0x2c4: {  	v8 =	vld.idx.msk [tilespmem:v61+s16+$0x0], vm3;
	_ =	sdelay $0x2  }
0x2c5: {  	v62 =	vor.u32 $0x1B00, v5;
	v4 =	vmul.f32 $9.999999770e-03, v4;
	_ =	sdelay $0x1  }
0x2c6: {  	v63 =	vadd.s32 $0x12300, v6;
	v4 =	vsub.f32 v8, v4;
	_ =	sdelay $0x1  }
0x2c7: {  	[tilespmem:v61+s16+$0x0] =	vst.idx.msk vm3, v4  }
0x2c8: {  	v4 =	vld.idx.msk [tilespmem:v62+s19+$0x0], vm3;
	_ =	sdelay $0x1  }
0x2c9: {  	v7 =	vld.idx.msk [tilespmem:v63+s16+$0x0], vm3;
	_ =	sdelay $0x2  }
0x2ca: {  	v5 =	vor.u32 $0x1B80, v5;
	v4 =	vmul.f32 $9.999999770e-03, v4;
	_ =	sdelay $0x1  }
0x2cb: {  	v6 =	vadd.s32 $0x12380, v6;
	v4 =	vsub.f32 v7, v4;
	_ =	sdelay $0x1  }
0x2cc: {  	[tilespmem:v63+s16+$0x0] =	vst.idx.msk vm3, v4  }
0x2cd: {  	v4 =	vld.idx.msk [tilespmem:v5+s19+$0x0], vm3;
	_ =	sdelay $0x1  }
0x2ce: {  	v5 =	vld.idx.msk [tilespmem:v6+s16+$0x0], vm3;
	_ =	sdelay $0x2  }
.Ltmp8:
0x2cf: {  	v4 =	vmul.f32 $9.999999770e-03, v4;
	(pc) =	sbr.rel .LBB2_4-.Ltmp8, $3  }
0x2d0: {  	_ = 	snop  }
0x2d1: {  	v4 =	vsub.f32 v5, v4;
	_ =	sdelay $0x1  }
0x2d2: {  	[tilespmem:v6+s16+$0x0] =	vst.idx.msk vm3, v4  }
.LBB2_10:
0x2d3: {  	s24 =	sadd.s32 $0x10, s24  }
0x2d4: {  	p3 =	sne.s32 s24, $0xD0  }
.Ltmp9:
0x2d5: {  	_ = 	snop;
	(pc) =	sbr.rel @!p3 .LBB2_11-.Ltmp9, $2  }
0x2d6: {  	_ =	sdelay $0x2  }
0x2d7: {  	s25 =	sadd.s32 $0x10, s25  }
.LBB2_8:
0x2d8: {  	v5 =	vld [tilespmem:s25+$0x0];
	_ =	sdelay $0x4  }
0x2d9: {  	vm3 =	vge.s32 v5, v2;
	vm7 =	vlt.s32 v5, v3  }
0x2da: {  	vm3 =	vmand vm3, vm7  }
0x2db: {  	v4 =	vmpcnt.ones.xlane vm3;
	_ =	sdelay $0x1  }
0x2dc: {  	v4 =	vxor.u32 $0x80000000, v4  }
0x2dd: {  	(xrf0) =	vmax.scan.msk.u32 $0xffff, v4;
	_ =	sdelay $0x5  }
0x2de: {  	v4, _, _ =	vpop (xrf0)  }
0x2df: {  	(v2sf) =	vpush v4, $0xF;
	_ =	sdelay $0xe  }
0x2e0: {  	s4 =	spop (v2sf)  }
0x2e1: {  	p3 =	slt.u32 s4, $0x80000001  }
.Ltmp10:
0x2e2: {  	_ = 	snop;
	(pc) =	sbr.rel @p3 .LBB2_10-.Ltmp10, $1  }
0x2e3: {  	_ =	sdelay $0x3  }
0x2e4: {  	v4 =	vor.u32 s24, v13  }
0x2e5: {  	vm7 =	vlt.s32 v4, $0xC7  }
0x2e6: {  	v4 =	vnsel vm7, $0xC7, v4  }
0x2e7: {  	v6 =	vshll.u32 v4, $0x3  }
0x2e8: {  	v4 =	vand.u32 $0x7F, v4;
	v6 =	vand.u32 $0x400, v6  }
0x2e9: {  	v6 =	vor.u32 v4, v6  }
0x2ea: {  	v4 =	vsub.s32 v5, v2  }
0x2eb: {  	v5 =	vnsel vm3, $0x0, v4;
	_ =	sdelay $0x2  }
0x2ec: {  	v4 =	vld.idx.msk [tilespmem:v6+s19+$0x0], vm3;
	_ =	sdelay $0x1  }
0x2ed: {  	v7 =	vld.idx.msk [tilespmem:v5+s11+$0x0], vm3;
	_ =	sdelay $0x2  }
0x2ee: {  	v8 =	vor.u32 $0x80, v6;
	v4 =	vmul.f32 $9.999999770e-03, v4;
	_ =	sdelay $0x1  }
0x2ef: {  	v52 =	vadd.s32 $0x80, v5;
	v4 =	vsub.f32 v7, v4;
	_ =	sdelay $0x1  }
0x2f0: {  	[tilespmem:v5+s11+$0x0] =	vst.idx.msk vm3, v4  }
0x2f1: {  	v4 =	vld.idx.msk [tilespmem:v8+s19+$0x0], vm3;
	_ =	sdelay $0x1  }
0x2f2: {  	v53 =	vld.idx.msk [tilespmem:v52+s11+$0x0], vm3;
	_ =	sdelay $0x2  }
0x2f3: {  	v9 =	vor.u32 $0x100, v6;
	v4 =	vmul.f32 $9.999999770e-03, v4;
	_ =	sdelay $0x1  }
0x2f4: {  	v54 =	vadd.s32 $0x100, v5;
	v4 =	vsub.f32 v53, v4;
	_ =	sdelay $0x1  }
0x2f5: {  	[tilespmem:v52+s11+$0x0] =	vst.idx.msk vm3, v4  }
0x2f6: {  	v4 =	vld.idx.msk [tilespmem:v9+s19+$0x0], vm3;
	_ =	sdelay $0x1  }
0x2f7: {  	v7 =	vld.idx.msk [tilespmem:v54+s11+$0x0], vm3;
	_ =	sdelay $0x2  }
0x2f8: {  	v55 =	vor.u32 $0x180, v6;
	v4 =	vmul.f32 $9.999999770e-03, v4;
	_ =	sdelay $0x1  }
0x2f9: {  	v56 =	vadd.s32 $0x180, v5;
	v4 =	vsub.f32 v7, v4;
	_ =	sdelay $0x1  }
0x2fa: {  	[tilespmem:v54+s11+$0x0] =	vst.idx.msk vm3, v4  }
0x2fb: {  	v4 =	vld.idx.msk [tilespmem:v55+s19+$0x0], vm3;
	_ =	sdelay $0x1  }
0x2fc: {  	v8 =	vld.idx.msk [tilespmem:v56+s11+$0x0], vm3;
	_ =	sdelay $0x2  }
0x2fd: {  	v57 =	vor.u32 $0x200, v6;
	v4 =	vmul.f32 $9.999999770e-03, v4;
	_ =	sdelay $0x1  }
0x2fe: {  	v58 =	vadd.s32 $0x200, v5;
	v4 =	vsub.f32 v8, v4;
	_ =	sdelay $0x1  }
0x2ff: {  	[tilespmem:v56+s11+$0x0] =	vst.idx.msk vm3, v4  }
0x300: {  	v4 =	vld.idx.msk [tilespmem:v57+s19+$0x0], vm3;
	_ =	sdelay $0x1  }
0x301: {  	v7 =	vld.idx.msk [tilespmem:v58+s11+$0x0], vm3;
	_ =	sdelay $0x2  }
0x302: {  	v59 =	vor.u32 $0x280, v6;
	v4 =	vmul.f32 $9.999999770e-03, v4;
	_ =	sdelay $0x1  }
0x303: {  	v60 =	vadd.s32 $0x280, v5;
	v4 =	vsub.f32 v7, v4;
	_ =	sdelay $0x1  }
0x304: {  	[tilespmem:v58+s11+$0x0] =	vst.idx.msk vm3, v4  }
0x305: {  	v4 =	vld.idx.msk [tilespmem:v59+s19+$0x0], vm3;
	_ =	sdelay $0x1  }
0x306: {  	v8 =	vld.idx.msk [tilespmem:v60+s11+$0x0], vm3;
	_ =	sdelay $0x2  }
0x307: {  	v61 =	vor.u32 $0x300, v6;
	v4 =	vmul.f32 $9.999999770e-03, v4;
	_ =	sdelay $0x1  }
0x308: {  	v62 =	vadd.s32 $0x300, v5;
	v4 =	vsub.f32 v8, v4;
	_ =	sdelay $0x1  }
0x309: {  	[tilespmem:v60+s11+$0x0] =	vst.idx.msk vm3, v4  }
0x30a: {  	v4 =	vld.idx.msk [tilespmem:v61+s19+$0x0], vm3;
	_ =	sdelay $0x1  }
0x30b: {  	v7 =	vld.idx.msk [tilespmem:v62+s11+$0x0], vm3;
	_ =	sdelay $0x2  }
0x30c: {  	v63 =	vor.u32 $0x380, v6;
	v4 =	vmul.f32 $9.999999770e-03, v4;
	_ =	sdelay $0x1  }
0x30d: {  	v16 =	vadd.s32 $0x380, v5;
	v4 =	vsub.f32 v7, v4;
	_ =	sdelay $0x1  }
0x30e: {  	[tilespmem:v62+s11+$0x0] =	vst.idx.msk vm3, v4  }
0x30f: {  	v4 =	vld.idx.msk [tilespmem:v63+s19+$0x0], vm3;
	_ =	sdelay $0x1  }
0x310: {  	v8 =	vld.idx.msk [tilespmem:v16+s11+$0x0], vm3;
	_ =	sdelay $0x2  }
0x311: {  	v17 =	vor.u32 $0x800, v6;
	v4 =	vmul.f32 $9.999999770e-03, v4;
	_ =	sdelay $0x1  }
0x312: {  	v18 =	vadd.s32 $0x400, v5;
	v4 =	vsub.f32 v8, v4;
	_ =	sdelay $0x1  }
0x313: {  	[tilespmem:v16+s11+$0x0] =	vst.idx.msk vm3, v4  }
0x314: {  	v4 =	vld.idx.msk [tilespmem:v17+s19+$0x0], vm3;
	_ =	sdelay $0x1  }
0x315: {  	v7 =	vld.idx.msk [tilespmem:v18+s11+$0x0], vm3;
	_ =	sdelay $0x2  }
0x316: {  	v19 =	vor.u32 $0x880, v6;
	v4 =	vmul.f32 $9.999999770e-03, v4;
	_ =	sdelay $0x1  }
0x317: {  	v20 =	vadd.s32 $0x480, v5;
	v4 =	vsub.f32 v7, v4;
	_ =	sdelay $0x1  }
0x318: {  	[tilespmem:v18+s11+$0x0] =	vst.idx.msk vm3, v4  }
0x319: {  	v4 =	vld.idx.msk [tilespmem:v19+s19+$0x0], vm3;
	_ =	sdelay $0x1  }
0x31a: {  	v8 =	vld.idx.msk [tilespmem:v20+s11+$0x0], vm3;
	_ =	sdelay $0x2  }
0x31b: {  	v21 =	vor.u32 $0x900, v6;
	v4 =	vmul.f32 $9.999999770e-03, v4;
	_ =	sdelay $0x1  }
0x31c: {  	v22 =	vadd.s32 $0x500, v5;
	v4 =	vsub.f32 v8, v4;
	_ =	sdelay $0x1  }
0x31d: {  	[tilespmem:v20+s11+$0x0] =	vst.idx.msk vm3, v4  }
0x31e: {  	v4 =	vld.idx.msk [tilespmem:v21+s19+$0x0], vm3;
	_ =	sdelay $0x1  }
0x31f: {  	v7 =	vld.idx.msk [tilespmem:v22+s11+$0x0], vm3;
	_ =	sdelay $0x2  }
0x320: {  	v23 =	vor.u32 $0x980, v6;
	v4 =	vmul.f32 $9.999999770e-03, v4;
	_ =	sdelay $0x1  }
0x321: {  	v24 =	vadd.s32 $0x580, v5;
	v4 =	vsub.f32 v7, v4;
	_ =	sdelay $0x1  }
0x322: {  	[tilespmem:v22+s11+$0x0] =	vst.idx.msk vm3, v4  }
0x323: {  	v4 =	vld.idx.msk [tilespmem:v23+s19+$0x0], vm3;
	_ =	sdelay $0x1  }
0x324: {  	v8 =	vld.idx.msk [tilespmem:v24+s11+$0x0], vm3;
	_ =	sdelay $0x2  }
0x325: {  	v25 =	vor.u32 $0xA00, v6;
	v4 =	vmul.f32 $9.999999770e-03, v4;
	_ =	sdelay $0x1  }
0x326: {  	v26 =	vadd.s32 $0x600, v5;
	v4 =	vsub.f32 v8, v4;
	_ =	sdelay $0x1  }
0x327: {  	[tilespmem:v24+s11+$0x0] =	vst.idx.msk vm3, v4  }
0x328: {  	v4 =	vld.idx.msk [tilespmem:v25+s19+$0x0], vm3;
	_ =	sdelay $0x1  }
0x329: {  	v7 =	vld.idx.msk [tilespmem:v26+s11+$0x0], vm3;
	_ =	sdelay $0x2  }
0x32a: {  	v27 =	vor.u32 $0xA80, v6;
	v4 =	vmul.f32 $9.999999770e-03, v4;
	_ =	sdelay $0x1  }
0x32b: {  	v28 =	vadd.s32 $0x680, v5;
	v4 =	vsub.f32 v7, v4;
	_ =	sdelay $0x1  }
0x32c: {  	[tilespmem:v26+s11+$0x0] =	vst.idx.msk vm3, v4  }
0x32d: {  	v4 =	vld.idx.msk [tilespmem:v27+s19+$0x0], vm3;
	_ =	sdelay $0x1  }
0x32e: {  	v8 =	vld.idx.msk [tilespmem:v28+s11+$0x0], vm3;
	_ =	sdelay $0x2  }
0x32f: {  	v29 =	vor.u32 $0xB00, v6;
	v4 =	vmul.f32 $9.999999770e-03, v4;
	_ =	sdelay $0x1  }
0x330: {  	v30 =	vadd.s32 $0x700, v5;
	v4 =	vsub.f32 v8, v4;
	_ =	sdelay $0x1  }
0x331: {  	[tilespmem:v28+s11+$0x0] =	vst.idx.msk vm3, v4  }
0x332: {  	v4 =	vld.idx.msk [tilespmem:v29+s19+$0x0], vm3;
	_ =	sdelay $0x1  }
0x333: {  	v7 =	vld.idx.msk [tilespmem:v30+s11+$0x0], vm3;
	_ =	sdelay $0x2  }
0x334: {  	v31 =	vor.u32 $0xB80, v6;
	v4 =	vmul.f32 $9.999999770e-03, v4;
	_ =	sdelay $0x1  }
0x335: {  	v32 =	vadd.s32 $0x780, v5;
	v4 =	vsub.f32 v7, v4;
	_ =	sdelay $0x1  }
0x336: {  	[tilespmem:v30+s11+$0x0] =	vst.idx.msk vm3, v4  }
0x337: {  	v4 =	vld.idx.msk [tilespmem:v31+s19+$0x0], vm3;
	_ =	sdelay $0x1  }
0x338: {  	v8 =	vld.idx.msk [tilespmem:v32+s11+$0x0], vm3;
	_ =	sdelay $0x2  }
0x339: {  	v33 =	vor.u32 $0x1000, v6;
	v4 =	vmul.f32 $9.999999770e-03, v4;
	_ =	sdelay $0x1  }
0x33a: {  	v34 =	vadd.s32 $0x800, v5;
	v4 =	vsub.f32 v8, v4;
	_ =	sdelay $0x1  }
0x33b: {  	[tilespmem:v32+s11+$0x0] =	vst.idx.msk vm3, v4  }
0x33c: {  	v4 =	vld.idx.msk [tilespmem:v33+s19+$0x0], vm3;
	_ =	sdelay $0x1  }
0x33d: {  	v7 =	vld.idx.msk [tilespmem:v34+s11+$0x0], vm3;
	_ =	sdelay $0x2  }
0x33e: {  	v35 =	vor.u32 $0x1080, v6;
	v4 =	vmul.f32 $9.999999770e-03, v4;
	_ =	sdelay $0x1  }
0x33f: {  	v36 =	vadd.s32 $0x880, v5;
	v4 =	vsub.f32 v7, v4;
	_ =	sdelay $0x1  }
0x340: {  	[tilespmem:v34+s11+$0x0] =	vst.idx.msk vm3, v4  }
0x341: {  	v4 =	vld.idx.msk [tilespmem:v35+s19+$0x0], vm3;
	_ =	sdelay $0x1  }
0x342: {  	v8 =	vld.idx.msk [tilespmem:v36+s11+$0x0], vm3;
	_ =	sdelay $0x2  }
0x343: {  	v37 =	vor.u32 $0x1100, v6;
	v4 =	vmul.f32 $9.999999770e-03, v4;
	_ =	sdelay $0x1  }
0x344: {  	v38 =	vadd.s32 $0x900, v5;
	v4 =	vsub.f32 v8, v4;
	_ =	sdelay $0x1  }
0x345: {  	[tilespmem:v36+s11+$0x0] =	vst.idx.msk vm3, v4  }
0x346: {  	v4 =	vld.idx.msk [tilespmem:v37+s19+$0x0], vm3;
	_ =	sdelay $0x1  }
0x347: {  	v7 =	vld.idx.msk [tilespmem:v38+s11+$0x0], vm3;
	_ =	sdelay $0x2  }
0x348: {  	v39 =	vor.u32 $0x1180, v6;
	v4 =	vmul.f32 $9.999999770e-03, v4;
	_ =	sdelay $0x1  }
0x349: {  	v40 =	vadd.s32 $0x980, v5;
	v4 =	vsub.f32 v7, v4;
	_ =	sdelay $0x1  }
0x34a: {  	[tilespmem:v38+s11+$0x0] =	vst.idx.msk vm3, v4  }
0x34b: {  	v4 =	vld.idx.msk [tilespmem:v39+s19+$0x0], vm3;
	_ =	sdelay $0x1  }
0x34c: {  	v8 =	vld.idx.msk [tilespmem:v40+s11+$0x0], vm3;
	_ =	sdelay $0x2  }
0x34d: {  	v41 =	vor.u32 $0x1200, v6;
	v4 =	vmul.f32 $9.999999770e-03, v4;
	_ =	sdelay $0x1  }
0x34e: {  	v42 =	vadd.s32 $0xA00, v5;
	v4 =	vsub.f32 v8, v4;
	_ =	sdelay $0x1  }
0x34f: {  	[tilespmem:v40+s11+$0x0] =	vst.idx.msk vm3, v4  }
0x350: {  	v4 =	vld.idx.msk [tilespmem:v41+s19+$0x0], vm3;
	_ =	sdelay $0x1  }
0x351: {  	v7 =	vld.idx.msk [tilespmem:v42+s11+$0x0], vm3;
	_ =	sdelay $0x2  }
0x352: {  	v43 =	vor.u32 $0x1280, v6;
	v4 =	vmul.f32 $9.999999770e-03, v4;
	_ =	sdelay $0x1  }
0x353: {  	v44 =	vadd.s32 $0xA80, v5;
	v4 =	vsub.f32 v7, v4;
	_ =	sdelay $0x1  }
0x354: {  	[tilespmem:v42+s11+$0x0] =	vst.idx.msk vm3, v4  }
0x355: {  	v4 =	vld.idx.msk [tilespmem:v43+s19+$0x0], vm3;
	_ =	sdelay $0x1  }
0x356: {  	v8 =	vld.idx.msk [tilespmem:v44+s11+$0x0], vm3;
	_ =	sdelay $0x2  }
0x357: {  	v45 =	vor.u32 $0x1300, v6;
	v4 =	vmul.f32 $9.999999770e-03, v4;
	_ =	sdelay $0x1  }
0x358: {  	v46 =	vadd.s32 $0xB00, v5;
	v4 =	vsub.f32 v8, v4;
	_ =	sdelay $0x1  }
0x359: {  	[tilespmem:v44+s11+$0x0] =	vst.idx.msk vm3, v4  }
0x35a: {  	v4 =	vld.idx.msk [tilespmem:v45+s19+$0x0], vm3;
	_ =	sdelay $0x1  }
0x35b: {  	v7 =	vld.idx.msk [tilespmem:v46+s11+$0x0], vm3;
	_ =	sdelay $0x2  }
0x35c: {  	v47 =	vor.u32 $0x1380, v6;
	v4 =	vmul.f32 $9.999999770e-03, v4;
	_ =	sdelay $0x1  }
0x35d: {  	v48 =	vadd.s32 $0xB80, v5;
	v4 =	vsub.f32 v7, v4;
	_ =	sdelay $0x1  }
0x35e: {  	[tilespmem:v46+s11+$0x0] =	vst.idx.msk vm3, v4  }
0x35f: {  	v4 =	vld.idx.msk [tilespmem:v47+s19+$0x0], vm3;
	_ =	sdelay $0x1  }
0x360: {  	v8 =	vld.idx.msk [tilespmem:v48+s11+$0x0], vm3;
	_ =	sdelay $0x2  }
0x361: {  	v49 =	vor.u32 $0x1800, v6;
	v4 =	vmul.f32 $9.999999770e-03, v4;
	_ =	sdelay $0x1  }
0x362: {  	v50 =	vadd.s32 $0xC00, v5;
	v4 =	vsub.f32 v8, v4;
	_ =	sdelay $0x1  }
0x363: {  	[tilespmem:v48+s11+$0x0] =	vst.idx.msk vm3, v4  }
0x364: {  	v4 =	vld.idx.msk [tilespmem:v49+s19+$0x0], vm3;
	_ =	sdelay $0x1  }
0x365: {  	v7 =	vld.idx.msk [tilespmem:v50+s11+$0x0], vm3;
	_ =	sdelay $0x2  }
0x366: {  	v51 =	vor.u32 $0x1880, v6;
	v4 =	vmul.f32 $9.999999770e-03, v4;
	_ =	sdelay $0x1  }
0x367: {  	v52 =	vadd.s32 $0xC80, v5;
	v4 =	vsub.f32 v7, v4;
	_ =	sdelay $0x1  }
0x368: {  	[tilespmem:v50+s11+$0x0] =	vst.idx.msk vm3, v4  }
0x369: {  	v4 =	vld.idx.msk [tilespmem:v51+s19+$0x0], vm3;
	_ =	sdelay $0x1  }
0x36a: {  	v8 =	vld.idx.msk [tilespmem:v52+s11+$0x0], vm3;
	_ =	sdelay $0x2  }
0x36b: {  	v53 =	vor.u32 $0x1900, v6;
	v4 =	vmul.f32 $9.999999770e-03, v4;
	_ =	sdelay $0x1  }
0x36c: {  	v54 =	vadd.s32 $0xD00, v5;
	v4 =	vsub.f32 v8, v4;
	_ =	sdelay $0x1  }
0x36d: {  	[tilespmem:v52+s11+$0x0] =	vst.idx.msk vm3, v4  }
0x36e: {  	v4 =	vld.idx.msk [tilespmem:v53+s19+$0x0], vm3;
	_ =	sdelay $0x1  }
0x36f: {  	v7 =	vld.idx.msk [tilespmem:v54+s11+$0x0], vm3;
	_ =	sdelay $0x2  }
0x370: {  	v55 =	vor.u32 $0x1980, v6;
	v4 =	vmul.f32 $9.999999770e-03, v4;
	_ =	sdelay $0x1  }
0x371: {  	v56 =	vadd.s32 $0xD80, v5;
	v4 =	vsub.f32 v7, v4;
	_ =	sdelay $0x1  }
0x372: {  	[tilespmem:v54+s11+$0x0] =	vst.idx.msk vm3, v4  }
0x373: {  	v4 =	vld.idx.msk [tilespmem:v55+s19+$0x0], vm3;
	_ =	sdelay $0x1  }
0x374: {  	v8 =	vld.idx.msk [tilespmem:v56+s11+$0x0], vm3;
	_ =	sdelay $0x2  }
0x375: {  	v57 =	vor.u32 $0x1A00, v6;
	v4 =	vmul.f32 $9.999999770e-03, v4;
	_ =	sdelay $0x1  }
0x376: {  	v58 =	vadd.s32 $0xE00, v5;
	v4 =	vsub.f32 v8, v4;
	_ =	sdelay $0x1  }
0x377: {  	[tilespmem:v56+s11+$0x0] =	vst.idx.msk vm3, v4  }
0x378: {  	v4 =	vld.idx.msk [tilespmem:v57+s19+$0x0], vm3;
	_ =	sdelay $0x1  }
0x379: {  	v7 =	vld.idx.msk [tilespmem:v58+s11+$0x0], vm3;
	_ =	sdelay $0x2  }
0x37a: {  	v59 =	vor.u32 $0x1A80, v6;
	v4 =	vmul.f32 $9.999999770e-03, v4;
	_ =	sdelay $0x1  }
0x37b: {  	v60 =	vadd.s32 $0xE80, v5;
	v4 =	vsub.f32 v7, v4;
	_ =	sdelay $0x1  }
0x37c: {  	[tilespmem:v58+s11+$0x0] =	vst.idx.msk vm3, v4  }
0x37d: {  	v4 =	vld.idx.msk [tilespmem:v59+s19+$0x0], vm3;
	_ =	sdelay $0x1  }
0x37e: {  	v8 =	vld.idx.msk [tilespmem:v60+s11+$0x0], vm3;
	_ =	sdelay $0x2  }
0x37f: {  	v61 =	vor.u32 $0x1B00, v6;
	v4 =	vmul.f32 $9.999999770e-03, v4;
	_ =	sdelay $0x1  }
0x380: {  	v62 =	vadd.s32 $0xF00, v5;
	v4 =	vsub.f32 v8, v4;
	_ =	sdelay $0x1  }
0x381: {  	[tilespmem:v60+s11+$0x0] =	vst.idx.msk vm3, v4  }
0x382: {  	v4 =	vld.idx.msk [tilespmem:v61+s19+$0x0], vm3;
	_ =	sdelay $0x1  }
0x383: {  	v7 =	vld.idx.msk [tilespmem:v62+s11+$0x0], vm3;
	_ =	sdelay $0x2  }
0x384: {  	v6 =	vor.u32 $0x1B80, v6;
	v4 =	vmul.f32 $9.999999770e-03, v4;
	_ =	sdelay $0x1  }
0x385: {  	v5 =	vadd.s32 $0xF80, v5;
	v4 =	vsub.f32 v7, v4;
	_ =	sdelay $0x1  }
0x386: {  	[tilespmem:v62+s11+$0x0] =	vst.idx.msk vm3, v4  }
0x387: {  	v4 =	vld.idx.msk [tilespmem:v6+s19+$0x0], vm3;
	_ =	sdelay $0x1  }
0x388: {  	v63 =	vld.idx.msk [tilespmem:v5+s11+$0x0], vm3;
	_ =	sdelay $0x2  }
.Ltmp11:
0x389: {  	v4 =	vmul.f32 $9.999999770e-03, v4;
	(pc) =	sbr.rel .LBB2_10-.Ltmp11, $3  }
0x38a: {  	_ = 	snop  }
0x38b: {  	v4 =	vsub.f32 v63, v4;
	_ =	sdelay $0x1  }
0x38c: {  	[tilespmem:v5+s11+$0x0] =	vst.idx.msk vm3, v4  }
.LBB2_11:
0x38d: {  	[hbm4b:s8+s21] =	stream.strided.scatter [tilespmem:s11], [sflag:$0x3], $0x1000, s15, s21, $0x38;
	[tilespmem:$0x1C180] =	vst v63  }
0x38e: {  	_ =	swait.ge [sflag:s17], $0x1000  }
0x38f: {  	[sflag:s17] =	ssyncset.done $0x0  }
0x390: {  	[sflag:s17] =	ssyncadd.s32 $0xFFFFF000  }
.LBB2_12:
.Ltmp12:
0x391: {  	(pc) =	sbr.rel @p2 .LBB2_19-.Ltmp12, $1  }
0x392: {  	_ =	sdelay $0x3  }
0x393: {  	_ =	swait.ge [sflag:s20], $0x1000  }
0x394: {  	[sflag:s20] =	ssyncset.done $0x0  }
0x395: {  	[sflag:s20] =	ssyncadd.s32 $0xFFFFF000  }
0x396: {  	v4 =	vld [tilespmem:$0x80];
	_ =	sdelay $0x1  }
0x397: {  	v5 =	vld [tilespmem:$0x90];
	_ =	sdelay $0x2  }
0x398: {  	v4 =	vand.u32 $0xFFFFFFE0, v4  }
0x399: {  	vm3 =	veq.s32 v4, $0x18680  }
0x39a: {  	v4 =	vand.u32 $0xFFFFFFE0, v5;
	v5 =	vmpcnt.ones.xlane vm3;
	_ =	sdelay $0x1  }
0x39b: {  	vm6 =	veq.s32 v4, $0x18680;
	v5 =	vxor.u32 $0x80000000, v5  }
0x39c: {  	v4 =	vmpcnt.ones.xlane vm6;
	(xrf0) =	vmax.scan.msk.u32 $0xffff, v5;
	v5 =	vld [tilespmem:$0xA0]  }
0x39d: {  	v6 =	vld [tilespmem:$0xC0]  }
0x39e: {  	v7 =	vld [tilespmem:$0xD0];
	v4 =	vxor.u32 $0x80000000, v4  }
0x39f: {  	(xrf0) =	vmax.scan.msk.u32 $0xffff, v4;
	v4 =	vld [tilespmem:$0xB0]  }
0x3a0: {  	v52 =	vld [tilespmem:$0x130]  }
0x3a1: {  	v50 =	vld [tilespmem:$0x110];
	v5 =	vand.u32 $0xFFFFFFE0, v5  }
0x3a2: {  	vm7 =	veq.s32 v5, $0x18680;
	v5 =	vld [tilespmem:$0xE0]  }
0x3a3: {  	v10 =	vld [tilespmem:$0xF0];
	v8, _, _ =	vpop (xrf0)  }
0x3a4: {  	v48 =	vld [tilespmem:$0x100];
	v4 =	vand.u32 $0xFFFFFFE0, v4;
	(v2sf) =	vpush v8, $0xF;
	v9 =	vmpcnt.ones.xlane vm7  }
0x3a5: {  	vm8 =	veq.s32 v4, $0x18680;
	v4 =	vand.u32 $0xFFFFFFE0, v6;
	v8 =	vand.u32 $0xFFFFFFE0, v52  }
0x3a6: {  	v49 =	vmpcnt.ones.xlane vm8;
	vm9 =	veq.s32 v4, $0x18680;
	v4 =	vand.u32 $0xFFFFFFE0, v7  }
0x3a7: {  	v7 =	vand.u32 $0xFFFFFFE0, v50;
	vm10 =	veq.s32 v4, $0x18680;
	v4 =	vand.u32 $0xFFFFFFE0, v5;
	v5 =	vld [tilespmem:$0x120]  }
0x3a8: {  	v9 =	vxor.u32 $0x80000000, v9;
	vm11 =	veq.s32 v4, $0x18680;
	v4 =	vand.u32 $0xFFFFFFE0, v10  }
0x3a9: {  	v11 =	vmpcnt.ones.xlane vm9;
	vm6 =	veq.s32 v4, $0x18680;
	v4 =	vand.u32 $0xFFFFFFE0, v48  }
0x3aa: {  	v12 =	vmpcnt.ones.xlane vm10;
	(xrf0) =	vmax.scan.msk.u32 $0xffff, v9;
	v6 =	vxor.u32 $0x80000000, v49;
	vm7 =	veq.s32 v4, $0x18680;
	v4 =	vld [tilespmem:$0x140]  }
0x3ab: {  	v47, _, _ =	vpop (xrf0);
	vm8 =	veq.s32 v7, $0x18680;
	(xrf0) =	vmax.scan.msk.u32 $0xffff, v6;
	v54 =	vxor.u32 $0x80000000, v11;
	v51 =	vmpcnt.ones.xlane vm11  }
0x3ac: {  	(xrf0) =	vmax.scan.msk.u32 $0xffff, v54;
	v56 =	vxor.u32 $0x80000000, v12;
	v53 =	vmpcnt.ones.xlane vm6;
	v5 =	vand.u32 $0xFFFFFFE0, v5  }
0x3ad: {  	(xrf0) =	vmax.scan.msk.u32 $0xffff, v56;
	v55 =	vmpcnt.ones.xlane vm7;
	vm9 =	veq.s32 v5, $0x18680;
	v5 =	vxor.u32 $0x80000000, v51  }
0x3ae: {  	v57 =	vmpcnt.ones.xlane vm8;
	vm10 =	veq.s32 v8, $0x18680;
	(xrf0) =	vmax.scan.msk.u32 $0xffff, v5;
	v5 =	vxor.u32 $0x80000000, v53  }
0x3af: {  	v58 =	vxor.u32 $0x80000000, v55;
	(xrf0) =	vmax.scan.msk.u32 $0xffff, v5;
	v5 =	vmpcnt.ones.xlane vm9;
	v4 =	vand.u32 $0xFFFFFFE0, v4  }
0x3b0: {  	v60 =	vmpcnt.ones.xlane vm10;
	v59, _, _ =	vpop (xrf0);
	(xrf0) =	vmax.scan.msk.u32 $0xffff, v58;
	vm11 =	veq.s32 v4, $0x18680;
	v4 =	vxor.u32 $0x80000000, v57  }
0x3b1: {  	(v2sf) =	vpush v47, $0xF;
	v61, _, _ =	vpop (xrf0);
	(xrf0) =	vmax.scan.msk.u32 $0xffff, v4;
	v4 =	vxor.u32 $0x80000000, v5;
	v5 =	vmpcnt.ones.xlane vm11  }
0x3b2: {  	(v2sf) =	vpush v59, $0xF;
	v62, _, _ =	vpop (xrf0);
	(xrf0) =	vmax.scan.msk.u32 $0xffff, v4;
	v4 =	vxor.u32 $0x80000000, v60  }
0x3b3: {  	(v2sf) =	vpush v61, $0xF;
	v63, _, _ =	vpop (xrf0);
	(xrf0) =	vmax.scan.msk.u32 $0xffff, v4;
	v4 =	vxor.u32 $0x80000000, v5  }
0x3b4: {  	(v2sf) =	vpush v62, $0xF  }
0x3b5: {  	(v2sf) =	vpush v63, $0xF;
	v5, _, _ =	vpop (xrf0);
	(xrf0) =	vmax.scan.msk.u32 $0xffff, v4  }
0x3b6: {  	v4, _, _ =	vpop (xrf0);
	(v2sf) =	vpush v5, $0xF  }
0x3b7: {  	v5, _, _ =	vpop (xrf0);
	(v2sf) =	vpush v4, $0xF  }
0x3b8: {  	v4, _, _ =	vpop (xrf0);
	(v2sf) =	vpush v5, $0xF  }
0x3b9: {  	v5, _, _ =	vpop (xrf0);
	(v2sf) =	vpush v4, $0xF  }
0x3ba: {  	v4, _, _ =	vpop (xrf0);
	(v2sf) =	vpush v5, $0xF  }
0x3bb: {  	(v2sf) =	vpush v4, $0xF;
	v4, _, _ =	vpop (xrf0)  }
0x3bc: {  	(v2sf) =	vpush v4, $0xF;
	_ =	sdelay $0x2  }
0x3bd: {  	s4 =	spop (v2sf)  }
0x3be: {  	s24 =	spop (v2sf)  }
0x3bf: {  	s4 =	sxor.u32 $0x80000000, s4;
	s24 =	sxor.u32 $0x80000000, s24;
	s25 =	spop (v2sf)  }
0x3c0: {  	s4 =	sor.u32 s4, s24;
	s31 =	spop (v2sf);
	s25 =	sxor.u32 $0x80000000, s25  }
0x3c1: {  	s4 =	sor.u32 s25, s4;
	s26 =	spop (v2sf);
	s24 =	sxor.u32 $0x80000000, s31  }
0x3c2: {  	s4 =	sor.u32 s24, s4;
	s28 =	spop (v2sf);
	s25 =	sxor.u32 $0x80000000, s26  }
0x3c3: {  	s4 =	sor.u32 s25, s4;
	s24 =	sxor.u32 $0x80000000, s28;
	s29 =	spop (v2sf)  }
0x3c4: {  	s4 =	sor.u32 s24, s4;
	s30 =	spop (v2sf);
	s25 =	sxor.u32 $0x80000000, s29  }
0x3c5: {  	s4 =	sor.u32 s25, s4;
	s31 =	spop (v2sf);
	s24 =	sxor.u32 $0x80000000, s30  }
0x3c6: {  	s4 =	sor.u32 s24, s4;
	s26 =	spop (v2sf);
	s25 =	sxor.u32 $0x80000000, s31  }
0x3c7: {  	s4 =	sor.u32 s25, s4;
	s28 =	spop (v2sf);
	s24 =	sxor.u32 $0x80000000, s26  }
0x3c8: {  	s4 =	sor.u32 s24, s4;
	s29 =	spop (v2sf);
	s25 =	sxor.u32 $0x80000000, s28  }
0x3c9: {  	s4 =	sor.u32 s25, s4;
	s24 =	sxor.u32 $0x80000000, s29;
	s30 =	spop (v2sf)  }
0x3ca: {  	s4 =	sor.u32 s24, s4;
	s31 =	sxor.u32 $0x80000000, s30  }
0x3cb: {  	s4 =	sor.u32 s31, s4  }
0x3cc: {  	p3 =	slt.s32 s4, $0x1  }
.Ltmp13:
0x3cd: {  	_ = 	snop;
	(pc) =	sbr.rel @p3 .LBB2_18-.Ltmp13, $1  }
0x3ce: {  	_ =	sdelay $0x3  }
.Ltmp14:
0x3cf: {  	(pc) =	sbr.rel .LBB2_15-.Ltmp14, $2  }
0x3d0: {  	_ =	sdelay $0x2  }
0x3d1: {  	s24 =	simm.s32 $0x0;
	s25 =	simm.s32 $0x80  }
.LBB2_17:
0x3d2: {  	s24 =	sadd.s32 $0x10, s24  }
0x3d3: {  	p3 =	sne.s32 s24, $0xD0  }
.Ltmp15:
0x3d4: {  	_ = 	snop;
	(pc) =	sbr.rel @!p3 .LBB2_18-.Ltmp15, $2  }
0x3d5: {  	_ =	sdelay $0x2  }
0x3d6: {  	s25 =	sadd.s32 $0x10, s25  }
.LBB2_15:
0x3d7: {  	v5 =	vld [tilespmem:s25+$0x0];
	_ =	sdelay $0x4  }
0x3d8: {  	v4 =	vand.u32 $0xFFFFFFE0, v5  }
0x3d9: {  	vm3 =	veq.s32 v4, $0x18680  }
0x3da: {  	v4 =	vmpcnt.ones.xlane vm3;
	_ =	sdelay $0x1  }
0x3db: {  	v4 =	vxor.u32 $0x80000000, v4  }
0x3dc: {  	(xrf0) =	vmax.scan.msk.u32 $0xffff, v4;
	_ =	sdelay $0x5  }
0x3dd: {  	v4, _, _ =	vpop (xrf0)  }
0x3de: {  	(v2sf) =	vpush v4, $0xF;
	_ =	sdelay $0xe  }
0x3df: {  	s4 =	spop (v2sf)  }
0x3e0: {  	p3 =	slt.u32 s4, $0x80000001  }
.Ltmp16:
0x3e1: {  	_ = 	snop;
	(pc) =	sbr.rel @p3 .LBB2_17-.Ltmp16, $1  }
0x3e2: {  	_ =	sdelay $0x3  }
0x3e3: {  	v4 =	vor.u32 s24, v13  }
0x3e4: {  	vm7 =	vlt.s32 v4, $0xC7  }
0x3e5: {  	v4 =	vnsel vm7, $0xC7, v4  }
0x3e6: {  	v6 =	vshll.u32 v4, $0x3  }
0x3e7: {  	v4 =	vand.u32 $0x7F, v4;
	v6 =	vand.u32 $0x400, v6  }
0x3e8: {  	v6 =	vor.u32 v4, v6  }
0x3e9: {  	v4 =	vadd.s32 $0xFFFE7980, v5  }
0x3ea: {  	v5 =	vnsel vm3, $0x0, v4;
	_ =	sdelay $0x2  }
0x3eb: {  	v4 =	vld.idx.msk [tilespmem:v6+s19+$0x0], vm3;
	_ =	sdelay $0x1  }
0x3ec: {  	v7 =	vld.idx.msk [tilespmem:v5+s22+$0x0], vm3;
	_ =	sdelay $0x2  }
0x3ed: {  	v8 =	vor.u32 $0x80, v6;
	v4 =	vmul.f32 $9.999999770e-03, v4;
	_ =	sdelay $0x1  }
0x3ee: {  	v52 =	vadd.s32 $0x80, v5;
	v4 =	vsub.f32 v7, v4;
	_ =	sdelay $0x1  }
0x3ef: {  	[tilespmem:v5+s22+$0x0] =	vst.idx.msk vm3, v4  }
0x3f0: {  	v4 =	vld.idx.msk [tilespmem:v8+s19+$0x0], vm3;
	_ =	sdelay $0x1  }
0x3f1: {  	v53 =	vld.idx.msk [tilespmem:v52+s22+$0x0], vm3;
	_ =	sdelay $0x2  }
0x3f2: {  	v9 =	vor.u32 $0x100, v6;
	v4 =	vmul.f32 $9.999999770e-03, v4;
	_ =	sdelay $0x1  }
0x3f3: {  	v54 =	vadd.s32 $0x100, v5;
	v4 =	vsub.f32 v53, v4;
	_ =	sdelay $0x1  }
0x3f4: {  	[tilespmem:v52+s22+$0x0] =	vst.idx.msk vm3, v4  }
0x3f5: {  	v4 =	vld.idx.msk [tilespmem:v9+s19+$0x0], vm3;
	_ =	sdelay $0x1  }
0x3f6: {  	v7 =	vld.idx.msk [tilespmem:v54+s22+$0x0], vm3;
	_ =	sdelay $0x2  }
0x3f7: {  	v55 =	vor.u32 $0x180, v6;
	v4 =	vmul.f32 $9.999999770e-03, v4;
	_ =	sdelay $0x1  }
0x3f8: {  	v56 =	vadd.s32 $0x180, v5;
	v4 =	vsub.f32 v7, v4;
	_ =	sdelay $0x1  }
0x3f9: {  	[tilespmem:v54+s22+$0x0] =	vst.idx.msk vm3, v4  }
0x3fa: {  	v4 =	vld.idx.msk [tilespmem:v55+s19+$0x0], vm3;
	_ =	sdelay $0x1  }
0x3fb: {  	v8 =	vld.idx.msk [tilespmem:v56+s22+$0x0], vm3;
	_ =	sdelay $0x2  }
0x3fc: {  	v57 =	vor.u32 $0x200, v6;
	v4 =	vmul.f32 $9.999999770e-03, v4;
	_ =	sdelay $0x1  }
0x3fd: {  	v58 =	vadd.s32 $0x200, v5;
	v4 =	vsub.f32 v8, v4;
	_ =	sdelay $0x1  }
0x3fe: {  	[tilespmem:v56+s22+$0x0] =	vst.idx.msk vm3, v4  }
0x3ff: {  	v4 =	vld.idx.msk [tilespmem:v57+s19+$0x0], vm3;
	_ =	sdelay $0x1  }
0x400: {  	v7 =	vld.idx.msk [tilespmem:v58+s22+$0x0], vm3;
	_ =	sdelay $0x2  }
0x401: {  	v59 =	vor.u32 $0x280, v6;
	v4 =	vmul.f32 $9.999999770e-03, v4;
	_ =	sdelay $0x1  }
0x402: {  	v60 =	vadd.s32 $0x280, v5;
	v4 =	vsub.f32 v7, v4;
	_ =	sdelay $0x1  }
0x403: {  	[tilespmem:v58+s22+$0x0] =	vst.idx.msk vm3, v4  }
0x404: {  	v4 =	vld.idx.msk [tilespmem:v59+s19+$0x0], vm3;
	_ =	sdelay $0x1  }
0x405: {  	v8 =	vld.idx.msk [tilespmem:v60+s22+$0x0], vm3;
	_ =	sdelay $0x2  }
0x406: {  	v61 =	vor.u32 $0x300, v6;
	v4 =	vmul.f32 $9.999999770e-03, v4;
	_ =	sdelay $0x1  }
0x407: {  	v62 =	vadd.s32 $0x300, v5;
	v4 =	vsub.f32 v8, v4;
	_ =	sdelay $0x1  }
0x408: {  	[tilespmem:v60+s22+$0x0] =	vst.idx.msk vm3, v4  }
0x409: {  	v4 =	vld.idx.msk [tilespmem:v61+s19+$0x0], vm3;
	_ =	sdelay $0x1  }
0x40a: {  	v7 =	vld.idx.msk [tilespmem:v62+s22+$0x0], vm3;
	_ =	sdelay $0x2  }
0x40b: {  	v63 =	vor.u32 $0x380, v6;
	v4 =	vmul.f32 $9.999999770e-03, v4;
	_ =	sdelay $0x1  }
0x40c: {  	v16 =	vadd.s32 $0x380, v5;
	v4 =	vsub.f32 v7, v4;
	_ =	sdelay $0x1  }
0x40d: {  	[tilespmem:v62+s22+$0x0] =	vst.idx.msk vm3, v4  }
0x40e: {  	v4 =	vld.idx.msk [tilespmem:v63+s19+$0x0], vm3;
	_ =	sdelay $0x1  }
0x40f: {  	v8 =	vld.idx.msk [tilespmem:v16+s22+$0x0], vm3;
	_ =	sdelay $0x2  }
0x410: {  	v17 =	vor.u32 $0x800, v6;
	v4 =	vmul.f32 $9.999999770e-03, v4;
	_ =	sdelay $0x1  }
0x411: {  	v18 =	vadd.s32 $0x400, v5;
	v4 =	vsub.f32 v8, v4;
	_ =	sdelay $0x1  }
0x412: {  	[tilespmem:v16+s22+$0x0] =	vst.idx.msk vm3, v4  }
0x413: {  	v4 =	vld.idx.msk [tilespmem:v17+s19+$0x0], vm3;
	_ =	sdelay $0x1  }
0x414: {  	v7 =	vld.idx.msk [tilespmem:v18+s22+$0x0], vm3;
	_ =	sdelay $0x2  }
0x415: {  	v19 =	vor.u32 $0x880, v6;
	v4 =	vmul.f32 $9.999999770e-03, v4;
	_ =	sdelay $0x1  }
0x416: {  	v20 =	vadd.s32 $0x480, v5;
	v4 =	vsub.f32 v7, v4;
	_ =	sdelay $0x1  }
0x417: {  	[tilespmem:v18+s22+$0x0] =	vst.idx.msk vm3, v4  }
0x418: {  	v4 =	vld.idx.msk [tilespmem:v19+s19+$0x0], vm3;
	_ =	sdelay $0x1  }
0x419: {  	v8 =	vld.idx.msk [tilespmem:v20+s22+$0x0], vm3;
	_ =	sdelay $0x2  }
0x41a: {  	v21 =	vor.u32 $0x900, v6;
	v4 =	vmul.f32 $9.999999770e-03, v4;
	_ =	sdelay $0x1  }
0x41b: {  	v22 =	vadd.s32 $0x500, v5;
	v4 =	vsub.f32 v8, v4;
	_ =	sdelay $0x1  }
0x41c: {  	[tilespmem:v20+s22+$0x0] =	vst.idx.msk vm3, v4  }
0x41d: {  	v4 =	vld.idx.msk [tilespmem:v21+s19+$0x0], vm3;
	_ =	sdelay $0x1  }
0x41e: {  	v7 =	vld.idx.msk [tilespmem:v22+s22+$0x0], vm3;
	_ =	sdelay $0x2  }
0x41f: {  	v23 =	vor.u32 $0x980, v6;
	v4 =	vmul.f32 $9.999999770e-03, v4;
	_ =	sdelay $0x1  }
0x420: {  	v24 =	vadd.s32 $0x580, v5;
	v4 =	vsub.f32 v7, v4;
	_ =	sdelay $0x1  }
0x421: {  	[tilespmem:v22+s22+$0x0] =	vst.idx.msk vm3, v4  }
0x422: {  	v4 =	vld.idx.msk [tilespmem:v23+s19+$0x0], vm3;
	_ =	sdelay $0x1  }
0x423: {  	v8 =	vld.idx.msk [tilespmem:v24+s22+$0x0], vm3;
	_ =	sdelay $0x2  }
0x424: {  	v25 =	vor.u32 $0xA00, v6;
	v4 =	vmul.f32 $9.999999770e-03, v4;
	_ =	sdelay $0x1  }
0x425: {  	v26 =	vadd.s32 $0x600, v5;
	v4 =	vsub.f32 v8, v4;
	_ =	sdelay $0x1  }
0x426: {  	[tilespmem:v24+s22+$0x0] =	vst.idx.msk vm3, v4  }
0x427: {  	v4 =	vld.idx.msk [tilespmem:v25+s19+$0x0], vm3;
	_ =	sdelay $0x1  }
0x428: {  	v7 =	vld.idx.msk [tilespmem:v26+s22+$0x0], vm3;
	_ =	sdelay $0x2  }
0x429: {  	v27 =	vor.u32 $0xA80, v6;
	v4 =	vmul.f32 $9.999999770e-03, v4;
	_ =	sdelay $0x1  }
0x42a: {  	v28 =	vadd.s32 $0x680, v5;
	v4 =	vsub.f32 v7, v4;
	_ =	sdelay $0x1  }
0x42b: {  	[tilespmem:v26+s22+$0x0] =	vst.idx.msk vm3, v4  }
0x42c: {  	v4 =	vld.idx.msk [tilespmem:v27+s19+$0x0], vm3;
	_ =	sdelay $0x1  }
0x42d: {  	v8 =	vld.idx.msk [tilespmem:v28+s22+$0x0], vm3;
	_ =	sdelay $0x2  }
0x42e: {  	v29 =	vor.u32 $0xB00, v6;
	v4 =	vmul.f32 $9.999999770e-03, v4;
	_ =	sdelay $0x1  }
0x42f: {  	v30 =	vadd.s32 $0x700, v5;
	v4 =	vsub.f32 v8, v4;
	_ =	sdelay $0x1  }
0x430: {  	[tilespmem:v28+s22+$0x0] =	vst.idx.msk vm3, v4  }
0x431: {  	v4 =	vld.idx.msk [tilespmem:v29+s19+$0x0], vm3;
	_ =	sdelay $0x1  }
0x432: {  	v7 =	vld.idx.msk [tilespmem:v30+s22+$0x0], vm3;
	_ =	sdelay $0x2  }
0x433: {  	v31 =	vor.u32 $0xB80, v6;
	v4 =	vmul.f32 $9.999999770e-03, v4;
	_ =	sdelay $0x1  }
0x434: {  	v32 =	vadd.s32 $0x780, v5;
	v4 =	vsub.f32 v7, v4;
	_ =	sdelay $0x1  }
0x435: {  	[tilespmem:v30+s22+$0x0] =	vst.idx.msk vm3, v4  }
0x436: {  	v4 =	vld.idx.msk [tilespmem:v31+s19+$0x0], vm3;
	_ =	sdelay $0x1  }
0x437: {  	v8 =	vld.idx.msk [tilespmem:v32+s22+$0x0], vm3;
	_ =	sdelay $0x2  }
0x438: {  	v33 =	vor.u32 $0x1000, v6;
	v4 =	vmul.f32 $9.999999770e-03, v4;
	_ =	sdelay $0x1  }
0x439: {  	v34 =	vadd.s32 $0x800, v5;
	v4 =	vsub.f32 v8, v4;
	_ =	sdelay $0x1  }
0x43a: {  	[tilespmem:v32+s22+$0x0] =	vst.idx.msk vm3, v4  }
0x43b: {  	v4 =	vld.idx.msk [tilespmem:v33+s19+$0x0], vm3;
	_ =	sdelay $0x1  }
0x43c: {  	v7 =	vld.idx.msk [tilespmem:v34+s22+$0x0], vm3;
	_ =	sdelay $0x2  }
0x43d: {  	v35 =	vor.u32 $0x1080, v6;
	v4 =	vmul.f32 $9.999999770e-03, v4;
	_ =	sdelay $0x1  }
0x43e: {  	v36 =	vadd.s32 $0x880, v5;
	v4 =	vsub.f32 v7, v4;
	_ =	sdelay $0x1  }
0x43f: {  	[tilespmem:v34+s22+$0x0] =	vst.idx.msk vm3, v4  }
0x440: {  	v4 =	vld.idx.msk [tilespmem:v35+s19+$0x0], vm3;
	_ =	sdelay $0x1  }
0x441: {  	v8 =	vld.idx.msk [tilespmem:v36+s22+$0x0], vm3;
	_ =	sdelay $0x2  }
0x442: {  	v37 =	vor.u32 $0x1100, v6;
	v4 =	vmul.f32 $9.999999770e-03, v4;
	_ =	sdelay $0x1  }
0x443: {  	v38 =	vadd.s32 $0x900, v5;
	v4 =	vsub.f32 v8, v4;
	_ =	sdelay $0x1  }
0x444: {  	[tilespmem:v36+s22+$0x0] =	vst.idx.msk vm3, v4  }
0x445: {  	v4 =	vld.idx.msk [tilespmem:v37+s19+$0x0], vm3;
	_ =	sdelay $0x1  }
0x446: {  	v7 =	vld.idx.msk [tilespmem:v38+s22+$0x0], vm3;
	_ =	sdelay $0x2  }
0x447: {  	v39 =	vor.u32 $0x1180, v6;
	v4 =	vmul.f32 $9.999999770e-03, v4;
	_ =	sdelay $0x1  }
0x448: {  	v40 =	vadd.s32 $0x980, v5;
	v4 =	vsub.f32 v7, v4;
	_ =	sdelay $0x1  }
0x449: {  	[tilespmem:v38+s22+$0x0] =	vst.idx.msk vm3, v4  }
0x44a: {  	v4 =	vld.idx.msk [tilespmem:v39+s19+$0x0], vm3;
	_ =	sdelay $0x1  }
0x44b: {  	v8 =	vld.idx.msk [tilespmem:v40+s22+$0x0], vm3;
	_ =	sdelay $0x2  }
0x44c: {  	v41 =	vor.u32 $0x1200, v6;
	v4 =	vmul.f32 $9.999999770e-03, v4;
	_ =	sdelay $0x1  }
0x44d: {  	v42 =	vadd.s32 $0xA00, v5;
	v4 =	vsub.f32 v8, v4;
	_ =	sdelay $0x1  }
0x44e: {  	[tilespmem:v40+s22+$0x0] =	vst.idx.msk vm3, v4  }
0x44f: {  	v4 =	vld.idx.msk [tilespmem:v41+s19+$0x0], vm3;
	_ =	sdelay $0x1  }
0x450: {  	v7 =	vld.idx.msk [tilespmem:v42+s22+$0x0], vm3;
	_ =	sdelay $0x2  }
0x451: {  	v43 =	vor.u32 $0x1280, v6;
	v4 =	vmul.f32 $9.999999770e-03, v4;
	_ =	sdelay $0x1  }
0x452: {  	v44 =	vadd.s32 $0xA80, v5;
	v4 =	vsub.f32 v7, v4;
	_ =	sdelay $0x1  }
0x453: {  	[tilespmem:v42+s22+$0x0] =	vst.idx.msk vm3, v4  }
0x454: {  	v4 =	vld.idx.msk [tilespmem:v43+s19+$0x0], vm3;
	_ =	sdelay $0x1  }
0x455: {  	v8 =	vld.idx.msk [tilespmem:v44+s22+$0x0], vm3;
	_ =	sdelay $0x2  }
0x456: {  	v45 =	vor.u32 $0x1300, v6;
	v4 =	vmul.f32 $9.999999770e-03, v4;
	_ =	sdelay $0x1  }
0x457: {  	v46 =	vadd.s32 $0xB00, v5;
	v4 =	vsub.f32 v8, v4;
	_ =	sdelay $0x1  }
0x458: {  	[tilespmem:v44+s22+$0x0] =	vst.idx.msk vm3, v4  }
0x459: {  	v4 =	vld.idx.msk [tilespmem:v45+s19+$0x0], vm3;
	_ =	sdelay $0x1  }
0x45a: {  	v7 =	vld.idx.msk [tilespmem:v46+s22+$0x0], vm3;
	_ =	sdelay $0x2  }
0x45b: {  	v47 =	vor.u32 $0x1380, v6;
	v4 =	vmul.f32 $9.999999770e-03, v4;
	_ =	sdelay $0x1  }
0x45c: {  	v48 =	vadd.s32 $0xB80, v5;
	v4 =	vsub.f32 v7, v4;
	_ =	sdelay $0x1  }
0x45d: {  	[tilespmem:v46+s22+$0x0] =	vst.idx.msk vm3, v4  }
0x45e: {  	v4 =	vld.idx.msk [tilespmem:v47+s19+$0x0], vm3;
	_ =	sdelay $0x1  }
0x45f: {  	v8 =	vld.idx.msk [tilespmem:v48+s22+$0x0], vm3;
	_ =	sdelay $0x2  }
0x460: {  	v49 =	vor.u32 $0x1800, v6;
	v4 =	vmul.f32 $9.999999770e-03, v4;
	_ =	sdelay $0x1  }
0x461: {  	v50 =	vadd.s32 $0xC00, v5;
	v4 =	vsub.f32 v8, v4;
	_ =	sdelay $0x1  }
0x462: {  	[tilespmem:v48+s22+$0x0] =	vst.idx.msk vm3, v4  }
0x463: {  	v4 =	vld.idx.msk [tilespmem:v49+s19+$0x0], vm3;
	_ =	sdelay $0x1  }
0x464: {  	v7 =	vld.idx.msk [tilespmem:v50+s22+$0x0], vm3;
	_ =	sdelay $0x2  }
0x465: {  	v51 =	vor.u32 $0x1880, v6;
	v4 =	vmul.f32 $9.999999770e-03, v4;
	_ =	sdelay $0x1  }
0x466: {  	v52 =	vadd.s32 $0xC80, v5;
	v4 =	vsub.f32 v7, v4;
	_ =	sdelay $0x1  }
0x467: {  	[tilespmem:v50+s22+$0x0] =	vst.idx.msk vm3, v4  }
0x468: {  	v4 =	vld.idx.msk [tilespmem:v51+s19+$0x0], vm3;
	_ =	sdelay $0x1  }
0x469: {  	v8 =	vld.idx.msk [tilespmem:v52+s22+$0x0], vm3;
	_ =	sdelay $0x2  }
0x46a: {  	v53 =	vor.u32 $0x1900, v6;
	v4 =	vmul.f32 $9.999999770e-03, v4;
	_ =	sdelay $0x1  }
0x46b: {  	v54 =	vadd.s32 $0xD00, v5;
	v4 =	vsub.f32 v8, v4;
	_ =	sdelay $0x1  }
0x46c: {  	[tilespmem:v52+s22+$0x0] =	vst.idx.msk vm3, v4  }
0x46d: {  	v4 =	vld.idx.msk [tilespmem:v53+s19+$0x0], vm3;
	_ =	sdelay $0x1  }
0x46e: {  	v7 =	vld.idx.msk [tilespmem:v54+s22+$0x0], vm3;
	_ =	sdelay $0x2  }
0x46f: {  	v55 =	vor.u32 $0x1980, v6;
	v4 =	vmul.f32 $9.999999770e-03, v4;
	_ =	sdelay $0x1  }
0x470: {  	v56 =	vadd.s32 $0xD80, v5;
	v4 =	vsub.f32 v7, v4;
	_ =	sdelay $0x1  }
0x471: {  	[tilespmem:v54+s22+$0x0] =	vst.idx.msk vm3, v4  }
0x472: {  	v4 =	vld.idx.msk [tilespmem:v55+s19+$0x0], vm3;
	_ =	sdelay $0x1  }
0x473: {  	v8 =	vld.idx.msk [tilespmem:v56+s22+$0x0], vm3;
	_ =	sdelay $0x2  }
0x474: {  	v57 =	vor.u32 $0x1A00, v6;
	v4 =	vmul.f32 $9.999999770e-03, v4;
	_ =	sdelay $0x1  }
0x475: {  	v58 =	vadd.s32 $0xE00, v5;
	v4 =	vsub.f32 v8, v4;
	_ =	sdelay $0x1  }
0x476: {  	[tilespmem:v56+s22+$0x0] =	vst.idx.msk vm3, v4  }
0x477: {  	v4 =	vld.idx.msk [tilespmem:v57+s19+$0x0], vm3;
	_ =	sdelay $0x1  }
0x478: {  	v7 =	vld.idx.msk [tilespmem:v58+s22+$0x0], vm3;
	_ =	sdelay $0x2  }
0x479: {  	v59 =	vor.u32 $0x1A80, v6;
	v4 =	vmul.f32 $9.999999770e-03, v4;
	_ =	sdelay $0x1  }
0x47a: {  	v60 =	vadd.s32 $0xE80, v5;
	v4 =	vsub.f32 v7, v4;
	_ =	sdelay $0x1  }
0x47b: {  	[tilespmem:v58+s22+$0x0] =	vst.idx.msk vm3, v4  }
0x47c: {  	v4 =	vld.idx.msk [tilespmem:v59+s19+$0x0], vm3;
	_ =	sdelay $0x1  }
0x47d: {  	v8 =	vld.idx.msk [tilespmem:v60+s22+$0x0], vm3;
	_ =	sdelay $0x2  }
0x47e: {  	v61 =	vor.u32 $0x1B00, v6;
	v4 =	vmul.f32 $9.999999770e-03, v4;
	_ =	sdelay $0x1  }
0x47f: {  	v62 =	vadd.s32 $0xF00, v5;
	v4 =	vsub.f32 v8, v4;
	_ =	sdelay $0x1  }
0x480: {  	[tilespmem:v60+s22+$0x0] =	vst.idx.msk vm3, v4  }
0x481: {  	v4 =	vld.idx.msk [tilespmem:v61+s19+$0x0], vm3;
	_ =	sdelay $0x1  }
0x482: {  	v7 =	vld.idx.msk [tilespmem:v62+s22+$0x0], vm3;
	_ =	sdelay $0x2  }
0x483: {  	v6 =	vor.u32 $0x1B80, v6;
	v4 =	vmul.f32 $9.999999770e-03, v4;
	_ =	sdelay $0x1  }
0x484: {  	v5 =	vadd.s32 $0xF80, v5;
	v4 =	vsub.f32 v7, v4;
	_ =	sdelay $0x1  }
0x485: {  	[tilespmem:v62+s22+$0x0] =	vst.idx.msk vm3, v4  }
0x486: {  	v4 =	vld.idx.msk [tilespmem:v6+s19+$0x0], vm3;
	_ =	sdelay $0x1  }
0x487: {  	v63 =	vld.idx.msk [tilespmem:v5+s22+$0x0], vm3;
	_ =	sdelay $0x2  }
.Ltmp17:
0x488: {  	v4 =	vmul.f32 $9.999999770e-03, v4;
	(pc) =	sbr.rel .LBB2_17-.Ltmp17, $3  }
0x489: {  	_ = 	snop  }
0x48a: {  	v4 =	vsub.f32 v63, v4;
	_ =	sdelay $0x1  }
0x48b: {  	[tilespmem:v5+s22+$0x0] =	vst.idx.msk vm3, v4  }
.LBB2_20:
0x48c: {  	_ =	sfence.sel $0x180000  }
0x48d: {  	[bflag:$0x0] =	sbarrier.arrive $0xFFFF  }
0x48e: {  	_ =	strace $0x90000047  }
0x48f: {  	[bflag:$0x2] =	sbarrier.arrive $0xFFFF  }
0x490: {  	p0 =	sne.s32 s0, $0x0;
	s0 =	rddreg [dreg:$0x5]  }
0x491: {  	s0 =	sadd.s32 @!p0 $0x100000, s0  }
0x492: {  	[sflag:s0] =	ssyncadd.tile.s32 @!p0 $0x1;
	_ =	shalt  }
.Lfunc_end2:
_tile_overlayer_lowered:
.L_overlay_start_2:
0x493: {  	(tag) =	ssettag $0x2  }
0x494: {  	s0 =	rddreg [dreg:$0x0];
	s2 =	stileid.u32  }
0x495: {  	s1 =	rddreg [dreg:$0x1];
	p0 =	sne.s32 s2, $0x0  }
0x496: {  	s3 =	rddreg [dreg:$0x2];
	[bflag:$0x3] =	sbarrier.arrive $0xFFFF;
	s2 =	simm.s32 @!p0 $0x1C03  }
0x497: {  	[timem:s3], [sflag:s2] =	dma.local @!p0 [hbm:s0], s1  }
0x498: {  	s0 =	simm.s32 @!p0 $0x3  }
0x499: {  	_ =	swait.ge @!p0 [sflag:s0], s1  }
0x49a: {  	s1 =	ssub.s32 @!p0 $0x0, s1;
	[sflag:s0] =	ssyncset.done @!p0 $0x0  }
0x49b: {  	[sflag:s0] =	ssyncadd.s32 @!p0 s1  }
0x49c: {  	[bflag:$0x3] =	sbarrier.arrive $0xFFFF  }
0x49d: {  	_ =	shalt  }

</sc_bundles>
